<compile_context>
chip_gen: v7x
topology: tpu7x:2x2x1
jax: 0.10.2.dev20260603
libtpu: 0.0.44.dev20260713+nightly
codegen_flags: <defaults>
</compile_context>

<pallas_src>
import functools

import jax
import jax.numpy as jnp
from jax.experimental import pallas as pl
from jax.experimental.pallas import tpu as pltpu
from jax.experimental.pallas import tpu_sc as plsc

_TINY = 1.1754943508222875e-38
_LANES = 384
_TC_WIDTH = 12288
_SC_CHUNK = 1536
_SC_UNROLL = 2
_SC_STRIPES = 8
_SC_COLS = 147456

_KS0 = 0
_KS1 = 42
_KS2 = _KS0 ^ _KS1 ^ 0x1BD11BDA
_ROT1 = (13, 15, 26, 6)
_ROT2 = (17, 29, 16, 24)


def _rotl(x, d):
    return (x << jnp.uint32(d)) | (x >> jnp.uint32(32 - d))


def _threefry_bits(lin):
    ks = (jnp.uint32(_KS0), jnp.uint32(_KS1), jnp.uint32(_KS2))
    x0 = jnp.zeros_like(lin) + jnp.uint32(_KS0)
    x1 = lin + jnp.uint32(_KS1)

    def rounds(x0, x1, rots):
        for r in rots:
            x0 = x0 + x1
            x1 = _rotl(x1, r)
            x1 = x0 ^ x1
        return x0, x1

    x0, x1 = rounds(x0, x1, _ROT1)
    x0 = x0 + ks[1]
    x1 = x1 + ks[2] + jnp.uint32(1)
    x0, x1 = rounds(x0, x1, _ROT2)
    x0 = x0 + ks[2]
    x1 = x1 + ks[0] + jnp.uint32(2)
    x0, x1 = rounds(x0, x1, _ROT1)
    x0 = x0 + ks[0]
    x1 = x1 + ks[1] + jnp.uint32(3)
    x0, x1 = rounds(x0, x1, _ROT2)
    x0 = x0 + ks[1]
    x1 = x1 + ks[2] + jnp.uint32(4)
    x0, x1 = rounds(x0, x1, _ROT1)
    x0 = x0 + ks[2]
    x1 = x1 + ks[0] + jnp.uint32(5)
    return x0 ^ x1


def _uniform_from_bits(bits):
    fb = (bits >> jnp.uint32(9)) | jnp.uint32(0x3F800000)
    u = jax.lax.bitcast_convert_type(fb, jnp.float32) - jnp.float32(1.0)
    tiny = jnp.float32(_TINY)
    return jnp.maximum(tiny, u + tiny)


def _gumbel_from_bits(bits):
    u = _uniform_from_bits(bits)
    return -jnp.log(-jnp.log(u))



def _tc_body(x_ref, samp_ref, xw_ref, bz_ref_o, s_ref_o, s_ref, bz_ref,
             bi_ref, *, stride, lo, limit, width, nsteps):
    i = pl.program_id(0)
    rows = x_ref.shape[0]
    lane = jax.lax.broadcasted_iota(jnp.int32, (rows, _LANES), 1)
    row = jax.lax.broadcasted_iota(jnp.uint32, (rows, _LANES), 0)
    linvar = row * jnp.uint32(stride) + lane.astype(jnp.uint32)

    @pl.when(i == 0)
    def _init():
        s_ref[...] = jnp.zeros((rows, _LANES), jnp.float32)
        bz_ref[...] = jnp.full((rows, _LANES), -jnp.inf, jnp.float32)
        bi_ref[...] = jnp.zeros((rows, _LANES), jnp.int32)

    def make_step(masked):
        def step(c, carry):
            s, bz, bi = carry
            base = lo + i * width + c * _LANES
            lin = linvar + base.astype(jnp.uint32)
            g = _gumbel_from_bits(_threefry_bits(lin))
            x = x_ref[:, pl.ds(c * _LANES, _LANES)]
            z = x + g
            gcol = lane + base
            if masked:
                ok = gcol < limit
                better = (z > bz) & ok
                s = s + jnp.where(ok, jnp.exp(x), jnp.float32(0.0))
            else:
                better = z > bz
                s = s + jnp.exp(x)
            bz = jnp.where(better, z, bz)
            bi = jnp.where(better, gcol, bi)
            return s, bz, bi
        return step

    carry0 = (s_ref[...], bz_ref[...], bi_ref[...])

    @pl.when(i < nsteps - 1)
    def _full():
        s, bz, bi = jax.lax.fori_loop(0, width // _LANES, make_step(False),
                                      carry0)
        s_ref[...] = s
        bz_ref[...] = bz
        bi_ref[...] = bi

    @pl.when(i == nsteps - 1)
    def _tail():
        tail_cols = limit - lo - (nsteps - 1) * width
        ntc = -(-tail_cols // _LANES)
        s, bz, bi = jax.lax.fori_loop(0, ntc, make_step(True), carry0)

        bz_row = jnp.max(bz, axis=1, keepdims=True)
        idx = jnp.min(jnp.where(bz == bz_row, bi, jnp.int32(stride)),
                      axis=1, keepdims=True)
        s_row = jnp.sum(s, axis=1, keepdims=True)
        rowc = jax.lax.broadcasted_iota(jnp.uint32, (rows, 1), 0)
        linw = rowc * jnp.uint32(stride) + idx.astype(jnp.uint32)
        x_win = bz_row - _gumbel_from_bits(_threefry_bits(linw))
        samp_ref[...] = idx
        xw_ref[...] = x_win
        bz_ref_o[...] = bz_row
        s_ref_o[...] = s_row


def _tc_shard(logits, lo, limit, width):
    rows, stride = logits.shape
    assert lo % width == 0
    blk0 = lo // width
    nsteps = -(-(limit - lo) // width)
    body = functools.partial(_tc_body, stride=stride, lo=lo, limit=limit,
                             width=width, nsteps=nsteps)
    out = pl.pallas_call(
        body,
        grid=(nsteps,),
        in_specs=[pl.BlockSpec((rows, width), lambda i: (0, i + blk0))],
        out_specs=[pl.BlockSpec((rows, 1), lambda i: (0, 0))] * 4,
        out_shape=[
            jax.ShapeDtypeStruct((rows, 1), jnp.int32),
            jax.ShapeDtypeStruct((rows, 1), jnp.float32),
            jax.ShapeDtypeStruct((rows, 1), jnp.float32),
            jax.ShapeDtypeStruct((rows, 1), jnp.float32),
        ],
        scratch_shapes=[
            pltpu.VMEM((rows, _LANES), jnp.float32),
            pltpu.VMEM((rows, _LANES), jnp.float32),
            pltpu.VMEM((rows, _LANES), jnp.int32),
        ],
    )(logits)
    return [o.reshape(rows) for o in out]



_LN_COEFFS = (7.0376836292e-2, -1.1514610310e-1, 1.1676998740e-1,
              -1.2420140846e-1, 1.4249322787e-1, -1.6668057665e-1,
              2.0000714765e-1, -2.4999993993e-1, 3.3333331174e-1)


def _ln_poly(x):
    bits = jax.lax.bitcast_convert_type(x, jnp.int32)
    e = (bits >> 23) - 127
    m = jax.lax.bitcast_convert_type(
        (bits & jnp.int32(0x7FFFFF)) | jnp.int32(0x3F800000), jnp.float32)
    cond = m > jnp.float32(1.4142135381698608)
    e = e + jnp.where(cond, jnp.int32(1), jnp.int32(0))
    m = jnp.where(cond, m * jnp.float32(0.5), m)
    t = m - jnp.float32(1.0)
    z = t * t
    y = jnp.full_like(t, jnp.float32(_LN_COEFFS[0]))
    for c in _LN_COEFFS[1:]:
        y = y * t + jnp.float32(c)
    y = y * t * z
    fe = e.astype(jnp.float32)
    y = y + fe * jnp.float32(-2.12194440e-4)
    y = y - jnp.float32(0.5) * z
    return (t + y) + fe * jnp.float32(0.693359375)


def _gumbel_sc(bits):
    u = _uniform_from_bits(bits)
    w = -_ln_poly(u)
    return -_ln_poly(w)


def _sc_shard(logits, scols):
    rows, stride = logits.shape
    ch = _SC_CHUNK
    unroll = _SC_UNROLL
    stripes = _SC_STRIPES
    stripe_w = scols // stripes
    nch = stripe_w // ch
    assert scols % stripes == 0 and stripe_w % ch == 0 and nch % 2 == 0
    assert ch % (16 * unroll) == 0
    groups = ch // (16 * unroll)
    npart = rows * stripes * 16
    mesh = plsc.VectorSubcoreMesh(core_axis_name="c", subcore_axis_name="s")

    @functools.partial(
        pl.kernel, mesh=mesh,
        out_type=(
            jax.ShapeDtypeStruct((npart,), jnp.float32),
            jax.ShapeDtypeStruct((npart,), jnp.float32),
            jax.ShapeDtypeStruct((npart,), jnp.int32),
            jax.ShapeDtypeStruct((npart,), jnp.float32),
        ),
        scratch_types=[
            pltpu.VMEM((8, ch), jnp.float32),
            pltpu.VMEM((8, ch), jnp.float32),
            pltpu.VMEM((8, 16 * unroll), jnp.float32),
            pltpu.VMEM((8, 16 * unroll), jnp.float32),
            pltpu.VMEM((8, 16 * unroll), jnp.int32),
            pltpu.VMEM((16,), jnp.float32),
            pltpu.VMEM((16,), jnp.float32),
            pltpu.VMEM((16,), jnp.int32),
            pltpu.VMEM((16,), jnp.float32),
            pltpu.SemaphoreType.DMA,
            pltpu.SemaphoreType.DMA,
        ],
        compiler_params=pltpu.CompilerParams(use_tc_tiling_on_sc=True),
    )
    def sck(x_hbm, s_out, bz_out, bi_out, bl_out,
            buf0, buf1, acc_s, acc_z, acc_i, sv, zv, iv, lv, sem0, sem1):
        w = jax.lax.axis_index("s") * 2 + jax.lax.axis_index("c")
        grp = w // stripes
        stripe = w % stripes
        cbase = stripe * stripe_w
        lane = jax.lax.broadcasted_iota(jnp.int32, (16,), 0)

        for r in range(8):
            for k in range(unroll):
                acc_s[r, pl.ds(16 * k, 16)] = jnp.zeros((16,), jnp.float32)
                acc_z[r, pl.ds(16 * k, 16)] = jnp.full((16,), -jnp.inf,
                                                       jnp.float32)
                acc_i[r, pl.ds(16 * k, 16)] = jnp.zeros((16,), jnp.int32)

        def issue(g, buf, sem):
            gg = jnp.minimum(g, nch - 1)
            pltpu.async_copy(
                x_hbm.at[pl.ds(8 * grp, 8), pl.ds(cbase + gg * ch, ch)],
                buf, sem)

        def wait(buf, sem):
            pltpu.make_async_copy(
                x_hbm.at[pl.ds(0, 8), pl.ds(0, ch)], buf, sem).wait()

        issue(0, buf0, sem0)
        issue(1, buf1, sem1)

        def process(buf, g, nxt, sem):
            wait(buf, sem)

            def gbody(t, _):
                r = t // groups
                j = t - r * groups
                rowbase = (8 * grp + r) * stride
                for k in range(unroll):
                    off = (j * unroll + k) * 16
                    col = cbase + g * ch + off + lane
                    lin = jax.lax.bitcast_convert_type(rowbase + col,
                                                       jnp.uint32)
                    gum = _gumbel_sc(_threefry_bits(lin))
                    x = buf[r, pl.ds(off, 16)]
                    z = x + gum
                    bz = acc_z[r, pl.ds(16 * k, 16)]
                    upd = z > bz
                    acc_s[r, pl.ds(16 * k, 16)] += jnp.exp(x)
                    acc_z[r, pl.ds(16 * k, 16)] = jnp.where(upd, z, bz)
                    acc_i[r, pl.ds(16 * k, 16)] = jnp.where(
                        upd, col, acc_i[r, pl.ds(16 * k, 16)])
                return 0

            jax.lax.fori_loop(0, 8 * groups, gbody, 0)
            issue(nxt, buf, sem)

        def pair(p, _):
            process(buf0, 2 * p, 2 * p + 2, sem0)
            process(buf1, 2 * p + 1, 2 * p + 3, sem1)
            return 0

        jax.lax.fori_loop(0, nch // 2, pair, 0)
        wait(buf0, sem0)
        wait(buf1, sem1)

        def finalize(r, _):
            rowbase = (8 * grp + r) * stride
            s = acc_s[r, pl.ds(0, 16)]
            bz = acc_z[r, pl.ds(0, 16)]
            bi = acc_i[r, pl.ds(0, 16)]
            for k in range(1, unroll):
                sk = acc_s[r, pl.ds(16 * k, 16)]
                zk = acc_z[r, pl.ds(16 * k, 16)]
                ik = acc_i[r, pl.ds(16 * k, 16)]
                s = s + sk
                upd = zk > bz
                bz = jnp.where(upd, zk, bz)
                bi = jnp.where(upd, ik, bi)

            linw = jax.lax.bitcast_convert_type(rowbase + bi, jnp.uint32)
            bl = bz - _gumbel_sc(_threefry_bits(linw))

            sv[...] = s
            zv[...] = bz
            iv[...] = bi
            lv[...] = bl
            obase = ((8 * grp + r) * stripes + stripe) * 16
            pltpu.sync_copy(sv, s_out.at[pl.ds(obase, 16)])
            pltpu.sync_copy(zv, bz_out.at[pl.ds(obase, 16)])
            pltpu.sync_copy(iv, bi_out.at[pl.ds(obase, 16)])
            pltpu.sync_copy(lv, bl_out.at[pl.ds(obase, 16)])
            return 0

        jax.lax.fori_loop(0, 8, finalize, 0)

    return sck(logits)



def kernel(logits):
    rows, vocab = logits.shape

    samp_t, xw_t, bz_t, s_t = _tc_shard(logits, _SC_COLS, vocab, _TC_WIDTH)
    s_s, bz_s, bi_s, bl_s = _sc_shard(logits, _SC_COLS)

    width = _SC_STRIPES * 16
    s_s = s_s.reshape(rows, width)
    bz_s = bz_s.reshape(rows, width)
    bi_s = bi_s.reshape(rows, width)
    bl_s = bl_s.reshape(rows, width)

    bz_sr = jnp.max(bz_s, axis=1)
    idx_s = jnp.min(jnp.where(bz_s == bz_sr[:, None], bi_s, vocab), axis=1)
    bl_sr = jnp.sum(jnp.where((bi_s == idx_s[:, None])
                              & (bz_s == bz_sr[:, None]), bl_s, 0.0), axis=1)

    sc_wins = bz_sr >= bz_t
    samp = jnp.where(sc_wins, idx_s, samp_t).astype(jnp.int32)
    x_win = jnp.where(sc_wins, bl_sr, xw_t)
    nll = jnp.log(s_t + jnp.sum(s_s, axis=1)) - x_win
    return samp, nll

# --- scband reference (transcript-rebuilt; emitter-appended) ---
"""Pipeline reference for scband-categorical-86165633892692 (READ-ONLY COPY).

The authoritative reference and input builder live on the scoring server;
editing this copy changes nothing except your own understanding.
"""

import jax, jax.numpy as jnp
import numpy as np


def setup_inputs(seed: int = 0) -> dict:
    key = jax.random.key(seed)
    logits = jax.random.normal(key, (32, 1000000), dtype=jnp.float32)
    return {"logits": logits}


def reference(logits):
    # tf.random.categorical(logits, 1)[:, 0] -> sample one index per row
    skey = jax.random.key(42)
    samples = jax.random.categorical(skey, logits, axis=-1).astype(jnp.int32)
    # tf.nn.sparse_softmax_cross_entropy_with_logits(samples, logits)
    logp = jax.nn.log_softmax(logits, axis=-1)
    nll = -jnp.take_along_axis(logp, samples[:, None].astype(jnp.int64), axis=-1)[:, 0]
    return (samples, nll)

if __name__ == "__main__":
    import jax
    _d = setup_inputs()
    print(jax.jit(kernel)(*tuple(_d.values())))

</pallas_src>

<mosaic_0001>
#map = affine_map<(d0, d1) -> (0, 0)>
#map1 = affine_map<(d0, d1) -> (0)>
module attributes {stable_mosaic.version = 14 : i64} {
  func.func @sck(%arg0: i32, %arg1: i32, %arg2: memref<32x1000000xf32, #tpu.memory_space<hbm>>, %arg3: memref<4096xf32, #tpu.memory_space<hbm>>, %arg4: memref<4096xf32, #tpu.memory_space<hbm>>, %arg5: memref<4096xi32, #tpu.memory_space<hbm>>, %arg6: memref<4096xf32, #tpu.memory_space<hbm>>, %arg7: memref<8x1536xf32, #tpu.memory_space<vmem>>, %arg8: memref<8x1536xf32, #tpu.memory_space<vmem>>, %arg9: memref<8x32xf32, #tpu.memory_space<vmem>>, %arg10: memref<8x32xf32, #tpu.memory_space<vmem>>, %arg11: memref<8x32xi32, #tpu.memory_space<vmem>>, %arg12: memref<16xf32, #tpu.memory_space<vmem>>, %arg13: memref<16xf32, #tpu.memory_space<vmem>>, %arg14: memref<16xi32, #tpu.memory_space<vmem>>, %arg15: memref<16xf32, #tpu.memory_space<vmem>>, %arg16: memref<!tpu.dma_semaphore, #tpu.memory_space<semaphore_mem>>, %arg17: memref<!tpu.dma_semaphore, #tpu.memory_space<semaphore_mem>>) attributes {dimension_semantics = [#tpu.dimension_semantics<core_parallel>, #tpu.dimension_semantics<subcore_parallel>], iteration_bounds = array<i64: 2, 16>, scalar_prefetch = 0 : i64, scratch_operands = 11 : i64, tpu.core_type = #tpu.core_type<sc_vector_subcore>, window_params = [{transform_indices = #map}, {transform_indices = #map1}, {transform_indices = #map1}, {transform_indices = #map1}, {transform_indices = #map1}]} {
    %mul3A = arith.constant 2 : i32
    %mul3A_0 = arith.muli %arg1, %mul3A : i32
    %add3A = arith.addi %mul3A_0, %arg0 : i32
    %jit3A = arith.constant 8 : i32
    %div3A = arith.divsi %add3A, %jit3A : i32
    %sign3A = arith.constant 0 : i32
    %sign3A_1 = arith.cmpi sgt, %add3A, %sign3A : i32
    %sign3A_2 = arith.extui %sign3A_1 : i1 to i32
    %sign3A_3 = arith.constant 0 : i32
    %sign3A_4 = arith.cmpi slt, %add3A, %sign3A_3 : i32
    %sign3A_5 = arith.extui %sign3A_4 : i1 to i32
    %sign3A_6 = arith.subi %sign3A_2, %sign3A_5 : i32
    %sign3A_7 = arith.constant 0 : i32
    %sign3A_8 = arith.cmpi sgt, %jit3A, %sign3A_7 : i32
    %sign3A_9 = arith.extui %sign3A_8 : i1 to i32
    %sign3A_10 = arith.constant 0 : i32
    %sign3A_11 = arith.cmpi slt, %jit3A, %sign3A_10 : i32
    %sign3A_12 = arith.extui %sign3A_11 : i1 to i32
    %sign3A_13 = arith.subi %sign3A_9, %sign3A_12 : i32
    %ne3A = arith.cmpi ne, %sign3A_6, %sign3A_13 : i32
    %rem3A = arith.remsi %add3A, %jit3A : i32
    %ne3A_14 = arith.constant 0 : i32
    %ne3A_15 = arith.cmpi ne, %rem3A, %ne3A_14 : i32
    %and3A = arith.andi %ne3A, %ne3A_15 : i1
    %sub3A = arith.constant 1 : i32
    %sub3A_16 = arith.subi %div3A, %sub3A : i32
    %select_n3A = arith.select %and3A, %sub3A_16, %div3A : i32
    %jit3A_17 = arith.constant 8 : i32
    %eq3A = arith.constant 0 : i32
    %eq3A_18 = arith.cmpi eq, %jit3A_17, %eq3A : i32
    %jit3A_19 = arith.constant 1 : i32
    %select_n3A_20 = arith.select %eq3A_18, %jit3A_19, %jit3A_17 : i32
    %rem3A_21 = arith.remsi %add3A, %select_n3A_20 : i32
    %ne3A_22 = arith.constant 0 : i32
    %ne3A_23 = arith.cmpi ne, %rem3A_21, %ne3A_22 : i32
    %lt3A = arith.constant 0 : i32
    %lt3A_24 = arith.cmpi slt, %rem3A_21, %lt3A : i32
    %lt3A_25 = arith.constant 0 : i32
    %lt3A_26 = arith.cmpi slt, %select_n3A_20, %lt3A_25 : i32
    %ne3A_27 = arith.xori %lt3A_24, %lt3A_26 : i1
    %and3A_28 = arith.andi %ne3A_27, %ne3A_23 : i1
    %add3A_29 = arith.addi %rem3A_21, %select_n3A_20 : i32
    %select_n3A_30 = arith.select %and3A_28, %add3A_29, %rem3A_21 : i32
    %mul3A_31 = arith.constant 18432 : i32
    %mul3A_32 = arith.muli %select_n3A_30, %mul3A_31 : i32
    %iota3A = tpu.iota {dimensions = array<i32: 0>} : vector<16xi32>
    %broadcast_in_dim3A = arith.constant 0.000000e+00 : f32
    %broadcast_in_dim3A_33 = vector.broadcast %broadcast_in_dim3A : f32 to vector<16xf32>
    %swap3A = arith.constant 0 : i32
    %swap3A_34 = arith.index_cast %swap3A : i32 to index
    %swap3A_35 = arith.constant 0 : index
    %swap3A_36 = tpu.vector_load %arg9[%swap3A_34, %swap3A_35] {strides = array<i32>} : memref<8x32xf32, #tpu.memory_space<vmem>>, vector<1x16xf32>,
    %swap3A_37 = vector.shape_cast %swap3A_36 : vector<1x16xf32> to vector<16xf32>
    %swap3A_38 = vector.shape_cast %broadcast_in_dim3A_33 : vector<16xf32> to vector<1x16xf32>
    tpu.vector_store %arg9[%swap3A_34, %swap3A_35], %swap3A_38 {strides = array<i32>} : memref<8x32xf32, #tpu.memory_space<vmem>>, vector<1x16xf32>,
    %broadcast_in_dim3A_39 = arith.constant 0xFF800000 : f32
    %broadcast_in_dim3A_40 = vector.broadcast %broadcast_in_dim3A_39 : f32 to vector<16xf32>
    %swap3A_41 = arith.constant 0 : i32
    %swap3A_42 = arith.index_cast %swap3A_41 : i32 to index
    %swap3A_43 = arith.constant 0 : index
    %swap3A_44 = tpu.vector_load %arg10[%swap3A_42, %swap3A_43] {strides = array<i32>} : memref<8x32xf32, #tpu.memory_space<vmem>>, vector<1x16xf32>,
    %swap3A_45 = vector.shape_cast %swap3A_44 : vector<1x16xf32> to vector<16xf32>
    %swap3A_46 = vector.shape_cast %broadcast_in_dim3A_40 : vector<16xf32> to vector<1x16xf32>
    tpu.vector_store %arg10[%swap3A_42, %swap3A_43], %swap3A_46 {strides = array<i32>} : memref<8x32xf32, #tpu.memory_space<vmem>>, vector<1x16xf32>,
    %broadcast_in_dim3A_47 = arith.constant 0 : i32
    %broadcast_in_dim3A_48 = vector.broadcast %broadcast_in_dim3A_47 : i32 to vector<16xi32>
    %swap3A_49 = arith.constant 0 : i32
    %swap3A_50 = arith.index_cast %swap3A_49 : i32 to index
    %swap3A_51 = arith.constant 0 : index
    %swap3A_52 = tpu.vector_load %arg11[%swap3A_50, %swap3A_51] {strides = array<i32>} : memref<8x32xi32, #tpu.memory_space<vmem>>, vector<1x16xi32>,
    %swap3A_53 = vector.shape_cast %swap3A_52 : vector<1x16xi32> to vector<16xi32>
    %swap3A_54 = vector.shape_cast %broadcast_in_dim3A_48 : vector<16xi32> to vector<1x16xi32>
    tpu.vector_store %arg11[%swap3A_50, %swap3A_51], %swap3A_54 {strides = array<i32>} : memref<8x32xi32, #tpu.memory_space<vmem>>, vector<1x16xi32>,
    %broadcast_in_dim3A_55 = arith.constant 0.000000e+00 : f32
    %broadcast_in_dim3A_56 = vector.broadcast %broadcast_in_dim3A_55 : f32 to vector<16xf32>
    %swap3A_57 = arith.constant 0 : i32
    %swap3A_58 = arith.index_cast %swap3A_57 : i32 to index
    %swap3A_59 = arith.constant 16 : index
    %swap3A_60 = tpu.vector_load %arg9[%swap3A_58, %swap3A_59] {strides = array<i32>} : memref<8x32xf32, #tpu.memory_space<vmem>>, vector<1x16xf32>,
    %swap3A_61 = vector.shape_cast %swap3A_60 : vector<1x16xf32> to vector<16xf32>
    %swap3A_62 = vector.shape_cast %broadcast_in_dim3A_56 : vector<16xf32> to vector<1x16xf32>
    tpu.vector_store %arg9[%swap3A_58, %swap3A_59], %swap3A_62 {strides = array<i32>} : memref<8x32xf32, #tpu.memory_space<vmem>>, vector<1x16xf32>,
    %broadcast_in_dim3A_63 = arith.constant 0xFF800000 : f32
    %broadcast_in_dim3A_64 = vector.broadcast %broadcast_in_dim3A_63 : f32 to vector<16xf32>
    %swap3A_65 = arith.constant 0 : i32
    %swap3A_66 = arith.index_cast %swap3A_65 : i32 to index
    %swap3A_67 = arith.constant 16 : index
    %swap3A_68 = tpu.vector_load %arg10[%swap3A_66, %swap3A_67] {strides = array<i32>} : memref<8x32xf32, #tpu.memory_space<vmem>>, vector<1x16xf32>,
    %swap3A_69 = vector.shape_cast %swap3A_68 : vector<1x16xf32> to vector<16xf32>
    %swap3A_70 = vector.shape_cast %broadcast_in_dim3A_64 : vector<16xf32> to vector<1x16xf32>
    tpu.vector_store %arg10[%swap3A_66, %swap3A_67], %swap3A_70 {strides = array<i32>} : memref<8x32xf32, #tpu.memory_space<vmem>>, vector<1x16xf32>,
    %broadcast_in_dim3A_71 = arith.constant 0 : i32
    %broadcast_in_dim3A_72 = vector.broadcast %broadcast_in_dim3A_71 : i32 to vector<16xi32>
    %swap3A_73 = arith.constant 0 : i32
    %swap3A_74 = arith.index_cast %swap3A_73 : i32 to index
    %swap3A_75 = arith.constant 16 : index
    %swap3A_76 = tpu.vector_load %arg11[%swap3A_74, %swap3A_75] {strides = array<i32>} : memref<8x32xi32, #tpu.memory_space<vmem>>, vector<1x16xi32>,
    %swap3A_77 = vector.shape_cast %swap3A_76 : vector<1x16xi32> to vector<16xi32>
    %swap3A_78 = vector.shape_cast %broadcast_in_dim3A_72 : vector<16xi32> to vector<1x16xi32>
    tpu.vector_store %arg11[%swap3A_74, %swap3A_75], %swap3A_78 {strides = array<i32>} : memref<8x32xi32, #tpu.memory_space<vmem>>, vector<1x16xi32>,
    %broadcast_in_dim3A_79 = arith.constant 0.000000e+00 : f32
    %broadcast_in_dim3A_80 = vector.broadcast %broadcast_in_dim3A_79 : f32 to vector<16xf32>
    %swap3A_81 = arith.constant 1 : i32
    %swap3A_82 = arith.index_cast %swap3A_81 : i32 to index
    %swap3A_83 = arith.constant 0 : index
    %swap3A_84 = tpu.vector_load %arg9[%swap3A_82, %swap3A_83] {strides = array<i32>} : memref<8x32xf32, #tpu.memory_space<vmem>>, vector<1x16xf32>,
    %swap3A_85 = vector.shape_cast %swap3A_84 : vector<1x16xf32> to vector<16xf32>
    %swap3A_86 = vector.shape_cast %broadcast_in_dim3A_80 : vector<16xf32> to vector<1x16xf32>
    tpu.vector_store %arg9[%swap3A_82, %swap3A_83], %swap3A_86 {strides = array<i32>} : memref<8x32xf32, #tpu.memory_space<vmem>>, vector<1x16xf32>,
    %broadcast_in_dim3A_87 = arith.constant 0xFF800000 : f32
    %broadcast_in_dim3A_88 = vector.broadcast %broadcast_in_dim3A_87 : f32 to vector<16xf32>
    %swap3A_89 = arith.constant 1 : i32
    %swap3A_90 = arith.index_cast %swap3A_89 : i32 to index
    %swap3A_91 = arith.constant 0 : index
    %swap3A_92 = tpu.vector_load %arg10[%swap3A_90, %swap3A_91] {strides = array<i32>} : memref<8x32xf32, #tpu.memory_space<vmem>>, vector<1x16xf32>,
    %swap3A_93 = vector.shape_cast %swap3A_92 : vector<1x16xf32> to vector<16xf32>
    %swap3A_94 = vector.shape_cast %broadcast_in_dim3A_88 : vector<16xf32> to vector<1x16xf32>
    tpu.vector_store %arg10[%swap3A_90, %swap3A_91], %swap3A_94 {strides = array<i32>} : memref<8x32xf32, #tpu.memory_space<vmem>>, vector<1x16xf32>,
    %broadcast_in_dim3A_95 = arith.constant 0 : i32
    %broadcast_in_dim3A_96 = vector.broadcast %broadcast_in_dim3A_95 : i32 to vector<16xi32>
    %swap3A_97 = arith.constant 1 : i32
    %swap3A_98 = arith.index_cast %swap3A_97 : i32 to index
    %swap3A_99 = arith.constant 0 : index
    %swap3A_100 = tpu.vector_load %arg11[%swap3A_98, %swap3A_99] {strides = array<i32>} : memref<8x32xi32, #tpu.memory_space<vmem>>, vector<1x16xi32>,
    %swap3A_101 = vector.shape_cast %swap3A_100 : vector<1x16xi32> to vector<16xi32>
    %swap3A_102 = vector.shape_cast %broadcast_in_dim3A_96 : vector<16xi32> to vector<1x16xi32>
    tpu.vector_store %arg11[%swap3A_98, %swap3A_99], %swap3A_102 {strides = array<i32>} : memref<8x32xi32, #tpu.memory_space<vmem>>, vector<1x16xi32>,
    %broadcast_in_dim3A_103 = arith.constant 0.000000e+00 : f32
    %broadcast_in_dim3A_104 = vector.broadcast %broadcast_in_dim3A_103 : f32 to vector<16xf32>
    %swap3A_105 = arith.constant 1 : i32
    %swap3A_106 = arith.index_cast %swap3A_105 : i32 to index
    %swap3A_107 = arith.constant 16 : index
    %swap3A_108 = tpu.vector_load %arg9[%swap3A_106, %swap3A_107] {strides = array<i32>} : memref<8x32xf32, #tpu.memory_space<vmem>>, vector<1x16xf32>,
    %swap3A_109 = vector.shape_cast %swap3A_108 : vector<1x16xf32> to vector<16xf32>
    %swap3A_110 = vector.shape_cast %broadcast_in_dim3A_104 : vector<16xf32> to vector<1x16xf32>
    tpu.vector_store %arg9[%swap3A_106, %swap3A_107], %swap3A_110 {strides = array<i32>} : memref<8x32xf32, #tpu.memory_space<vmem>>, vector<1x16xf32>,
    %broadcast_in_dim3A_111 = arith.constant 0xFF800000 : f32
    %broadcast_in_dim3A_112 = vector.broadcast %broadcast_in_dim3A_111 : f32 to vector<16xf32>
    %swap3A_113 = arith.constant 1 : i32
    %swap3A_114 = arith.index_cast %swap3A_113 : i32 to index
    %swap3A_115 = arith.constant 16 : index
    %swap3A_116 = tpu.vector_load %arg10[%swap3A_114, %swap3A_115] {strides = array<i32>} : memref<8x32xf32, #tpu.memory_space<vmem>>, vector<1x16xf32>,
    %swap3A_117 = vector.shape_cast %swap3A_116 : vector<1x16xf32> to vector<16xf32>
    %swap3A_118 = vector.shape_cast %broadcast_in_dim3A_112 : vector<16xf32> to vector<1x16xf32>
    tpu.vector_store %arg10[%swap3A_114, %swap3A_115], %swap3A_118 {strides = array<i32>} : memref<8x32xf32, #tpu.memory_space<vmem>>, vector<1x16xf32>,
    %broadcast_in_dim3A_119 = arith.constant 0 : i32
    %broadcast_in_dim3A_120 = vector.broadcast %broadcast_in_dim3A_119 : i32 to vector<16xi32>
    %swap3A_121 = arith.constant 1 : i32
    %swap3A_122 = arith.index_cast %swap3A_121 : i32 to index
    %swap3A_123 = arith.constant 16 : index
    %swap3A_124 = tpu.vector_load %arg11[%swap3A_122, %swap3A_123] {strides = array<i32>} : memref<8x32xi32, #tpu.memory_space<vmem>>, vector<1x16xi32>,
    %swap3A_125 = vector.shape_cast %swap3A_124 : vector<1x16xi32> to vector<16xi32>
    %swap3A_126 = vector.shape_cast %broadcast_in_dim3A_120 : vector<16xi32> to vector<1x16xi32>
    tpu.vector_store %arg11[%swap3A_122, %swap3A_123], %swap3A_126 {strides = array<i32>} : memref<8x32xi32, #tpu.memory_space<vmem>>, vector<1x16xi32>,
    %broadcast_in_dim3A_127 = arith.constant 0.000000e+00 : f32
    %broadcast_in_dim3A_128 = vector.broadcast %broadcast_in_dim3A_127 : f32 to vector<16xf32>
    %swap3A_129 = arith.constant 2 : i32
    %swap3A_130 = arith.index_cast %swap3A_129 : i32 to index
    %swap3A_131 = arith.constant 0 : index
    %swap3A_132 = tpu.vector_load %arg9[%swap3A_130, %swap3A_131] {strides = array<i32>} : memref<8x32xf32, #tpu.memory_space<vmem>>, vector<1x16xf32>,
    %swap3A_133 = vector.shape_cast %swap3A_132 : vector<1x16xf32> to vector<16xf32>
    %swap3A_134 = vector.shape_cast %broadcast_in_dim3A_128 : vector<16xf32> to vector<1x16xf32>
    tpu.vector_store %arg9[%swap3A_130, %swap3A_131], %swap3A_134 {strides = array<i32>} : memref<8x32xf32, #tpu.memory_space<vmem>>, vector<1x16xf32>,
    %broadcast_in_dim3A_135 = arith.constant 0xFF800000 : f32
    %broadcast_in_dim3A_136 = vector.broadcast %broadcast_in_dim3A_135 : f32 to vector<16xf32>
    %swap3A_137 = arith.constant 2 : i32
    %swap3A_138 = arith.index_cast %swap3A_137 : i32 to index
    %swap3A_139 = arith.constant 0 : index
    %swap3A_140 = tpu.vector_load %arg10[%swap3A_138, %swap3A_139] {strides = array<i32>} : memref<8x32xf32, #tpu.memory_space<vmem>>, vector<1x16xf32>,
    %swap3A_141 = vector.shape_cast %swap3A_140 : vector<1x16xf32> to vector<16xf32>
    %swap3A_142 = vector.shape_cast %broadcast_in_dim3A_136 : vector<16xf32> to vector<1x16xf32>
    tpu.vector_store %arg10[%swap3A_138, %swap3A_139], %swap3A_142 {strides = array<i32>} : memref<8x32xf32, #tpu.memory_space<vmem>>, vector<1x16xf32>,
    %broadcast_in_dim3A_143 = arith.constant 0 : i32
    %broadcast_in_dim3A_144 = vector.broadcast %broadcast_in_dim3A_143 : i32 to vector<16xi32>
    %swap3A_145 = arith.constant 2 : i32
    %swap3A_146 = arith.index_cast %swap3A_145 : i32 to index
    %swap3A_147 = arith.constant 0 : index
    %swap3A_148 = tpu.vector_load %arg11[%swap3A_146, %swap3A_147] {strides = array<i32>} : memref<8x32xi32, #tpu.memory_space<vmem>>, vector<1x16xi32>,
    %swap3A_149 = vector.shape_cast %swap3A_148 : vector<1x16xi32> to vector<16xi32>
    %swap3A_150 = vector.shape_cast %broadcast_in_dim3A_144 : vector<16xi32> to vector<1x16xi32>
    tpu.vector_store %arg11[%swap3A_146, %swap3A_147], %swap3A_150 {strides = array<i32>} : memref<8x32xi32, #tpu.memory_space<vmem>>, vector<1x16xi32>,
    %broadcast_in_dim3A_151 = arith.constant 0.000000e+00 : f32
    %broadcast_in_dim3A_152 = vector.broadcast %broadcast_in_dim3A_151 : f32 to vector<16xf32>
    %swap3A_153 = arith.constant 2 : i32
    %swap3A_154 = arith.index_cast %swap3A_153 : i32 to index
    %swap3A_155 = arith.constant 16 : index
    %swap3A_156 = tpu.vector_load %arg9[%swap3A_154, %swap3A_155] {strides = array<i32>} : memref<8x32xf32, #tpu.memory_space<vmem>>, vector<1x16xf32>,
    %swap3A_157 = vector.shape_cast %swap3A_156 : vector<1x16xf32> to vector<16xf32>
    %swap3A_158 = vector.shape_cast %broadcast_in_dim3A_152 : vector<16xf32> to vector<1x16xf32>
    tpu.vector_store %arg9[%swap3A_154, %swap3A_155], %swap3A_158 {strides = array<i32>} : memref<8x32xf32, #tpu.memory_space<vmem>>, vector<1x16xf32>,
    %broadcast_in_dim3A_159 = arith.constant 0xFF800000 : f32
    %broadcast_in_dim3A_160 = vector.broadcast %broadcast_in_dim3A_159 : f32 to vector<16xf32>
    %swap3A_161 = arith.constant 2 : i32
    %swap3A_162 = arith.index_cast %swap3A_161 : i32 to index
    %swap3A_163 = arith.constant 16 : index
    %swap3A_164 = tpu.vector_load %arg10[%swap3A_162, %swap3A_163] {strides = array<i32>} : memref<8x32xf32, #tpu.memory_space<vmem>>, vector<1x16xf32>,
    %swap3A_165 = vector.shape_cast %swap3A_164 : vector<1x16xf32> to vector<16xf32>
    %swap3A_166 = vector.shape_cast %broadcast_in_dim3A_160 : vector<16xf32> to vector<1x16xf32>
    tpu.vector_store %arg10[%swap3A_162, %swap3A_163], %swap3A_166 {strides = array<i32>} : memref<8x32xf32, #tpu.memory_space<vmem>>, vector<1x16xf32>,
    %broadcast_in_dim3A_167 = arith.constant 0 : i32
    %broadcast_in_dim3A_168 = vector.broadcast %broadcast_in_dim3A_167 : i32 to vector<16xi32>
    %swap3A_169 = arith.constant 2 : i32
    %swap3A_170 = arith.index_cast %swap3A_169 : i32 to index
    %swap3A_171 = arith.constant 16 : index
    %swap3A_172 = tpu.vector_load %arg11[%swap3A_170, %swap3A_171] {strides = array<i32>} : memref<8x32xi32, #tpu.memory_space<vmem>>, vector<1x16xi32>,
    %swap3A_173 = vector.shape_cast %swap3A_172 : vector<1x16xi32> to vector<16xi32>
    %swap3A_174 = vector.shape_cast %broadcast_in_dim3A_168 : vector<16xi32> to vector<1x16xi32>
    tpu.vector_store %arg11[%swap3A_170, %swap3A_171], %swap3A_174 {strides = array<i32>} : memref<8x32xi32, #tpu.memory_space<vmem>>, vector<1x16xi32>,
    %broadcast_in_dim3A_175 = arith.constant 0.000000e+00 : f32
    %broadcast_in_dim3A_176 = vector.broadcast %broadcast_in_dim3A_175 : f32 to vector<16xf32>
    %swap3A_177 = arith.constant 3 : i32
    %swap3A_178 = arith.index_cast %swap3A_177 : i32 to index
    %swap3A_179 = arith.constant 0 : index
    %swap3A_180 = tpu.vector_load %arg9[%swap3A_178, %swap3A_179] {strides = array<i32>} : memref<8x32xf32, #tpu.memory_space<vmem>>, vector<1x16xf32>,
    %swap3A_181 = vector.shape_cast %swap3A_180 : vector<1x16xf32> to vector<16xf32>
    %swap3A_182 = vector.shape_cast %broadcast_in_dim3A_176 : vector<16xf32> to vector<1x16xf32>
    tpu.vector_store %arg9[%swap3A_178, %swap3A_179], %swap3A_182 {strides = array<i32>} : memref<8x32xf32, #tpu.memory_space<vmem>>, vector<1x16xf32>,
    %broadcast_in_dim3A_183 = arith.constant 0xFF800000 : f32
    %broadcast_in_dim3A_184 = vector.broadcast %broadcast_in_dim3A_183 : f32 to vector<16xf32>
    %swap3A_185 = arith.constant 3 : i32
    %swap3A_186 = arith.index_cast %swap3A_185 : i32 to index
    %swap3A_187 = arith.constant 0 : index
    %swap3A_188 = tpu.vector_load %arg10[%swap3A_186, %swap3A_187] {strides = array<i32>} : memref<8x32xf32, #tpu.memory_space<vmem>>, vector<1x16xf32>,
    %swap3A_189 = vector.shape_cast %swap3A_188 : vector<1x16xf32> to vector<16xf32>
    %swap3A_190 = vector.shape_cast %broadcast_in_dim3A_184 : vector<16xf32> to vector<1x16xf32>
    tpu.vector_store %arg10[%swap3A_186, %swap3A_187], %swap3A_190 {strides = array<i32>} : memref<8x32xf32, #tpu.memory_space<vmem>>, vector<1x16xf32>,
    %broadcast_in_dim3A_191 = arith.constant 0 : i32
    %broadcast_in_dim3A_192 = vector.broadcast %broadcast_in_dim3A_191 : i32 to vector<16xi32>
    %swap3A_193 = arith.constant 3 : i32
    %swap3A_194 = arith.index_cast %swap3A_193 : i32 to index
    %swap3A_195 = arith.constant 0 : index
    %swap3A_196 = tpu.vector_load %arg11[%swap3A_194, %swap3A_195] {strides = array<i32>} : memref<8x32xi32, #tpu.memory_space<vmem>>, vector<1x16xi32>,
    %swap3A_197 = vector.shape_cast %swap3A_196 : vector<1x16xi32> to vector<16xi32>
    %swap3A_198 = vector.shape_cast %broadcast_in_dim3A_192 : vector<16xi32> to vector<1x16xi32>
    tpu.vector_store %arg11[%swap3A_194, %swap3A_195], %swap3A_198 {strides = array<i32>} : memref<8x32xi32, #tpu.memory_space<vmem>>, vector<1x16xi32>,
    %broadcast_in_dim3A_199 = arith.constant 0.000000e+00 : f32
    %broadcast_in_dim3A_200 = vector.broadcast %broadcast_in_dim3A_199 : f32 to vector<16xf32>
    %swap3A_201 = arith.constant 3 : i32
    %swap3A_202 = arith.index_cast %swap3A_201 : i32 to index
    %swap3A_203 = arith.constant 16 : index
    %swap3A_204 = tpu.vector_load %arg9[%swap3A_202, %swap3A_203] {strides = array<i32>} : memref<8x32xf32, #tpu.memory_space<vmem>>, vector<1x16xf32>,
    %swap3A_205 = vector.shape_cast %swap3A_204 : vector<1x16xf32> to vector<16xf32>
    %swap3A_206 = vector.shape_cast %broadcast_in_dim3A_200 : vector<16xf32> to vector<1x16xf32>
    tpu.vector_store %arg9[%swap3A_202, %swap3A_203], %swap3A_206 {strides = array<i32>} : memref<8x32xf32, #tpu.memory_space<vmem>>, vector<1x16xf32>,
    %broadcast_in_dim3A_207 = arith.constant 0xFF800000 : f32
    %broadcast_in_dim3A_208 = vector.broadcast %broadcast_in_dim3A_207 : f32 to vector<16xf32>
    %swap3A_209 = arith.constant 3 : i32
    %swap3A_210 = arith.index_cast %swap3A_209 : i32 to index
    %swap3A_211 = arith.constant 16 : index
    %swap3A_212 = tpu.vector_load %arg10[%swap3A_210, %swap3A_211] {strides = array<i32>} : memref<8x32xf32, #tpu.memory_space<vmem>>, vector<1x16xf32>,
    %swap3A_213 = vector.shape_cast %swap3A_212 : vector<1x16xf32> to vector<16xf32>
    %swap3A_214 = vector.shape_cast %broadcast_in_dim3A_208 : vector<16xf32> to vector<1x16xf32>
    tpu.vector_store %arg10[%swap3A_210, %swap3A_211], %swap3A_214 {strides = array<i32>} : memref<8x32xf32, #tpu.memory_space<vmem>>, vector<1x16xf32>,
    %broadcast_in_dim3A_215 = arith.constant 0 : i32
    %broadcast_in_dim3A_216 = vector.broadcast %broadcast_in_dim3A_215 : i32 to vector<16xi32>
    %swap3A_217 = arith.constant 3 : i32
    %swap3A_218 = arith.index_cast %swap3A_217 : i32 to index
    %swap3A_219 = arith.constant 16 : index
    %swap3A_220 = tpu.vector_load %arg11[%swap3A_218, %swap3A_219] {strides = array<i32>} : memref<8x32xi32, #tpu.memory_space<vmem>>, vector<1x16xi32>,
    %swap3A_221 = vector.shape_cast %swap3A_220 : vector<1x16xi32> to vector<16xi32>
    %swap3A_222 = vector.shape_cast %broadcast_in_dim3A_216 : vector<16xi32> to vector<1x16xi32>
    tpu.vector_store %arg11[%swap3A_218, %swap3A_219], %swap3A_222 {strides = array<i32>} : memref<8x32xi32, #tpu.memory_space<vmem>>, vector<1x16xi32>,
    %broadcast_in_dim3A_223 = arith.constant 0.000000e+00 : f32
    %broadcast_in_dim3A_224 = vector.broadcast %broadcast_in_dim3A_223 : f32 to vector<16xf32>
    %swap3A_225 = arith.constant 4 : i32
    %swap3A_226 = arith.index_cast %swap3A_225 : i32 to index
    %swap3A_227 = arith.constant 0 : index
    %swap3A_228 = tpu.vector_load %arg9[%swap3A_226, %swap3A_227] {strides = array<i32>} : memref<8x32xf32, #tpu.memory_space<vmem>>, vector<1x16xf32>,
    %swap3A_229 = vector.shape_cast %swap3A_228 : vector<1x16xf32> to vector<16xf32>
    %swap3A_230 = vector.shape_cast %broadcast_in_dim3A_224 : vector<16xf32> to vector<1x16xf32>
    tpu.vector_store %arg9[%swap3A_226, %swap3A_227], %swap3A_230 {strides = array<i32>} : memref<8x32xf32, #tpu.memory_space<vmem>>, vector<1x16xf32>,
    %broadcast_in_dim3A_231 = arith.constant 0xFF800000 : f32
    %broadcast_in_dim3A_232 = vector.broadcast %broadcast_in_dim3A_231 : f32 to vector<16xf32>
    %swap3A_233 = arith.constant 4 : i32
    %swap3A_234 = arith.index_cast %swap3A_233 : i32 to index
    %swap3A_235 = arith.constant 0 : index
    %swap3A_236 = tpu.vector_load %arg10[%swap3A_234, %swap3A_235] {strides = array<i32>} : memref<8x32xf32, #tpu.memory_space<vmem>>, vector<1x16xf32>,
    %swap3A_237 = vector.shape_cast %swap3A_236 : vector<1x16xf32> to vector<16xf32>
    %swap3A_238 = vector.shape_cast %broadcast_in_dim3A_232 : vector<16xf32> to vector<1x16xf32>
    tpu.vector_store %arg10[%swap3A_234, %swap3A_235], %swap3A_238 {strides = array<i32>} : memref<8x32xf32, #tpu.memory_space<vmem>>, vector<1x16xf32>,
    %broadcast_in_dim3A_239 = arith.constant 0 : i32
    %broadcast_in_dim3A_240 = vector.broadcast %broadcast_in_dim3A_239 : i32 to vector<16xi32>
    %swap3A_241 = arith.constant 4 : i32
    %swap3A_242 = arith.index_cast %swap3A_241 : i32 to index
    %swap3A_243 = arith.constant 0 : index
    %swap3A_244 = tpu.vector_load %arg11[%swap3A_242, %swap3A_243] {strides = array<i32>} : memref<8x32xi32, #tpu.memory_space<vmem>>, vector<1x16xi32>,
    %swap3A_245 = vector.shape_cast %swap3A_244 : vector<1x16xi32> to vector<16xi32>
    %swap3A_246 = vector.shape_cast %broadcast_in_dim3A_240 : vector<16xi32> to vector<1x16xi32>
    tpu.vector_store %arg11[%swap3A_242, %swap3A_243], %swap3A_246 {strides = array<i32>} : memref<8x32xi32, #tpu.memory_space<vmem>>, vector<1x16xi32>,
    %broadcast_in_dim3A_247 = arith.constant 0.000000e+00 : f32
    %broadcast_in_dim3A_248 = vector.broadcast %broadcast_in_dim3A_247 : f32 to vector<16xf32>
    %swap3A_249 = arith.constant 4 : i32
    %swap3A_250 = arith.index_cast %swap3A_249 : i32 to index
    %swap3A_251 = arith.constant 16 : index
    %swap3A_252 = tpu.vector_load %arg9[%swap3A_250, %swap3A_251] {strides = array<i32>} : memref<8x32xf32, #tpu.memory_space<vmem>>, vector<1x16xf32>,
    %swap3A_253 = vector.shape_cast %swap3A_252 : vector<1x16xf32> to vector<16xf32>
    %swap3A_254 = vector.shape_cast %broadcast_in_dim3A_248 : vector<16xf32> to vector<1x16xf32>
    tpu.vector_store %arg9[%swap3A_250, %swap3A_251], %swap3A_254 {strides = array<i32>} : memref<8x32xf32, #tpu.memory_space<vmem>>, vector<1x16xf32>,
    %broadcast_in_dim3A_255 = arith.constant 0xFF800000 : f32
    %broadcast_in_dim3A_256 = vector.broadcast %broadcast_in_dim3A_255 : f32 to vector<16xf32>
    %swap3A_257 = arith.constant 4 : i32
    %swap3A_258 = arith.index_cast %swap3A_257 : i32 to index
    %swap3A_259 = arith.constant 16 : index
    %swap3A_260 = tpu.vector_load %arg10[%swap3A_258, %swap3A_259] {strides = array<i32>} : memref<8x32xf32, #tpu.memory_space<vmem>>, vector<1x16xf32>,
    %swap3A_261 = vector.shape_cast %swap3A_260 : vector<1x16xf32> to vector<16xf32>
    %swap3A_262 = vector.shape_cast %broadcast_in_dim3A_256 : vector<16xf32> to vector<1x16xf32>
    tpu.vector_store %arg10[%swap3A_258, %swap3A_259], %swap3A_262 {strides = array<i32>} : memref<8x32xf32, #tpu.memory_space<vmem>>, vector<1x16xf32>,
    %broadcast_in_dim3A_263 = arith.constant 0 : i32
    %broadcast_in_dim3A_264 = vector.broadcast %broadcast_in_dim3A_263 : i32 to vector<16xi32>
    %swap3A_265 = arith.constant 4 : i32
    %swap3A_266 = arith.index_cast %swap3A_265 : i32 to index
    %swap3A_267 = arith.constant 16 : index
    %swap3A_268 = tpu.vector_load %arg11[%swap3A_266, %swap3A_267] {strides = array<i32>} : memref<8x32xi32, #tpu.memory_space<vmem>>, vector<1x16xi32>,
    %swap3A_269 = vector.shape_cast %swap3A_268 : vector<1x16xi32> to vector<16xi32>
    %swap3A_270 = vector.shape_cast %broadcast_in_dim3A_264 : vector<16xi32> to vector<1x16xi32>
    tpu.vector_store %arg11[%swap3A_266, %swap3A_267], %swap3A_270 {strides = array<i32>} : memref<8x32xi32, #tpu.memory_space<vmem>>, vector<1x16xi32>,
    %broadcast_in_dim3A_271 = arith.constant 0.000000e+00 : f32
    %broadcast_in_dim3A_272 = vector.broadcast %broadcast_in_dim3A_271 : f32 to vector<16xf32>
    %swap3A_273 = arith.constant 5 : i32
    %swap3A_274 = arith.index_cast %swap3A_273 : i32 to index
    %swap3A_275 = arith.constant 0 : index
    %swap3A_276 = tpu.vector_load %arg9[%swap3A_274, %swap3A_275] {strides = array<i32>} : memref<8x32xf32, #tpu.memory_space<vmem>>, vector<1x16xf32>,
    %swap3A_277 = vector.shape_cast %swap3A_276 : vector<1x16xf32> to vector<16xf32>
    %swap3A_278 = vector.shape_cast %broadcast_in_dim3A_272 : vector<16xf32> to vector<1x16xf32>
    tpu.vector_store %arg9[%swap3A_274, %swap3A_275], %swap3A_278 {strides = array<i32>} : memref<8x32xf32, #tpu.memory_space<vmem>>, vector<1x16xf32>,
    %broadcast_in_dim3A_279 = arith.constant 0xFF800000 : f32
    %broadcast_in_dim3A_280 = vector.broadcast %broadcast_in_dim3A_279 : f32 to vector<16xf32>
    %swap3A_281 = arith.constant 5 : i32
    %swap3A_282 = arith.index_cast %swap3A_281 : i32 to index
    %swap3A_283 = arith.constant 0 : index
    %swap3A_284 = tpu.vector_load %arg10[%swap3A_282, %swap3A_283] {strides = array<i32>} : memref<8x32xf32, #tpu.memory_space<vmem>>, vector<1x16xf32>,
    %swap3A_285 = vector.shape_cast %swap3A_284 : vector<1x16xf32> to vector<16xf32>
    %swap3A_286 = vector.shape_cast %broadcast_in_dim3A_280 : vector<16xf32> to vector<1x16xf32>
    tpu.vector_store %arg10[%swap3A_282, %swap3A_283], %swap3A_286 {strides = array<i32>} : memref<8x32xf32, #tpu.memory_space<vmem>>, vector<1x16xf32>,
    %broadcast_in_dim3A_287 = arith.constant 0 : i32
    %broadcast_in_dim3A_288 = vector.broadcast %broadcast_in_dim3A_287 : i32 to vector<16xi32>
    %swap3A_289 = arith.constant 5 : i32
    %swap3A_290 = arith.index_cast %swap3A_289 : i32 to index
    %swap3A_291 = arith.constant 0 : index
    %swap3A_292 = tpu.vector_load %arg11[%swap3A_290, %swap3A_291] {strides = array<i32>} : memref<8x32xi32, #tpu.memory_space<vmem>>, vector<1x16xi32>,
    %swap3A_293 = vector.shape_cast %swap3A_292 : vector<1x16xi32> to vector<16xi32>
    %swap3A_294 = vector.shape_cast %broadcast_in_dim3A_288 : vector<16xi32> to vector<1x16xi32>
    tpu.vector_store %arg11[%swap3A_290, %swap3A_291], %swap3A_294 {strides = array<i32>} : memref<8x32xi32, #tpu.memory_space<vmem>>, vector<1x16xi32>,
    %broadcast_in_dim3A_295 = arith.constant 0.000000e+00 : f32
    %broadcast_in_dim3A_296 = vector.broadcast %broadcast_in_dim3A_295 : f32 to vector<16xf32>
    %swap3A_297 = arith.constant 5 : i32
    %swap3A_298 = arith.index_cast %swap3A_297 : i32 to index
    %swap3A_299 = arith.constant 16 : index
    %swap3A_300 = tpu.vector_load %arg9[%swap3A_298, %swap3A_299] {strides = array<i32>} : memref<8x32xf32, #tpu.memory_space<vmem>>, vector<1x16xf32>,
    %swap3A_301 = vector.shape_cast %swap3A_300 : vector<1x16xf32> to vector<16xf32>
    %swap3A_302 = vector.shape_cast %broadcast_in_dim3A_296 : vector<16xf32> to vector<1x16xf32>
    tpu.vector_store %arg9[%swap3A_298, %swap3A_299], %swap3A_302 {strides = array<i32>} : memref<8x32xf32, #tpu.memory_space<vmem>>, vector<1x16xf32>,
    %broadcast_in_dim3A_303 = arith.constant 0xFF800000 : f32
    %broadcast_in_dim3A_304 = vector.broadcast %broadcast_in_dim3A_303 : f32 to vector<16xf32>
    %swap3A_305 = arith.constant 5 : i32
    %swap3A_306 = arith.index_cast %swap3A_305 : i32 to index
    %swap3A_307 = arith.constant 16 : index
    %swap3A_308 = tpu.vector_load %arg10[%swap3A_306, %swap3A_307] {strides = array<i32>} : memref<8x32xf32, #tpu.memory_space<vmem>>, vector<1x16xf32>,
    %swap3A_309 = vector.shape_cast %swap3A_308 : vector<1x16xf32> to vector<16xf32>
    %swap3A_310 = vector.shape_cast %broadcast_in_dim3A_304 : vector<16xf32> to vector<1x16xf32>
    tpu.vector_store %arg10[%swap3A_306, %swap3A_307], %swap3A_310 {strides = array<i32>} : memref<8x32xf32, #tpu.memory_space<vmem>>, vector<1x16xf32>,
    %broadcast_in_dim3A_311 = arith.constant 0 : i32
    %broadcast_in_dim3A_312 = vector.broadcast %broadcast_in_dim3A_311 : i32 to vector<16xi32>
    %swap3A_313 = arith.constant 5 : i32
    %swap3A_314 = arith.index_cast %swap3A_313 : i32 to index
    %swap3A_315 = arith.constant 16 : index
    %swap3A_316 = tpu.vector_load %arg11[%swap3A_314, %swap3A_315] {strides = array<i32>} : memref<8x32xi32, #tpu.memory_space<vmem>>, vector<1x16xi32>,
    %swap3A_317 = vector.shape_cast %swap3A_316 : vector<1x16xi32> to vector<16xi32>
    %swap3A_318 = vector.shape_cast %broadcast_in_dim3A_312 : vector<16xi32> to vector<1x16xi32>
    tpu.vector_store %arg11[%swap3A_314, %swap3A_315], %swap3A_318 {strides = array<i32>} : memref<8x32xi32, #tpu.memory_space<vmem>>, vector<1x16xi32>,
    %broadcast_in_dim3A_319 = arith.constant 0.000000e+00 : f32
    %broadcast_in_dim3A_320 = vector.broadcast %broadcast_in_dim3A_319 : f32 to vector<16xf32>
    %swap3A_321 = arith.constant 6 : i32
    %swap3A_322 = arith.index_cast %swap3A_321 : i32 to index
    %swap3A_323 = arith.constant 0 : index
    %swap3A_324 = tpu.vector_load %arg9[%swap3A_322, %swap3A_323] {strides = array<i32>} : memref<8x32xf32, #tpu.memory_space<vmem>>, vector<1x16xf32>,
    %swap3A_325 = vector.shape_cast %swap3A_324 : vector<1x16xf32> to vector<16xf32>
    %swap3A_326 = vector.shape_cast %broadcast_in_dim3A_320 : vector<16xf32> to vector<1x16xf32>
    tpu.vector_store %arg9[%swap3A_322, %swap3A_323], %swap3A_326 {strides = array<i32>} : memref<8x32xf32, #tpu.memory_space<vmem>>, vector<1x16xf32>,
    %broadcast_in_dim3A_327 = arith.constant 0xFF800000 : f32
    %broadcast_in_dim3A_328 = vector.broadcast %broadcast_in_dim3A_327 : f32 to vector<16xf32>
    %swap3A_329 = arith.constant 6 : i32
    %swap3A_330 = arith.index_cast %swap3A_329 : i32 to index
    %swap3A_331 = arith.constant 0 : index
    %swap3A_332 = tpu.vector_load %arg10[%swap3A_330, %swap3A_331] {strides = array<i32>} : memref<8x32xf32, #tpu.memory_space<vmem>>, vector<1x16xf32>,
    %swap3A_333 = vector.shape_cast %swap3A_332 : vector<1x16xf32> to vector<16xf32>
    %swap3A_334 = vector.shape_cast %broadcast_in_dim3A_328 : vector<16xf32> to vector<1x16xf32>
    tpu.vector_store %arg10[%swap3A_330, %swap3A_331], %swap3A_334 {strides = array<i32>} : memref<8x32xf32, #tpu.memory_space<vmem>>, vector<1x16xf32>,
    %broadcast_in_dim3A_335 = arith.constant 0 : i32
    %broadcast_in_dim3A_336 = vector.broadcast %broadcast_in_dim3A_335 : i32 to vector<16xi32>
    %swap3A_337 = arith.constant 6 : i32
    %swap3A_338 = arith.index_cast %swap3A_337 : i32 to index
    %swap3A_339 = arith.constant 0 : index
    %swap3A_340 = tpu.vector_load %arg11[%swap3A_338, %swap3A_339] {strides = array<i32>} : memref<8x32xi32, #tpu.memory_space<vmem>>, vector<1x16xi32>,
    %swap3A_341 = vector.shape_cast %swap3A_340 : vector<1x16xi32> to vector<16xi32>
    %swap3A_342 = vector.shape_cast %broadcast_in_dim3A_336 : vector<16xi32> to vector<1x16xi32>
    tpu.vector_store %arg11[%swap3A_338, %swap3A_339], %swap3A_342 {strides = array<i32>} : memref<8x32xi32, #tpu.memory_space<vmem>>, vector<1x16xi32>,
    %broadcast_in_dim3A_343 = arith.constant 0.000000e+00 : f32
    %broadcast_in_dim3A_344 = vector.broadcast %broadcast_in_dim3A_343 : f32 to vector<16xf32>
    %swap3A_345 = arith.constant 6 : i32
    %swap3A_346 = arith.index_cast %swap3A_345 : i32 to index
    %swap3A_347 = arith.constant 16 : index
    %swap3A_348 = tpu.vector_load %arg9[%swap3A_346, %swap3A_347] {strides = array<i32>} : memref<8x32xf32, #tpu.memory_space<vmem>>, vector<1x16xf32>,
    %swap3A_349 = vector.shape_cast %swap3A_348 : vector<1x16xf32> to vector<16xf32>
    %swap3A_350 = vector.shape_cast %broadcast_in_dim3A_344 : vector<16xf32> to vector<1x16xf32>
    tpu.vector_store %arg9[%swap3A_346, %swap3A_347], %swap3A_350 {strides = array<i32>} : memref<8x32xf32, #tpu.memory_space<vmem>>, vector<1x16xf32>,
    %broadcast_in_dim3A_351 = arith.constant 0xFF800000 : f32
    %broadcast_in_dim3A_352 = vector.broadcast %broadcast_in_dim3A_351 : f32 to vector<16xf32>
    %swap3A_353 = arith.constant 6 : i32
    %swap3A_354 = arith.index_cast %swap3A_353 : i32 to index
    %swap3A_355 = arith.constant 16 : index
    %swap3A_356 = tpu.vector_load %arg10[%swap3A_354, %swap3A_355] {strides = array<i32>} : memref<8x32xf32, #tpu.memory_space<vmem>>, vector<1x16xf32>,
    %swap3A_357 = vector.shape_cast %swap3A_356 : vector<1x16xf32> to vector<16xf32>
    %swap3A_358 = vector.shape_cast %broadcast_in_dim3A_352 : vector<16xf32> to vector<1x16xf32>
    tpu.vector_store %arg10[%swap3A_354, %swap3A_355], %swap3A_358 {strides = array<i32>} : memref<8x32xf32, #tpu.memory_space<vmem>>, vector<1x16xf32>,
    %broadcast_in_dim3A_359 = arith.constant 0 : i32
    %broadcast_in_dim3A_360 = vector.broadcast %broadcast_in_dim3A_359 : i32 to vector<16xi32>
    %swap3A_361 = arith.constant 6 : i32
    %swap3A_362 = arith.index_cast %swap3A_361 : i32 to index
    %swap3A_363 = arith.constant 16 : index
    %swap3A_364 = tpu.vector_load %arg11[%swap3A_362, %swap3A_363] {strides = array<i32>} : memref<8x32xi32, #tpu.memory_space<vmem>>, vector<1x16xi32>,
    %swap3A_365 = vector.shape_cast %swap3A_364 : vector<1x16xi32> to vector<16xi32>
    %swap3A_366 = vector.shape_cast %broadcast_in_dim3A_360 : vector<16xi32> to vector<1x16xi32>
    tpu.vector_store %arg11[%swap3A_362, %swap3A_363], %swap3A_366 {strides = array<i32>} : memref<8x32xi32, #tpu.memory_space<vmem>>, vector<1x16xi32>,
    %broadcast_in_dim3A_367 = arith.constant 0.000000e+00 : f32
    %broadcast_in_dim3A_368 = vector.broadcast %broadcast_in_dim3A_367 : f32 to vector<16xf32>
    %swap3A_369 = arith.constant 7 : i32
    %swap3A_370 = arith.index_cast %swap3A_369 : i32 to index
    %swap3A_371 = arith.constant 0 : index
    %swap3A_372 = tpu.vector_load %arg9[%swap3A_370, %swap3A_371] {strides = array<i32>} : memref<8x32xf32, #tpu.memory_space<vmem>>, vector<1x16xf32>,
    %swap3A_373 = vector.shape_cast %swap3A_372 : vector<1x16xf32> to vector<16xf32>
    %swap3A_374 = vector.shape_cast %broadcast_in_dim3A_368 : vector<16xf32> to vector<1x16xf32>
    tpu.vector_store %arg9[%swap3A_370, %swap3A_371], %swap3A_374 {strides = array<i32>} : memref<8x32xf32, #tpu.memory_space<vmem>>, vector<1x16xf32>,
    %broadcast_in_dim3A_375 = arith.constant 0xFF800000 : f32
    %broadcast_in_dim3A_376 = vector.broadcast %broadcast_in_dim3A_375 : f32 to vector<16xf32>
    %swap3A_377 = arith.constant 7 : i32
    %swap3A_378 = arith.index_cast %swap3A_377 : i32 to index
    %swap3A_379 = arith.constant 0 : index
    %swap3A_380 = tpu.vector_load %arg10[%swap3A_378, %swap3A_379] {strides = array<i32>} : memref<8x32xf32, #tpu.memory_space<vmem>>, vector<1x16xf32>,
    %swap3A_381 = vector.shape_cast %swap3A_380 : vector<1x16xf32> to vector<16xf32>
    %swap3A_382 = vector.shape_cast %broadcast_in_dim3A_376 : vector<16xf32> to vector<1x16xf32>
    tpu.vector_store %arg10[%swap3A_378, %swap3A_379], %swap3A_382 {strides = array<i32>} : memref<8x32xf32, #tpu.memory_space<vmem>>, vector<1x16xf32>,
    %broadcast_in_dim3A_383 = arith.constant 0 : i32
    %broadcast_in_dim3A_384 = vector.broadcast %broadcast_in_dim3A_383 : i32 to vector<16xi32>
    %swap3A_385 = arith.constant 7 : i32
    %swap3A_386 = arith.index_cast %swap3A_385 : i32 to index
    %swap3A_387 = arith.constant 0 : index
    %swap3A_388 = tpu.vector_load %arg11[%swap3A_386, %swap3A_387] {strides = array<i32>} : memref<8x32xi32, #tpu.memory_space<vmem>>, vector<1x16xi32>,
    %swap3A_389 = vector.shape_cast %swap3A_388 : vector<1x16xi32> to vector<16xi32>
    %swap3A_390 = vector.shape_cast %broadcast_in_dim3A_384 : vector<16xi32> to vector<1x16xi32>
    tpu.vector_store %arg11[%swap3A_386, %swap3A_387], %swap3A_390 {strides = array<i32>} : memref<8x32xi32, #tpu.memory_space<vmem>>, vector<1x16xi32>,
    %broadcast_in_dim3A_391 = arith.constant 0.000000e+00 : f32
    %broadcast_in_dim3A_392 = vector.broadcast %broadcast_in_dim3A_391 : f32 to vector<16xf32>
    %swap3A_393 = arith.constant 7 : i32
    %swap3A_394 = arith.index_cast %swap3A_393 : i32 to index
    %swap3A_395 = arith.constant 16 : index
    %swap3A_396 = tpu.vector_load %arg9[%swap3A_394, %swap3A_395] {strides = array<i32>} : memref<8x32xf32, #tpu.memory_space<vmem>>, vector<1x16xf32>,
    %swap3A_397 = vector.shape_cast %swap3A_396 : vector<1x16xf32> to vector<16xf32>
    %swap3A_398 = vector.shape_cast %broadcast_in_dim3A_392 : vector<16xf32> to vector<1x16xf32>
    tpu.vector_store %arg9[%swap3A_394, %swap3A_395], %swap3A_398 {strides = array<i32>} : memref<8x32xf32, #tpu.memory_space<vmem>>, vector<1x16xf32>,
    %broadcast_in_dim3A_399 = arith.constant 0xFF800000 : f32
    %broadcast_in_dim3A_400 = vector.broadcast %broadcast_in_dim3A_399 : f32 to vector<16xf32>
    %swap3A_401 = arith.constant 7 : i32
    %swap3A_402 = arith.index_cast %swap3A_401 : i32 to index
    %swap3A_403 = arith.constant 16 : index
    %swap3A_404 = tpu.vector_load %arg10[%swap3A_402, %swap3A_403] {strides = array<i32>} : memref<8x32xf32, #tpu.memory_space<vmem>>, vector<1x16xf32>,
    %swap3A_405 = vector.shape_cast %swap3A_404 : vector<1x16xf32> to vector<16xf32>
    %swap3A_406 = vector.shape_cast %broadcast_in_dim3A_400 : vector<16xf32> to vector<1x16xf32>
    tpu.vector_store %arg10[%swap3A_402, %swap3A_403], %swap3A_406 {strides = array<i32>} : memref<8x32xf32, #tpu.memory_space<vmem>>, vector<1x16xf32>,
    %broadcast_in_dim3A_407 = arith.constant 0 : i32
    %broadcast_in_dim3A_408 = vector.broadcast %broadcast_in_dim3A_407 : i32 to vector<16xi32>
    %swap3A_409 = arith.constant 7 : i32
    %swap3A_410 = arith.index_cast %swap3A_409 : i32 to index
    %swap3A_411 = arith.constant 16 : index
    %swap3A_412 = tpu.vector_load %arg11[%swap3A_410, %swap3A_411] {strides = array<i32>} : memref<8x32xi32, #tpu.memory_space<vmem>>, vector<1x16xi32>,
    %swap3A_413 = vector.shape_cast %swap3A_412 : vector<1x16xi32> to vector<16xi32>
    %swap3A_414 = vector.shape_cast %broadcast_in_dim3A_408 : vector<16xi32> to vector<1x16xi32>
    tpu.vector_store %arg11[%swap3A_410, %swap3A_411], %swap3A_414 {strides = array<i32>} : memref<8x32xi32, #tpu.memory_space<vmem>>, vector<1x16xi32>,
    %min3A = arith.constant 0 : i32
    %min3A_415 = arith.constant 11 : i32
    %min3A_416 = arith.minsi %min3A, %min3A_415 : i32
    %mul3A_417 = arith.constant 8 : i32
    %mul3A_418 = arith.muli %mul3A_417, %select_n3A : i32
    %mul3A_419 = arith.constant 1536 : i32
    %mul3A_420 = arith.muli %min3A_416, %mul3A_419 : i32
    %add3A_421 = arith.addi %mul3A_32, %mul3A_420 : i32
    %dma_start3A = tpu.memref_slice %arg2[%mul3A_418, %add3A_421] : memref<32x1000000xf32, #tpu.memory_space<hbm>> -> memref<8x1536xf32, #tpu.memory_space<hbm>>
    %dma_start3A_422 = tpu.memref_slice %arg2[%mul3A_418, %add3A_421] : memref<32x1000000xf32, #tpu.memory_space<hbm>> -> memref<8x1536xf32, #tpu.memory_space<hbm>>
    tpu.enqueue_dma source(%dma_start3A_422 : memref<8x1536xf32, #tpu.memory_space<hbm>>) target(%arg7 : memref<8x1536xf32, #tpu.memory_space<vmem>>) target_semaphore(%arg16 : memref<!tpu.dma_semaphore, #tpu.memory_space<semaphore_mem>>)
    %min3A_423 = arith.constant 1 : i32
    %min3A_424 = arith.constant 11 : i32
    %min3A_425 = arith.minsi %min3A_423, %min3A_424 : i32
    %mul3A_426 = arith.constant 8 : i32
    %mul3A_427 = arith.muli %mul3A_426, %select_n3A : i32
    %mul3A_428 = arith.constant 1536 : i32
    %mul3A_429 = arith.muli %min3A_425, %mul3A_428 : i32
    %add3A_430 = arith.addi %mul3A_32, %mul3A_429 : i32
    %dma_start3A_431 = tpu.memref_slice %arg2[%mul3A_427, %add3A_430] : memref<32x1000000xf32, #tpu.memory_space<hbm>> -> memref<8x1536xf32, #tpu.memory_space<hbm>>
    %dma_start3A_432 = tpu.memref_slice %arg2[%mul3A_427, %add3A_430] : memref<32x1000000xf32, #tpu.memory_space<hbm>> -> memref<8x1536xf32, #tpu.memory_space<hbm>>
    tpu.enqueue_dma source(%dma_start3A_432 : memref<8x1536xf32, #tpu.memory_space<hbm>>) target(%arg8 : memref<8x1536xf32, #tpu.memory_space<vmem>>) target_semaphore(%arg17 : memref<!tpu.dma_semaphore, #tpu.memory_space<semaphore_mem>>)
    %scan3A = arith.constant 0 : i32
    %scan3A_433 = arith.constant 0 : i32
    %scan3A_434 = arith.constant 6 : i32
    %scan3A_435 = arith.addi %scan3A_433, %scan3A_434 : i32
    %scan3A_436 = arith.constant 1 : i32
    %scan3A_437 = scf.for %scan3A_457 = %scan3A_433 to %scan3A_435 step %scan3A_436 iter_args(%scan3A_458 = %scan3A) -> (i32)  : i32 {
      %mul3A_459 = arith.constant 2 : i32
      %mul3A_460 = arith.muli %mul3A_459, %scan3A_457 : i32
      %mul3A_461 = arith.constant 2 : i32
      %mul3A_462 = arith.muli %mul3A_461, %scan3A_457 : i32
      %add3A_463 = arith.constant 2 : i32
      %add3A_464 = arith.addi %mul3A_462, %add3A_463 : i32
      %dma_wait3A_465 = arith.constant 0 : i32
      %dma_wait3A_466 = arith.constant 0 : i32
      %dma_wait3A_467 = tpu.memref_slice %arg2[%dma_wait3A_465, %dma_wait3A_466] : memref<32x1000000xf32, #tpu.memory_space<hbm>> -> memref<8x1536xf32, #tpu.memory_space<hbm>>
      %dma_wait3A_468 = arith.constant 0 : i32
      %dma_wait3A_469 = arith.constant 0 : i32
      %dma_wait3A_470 = tpu.memref_slice %arg2[%dma_wait3A_468, %dma_wait3A_469] : memref<32x1000000xf32, #tpu.memory_space<hbm>> -> memref<8x1536xf32, #tpu.memory_space<hbm>>
      tpu.wait_dma2 semaphore(%arg16 : memref<!tpu.dma_semaphore, #tpu.memory_space<semaphore_mem>>) src(%dma_wait3A_470 : memref<8x1536xf32, #tpu.memory_space<hbm>>) dst(%arg7 : memref<8x1536xf32, #tpu.memory_space<vmem>>)
      %scan3A_471 = arith.constant 0 : i32
      %scan3A_472 = arith.constant 0 : i32
      %scan3A_473 = arith.constant 384 : i32
      %scan3A_474 = arith.addi %scan3A_472, %scan3A_473 : i32
      %scan3A_475 = arith.constant 1 : i32
      %scan3A_476 = scf.for %scan3A_518 = %scan3A_472 to %scan3A_474 step %scan3A_475 iter_args(%scan3A_519 = %scan3A_471) -> (i32)  : i32 {
        %jit3A_520 = arith.constant 48 : i32
        %div3A_521 = arith.divsi %scan3A_518, %jit3A_520 : i32
        %sign3A_522 = arith.constant 0 : i32
        %sign3A_523 = arith.cmpi sgt, %scan3A_518, %sign3A_522 : i32
        %sign3A_524 = arith.extui %sign3A_523 : i1 to i32
        %sign3A_525 = arith.constant 0 : i32
        %sign3A_526 = arith.cmpi slt, %scan3A_518, %sign3A_525 : i32
        %sign3A_527 = arith.extui %sign3A_526 : i1 to i32
        %sign3A_528 = arith.subi %sign3A_524, %sign3A_527 : i32
        %sign3A_529 = arith.constant 0 : i32
        %sign3A_530 = arith.cmpi sgt, %jit3A_520, %sign3A_529 : i32
        %sign3A_531 = arith.extui %sign3A_530 : i1 to i32
        %sign3A_532 = arith.constant 0 : i32
        %sign3A_533 = arith.cmpi slt, %jit3A_520, %sign3A_532 : i32
        %sign3A_534 = arith.extui %sign3A_533 : i1 to i32
        %sign3A_535 = arith.subi %sign3A_531, %sign3A_534 : i32
        %ne3A_536 = arith.cmpi ne, %sign3A_528, %sign3A_535 : i32
        %rem3A_537 = arith.remsi %scan3A_518, %jit3A_520 : i32
        %ne3A_538 = arith.constant 0 : i32
        %ne3A_539 = arith.cmpi ne, %rem3A_537, %ne3A_538 : i32
        %and3A_540 = arith.andi %ne3A_536, %ne3A_539 : i1
        %sub3A_541 = arith.constant 1 : i32
        %sub3A_542 = arith.subi %div3A_521, %sub3A_541 : i32
        %select_n3A_543 = arith.select %and3A_540, %sub3A_542, %div3A_521 : i32
        %mul3A_544 = arith.constant 48 : i32
        %mul3A_545 = arith.muli %select_n3A_543, %mul3A_544 : i32
        %sub3A_546 = arith.subi %scan3A_518, %mul3A_545 : i32
        %mul3A_547 = arith.constant 8 : i32
        %mul3A_548 = arith.muli %mul3A_547, %select_n3A : i32
        %add3A_549 = arith.addi %mul3A_548, %select_n3A_543 : i32
        %mul3A_550 = arith.constant 1000000 : i32
        %mul3A_551 = arith.muli %add3A_549, %mul3A_550 : i32
        %mul3A_552 = arith.constant 2 : i32
        %mul3A_553 = arith.muli %sub3A_546, %mul3A_552 : i32
        %add3A_554 = arith.constant 0 : i32
        %add3A_555 = arith.addi %mul3A_553, %add3A_554 : i32
        %mul3A_556 = arith.constant 16 : i32
        %mul3A_557 = arith.muli %add3A_555, %mul3A_556 : i32
        %mul3A_558 = arith.constant 1536 : i32
        %mul3A_559 = arith.muli %mul3A_460, %mul3A_558 : i32
        %add3A_560 = arith.addi %mul3A_32, %mul3A_559 : i32
        %add3A_561 = arith.addi %add3A_560, %mul3A_557 : i32
        %add3A_562 = vector.broadcast %add3A_561 : i32 to vector<16xi32>
        %add3A_563 = arith.addi %add3A_562, %iota3A : vector<16xi32>
        %add3A_564 = vector.broadcast %mul3A_551 : i32 to vector<16xi32>
        %add3A_565 = arith.addi %add3A_564, %add3A_563 : vector<16xi32>
        %bitcast_convert_type3A = tpu.bitcast %add3A_565 : vector<16xi32> -> vector<16xi32>
        %broadcast_in_dim3A_566 = arith.constant 0 : i32
        %broadcast_in_dim3A_567 = vector.broadcast %broadcast_in_dim3A_566 : i32 to vector<16xi32>
        %add3A_568 = arith.constant 0 : i32
        %add3A_569 = vector.broadcast %add3A_568 : i32 to vector<16xi32>
        %add3A_570 = arith.addi %broadcast_in_dim3A_567, %add3A_569 : vector<16xi32>
        %add3A_571 = arith.constant 42 : i32
        %add3A_572 = vector.broadcast %add3A_571 : i32 to vector<16xi32>
        %add3A_573 = arith.addi %bitcast_convert_type3A, %add3A_572 : vector<16xi32>
        %add3A_574 = arith.addi %add3A_570, %add3A_573 : vector<16xi32>
        %shift_left3A = arith.constant 13 : i32
        %shift_left3A_575 = vector.broadcast %shift_left3A : i32 to vector<16xi32>
        %shift_left3A_576 = arith.shli %add3A_573, %shift_left3A_575 : vector<16xi32>
        %shift_right_logical3A = arith.constant 19 : i32
        %shift_right_logical3A_577 = vector.broadcast %shift_right_logical3A : i32 to vector<16xi32>
        %shift_right_logical3A_578 = arith.shrui %add3A_573, %shift_right_logical3A_577 : vector<16xi32>
        %or3A = arith.ori %shift_left3A_576, %shift_right_logical3A_578 : vector<16xi32>
        %xor3A = arith.xori %add3A_574, %or3A : vector<16xi32>
        %add3A_579 = arith.addi %add3A_574, %xor3A : vector<16xi32>
        %shift_left3A_580 = arith.constant 15 : i32
        %shift_left3A_581 = vector.broadcast %shift_left3A_580 : i32 to vector<16xi32>
        %shift_left3A_582 = arith.shli %xor3A, %shift_left3A_581 : vector<16xi32>
        %shift_right_logical3A_583 = arith.constant 17 : i32
        %shift_right_logical3A_584 = vector.broadcast %shift_right_logical3A_583 : i32 to vector<16xi32>
        %shift_right_logical3A_585 = arith.shrui %xor3A, %shift_right_logical3A_584 : vector<16xi32>
        %or3A_586 = arith.ori %shift_left3A_582, %shift_right_logical3A_585 : vector<16xi32>
        %xor3A_587 = arith.xori %add3A_579, %or3A_586 : vector<16xi32>
        %add3A_588 = arith.addi %add3A_579, %xor3A_587 : vector<16xi32>
        %shift_left3A_589 = arith.constant 26 : i32
        %shift_left3A_590 = vector.broadcast %shift_left3A_589 : i32 to vector<16xi32>
        %shift_left3A_591 = arith.shli %xor3A_587, %shift_left3A_590 : vector<16xi32>
        %shift_right_logical3A_592 = arith.constant 6 : i32
        %shift_right_logical3A_593 = vector.broadcast %shift_right_logical3A_592 : i32 to vector<16xi32>
        %shift_right_logical3A_594 = arith.shrui %xor3A_587, %shift_right_logical3A_593 : vector<16xi32>
        %or3A_595 = arith.ori %shift_left3A_591, %shift_right_logical3A_594 : vector<16xi32>
        %xor3A_596 = arith.xori %add3A_588, %or3A_595 : vector<16xi32>
        %add3A_597 = arith.addi %add3A_588, %xor3A_596 : vector<16xi32>
        %shift_left3A_598 = arith.constant 6 : i32
        %shift_left3A_599 = vector.broadcast %shift_left3A_598 : i32 to vector<16xi32>
        %shift_left3A_600 = arith.shli %xor3A_596, %shift_left3A_599 : vector<16xi32>
        %shift_right_logical3A_601 = arith.constant 26 : i32
        %shift_right_logical3A_602 = vector.broadcast %shift_right_logical3A_601 : i32 to vector<16xi32>
        %shift_right_logical3A_603 = arith.shrui %xor3A_596, %shift_right_logical3A_602 : vector<16xi32>
        %or3A_604 = arith.ori %shift_left3A_600, %shift_right_logical3A_603 : vector<16xi32>
        %xor3A_605 = arith.xori %add3A_597, %or3A_604 : vector<16xi32>
        %add3A_606 = arith.constant 42 : i32
        %add3A_607 = vector.broadcast %add3A_606 : i32 to vector<16xi32>
        %add3A_608 = arith.addi %add3A_597, %add3A_607 : vector<16xi32>
        %add3A_609 = arith.constant 466689008 : i32
        %add3A_610 = vector.broadcast %add3A_609 : i32 to vector<16xi32>
        %add3A_611 = arith.addi %xor3A_605, %add3A_610 : vector<16xi32>
        %add3A_612 = arith.constant 1 : i32
        %add3A_613 = vector.broadcast %add3A_612 : i32 to vector<16xi32>
        %add3A_614 = arith.addi %add3A_611, %add3A_613 : vector<16xi32>
        %add3A_615 = arith.addi %add3A_608, %add3A_614 : vector<16xi32>
        %shift_left3A_616 = arith.constant 17 : i32
        %shift_left3A_617 = vector.broadcast %shift_left3A_616 : i32 to vector<16xi32>
        %shift_left3A_618 = arith.shli %add3A_614, %shift_left3A_617 : vector<16xi32>
        %shift_right_logical3A_619 = arith.constant 15 : i32
        %shift_right_logical3A_620 = vector.broadcast %shift_right_logical3A_619 : i32 to vector<16xi32>
        %shift_right_logical3A_621 = arith.shrui %add3A_614, %shift_right_logical3A_620 : vector<16xi32>
        %or3A_622 = arith.ori %shift_left3A_618, %shift_right_logical3A_621 : vector<16xi32>
        %xor3A_623 = arith.xori %add3A_615, %or3A_622 : vector<16xi32>
        %add3A_624 = arith.addi %add3A_615, %xor3A_623 : vector<16xi32>
        %shift_left3A_625 = arith.constant 29 : i32
        %shift_left3A_626 = vector.broadcast %shift_left3A_625 : i32 to vector<16xi32>
        %shift_left3A_627 = arith.shli %xor3A_623, %shift_left3A_626 : vector<16xi32>
        %shift_right_logical3A_628 = arith.constant 3 : i32
        %shift_right_logical3A_629 = vector.broadcast %shift_right_logical3A_628 : i32 to vector<16xi32>
        %shift_right_logical3A_630 = arith.shrui %xor3A_623, %shift_right_logical3A_629 : vector<16xi32>
        %or3A_631 = arith.ori %shift_left3A_627, %shift_right_logical3A_630 : vector<16xi32>
        %xor3A_632 = arith.xori %add3A_624, %or3A_631 : vector<16xi32>
        %add3A_633 = arith.addi %add3A_624, %xor3A_632 : vector<16xi32>
        %shift_left3A_634 = arith.constant 16 : i32
        %shift_left3A_635 = vector.broadcast %shift_left3A_634 : i32 to vector<16xi32>
        %shift_left3A_636 = arith.shli %xor3A_632, %shift_left3A_635 : vector<16xi32>
        %shift_right_logical3A_637 = arith.constant 16 : i32
        %shift_right_logical3A_638 = vector.broadcast %shift_right_logical3A_637 : i32 to vector<16xi32>
        %shift_right_logical3A_639 = arith.shrui %xor3A_632, %shift_right_logical3A_638 : vector<16xi32>
        %or3A_640 = arith.ori %shift_left3A_636, %shift_right_logical3A_639 : vector<16xi32>
        %xor3A_641 = arith.xori %add3A_633, %or3A_640 : vector<16xi32>
        %add3A_642 = arith.addi %add3A_633, %xor3A_641 : vector<16xi32>
        %shift_left3A_643 = arith.constant 24 : i32
        %shift_left3A_644 = vector.broadcast %shift_left3A_643 : i32 to vector<16xi32>
        %shift_left3A_645 = arith.shli %xor3A_641, %shift_left3A_644 : vector<16xi32>
        %shift_right_logical3A_646 = arith.constant 8 : i32
        %shift_right_logical3A_647 = vector.broadcast %shift_right_logical3A_646 : i32 to vector<16xi32>
        %shift_right_logical3A_648 = arith.shrui %xor3A_641, %shift_right_logical3A_647 : vector<16xi32>
        %or3A_649 = arith.ori %shift_left3A_645, %shift_right_logical3A_648 : vector<16xi32>
        %xor3A_650 = arith.xori %add3A_642, %or3A_649 : vector<16xi32>
        %add3A_651 = arith.constant 466689008 : i32
        %add3A_652 = vector.broadcast %add3A_651 : i32 to vector<16xi32>
        %add3A_653 = arith.addi %add3A_642, %add3A_652 : vector<16xi32>
        %add3A_654 = arith.constant 0 : i32
        %add3A_655 = vector.broadcast %add3A_654 : i32 to vector<16xi32>
        %add3A_656 = arith.addi %xor3A_650, %add3A_655 : vector<16xi32>
        %add3A_657 = arith.constant 2 : i32
        %add3A_658 = vector.broadcast %add3A_657 : i32 to vector<16xi32>
        %add3A_659 = arith.addi %add3A_656, %add3A_658 : vector<16xi32>
        %add3A_660 = arith.addi %add3A_653, %add3A_659 : vector<16xi32>
        %shift_left3A_661 = arith.constant 13 : i32
        %shift_left3A_662 = vector.broadcast %shift_left3A_661 : i32 to vector<16xi32>
        %shift_left3A_663 = arith.shli %add3A_659, %shift_left3A_662 : vector<16xi32>
        %shift_right_logical3A_664 = arith.constant 19 : i32
        %shift_right_logical3A_665 = vector.broadcast %shift_right_logical3A_664 : i32 to vector<16xi32>
        %shift_right_logical3A_666 = arith.shrui %add3A_659, %shift_right_logical3A_665 : vector<16xi32>
        %or3A_667 = arith.ori %shift_left3A_663, %shift_right_logical3A_666 : vector<16xi32>
        %xor3A_668 = arith.xori %add3A_660, %or3A_667 : vector<16xi32>
        %add3A_669 = arith.addi %add3A_660, %xor3A_668 : vector<16xi32>
        %shift_left3A_670 = arith.constant 15 : i32
        %shift_left3A_671 = vector.broadcast %shift_left3A_670 : i32 to vector<16xi32>
        %shift_left3A_672 = arith.shli %xor3A_668, %shift_left3A_671 : vector<16xi32>
        %shift_right_logical3A_673 = arith.constant 17 : i32
        %shift_right_logical3A_674 = vector.broadcast %shift_right_logical3A_673 : i32 to vector<16xi32>
        %shift_right_logical3A_675 = arith.shrui %xor3A_668, %shift_right_logical3A_674 : vector<16xi32>
        %or3A_676 = arith.ori %shift_left3A_672, %shift_right_logical3A_675 : vector<16xi32>
        %xor3A_677 = arith.xori %add3A_669, %or3A_676 : vector<16xi32>
        %add3A_678 = arith.addi %add3A_669, %xor3A_677 : vector<16xi32>
        %shift_left3A_679 = arith.constant 26 : i32
        %shift_left3A_680 = vector.broadcast %shift_left3A_679 : i32 to vector<16xi32>
        %shift_left3A_681 = arith.shli %xor3A_677, %shift_left3A_680 : vector<16xi32>
        %shift_right_logical3A_682 = arith.constant 6 : i32
        %shift_right_logical3A_683 = vector.broadcast %shift_right_logical3A_682 : i32 to vector<16xi32>
        %shift_right_logical3A_684 = arith.shrui %xor3A_677, %shift_right_logical3A_683 : vector<16xi32>
        %or3A_685 = arith.ori %shift_left3A_681, %shift_right_logical3A_684 : vector<16xi32>
        %xor3A_686 = arith.xori %add3A_678, %or3A_685 : vector<16xi32>
        %add3A_687 = arith.addi %add3A_678, %xor3A_686 : vector<16xi32>
        %shift_left3A_688 = arith.constant 6 : i32
        %shift_left3A_689 = vector.broadcast %shift_left3A_688 : i32 to vector<16xi32>
        %shift_left3A_690 = arith.shli %xor3A_686, %shift_left3A_689 : vector<16xi32>
        %shift_right_logical3A_691 = arith.constant 26 : i32
        %shift_right_logical3A_692 = vector.broadcast %shift_right_logical3A_691 : i32 to vector<16xi32>
        %shift_right_logical3A_693 = arith.shrui %xor3A_686, %shift_right_logical3A_692 : vector<16xi32>
        %or3A_694 = arith.ori %shift_left3A_690, %shift_right_logical3A_693 : vector<16xi32>
        %xor3A_695 = arith.xori %add3A_687, %or3A_694 : vector<16xi32>
        %add3A_696 = arith.constant 0 : i32
        %add3A_697 = vector.broadcast %add3A_696 : i32 to vector<16xi32>
        %add3A_698 = arith.addi %add3A_687, %add3A_697 : vector<16xi32>
        %add3A_699 = arith.constant 42 : i32
        %add3A_700 = vector.broadcast %add3A_699 : i32 to vector<16xi32>
        %add3A_701 = arith.addi %xor3A_695, %add3A_700 : vector<16xi32>
        %add3A_702 = arith.constant 3 : i32
        %add3A_703 = vector.broadcast %add3A_702 : i32 to vector<16xi32>
        %add3A_704 = arith.addi %add3A_701, %add3A_703 : vector<16xi32>
        %add3A_705 = arith.addi %add3A_698, %add3A_704 : vector<16xi32>
        %shift_left3A_706 = arith.constant 17 : i32
        %shift_left3A_707 = vector.broadcast %shift_left3A_706 : i32 to vector<16xi32>
        %shift_left3A_708 = arith.shli %add3A_704, %shift_left3A_707 : vector<16xi32>
        %shift_right_logical3A_709 = arith.constant 15 : i32
        %shift_right_logical3A_710 = vector.broadcast %shift_right_logical3A_709 : i32 to vector<16xi32>
        %shift_right_logical3A_711 = arith.shrui %add3A_704, %shift_right_logical3A_710 : vector<16xi32>
        %or3A_712 = arith.ori %shift_left3A_708, %shift_right_logical3A_711 : vector<16xi32>
        %xor3A_713 = arith.xori %add3A_705, %or3A_712 : vector<16xi32>
        %add3A_714 = arith.addi %add3A_705, %xor3A_713 : vector<16xi32>
        %shift_left3A_715 = arith.constant 29 : i32
        %shift_left3A_716 = vector.broadcast %shift_left3A_715 : i32 to vector<16xi32>
        %shift_left3A_717 = arith.shli %xor3A_713, %shift_left3A_716 : vector<16xi32>
        %shift_right_logical3A_718 = arith.constant 3 : i32
        %shift_right_logical3A_719 = vector.broadcast %shift_right_logical3A_718 : i32 to vector<16xi32>
        %shift_right_logical3A_720 = arith.shrui %xor3A_713, %shift_right_logical3A_719 : vector<16xi32>
        %or3A_721 = arith.ori %shift_left3A_717, %shift_right_logical3A_720 : vector<16xi32>
        %xor3A_722 = arith.xori %add3A_714, %or3A_721 : vector<16xi32>
        %add3A_723 = arith.addi %add3A_714, %xor3A_722 : vector<16xi32>
        %shift_left3A_724 = arith.constant 16 : i32
        %shift_left3A_725 = vector.broadcast %shift_left3A_724 : i32 to vector<16xi32>
        %shift_left3A_726 = arith.shli %xor3A_722, %shift_left3A_725 : vector<16xi32>
        %shift_right_logical3A_727 = arith.constant 16 : i32
        %shift_right_logical3A_728 = vector.broadcast %shift_right_logical3A_727 : i32 to vector<16xi32>
        %shift_right_logical3A_729 = arith.shrui %xor3A_722, %shift_right_logical3A_728 : vector<16xi32>
        %or3A_730 = arith.ori %shift_left3A_726, %shift_right_logical3A_729 : vector<16xi32>
        %xor3A_731 = arith.xori %add3A_723, %or3A_730 : vector<16xi32>
        %add3A_732 = arith.addi %add3A_723, %xor3A_731 : vector<16xi32>
        %shift_left3A_733 = arith.constant 24 : i32
        %shift_left3A_734 = vector.broadcast %shift_left3A_733 : i32 to vector<16xi32>
        %shift_left3A_735 = arith.shli %xor3A_731, %shift_left3A_734 : vector<16xi32>
        %shift_right_logical3A_736 = arith.constant 8 : i32
        %shift_right_logical3A_737 = vector.broadcast %shift_right_logical3A_736 : i32 to vector<16xi32>
        %shift_right_logical3A_738 = arith.shrui %xor3A_731, %shift_right_logical3A_737 : vector<16xi32>
        %or3A_739 = arith.ori %shift_left3A_735, %shift_right_logical3A_738 : vector<16xi32>
        %xor3A_740 = arith.xori %add3A_732, %or3A_739 : vector<16xi32>
        %add3A_741 = arith.constant 42 : i32
        %add3A_742 = vector.broadcast %add3A_741 : i32 to vector<16xi32>
        %add3A_743 = arith.addi %add3A_732, %add3A_742 : vector<16xi32>
        %add3A_744 = arith.constant 466689008 : i32
        %add3A_745 = vector.broadcast %add3A_744 : i32 to vector<16xi32>
        %add3A_746 = arith.addi %xor3A_740, %add3A_745 : vector<16xi32>
        %add3A_747 = arith.constant 4 : i32
        %add3A_748 = vector.broadcast %add3A_747 : i32 to vector<16xi32>
        %add3A_749 = arith.addi %add3A_746, %add3A_748 : vector<16xi32>
        %add3A_750 = arith.addi %add3A_743, %add3A_749 : vector<16xi32>
        %shift_left3A_751 = arith.constant 13 : i32
        %shift_left3A_752 = vector.broadcast %shift_left3A_751 : i32 to vector<16xi32>
        %shift_left3A_753 = arith.shli %add3A_749, %shift_left3A_752 : vector<16xi32>
        %shift_right_logical3A_754 = arith.constant 19 : i32
        %shift_right_logical3A_755 = vector.broadcast %shift_right_logical3A_754 : i32 to vector<16xi32>
        %shift_right_logical3A_756 = arith.shrui %add3A_749, %shift_right_logical3A_755 : vector<16xi32>
        %or3A_757 = arith.ori %shift_left3A_753, %shift_right_logical3A_756 : vector<16xi32>
        %xor3A_758 = arith.xori %add3A_750, %or3A_757 : vector<16xi32>
        %add3A_759 = arith.addi %add3A_750, %xor3A_758 : vector<16xi32>
        %shift_left3A_760 = arith.constant 15 : i32
        %shift_left3A_761 = vector.broadcast %shift_left3A_760 : i32 to vector<16xi32>
        %shift_left3A_762 = arith.shli %xor3A_758, %shift_left3A_761 : vector<16xi32>
        %shift_right_logical3A_763 = arith.constant 17 : i32
        %shift_right_logical3A_764 = vector.broadcast %shift_right_logical3A_763 : i32 to vector<16xi32>
        %shift_right_logical3A_765 = arith.shrui %xor3A_758, %shift_right_logical3A_764 : vector<16xi32>
        %or3A_766 = arith.ori %shift_left3A_762, %shift_right_logical3A_765 : vector<16xi32>
        %xor3A_767 = arith.xori %add3A_759, %or3A_766 : vector<16xi32>
        %add3A_768 = arith.addi %add3A_759, %xor3A_767 : vector<16xi32>
        %shift_left3A_769 = arith.constant 26 : i32
        %shift_left3A_770 = vector.broadcast %shift_left3A_769 : i32 to vector<16xi32>
        %shift_left3A_771 = arith.shli %xor3A_767, %shift_left3A_770 : vector<16xi32>
        %shift_right_logical3A_772 = arith.constant 6 : i32
        %shift_right_logical3A_773 = vector.broadcast %shift_right_logical3A_772 : i32 to vector<16xi32>
        %shift_right_logical3A_774 = arith.shrui %xor3A_767, %shift_right_logical3A_773 : vector<16xi32>
        %or3A_775 = arith.ori %shift_left3A_771, %shift_right_logical3A_774 : vector<16xi32>
        %xor3A_776 = arith.xori %add3A_768, %or3A_775 : vector<16xi32>
        %add3A_777 = arith.addi %add3A_768, %xor3A_776 : vector<16xi32>
        %shift_left3A_778 = arith.constant 6 : i32
        %shift_left3A_779 = vector.broadcast %shift_left3A_778 : i32 to vector<16xi32>
        %shift_left3A_780 = arith.shli %xor3A_776, %shift_left3A_779 : vector<16xi32>
        %shift_right_logical3A_781 = arith.constant 26 : i32
        %shift_right_logical3A_782 = vector.broadcast %shift_right_logical3A_781 : i32 to vector<16xi32>
        %shift_right_logical3A_783 = arith.shrui %xor3A_776, %shift_right_logical3A_782 : vector<16xi32>
        %or3A_784 = arith.ori %shift_left3A_780, %shift_right_logical3A_783 : vector<16xi32>
        %xor3A_785 = arith.xori %add3A_777, %or3A_784 : vector<16xi32>
        %add3A_786 = arith.constant 466689008 : i32
        %add3A_787 = vector.broadcast %add3A_786 : i32 to vector<16xi32>
        %add3A_788 = arith.addi %add3A_777, %add3A_787 : vector<16xi32>
        %add3A_789 = arith.constant 0 : i32
        %add3A_790 = vector.broadcast %add3A_789 : i32 to vector<16xi32>
        %add3A_791 = arith.addi %xor3A_785, %add3A_790 : vector<16xi32>
        %add3A_792 = arith.constant 5 : i32
        %add3A_793 = vector.broadcast %add3A_792 : i32 to vector<16xi32>
        %add3A_794 = arith.addi %add3A_791, %add3A_793 : vector<16xi32>
        %xor3A_795 = arith.xori %add3A_788, %add3A_794 : vector<16xi32>
        %shift_right_logical3A_796 = arith.constant 9 : i32
        %shift_right_logical3A_797 = vector.broadcast %shift_right_logical3A_796 : i32 to vector<16xi32>
        %shift_right_logical3A_798 = arith.shrui %xor3A_795, %shift_right_logical3A_797 : vector<16xi32>
        %or3A_799 = arith.constant 1065353216 : i32
        %or3A_800 = vector.broadcast %or3A_799 : i32 to vector<16xi32>
        %or3A_801 = arith.ori %shift_right_logical3A_798, %or3A_800 : vector<16xi32>
        %bitcast_convert_type3A_802 = tpu.bitcast %or3A_801 : vector<16xi32> -> vector<16xf32>
        %sub3A_803 = arith.constant 1.000000e+00 : f32
        %sub3A_804 = vector.broadcast %sub3A_803 : f32 to vector<16xf32>
        %sub3A_805 = arith.subf %bitcast_convert_type3A_802, %sub3A_804 : vector<16xf32>
        %add3A_806 = arith.constant 1.17549435E-38 : f32
        %add3A_807 = vector.broadcast %add3A_806 : f32 to vector<16xf32>
        %add3A_808 = arith.addf %sub3A_805, %add3A_807 : vector<16xf32>
        %max3A = arith.constant 1.17549435E-38 : f32
        %max3A_809 = vector.broadcast %max3A : f32 to vector<16xf32>
        %max3A_810 = arith.maximumf %max3A_809, %add3A_808 : vector<16xf32>
        %bitcast_convert_type3A_811 = tpu.bitcast %max3A_810 : vector<16xf32> -> vector<16xi32>
        %shift_right_arithmetic3A = arith.constant 23 : i32
        %shift_right_arithmetic3A_812 = vector.broadcast %shift_right_arithmetic3A : i32 to vector<16xi32>
        %shift_right_arithmetic3A_813 = arith.shrsi %bitcast_convert_type3A_811, %shift_right_arithmetic3A_812 : vector<16xi32>
        %sub3A_814 = arith.constant 127 : i32
        %sub3A_815 = vector.broadcast %sub3A_814 : i32 to vector<16xi32>
        %sub3A_816 = arith.subi %shift_right_arithmetic3A_813, %sub3A_815 : vector<16xi32>
        %and3A_817 = arith.constant 8388607 : i32
        %and3A_818 = vector.broadcast %and3A_817 : i32 to vector<16xi32>
        %and3A_819 = arith.andi %bitcast_convert_type3A_811, %and3A_818 : vector<16xi32>
        %or3A_820 = arith.constant 1065353216 : i32
        %or3A_821 = vector.broadcast %or3A_820 : i32 to vector<16xi32>
        %or3A_822 = arith.ori %and3A_819, %or3A_821 : vector<16xi32>
        %bitcast_convert_type3A_823 = tpu.bitcast %or3A_822 : vector<16xi32> -> vector<16xf32>
        %gt3A = arith.constant 1.41421354 : f32
        %gt3A_824 = vector.broadcast %gt3A : f32 to vector<16xf32>
        %gt3A_825 = arith.cmpf ogt, %bitcast_convert_type3A_823, %gt3A_824 : vector<16xf32>
        %jit3A_826 = arith.constant 1 : i32
        %jit3A_827 = arith.constant 0 : i32
        %broadcast_in_dim3A_828 = vector.broadcast %jit3A_826 : i32 to vector<16xi32>
        %broadcast_in_dim3A_829 = vector.broadcast %jit3A_827 : i32 to vector<16xi32>
        %select_n3A_830 = arith.select %gt3A_825, %broadcast_in_dim3A_828, %broadcast_in_dim3A_829 : vector<16xi1>, vector<16xi32>
        %add3A_831 = arith.addi %sub3A_816, %select_n3A_830 : vector<16xi32>
        %mul3A_832 = arith.constant 5.000000e-01 : f32
        %mul3A_833 = vector.broadcast %mul3A_832 : f32 to vector<16xf32>
        %mul3A_834 = arith.mulf %bitcast_convert_type3A_823, %mul3A_833 : vector<16xf32>
        %select_n3A_835 = arith.select %gt3A_825, %mul3A_834, %bitcast_convert_type3A_823 : vector<16xi1>, vector<16xf32>
        %sub3A_836 = arith.constant 1.000000e+00 : f32
        %sub3A_837 = vector.broadcast %sub3A_836 : f32 to vector<16xf32>
        %sub3A_838 = arith.subf %select_n3A_835, %sub3A_837 : vector<16xf32>
        %mul3A_839 = arith.mulf %sub3A_838, %sub3A_838 : vector<16xf32>
        %broadcast_in_dim3A_840 = arith.constant 0.0703768358 : f32
        %broadcast_in_dim3A_841 = vector.broadcast %broadcast_in_dim3A_840 : f32 to vector<16xf32>
        %mul3A_842 = arith.mulf %broadcast_in_dim3A_841, %sub3A_838 : vector<16xf32>
        %add3A_843 = arith.constant -0.115146101 : f32
        %add3A_844 = vector.broadcast %add3A_843 : f32 to vector<16xf32>
        %add3A_845 = arith.addf %mul3A_842, %add3A_844 : vector<16xf32>
        %mul3A_846 = arith.mulf %add3A_845, %sub3A_838 : vector<16xf32>
        %add3A_847 = arith.constant 0.116769984 : f32
        %add3A_848 = vector.broadcast %add3A_847 : f32 to vector<16xf32>
        %add3A_849 = arith.addf %mul3A_846, %add3A_848 : vector<16xf32>
        %mul3A_850 = arith.mulf %add3A_849, %sub3A_838 : vector<16xf32>
        %add3A_851 = arith.constant -0.12420141 : f32
        %add3A_852 = vector.broadcast %add3A_851 : f32 to vector<16xf32>
        %add3A_853 = arith.addf %mul3A_850, %add3A_852 : vector<16xf32>
        %mul3A_854 = arith.mulf %add3A_853, %sub3A_838 : vector<16xf32>
        %add3A_855 = arith.constant 0.142493233 : f32
        %add3A_856 = vector.broadcast %add3A_855 : f32 to vector<16xf32>
        %add3A_857 = arith.addf %mul3A_854, %add3A_856 : vector<16xf32>
        %mul3A_858 = arith.mulf %add3A_857, %sub3A_838 : vector<16xf32>
        %add3A_859 = arith.constant -0.166680574 : f32
        %add3A_860 = vector.broadcast %add3A_859 : f32 to vector<16xf32>
        %add3A_861 = arith.addf %mul3A_858, %add3A_860 : vector<16xf32>
        %mul3A_862 = arith.mulf %add3A_861, %sub3A_838 : vector<16xf32>
        %add3A_863 = arith.constant 0.200007141 : f32
        %add3A_864 = vector.broadcast %add3A_863 : f32 to vector<16xf32>
        %add3A_865 = arith.addf %mul3A_862, %add3A_864 : vector<16xf32>
        %mul3A_866 = arith.mulf %add3A_865, %sub3A_838 : vector<16xf32>
        %add3A_867 = arith.constant -0.24999994 : f32
        %add3A_868 = vector.broadcast %add3A_867 : f32 to vector<16xf32>
        %add3A_869 = arith.addf %mul3A_866, %add3A_868 : vector<16xf32>
        %mul3A_870 = arith.mulf %add3A_869, %sub3A_838 : vector<16xf32>
        %add3A_871 = arith.constant 0.333333313 : f32
        %add3A_872 = vector.broadcast %add3A_871 : f32 to vector<16xf32>
        %add3A_873 = arith.addf %mul3A_870, %add3A_872 : vector<16xf32>
        %mul3A_874 = arith.mulf %add3A_873, %sub3A_838 : vector<16xf32>
        %mul3A_875 = arith.mulf %mul3A_874, %mul3A_839 : vector<16xf32>
        %convert_element_type3A = arith.sitofp %add3A_831 : vector<16xi32> to vector<16xf32>
        %mul3A_876 = arith.constant -2.12194442E-4 : f32
        %mul3A_877 = vector.broadcast %mul3A_876 : f32 to vector<16xf32>
        %mul3A_878 = arith.mulf %convert_element_type3A, %mul3A_877 : vector<16xf32>
        %add3A_879 = arith.addf %mul3A_875, %mul3A_878 : vector<16xf32>
        %mul3A_880 = arith.constant 5.000000e-01 : f32
        %mul3A_881 = vector.broadcast %mul3A_880 : f32 to vector<16xf32>
        %mul3A_882 = arith.mulf %mul3A_881, %mul3A_839 : vector<16xf32>
        %sub3A_883 = arith.subf %add3A_879, %mul3A_882 : vector<16xf32>
        %add3A_884 = arith.addf %sub3A_838, %sub3A_883 : vector<16xf32>
        %mul3A_885 = arith.constant 0.693359375 : f32
        %mul3A_886 = vector.broadcast %mul3A_885 : f32 to vector<16xf32>
        %mul3A_887 = arith.mulf %convert_element_type3A, %mul3A_886 : vector<16xf32>
        %add3A_888 = arith.addf %add3A_884, %mul3A_887 : vector<16xf32>
        %neg3A = arith.constant 0.000000e+00 : f32
        %neg3A_889 = vector.broadcast %neg3A : f32 to vector<16xf32>
        %neg3A_890 = arith.subf %neg3A_889, %add3A_888 : vector<16xf32>
        %bitcast_convert_type3A_891 = tpu.bitcast %neg3A_890 : vector<16xf32> -> vector<16xi32>
        %shift_right_arithmetic3A_892 = arith.constant 23 : i32
        %shift_right_arithmetic3A_893 = vector.broadcast %shift_right_arithmetic3A_892 : i32 to vector<16xi32>
        %shift_right_arithmetic3A_894 = arith.shrsi %bitcast_convert_type3A_891, %shift_right_arithmetic3A_893 : vector<16xi32>
        %sub3A_895 = arith.constant 127 : i32
        %sub3A_896 = vector.broadcast %sub3A_895 : i32 to vector<16xi32>
        %sub3A_897 = arith.subi %shift_right_arithmetic3A_894, %sub3A_896 : vector<16xi32>
        %and3A_898 = arith.constant 8388607 : i32
        %and3A_899 = vector.broadcast %and3A_898 : i32 to vector<16xi32>
        %and3A_900 = arith.andi %bitcast_convert_type3A_891, %and3A_899 : vector<16xi32>
        %or3A_901 = arith.constant 1065353216 : i32
        %or3A_902 = vector.broadcast %or3A_901 : i32 to vector<16xi32>
        %or3A_903 = arith.ori %and3A_900, %or3A_902 : vector<16xi32>
        %bitcast_convert_type3A_904 = tpu.bitcast %or3A_903 : vector<16xi32> -> vector<16xf32>
        %gt3A_905 = arith.constant 1.41421354 : f32
        %gt3A_906 = vector.broadcast %gt3A_905 : f32 to vector<16xf32>
        %gt3A_907 = arith.cmpf ogt, %bitcast_convert_type3A_904, %gt3A_906 : vector<16xf32>
        %jit3A_908 = arith.constant 1 : i32
        %jit3A_909 = arith.constant 0 : i32
        %broadcast_in_dim3A_910 = vector.broadcast %jit3A_908 : i32 to vector<16xi32>
        %broadcast_in_dim3A_911 = vector.broadcast %jit3A_909 : i32 to vector<16xi32>
        %select_n3A_912 = arith.select %gt3A_907, %broadcast_in_dim3A_910, %broadcast_in_dim3A_911 : vector<16xi1>, vector<16xi32>
        %add3A_913 = arith.addi %sub3A_897, %select_n3A_912 : vector<16xi32>
        %mul3A_914 = arith.constant 5.000000e-01 : f32
        %mul3A_915 = vector.broadcast %mul3A_914 : f32 to vector<16xf32>
        %mul3A_916 = arith.mulf %bitcast_convert_type3A_904, %mul3A_915 : vector<16xf32>
        %select_n3A_917 = arith.select %gt3A_907, %mul3A_916, %bitcast_convert_type3A_904 : vector<16xi1>, vector<16xf32>
        %sub3A_918 = arith.constant 1.000000e+00 : f32
        %sub3A_919 = vector.broadcast %sub3A_918 : f32 to vector<16xf32>
        %sub3A_920 = arith.subf %select_n3A_917, %sub3A_919 : vector<16xf32>
        %mul3A_921 = arith.mulf %sub3A_920, %sub3A_920 : vector<16xf32>
        %broadcast_in_dim3A_922 = arith.constant 0.0703768358 : f32
        %broadcast_in_dim3A_923 = vector.broadcast %broadcast_in_dim3A_922 : f32 to vector<16xf32>
        %mul3A_924 = arith.mulf %broadcast_in_dim3A_923, %sub3A_920 : vector<16xf32>
        %add3A_925 = arith.constant -0.115146101 : f32
        %add3A_926 = vector.broadcast %add3A_925 : f32 to vector<16xf32>
        %add3A_927 = arith.addf %mul3A_924, %add3A_926 : vector<16xf32>
        %mul3A_928 = arith.mulf %add3A_927, %sub3A_920 : vector<16xf32>
        %add3A_929 = arith.constant 0.116769984 : f32
        %add3A_930 = vector.broadcast %add3A_929 : f32 to vector<16xf32>
        %add3A_931 = arith.addf %mul3A_928, %add3A_930 : vector<16xf32>
        %mul3A_932 = arith.mulf %add3A_931, %sub3A_920 : vector<16xf32>
        %add3A_933 = arith.constant -0.12420141 : f32
        %add3A_934 = vector.broadcast %add3A_933 : f32 to vector<16xf32>
        %add3A_935 = arith.addf %mul3A_932, %add3A_934 : vector<16xf32>
        %mul3A_936 = arith.mulf %add3A_935, %sub3A_920 : vector<16xf32>
        %add3A_937 = arith.constant 0.142493233 : f32
        %add3A_938 = vector.broadcast %add3A_937 : f32 to vector<16xf32>
        %add3A_939 = arith.addf %mul3A_936, %add3A_938 : vector<16xf32>
        %mul3A_940 = arith.mulf %add3A_939, %sub3A_920 : vector<16xf32>
        %add3A_941 = arith.constant -0.166680574 : f32
        %add3A_942 = vector.broadcast %add3A_941 : f32 to vector<16xf32>
        %add3A_943 = arith.addf %mul3A_940, %add3A_942 : vector<16xf32>
        %mul3A_944 = arith.mulf %add3A_943, %sub3A_920 : vector<16xf32>
        %add3A_945 = arith.constant 0.200007141 : f32
        %add3A_946 = vector.broadcast %add3A_945 : f32 to vector<16xf32>
        %add3A_947 = arith.addf %mul3A_944, %add3A_946 : vector<16xf32>
        %mul3A_948 = arith.mulf %add3A_947, %sub3A_920 : vector<16xf32>
        %add3A_949 = arith.constant -0.24999994 : f32
        %add3A_950 = vector.broadcast %add3A_949 : f32 to vector<16xf32>
        %add3A_951 = arith.addf %mul3A_948, %add3A_950 : vector<16xf32>
        %mul3A_952 = arith.mulf %add3A_951, %sub3A_920 : vector<16xf32>
        %add3A_953 = arith.constant 0.333333313 : f32
        %add3A_954 = vector.broadcast %add3A_953 : f32 to vector<16xf32>
        %add3A_955 = arith.addf %mul3A_952, %add3A_954 : vector<16xf32>
        %mul3A_956 = arith.mulf %add3A_955, %sub3A_920 : vector<16xf32>
        %mul3A_957 = arith.mulf %mul3A_956, %mul3A_921 : vector<16xf32>
        %convert_element_type3A_958 = arith.sitofp %add3A_913 : vector<16xi32> to vector<16xf32>
        %mul3A_959 = arith.constant -2.12194442E-4 : f32
        %mul3A_960 = vector.broadcast %mul3A_959 : f32 to vector<16xf32>
        %mul3A_961 = arith.mulf %convert_element_type3A_958, %mul3A_960 : vector<16xf32>
        %add3A_962 = arith.addf %mul3A_957, %mul3A_961 : vector<16xf32>
        %mul3A_963 = arith.constant 5.000000e-01 : f32
        %mul3A_964 = vector.broadcast %mul3A_963 : f32 to vector<16xf32>
        %mul3A_965 = arith.mulf %mul3A_964, %mul3A_921 : vector<16xf32>
        %sub3A_966 = arith.subf %add3A_962, %mul3A_965 : vector<16xf32>
        %add3A_967 = arith.addf %sub3A_920, %sub3A_966 : vector<16xf32>
        %mul3A_968 = arith.constant 0.693359375 : f32
        %mul3A_969 = vector.broadcast %mul3A_968 : f32 to vector<16xf32>
        %mul3A_970 = arith.mulf %convert_element_type3A_958, %mul3A_969 : vector<16xf32>
        %add3A_971 = arith.addf %add3A_967, %mul3A_970 : vector<16xf32>
        %neg3A_972 = arith.constant 0.000000e+00 : f32
        %neg3A_973 = vector.broadcast %neg3A_972 : f32 to vector<16xf32>
        %neg3A_974 = arith.subf %neg3A_973, %add3A_971 : vector<16xf32>
        %get3A = arith.index_cast %select_n3A_543 : i32 to index
        %get3A_975 = arith.index_cast %mul3A_557 : i32 to index
        %get3A_976 = tpu.vector_load %arg7[%get3A, %get3A_975] {strides = array<i32>} : memref<8x1536xf32, #tpu.memory_space<vmem>>, vector<1x16xf32>,
        %get3A_977 = vector.shape_cast %get3A_976 : vector<1x16xf32> to vector<16xf32>
        %add3A_978 = arith.addf %get3A_977, %neg3A_974 : vector<16xf32>
        %get3A_979 = arith.index_cast %select_n3A_543 : i32 to index
        %get3A_980 = arith.constant 0 : index
        %get3A_981 = tpu.vector_load %arg10[%get3A_979, %get3A_980] {strides = array<i32>} : memref<8x32xf32, #tpu.memory_space<vmem>>, vector<1x16xf32>,
        %get3A_982 = vector.shape_cast %get3A_981 : vector<1x16xf32> to vector<16xf32>
        %gt3A_983 = arith.cmpf ogt, %add3A_978, %get3A_982 : vector<16xf32>
        %get3A_984 = arith.index_cast %select_n3A_543 : i32 to index
        %get3A_985 = arith.constant 0 : index
        %get3A_986 = tpu.vector_load %arg9[%get3A_984, %get3A_985] {strides = array<i32>} : memref<8x32xf32, #tpu.memory_space<vmem>>, vector<1x16xf32>,
        %get3A_987 = vector.shape_cast %get3A_986 : vector<1x16xf32> to vector<16xf32>
        %exp3A = math.exp %get3A_977 : vector<16xf32>
        %add3A_988 = arith.addf %get3A_987, %exp3A : vector<16xf32>
        %swap3A_989 = arith.index_cast %select_n3A_543 : i32 to index
        %swap3A_990 = arith.constant 0 : index
        %swap3A_991 = tpu.vector_load %arg9[%swap3A_989, %swap3A_990] {strides = array<i32>} : memref<8x32xf32, #tpu.memory_space<vmem>>, vector<1x16xf32>,
        %swap3A_992 = vector.shape_cast %swap3A_991 : vector<1x16xf32> to vector<16xf32>
        %swap3A_993 = vector.shape_cast %add3A_988 : vector<16xf32> to vector<1x16xf32>
        tpu.vector_store %arg9[%swap3A_989, %swap3A_990], %swap3A_993 {strides = array<i32>} : memref<8x32xf32, #tpu.memory_space<vmem>>, vector<1x16xf32>,
        %select_n3A_994 = arith.select %gt3A_983, %add3A_978, %get3A_982 : vector<16xi1>, vector<16xf32>
        %swap3A_995 = arith.index_cast %select_n3A_543 : i32 to index
        %swap3A_996 = arith.constant 0 : index
        %swap3A_997 = tpu.vector_load %arg10[%swap3A_995, %swap3A_996] {strides = array<i32>} : memref<8x32xf32, #tpu.memory_space<vmem>>, vector<1x16xf32>,
        %swap3A_998 = vector.shape_cast %swap3A_997 : vector<1x16xf32> to vector<16xf32>
        %swap3A_999 = vector.shape_cast %select_n3A_994 : vector<16xf32> to vector<1x16xf32>
        tpu.vector_store %arg10[%swap3A_995, %swap3A_996], %swap3A_999 {strides = array<i32>} : memref<8x32xf32, #tpu.memory_space<vmem>>, vector<1x16xf32>,
        %get3A_1000 = arith.index_cast %select_n3A_543 : i32 to index
        %get3A_1001 = arith.constant 0 : index
        %get3A_1002 = tpu.vector_load %arg11[%get3A_1000, %get3A_1001] {strides = array<i32>} : memref<8x32xi32, #tpu.memory_space<vmem>>, vector<1x16xi32>,
        %get3A_1003 = vector.shape_cast %get3A_1002 : vector<1x16xi32> to vector<16xi32>
        %select_n3A_1004 = arith.select %gt3A_983, %add3A_563, %get3A_1003 : vector<16xi1>, vector<16xi32>
        %swap3A_1005 = arith.index_cast %select_n3A_543 : i32 to index
        %swap3A_1006 = arith.constant 0 : index
        %swap3A_1007 = tpu.vector_load %arg11[%swap3A_1005, %swap3A_1006] {strides = array<i32>} : memref<8x32xi32, #tpu.memory_space<vmem>>, vector<1x16xi32>,
        %swap3A_1008 = vector.shape_cast %swap3A_1007 : vector<1x16xi32> to vector<16xi32>
        %swap3A_1009 = vector.shape_cast %select_n3A_1004 : vector<16xi32> to vector<1x16xi32>
        tpu.vector_store %arg11[%swap3A_1005, %swap3A_1006], %swap3A_1009 {strides = array<i32>} : memref<8x32xi32, #tpu.memory_space<vmem>>, vector<1x16xi32>,
        %mul3A_1010 = arith.constant 2 : i32
        %mul3A_1011 = arith.muli %sub3A_546, %mul3A_1010 : i32
        %add3A_1012 = arith.constant 1 : i32
        %add3A_1013 = arith.addi %mul3A_1011, %add3A_1012 : i32
        %mul3A_1014 = arith.constant 16 : i32
        %mul3A_1015 = arith.muli %add3A_1013, %mul3A_1014 : i32
        %mul3A_1016 = arith.constant 1536 : i32
        %mul3A_1017 = arith.muli %mul3A_460, %mul3A_1016 : i32
        %add3A_1018 = arith.addi %mul3A_32, %mul3A_1017 : i32
        %add3A_1019 = arith.addi %add3A_1018, %mul3A_1015 : i32
        %add3A_1020 = vector.broadcast %add3A_1019 : i32 to vector<16xi32>
        %add3A_1021 = arith.addi %add3A_1020, %iota3A : vector<16xi32>
        %add3A_1022 = vector.broadcast %mul3A_551 : i32 to vector<16xi32>
        %add3A_1023 = arith.addi %add3A_1022, %add3A_1021 : vector<16xi32>
        %bitcast_convert_type3A_1024 = tpu.bitcast %add3A_1023 : vector<16xi32> -> vector<16xi32>
        %broadcast_in_dim3A_1025 = arith.constant 0 : i32
        %broadcast_in_dim3A_1026 = vector.broadcast %broadcast_in_dim3A_1025 : i32 to vector<16xi32>
        %add3A_1027 = arith.constant 0 : i32
        %add3A_1028 = vector.broadcast %add3A_1027 : i32 to vector<16xi32>
        %add3A_1029 = arith.addi %broadcast_in_dim3A_1026, %add3A_1028 : vector<16xi32>
        %add3A_1030 = arith.constant 42 : i32
        %add3A_1031 = vector.broadcast %add3A_1030 : i32 to vector<16xi32>
        %add3A_1032 = arith.addi %bitcast_convert_type3A_1024, %add3A_1031 : vector<16xi32>
        %add3A_1033 = arith.addi %add3A_1029, %add3A_1032 : vector<16xi32>
        %shift_left3A_1034 = arith.constant 13 : i32
        %shift_left3A_1035 = vector.broadcast %shift_left3A_1034 : i32 to vector<16xi32>
        %shift_left3A_1036 = arith.shli %add3A_1032, %shift_left3A_1035 : vector<16xi32>
        %shift_right_logical3A_1037 = arith.constant 19 : i32
        %shift_right_logical3A_1038 = vector.broadcast %shift_right_logical3A_1037 : i32 to vector<16xi32>
        %shift_right_logical3A_1039 = arith.shrui %add3A_1032, %shift_right_logical3A_1038 : vector<16xi32>
        %or3A_1040 = arith.ori %shift_left3A_1036, %shift_right_logical3A_1039 : vector<16xi32>
        %xor3A_1041 = arith.xori %add3A_1033, %or3A_1040 : vector<16xi32>
        %add3A_1042 = arith.addi %add3A_1033, %xor3A_1041 : vector<16xi32>
        %shift_left3A_1043 = arith.constant 15 : i32
        %shift_left3A_1044 = vector.broadcast %shift_left3A_1043 : i32 to vector<16xi32>
        %shift_left3A_1045 = arith.shli %xor3A_1041, %shift_left3A_1044 : vector<16xi32>
        %shift_right_logical3A_1046 = arith.constant 17 : i32
        %shift_right_logical3A_1047 = vector.broadcast %shift_right_logical3A_1046 : i32 to vector<16xi32>
        %shift_right_logical3A_1048 = arith.shrui %xor3A_1041, %shift_right_logical3A_1047 : vector<16xi32>
        %or3A_1049 = arith.ori %shift_left3A_1045, %shift_right_logical3A_1048 : vector<16xi32>
        %xor3A_1050 = arith.xori %add3A_1042, %or3A_1049 : vector<16xi32>
        %add3A_1051 = arith.addi %add3A_1042, %xor3A_1050 : vector<16xi32>
        %shift_left3A_1052 = arith.constant 26 : i32
        %shift_left3A_1053 = vector.broadcast %shift_left3A_1052 : i32 to vector<16xi32>
        %shift_left3A_1054 = arith.shli %xor3A_1050, %shift_left3A_1053 : vector<16xi32>
        %shift_right_logical3A_1055 = arith.constant 6 : i32
        %shift_right_logical3A_1056 = vector.broadcast %shift_right_logical3A_1055 : i32 to vector<16xi32>
        %shift_right_logical3A_1057 = arith.shrui %xor3A_1050, %shift_right_logical3A_1056 : vector<16xi32>
        %or3A_1058 = arith.ori %shift_left3A_1054, %shift_right_logical3A_1057 : vector<16xi32>
        %xor3A_1059 = arith.xori %add3A_1051, %or3A_1058 : vector<16xi32>
        %add3A_1060 = arith.addi %add3A_1051, %xor3A_1059 : vector<16xi32>
        %shift_left3A_1061 = arith.constant 6 : i32
        %shift_left3A_1062 = vector.broadcast %shift_left3A_1061 : i32 to vector<16xi32>
        %shift_left3A_1063 = arith.shli %xor3A_1059, %shift_left3A_1062 : vector<16xi32>
        %shift_right_logical3A_1064 = arith.constant 26 : i32
        %shift_right_logical3A_1065 = vector.broadcast %shift_right_logical3A_1064 : i32 to vector<16xi32>
        %shift_right_logical3A_1066 = arith.shrui %xor3A_1059, %shift_right_logical3A_1065 : vector<16xi32>
        %or3A_1067 = arith.ori %shift_left3A_1063, %shift_right_logical3A_1066 : vector<16xi32>
        %xor3A_1068 = arith.xori %add3A_1060, %or3A_1067 : vector<16xi32>
        %add3A_1069 = arith.constant 42 : i32
        %add3A_1070 = vector.broadcast %add3A_1069 : i32 to vector<16xi32>
        %add3A_1071 = arith.addi %add3A_1060, %add3A_1070 : vector<16xi32>
        %add3A_1072 = arith.constant 466689008 : i32
        %add3A_1073 = vector.broadcast %add3A_1072 : i32 to vector<16xi32>
        %add3A_1074 = arith.addi %xor3A_1068, %add3A_1073 : vector<16xi32>
        %add3A_1075 = arith.constant 1 : i32
        %add3A_1076 = vector.broadcast %add3A_1075 : i32 to vector<16xi32>
        %add3A_1077 = arith.addi %add3A_1074, %add3A_1076 : vector<16xi32>
        %add3A_1078 = arith.addi %add3A_1071, %add3A_1077 : vector<16xi32>
        %shift_left3A_1079 = arith.constant 17 : i32
        %shift_left3A_1080 = vector.broadcast %shift_left3A_1079 : i32 to vector<16xi32>
        %shift_left3A_1081 = arith.shli %add3A_1077, %shift_left3A_1080 : vector<16xi32>
        %shift_right_logical3A_1082 = arith.constant 15 : i32
        %shift_right_logical3A_1083 = vector.broadcast %shift_right_logical3A_1082 : i32 to vector<16xi32>
        %shift_right_logical3A_1084 = arith.shrui %add3A_1077, %shift_right_logical3A_1083 : vector<16xi32>
        %or3A_1085 = arith.ori %shift_left3A_1081, %shift_right_logical3A_1084 : vector<16xi32>
        %xor3A_1086 = arith.xori %add3A_1078, %or3A_1085 : vector<16xi32>
        %add3A_1087 = arith.addi %add3A_1078, %xor3A_1086 : vector<16xi32>
        %shift_left3A_1088 = arith.constant 29 : i32
        %shift_left3A_1089 = vector.broadcast %shift_left3A_1088 : i32 to vector<16xi32>
        %shift_left3A_1090 = arith.shli %xor3A_1086, %shift_left3A_1089 : vector<16xi32>
        %shift_right_logical3A_1091 = arith.constant 3 : i32
        %shift_right_logical3A_1092 = vector.broadcast %shift_right_logical3A_1091 : i32 to vector<16xi32>
        %shift_right_logical3A_1093 = arith.shrui %xor3A_1086, %shift_right_logical3A_1092 : vector<16xi32>
        %or3A_1094 = arith.ori %shift_left3A_1090, %shift_right_logical3A_1093 : vector<16xi32>
        %xor3A_1095 = arith.xori %add3A_1087, %or3A_1094 : vector<16xi32>
        %add3A_1096 = arith.addi %add3A_1087, %xor3A_1095 : vector<16xi32>
        %shift_left3A_1097 = arith.constant 16 : i32
        %shift_left3A_1098 = vector.broadcast %shift_left3A_1097 : i32 to vector<16xi32>
        %shift_left3A_1099 = arith.shli %xor3A_1095, %shift_left3A_1098 : vector<16xi32>
        %shift_right_logical3A_1100 = arith.constant 16 : i32
        %shift_right_logical3A_1101 = vector.broadcast %shift_right_logical3A_1100 : i32 to vector<16xi32>
        %shift_right_logical3A_1102 = arith.shrui %xor3A_1095, %shift_right_logical3A_1101 : vector<16xi32>
        %or3A_1103 = arith.ori %shift_left3A_1099, %shift_right_logical3A_1102 : vector<16xi32>
        %xor3A_1104 = arith.xori %add3A_1096, %or3A_1103 : vector<16xi32>
        %add3A_1105 = arith.addi %add3A_1096, %xor3A_1104 : vector<16xi32>
        %shift_left3A_1106 = arith.constant 24 : i32
        %shift_left3A_1107 = vector.broadcast %shift_left3A_1106 : i32 to vector<16xi32>
        %shift_left3A_1108 = arith.shli %xor3A_1104, %shift_left3A_1107 : vector<16xi32>
        %shift_right_logical3A_1109 = arith.constant 8 : i32
        %shift_right_logical3A_1110 = vector.broadcast %shift_right_logical3A_1109 : i32 to vector<16xi32>
        %shift_right_logical3A_1111 = arith.shrui %xor3A_1104, %shift_right_logical3A_1110 : vector<16xi32>
        %or3A_1112 = arith.ori %shift_left3A_1108, %shift_right_logical3A_1111 : vector<16xi32>
        %xor3A_1113 = arith.xori %add3A_1105, %or3A_1112 : vector<16xi32>
        %add3A_1114 = arith.constant 466689008 : i32
        %add3A_1115 = vector.broadcast %add3A_1114 : i32 to vector<16xi32>
        %add3A_1116 = arith.addi %add3A_1105, %add3A_1115 : vector<16xi32>
        %add3A_1117 = arith.constant 0 : i32
        %add3A_1118 = vector.broadcast %add3A_1117 : i32 to vector<16xi32>
        %add3A_1119 = arith.addi %xor3A_1113, %add3A_1118 : vector<16xi32>
        %add3A_1120 = arith.constant 2 : i32
        %add3A_1121 = vector.broadcast %add3A_1120 : i32 to vector<16xi32>
        %add3A_1122 = arith.addi %add3A_1119, %add3A_1121 : vector<16xi32>
        %add3A_1123 = arith.addi %add3A_1116, %add3A_1122 : vector<16xi32>
        %shift_left3A_1124 = arith.constant 13 : i32
        %shift_left3A_1125 = vector.broadcast %shift_left3A_1124 : i32 to vector<16xi32>
        %shift_left3A_1126 = arith.shli %add3A_1122, %shift_left3A_1125 : vector<16xi32>
        %shift_right_logical3A_1127 = arith.constant 19 : i32
        %shift_right_logical3A_1128 = vector.broadcast %shift_right_logical3A_1127 : i32 to vector<16xi32>
        %shift_right_logical3A_1129 = arith.shrui %add3A_1122, %shift_right_logical3A_1128 : vector<16xi32>
        %or3A_1130 = arith.ori %shift_left3A_1126, %shift_right_logical3A_1129 : vector<16xi32>
        %xor3A_1131 = arith.xori %add3A_1123, %or3A_1130 : vector<16xi32>
        %add3A_1132 = arith.addi %add3A_1123, %xor3A_1131 : vector<16xi32>
        %shift_left3A_1133 = arith.constant 15 : i32
        %shift_left3A_1134 = vector.broadcast %shift_left3A_1133 : i32 to vector<16xi32>
        %shift_left3A_1135 = arith.shli %xor3A_1131, %shift_left3A_1134 : vector<16xi32>
        %shift_right_logical3A_1136 = arith.constant 17 : i32
        %shift_right_logical3A_1137 = vector.broadcast %shift_right_logical3A_1136 : i32 to vector<16xi32>
        %shift_right_logical3A_1138 = arith.shrui %xor3A_1131, %shift_right_logical3A_1137 : vector<16xi32>
        %or3A_1139 = arith.ori %shift_left3A_1135, %shift_right_logical3A_1138 : vector<16xi32>
        %xor3A_1140 = arith.xori %add3A_1132, %or3A_1139 : vector<16xi32>
        %add3A_1141 = arith.addi %add3A_1132, %xor3A_1140 : vector<16xi32>
        %shift_left3A_1142 = arith.constant 26 : i32
        %shift_left3A_1143 = vector.broadcast %shift_left3A_1142 : i32 to vector<16xi32>
        %shift_left3A_1144 = arith.shli %xor3A_1140, %shift_left3A_1143 : vector<16xi32>
        %shift_right_logical3A_1145 = arith.constant 6 : i32
        %shift_right_logical3A_1146 = vector.broadcast %shift_right_logical3A_1145 : i32 to vector<16xi32>
        %shift_right_logical3A_1147 = arith.shrui %xor3A_1140, %shift_right_logical3A_1146 : vector<16xi32>
        %or3A_1148 = arith.ori %shift_left3A_1144, %shift_right_logical3A_1147 : vector<16xi32>
        %xor3A_1149 = arith.xori %add3A_1141, %or3A_1148 : vector<16xi32>
        %add3A_1150 = arith.addi %add3A_1141, %xor3A_1149 : vector<16xi32>
        %shift_left3A_1151 = arith.constant 6 : i32
        %shift_left3A_1152 = vector.broadcast %shift_left3A_1151 : i32 to vector<16xi32>
        %shift_left3A_1153 = arith.shli %xor3A_1149, %shift_left3A_1152 : vector<16xi32>
        %shift_right_logical3A_1154 = arith.constant 26 : i32
        %shift_right_logical3A_1155 = vector.broadcast %shift_right_logical3A_1154 : i32 to vector<16xi32>
        %shift_right_logical3A_1156 = arith.shrui %xor3A_1149, %shift_right_logical3A_1155 : vector<16xi32>
        %or3A_1157 = arith.ori %shift_left3A_1153, %shift_right_logical3A_1156 : vector<16xi32>
        %xor3A_1158 = arith.xori %add3A_1150, %or3A_1157 : vector<16xi32>
        %add3A_1159 = arith.constant 0 : i32
        %add3A_1160 = vector.broadcast %add3A_1159 : i32 to vector<16xi32>
        %add3A_1161 = arith.addi %add3A_1150, %add3A_1160 : vector<16xi32>
        %add3A_1162 = arith.constant 42 : i32
        %add3A_1163 = vector.broadcast %add3A_1162 : i32 to vector<16xi32>
        %add3A_1164 = arith.addi %xor3A_1158, %add3A_1163 : vector<16xi32>
        %add3A_1165 = arith.constant 3 : i32
        %add3A_1166 = vector.broadcast %add3A_1165 : i32 to vector<16xi32>
        %add3A_1167 = arith.addi %add3A_1164, %add3A_1166 : vector<16xi32>
        %add3A_1168 = arith.addi %add3A_1161, %add3A_1167 : vector<16xi32>
        %shift_left3A_1169 = arith.constant 17 : i32
        %shift_left3A_1170 = vector.broadcast %shift_left3A_1169 : i32 to vector<16xi32>
        %shift_left3A_1171 = arith.shli %add3A_1167, %shift_left3A_1170 : vector<16xi32>
        %shift_right_logical3A_1172 = arith.constant 15 : i32
        %shift_right_logical3A_1173 = vector.broadcast %shift_right_logical3A_1172 : i32 to vector<16xi32>
        %shift_right_logical3A_1174 = arith.shrui %add3A_1167, %shift_right_logical3A_1173 : vector<16xi32>
        %or3A_1175 = arith.ori %shift_left3A_1171, %shift_right_logical3A_1174 : vector<16xi32>
        %xor3A_1176 = arith.xori %add3A_1168, %or3A_1175 : vector<16xi32>
        %add3A_1177 = arith.addi %add3A_1168, %xor3A_1176 : vector<16xi32>
        %shift_left3A_1178 = arith.constant 29 : i32
        %shift_left3A_1179 = vector.broadcast %shift_left3A_1178 : i32 to vector<16xi32>
        %shift_left3A_1180 = arith.shli %xor3A_1176, %shift_left3A_1179 : vector<16xi32>
        %shift_right_logical3A_1181 = arith.constant 3 : i32
        %shift_right_logical3A_1182 = vector.broadcast %shift_right_logical3A_1181 : i32 to vector<16xi32>
        %shift_right_logical3A_1183 = arith.shrui %xor3A_1176, %shift_right_logical3A_1182 : vector<16xi32>
        %or3A_1184 = arith.ori %shift_left3A_1180, %shift_right_logical3A_1183 : vector<16xi32>
        %xor3A_1185 = arith.xori %add3A_1177, %or3A_1184 : vector<16xi32>
        %add3A_1186 = arith.addi %add3A_1177, %xor3A_1185 : vector<16xi32>
        %shift_left3A_1187 = arith.constant 16 : i32
        %shift_left3A_1188 = vector.broadcast %shift_left3A_1187 : i32 to vector<16xi32>
        %shift_left3A_1189 = arith.shli %xor3A_1185, %shift_left3A_1188 : vector<16xi32>
        %shift_right_logical3A_1190 = arith.constant 16 : i32
        %shift_right_logical3A_1191 = vector.broadcast %shift_right_logical3A_1190 : i32 to vector<16xi32>
        %shift_right_logical3A_1192 = arith.shrui %xor3A_1185, %shift_right_logical3A_1191 : vector<16xi32>
        %or3A_1193 = arith.ori %shift_left3A_1189, %shift_right_logical3A_1192 : vector<16xi32>
        %xor3A_1194 = arith.xori %add3A_1186, %or3A_1193 : vector<16xi32>
        %add3A_1195 = arith.addi %add3A_1186, %xor3A_1194 : vector<16xi32>
        %shift_left3A_1196 = arith.constant 24 : i32
        %shift_left3A_1197 = vector.broadcast %shift_left3A_1196 : i32 to vector<16xi32>
        %shift_left3A_1198 = arith.shli %xor3A_1194, %shift_left3A_1197 : vector<16xi32>
        %shift_right_logical3A_1199 = arith.constant 8 : i32
        %shift_right_logical3A_1200 = vector.broadcast %shift_right_logical3A_1199 : i32 to vector<16xi32>
        %shift_right_logical3A_1201 = arith.shrui %xor3A_1194, %shift_right_logical3A_1200 : vector<16xi32>
        %or3A_1202 = arith.ori %shift_left3A_1198, %shift_right_logical3A_1201 : vector<16xi32>
        %xor3A_1203 = arith.xori %add3A_1195, %or3A_1202 : vector<16xi32>
        %add3A_1204 = arith.constant 42 : i32
        %add3A_1205 = vector.broadcast %add3A_1204 : i32 to vector<16xi32>
        %add3A_1206 = arith.addi %add3A_1195, %add3A_1205 : vector<16xi32>
        %add3A_1207 = arith.constant 466689008 : i32
        %add3A_1208 = vector.broadcast %add3A_1207 : i32 to vector<16xi32>
        %add3A_1209 = arith.addi %xor3A_1203, %add3A_1208 : vector<16xi32>
        %add3A_1210 = arith.constant 4 : i32
        %add3A_1211 = vector.broadcast %add3A_1210 : i32 to vector<16xi32>
        %add3A_1212 = arith.addi %add3A_1209, %add3A_1211 : vector<16xi32>
        %add3A_1213 = arith.addi %add3A_1206, %add3A_1212 : vector<16xi32>
        %shift_left3A_1214 = arith.constant 13 : i32
        %shift_left3A_1215 = vector.broadcast %shift_left3A_1214 : i32 to vector<16xi32>
        %shift_left3A_1216 = arith.shli %add3A_1212, %shift_left3A_1215 : vector<16xi32>
        %shift_right_logical3A_1217 = arith.constant 19 : i32
        %shift_right_logical3A_1218 = vector.broadcast %shift_right_logical3A_1217 : i32 to vector<16xi32>
        %shift_right_logical3A_1219 = arith.shrui %add3A_1212, %shift_right_logical3A_1218 : vector<16xi32>
        %or3A_1220 = arith.ori %shift_left3A_1216, %shift_right_logical3A_1219 : vector<16xi32>
        %xor3A_1221 = arith.xori %add3A_1213, %or3A_1220 : vector<16xi32>
        %add3A_1222 = arith.addi %add3A_1213, %xor3A_1221 : vector<16xi32>
        %shift_left3A_1223 = arith.constant 15 : i32
        %shift_left3A_1224 = vector.broadcast %shift_left3A_1223 : i32 to vector<16xi32>
        %shift_left3A_1225 = arith.shli %xor3A_1221, %shift_left3A_1224 : vector<16xi32>
        %shift_right_logical3A_1226 = arith.constant 17 : i32
        %shift_right_logical3A_1227 = vector.broadcast %shift_right_logical3A_1226 : i32 to vector<16xi32>
        %shift_right_logical3A_1228 = arith.shrui %xor3A_1221, %shift_right_logical3A_1227 : vector<16xi32>
        %or3A_1229 = arith.ori %shift_left3A_1225, %shift_right_logical3A_1228 : vector<16xi32>
        %xor3A_1230 = arith.xori %add3A_1222, %or3A_1229 : vector<16xi32>
        %add3A_1231 = arith.addi %add3A_1222, %xor3A_1230 : vector<16xi32>
        %shift_left3A_1232 = arith.constant 26 : i32
        %shift_left3A_1233 = vector.broadcast %shift_left3A_1232 : i32 to vector<16xi32>
        %shift_left3A_1234 = arith.shli %xor3A_1230, %shift_left3A_1233 : vector<16xi32>
        %shift_right_logical3A_1235 = arith.constant 6 : i32
        %shift_right_logical3A_1236 = vector.broadcast %shift_right_logical3A_1235 : i32 to vector<16xi32>
        %shift_right_logical3A_1237 = arith.shrui %xor3A_1230, %shift_right_logical3A_1236 : vector<16xi32>
        %or3A_1238 = arith.ori %shift_left3A_1234, %shift_right_logical3A_1237 : vector<16xi32>
        %xor3A_1239 = arith.xori %add3A_1231, %or3A_1238 : vector<16xi32>
        %add3A_1240 = arith.addi %add3A_1231, %xor3A_1239 : vector<16xi32>
        %shift_left3A_1241 = arith.constant 6 : i32
        %shift_left3A_1242 = vector.broadcast %shift_left3A_1241 : i32 to vector<16xi32>
        %shift_left3A_1243 = arith.shli %xor3A_1239, %shift_left3A_1242 : vector<16xi32>
        %shift_right_logical3A_1244 = arith.constant 26 : i32
        %shift_right_logical3A_1245 = vector.broadcast %shift_right_logical3A_1244 : i32 to vector<16xi32>
        %shift_right_logical3A_1246 = arith.shrui %xor3A_1239, %shift_right_logical3A_1245 : vector<16xi32>
        %or3A_1247 = arith.ori %shift_left3A_1243, %shift_right_logical3A_1246 : vector<16xi32>
        %xor3A_1248 = arith.xori %add3A_1240, %or3A_1247 : vector<16xi32>
        %add3A_1249 = arith.constant 466689008 : i32
        %add3A_1250 = vector.broadcast %add3A_1249 : i32 to vector<16xi32>
        %add3A_1251 = arith.addi %add3A_1240, %add3A_1250 : vector<16xi32>
        %add3A_1252 = arith.constant 0 : i32
        %add3A_1253 = vector.broadcast %add3A_1252 : i32 to vector<16xi32>
        %add3A_1254 = arith.addi %xor3A_1248, %add3A_1253 : vector<16xi32>
        %add3A_1255 = arith.constant 5 : i32
        %add3A_1256 = vector.broadcast %add3A_1255 : i32 to vector<16xi32>
        %add3A_1257 = arith.addi %add3A_1254, %add3A_1256 : vector<16xi32>
        %xor3A_1258 = arith.xori %add3A_1251, %add3A_1257 : vector<16xi32>
        %shift_right_logical3A_1259 = arith.constant 9 : i32
        %shift_right_logical3A_1260 = vector.broadcast %shift_right_logical3A_1259 : i32 to vector<16xi32>
        %shift_right_logical3A_1261 = arith.shrui %xor3A_1258, %shift_right_logical3A_1260 : vector<16xi32>
        %or3A_1262 = arith.constant 1065353216 : i32
        %or3A_1263 = vector.broadcast %or3A_1262 : i32 to vector<16xi32>
        %or3A_1264 = arith.ori %shift_right_logical3A_1261, %or3A_1263 : vector<16xi32>
        %bitcast_convert_type3A_1265 = tpu.bitcast %or3A_1264 : vector<16xi32> -> vector<16xf32>
        %sub3A_1266 = arith.constant 1.000000e+00 : f32
        %sub3A_1267 = vector.broadcast %sub3A_1266 : f32 to vector<16xf32>
        %sub3A_1268 = arith.subf %bitcast_convert_type3A_1265, %sub3A_1267 : vector<16xf32>
        %add3A_1269 = arith.constant 1.17549435E-38 : f32
        %add3A_1270 = vector.broadcast %add3A_1269 : f32 to vector<16xf32>
        %add3A_1271 = arith.addf %sub3A_1268, %add3A_1270 : vector<16xf32>
        %max3A_1272 = arith.constant 1.17549435E-38 : f32
        %max3A_1273 = vector.broadcast %max3A_1272 : f32 to vector<16xf32>
        %max3A_1274 = arith.maximumf %max3A_1273, %add3A_1271 : vector<16xf32>
        %bitcast_convert_type3A_1275 = tpu.bitcast %max3A_1274 : vector<16xf32> -> vector<16xi32>
        %shift_right_arithmetic3A_1276 = arith.constant 23 : i32
        %shift_right_arithmetic3A_1277 = vector.broadcast %shift_right_arithmetic3A_1276 : i32 to vector<16xi32>
        %shift_right_arithmetic3A_1278 = arith.shrsi %bitcast_convert_type3A_1275, %shift_right_arithmetic3A_1277 : vector<16xi32>
        %sub3A_1279 = arith.constant 127 : i32
        %sub3A_1280 = vector.broadcast %sub3A_1279 : i32 to vector<16xi32>
        %sub3A_1281 = arith.subi %shift_right_arithmetic3A_1278, %sub3A_1280 : vector<16xi32>
        %and3A_1282 = arith.constant 8388607 : i32
        %and3A_1283 = vector.broadcast %and3A_1282 : i32 to vector<16xi32>
        %and3A_1284 = arith.andi %bitcast_convert_type3A_1275, %and3A_1283 : vector<16xi32>
        %or3A_1285 = arith.constant 1065353216 : i32
        %or3A_1286 = vector.broadcast %or3A_1285 : i32 to vector<16xi32>
        %or3A_1287 = arith.ori %and3A_1284, %or3A_1286 : vector<16xi32>
        %bitcast_convert_type3A_1288 = tpu.bitcast %or3A_1287 : vector<16xi32> -> vector<16xf32>
        %gt3A_1289 = arith.constant 1.41421354 : f32
        %gt3A_1290 = vector.broadcast %gt3A_1289 : f32 to vector<16xf32>
        %gt3A_1291 = arith.cmpf ogt, %bitcast_convert_type3A_1288, %gt3A_1290 : vector<16xf32>
        %jit3A_1292 = arith.constant 1 : i32
        %jit3A_1293 = arith.constant 0 : i32
        %broadcast_in_dim3A_1294 = vector.broadcast %jit3A_1292 : i32 to vector<16xi32>
        %broadcast_in_dim3A_1295 = vector.broadcast %jit3A_1293 : i32 to vector<16xi32>
        %select_n3A_1296 = arith.select %gt3A_1291, %broadcast_in_dim3A_1294, %broadcast_in_dim3A_1295 : vector<16xi1>, vector<16xi32>
        %add3A_1297 = arith.addi %sub3A_1281, %select_n3A_1296 : vector<16xi32>
        %mul3A_1298 = arith.constant 5.000000e-01 : f32
        %mul3A_1299 = vector.broadcast %mul3A_1298 : f32 to vector<16xf32>
        %mul3A_1300 = arith.mulf %bitcast_convert_type3A_1288, %mul3A_1299 : vector<16xf32>
        %select_n3A_1301 = arith.select %gt3A_1291, %mul3A_1300, %bitcast_convert_type3A_1288 : vector<16xi1>, vector<16xf32>
        %sub3A_1302 = arith.constant 1.000000e+00 : f32
        %sub3A_1303 = vector.broadcast %sub3A_1302 : f32 to vector<16xf32>
        %sub3A_1304 = arith.subf %select_n3A_1301, %sub3A_1303 : vector<16xf32>
        %mul3A_1305 = arith.mulf %sub3A_1304, %sub3A_1304 : vector<16xf32>
        %broadcast_in_dim3A_1306 = arith.constant 0.0703768358 : f32
        %broadcast_in_dim3A_1307 = vector.broadcast %broadcast_in_dim3A_1306 : f32 to vector<16xf32>
        %mul3A_1308 = arith.mulf %broadcast_in_dim3A_1307, %sub3A_1304 : vector<16xf32>
        %add3A_1309 = arith.constant -0.115146101 : f32
        %add3A_1310 = vector.broadcast %add3A_1309 : f32 to vector<16xf32>
        %add3A_1311 = arith.addf %mul3A_1308, %add3A_1310 : vector<16xf32>
        %mul3A_1312 = arith.mulf %add3A_1311, %sub3A_1304 : vector<16xf32>
        %add3A_1313 = arith.constant 0.116769984 : f32
        %add3A_1314 = vector.broadcast %add3A_1313 : f32 to vector<16xf32>
        %add3A_1315 = arith.addf %mul3A_1312, %add3A_1314 : vector<16xf32>
        %mul3A_1316 = arith.mulf %add3A_1315, %sub3A_1304 : vector<16xf32>
        %add3A_1317 = arith.constant -0.12420141 : f32
        %add3A_1318 = vector.broadcast %add3A_1317 : f32 to vector<16xf32>
        %add3A_1319 = arith.addf %mul3A_1316, %add3A_1318 : vector<16xf32>
        %mul3A_1320 = arith.mulf %add3A_1319, %sub3A_1304 : vector<16xf32>
        %add3A_1321 = arith.constant 0.142493233 : f32
        %add3A_1322 = vector.broadcast %add3A_1321 : f32 to vector<16xf32>
        %add3A_1323 = arith.addf %mul3A_1320, %add3A_1322 : vector<16xf32>
        %mul3A_1324 = arith.mulf %add3A_1323, %sub3A_1304 : vector<16xf32>
        %add3A_1325 = arith.constant -0.166680574 : f32
        %add3A_1326 = vector.broadcast %add3A_1325 : f32 to vector<16xf32>
        %add3A_1327 = arith.addf %mul3A_1324, %add3A_1326 : vector<16xf32>
        %mul3A_1328 = arith.mulf %add3A_1327, %sub3A_1304 : vector<16xf32>
        %add3A_1329 = arith.constant 0.200007141 : f32
        %add3A_1330 = vector.broadcast %add3A_1329 : f32 to vector<16xf32>
        %add3A_1331 = arith.addf %mul3A_1328, %add3A_1330 : vector<16xf32>
        %mul3A_1332 = arith.mulf %add3A_1331, %sub3A_1304 : vector<16xf32>
        %add3A_1333 = arith.constant -0.24999994 : f32
        %add3A_1334 = vector.broadcast %add3A_1333 : f32 to vector<16xf32>
        %add3A_1335 = arith.addf %mul3A_1332, %add3A_1334 : vector<16xf32>
        %mul3A_1336 = arith.mulf %add3A_1335, %sub3A_1304 : vector<16xf32>
        %add3A_1337 = arith.constant 0.333333313 : f32
        %add3A_1338 = vector.broadcast %add3A_1337 : f32 to vector<16xf32>
        %add3A_1339 = arith.addf %mul3A_1336, %add3A_1338 : vector<16xf32>
        %mul3A_1340 = arith.mulf %add3A_1339, %sub3A_1304 : vector<16xf32>
        %mul3A_1341 = arith.mulf %mul3A_1340, %mul3A_1305 : vector<16xf32>
        %convert_element_type3A_1342 = arith.sitofp %add3A_1297 : vector<16xi32> to vector<16xf32>
        %mul3A_1343 = arith.constant -2.12194442E-4 : f32
        %mul3A_1344 = vector.broadcast %mul3A_1343 : f32 to vector<16xf32>
        %mul3A_1345 = arith.mulf %convert_element_type3A_1342, %mul3A_1344 : vector<16xf32>
        %add3A_1346 = arith.addf %mul3A_1341, %mul3A_1345 : vector<16xf32>
        %mul3A_1347 = arith.constant 5.000000e-01 : f32
        %mul3A_1348 = vector.broadcast %mul3A_1347 : f32 to vector<16xf32>
        %mul3A_1349 = arith.mulf %mul3A_1348, %mul3A_1305 : vector<16xf32>
        %sub3A_1350 = arith.subf %add3A_1346, %mul3A_1349 : vector<16xf32>
        %add3A_1351 = arith.addf %sub3A_1304, %sub3A_1350 : vector<16xf32>
        %mul3A_1352 = arith.constant 0.693359375 : f32
        %mul3A_1353 = vector.broadcast %mul3A_1352 : f32 to vector<16xf32>
        %mul3A_1354 = arith.mulf %convert_element_type3A_1342, %mul3A_1353 : vector<16xf32>
        %add3A_1355 = arith.addf %add3A_1351, %mul3A_1354 : vector<16xf32>
        %neg3A_1356 = arith.constant 0.000000e+00 : f32
        %neg3A_1357 = vector.broadcast %neg3A_1356 : f32 to vector<16xf32>
        %neg3A_1358 = arith.subf %neg3A_1357, %add3A_1355 : vector<16xf32>
        %bitcast_convert_type3A_1359 = tpu.bitcast %neg3A_1358 : vector<16xf32> -> vector<16xi32>
        %shift_right_arithmetic3A_1360 = arith.constant 23 : i32
        %shift_right_arithmetic3A_1361 = vector.broadcast %shift_right_arithmetic3A_1360 : i32 to vector<16xi32>
        %shift_right_arithmetic3A_1362 = arith.shrsi %bitcast_convert_type3A_1359, %shift_right_arithmetic3A_1361 : vector<16xi32>
        %sub3A_1363 = arith.constant 127 : i32
        %sub3A_1364 = vector.broadcast %sub3A_1363 : i32 to vector<16xi32>
        %sub3A_1365 = arith.subi %shift_right_arithmetic3A_1362, %sub3A_1364 : vector<16xi32>
        %and3A_1366 = arith.constant 8388607 : i32
        %and3A_1367 = vector.broadcast %and3A_1366 : i32 to vector<16xi32>
        %and3A_1368 = arith.andi %bitcast_convert_type3A_1359, %and3A_1367 : vector<16xi32>
        %or3A_1369 = arith.constant 1065353216 : i32
        %or3A_1370 = vector.broadcast %or3A_1369 : i32 to vector<16xi32>
        %or3A_1371 = arith.ori %and3A_1368, %or3A_1370 : vector<16xi32>
        %bitcast_convert_type3A_1372 = tpu.bitcast %or3A_1371 : vector<16xi32> -> vector<16xf32>
        %gt3A_1373 = arith.constant 1.41421354 : f32
        %gt3A_1374 = vector.broadcast %gt3A_1373 : f32 to vector<16xf32>
        %gt3A_1375 = arith.cmpf ogt, %bitcast_convert_type3A_1372, %gt3A_1374 : vector<16xf32>
        %jit3A_1376 = arith.constant 1 : i32
        %jit3A_1377 = arith.constant 0 : i32
        %broadcast_in_dim3A_1378 = vector.broadcast %jit3A_1376 : i32 to vector<16xi32>
        %broadcast_in_dim3A_1379 = vector.broadcast %jit3A_1377 : i32 to vector<16xi32>
        %select_n3A_1380 = arith.select %gt3A_1375, %broadcast_in_dim3A_1378, %broadcast_in_dim3A_1379 : vector<16xi1>, vector<16xi32>
        %add3A_1381 = arith.addi %sub3A_1365, %select_n3A_1380 : vector<16xi32>
        %mul3A_1382 = arith.constant 5.000000e-01 : f32
        %mul3A_1383 = vector.broadcast %mul3A_1382 : f32 to vector<16xf32>
        %mul3A_1384 = arith.mulf %bitcast_convert_type3A_1372, %mul3A_1383 : vector<16xf32>
        %select_n3A_1385 = arith.select %gt3A_1375, %mul3A_1384, %bitcast_convert_type3A_1372 : vector<16xi1>, vector<16xf32>
        %sub3A_1386 = arith.constant 1.000000e+00 : f32
        %sub3A_1387 = vector.broadcast %sub3A_1386 : f32 to vector<16xf32>
        %sub3A_1388 = arith.subf %select_n3A_1385, %sub3A_1387 : vector<16xf32>
        %mul3A_1389 = arith.mulf %sub3A_1388, %sub3A_1388 : vector<16xf32>
        %broadcast_in_dim3A_1390 = arith.constant 0.0703768358 : f32
        %broadcast_in_dim3A_1391 = vector.broadcast %broadcast_in_dim3A_1390 : f32 to vector<16xf32>
        %mul3A_1392 = arith.mulf %broadcast_in_dim3A_1391, %sub3A_1388 : vector<16xf32>
        %add3A_1393 = arith.constant -0.115146101 : f32
        %add3A_1394 = vector.broadcast %add3A_1393 : f32 to vector<16xf32>
        %add3A_1395 = arith.addf %mul3A_1392, %add3A_1394 : vector<16xf32>
        %mul3A_1396 = arith.mulf %add3A_1395, %sub3A_1388 : vector<16xf32>
        %add3A_1397 = arith.constant 0.116769984 : f32
        %add3A_1398 = vector.broadcast %add3A_1397 : f32 to vector<16xf32>
        %add3A_1399 = arith.addf %mul3A_1396, %add3A_1398 : vector<16xf32>
        %mul3A_1400 = arith.mulf %add3A_1399, %sub3A_1388 : vector<16xf32>
        %add3A_1401 = arith.constant -0.12420141 : f32
        %add3A_1402 = vector.broadcast %add3A_1401 : f32 to vector<16xf32>
        %add3A_1403 = arith.addf %mul3A_1400, %add3A_1402 : vector<16xf32>
        %mul3A_1404 = arith.mulf %add3A_1403, %sub3A_1388 : vector<16xf32>
        %add3A_1405 = arith.constant 0.142493233 : f32
        %add3A_1406 = vector.broadcast %add3A_1405 : f32 to vector<16xf32>
        %add3A_1407 = arith.addf %mul3A_1404, %add3A_1406 : vector<16xf32>
        %mul3A_1408 = arith.mulf %add3A_1407, %sub3A_1388 : vector<16xf32>
        %add3A_1409 = arith.constant -0.166680574 : f32
        %add3A_1410 = vector.broadcast %add3A_1409 : f32 to vector<16xf32>
        %add3A_1411 = arith.addf %mul3A_1408, %add3A_1410 : vector<16xf32>
        %mul3A_1412 = arith.mulf %add3A_1411, %sub3A_1388 : vector<16xf32>
        %add3A_1413 = arith.constant 0.200007141 : f32
        %add3A_1414 = vector.broadcast %add3A_1413 : f32 to vector<16xf32>
        %add3A_1415 = arith.addf %mul3A_1412, %add3A_1414 : vector<16xf32>
        %mul3A_1416 = arith.mulf %add3A_1415, %sub3A_1388 : vector<16xf32>
        %add3A_1417 = arith.constant -0.24999994 : f32
        %add3A_1418 = vector.broadcast %add3A_1417 : f32 to vector<16xf32>
        %add3A_1419 = arith.addf %mul3A_1416, %add3A_1418 : vector<16xf32>
        %mul3A_1420 = arith.mulf %add3A_1419, %sub3A_1388 : vector<16xf32>
        %add3A_1421 = arith.constant 0.333333313 : f32
        %add3A_1422 = vector.broadcast %add3A_1421 : f32 to vector<16xf32>
        %add3A_1423 = arith.addf %mul3A_1420, %add3A_1422 : vector<16xf32>
        %mul3A_1424 = arith.mulf %add3A_1423, %sub3A_1388 : vector<16xf32>
        %mul3A_1425 = arith.mulf %mul3A_1424, %mul3A_1389 : vector<16xf32>
        %convert_element_type3A_1426 = arith.sitofp %add3A_1381 : vector<16xi32> to vector<16xf32>
        %mul3A_1427 = arith.constant -2.12194442E-4 : f32
        %mul3A_1428 = vector.broadcast %mul3A_1427 : f32 to vector<16xf32>
        %mul3A_1429 = arith.mulf %convert_element_type3A_1426, %mul3A_1428 : vector<16xf32>
        %add3A_1430 = arith.addf %mul3A_1425, %mul3A_1429 : vector<16xf32>
        %mul3A_1431 = arith.constant 5.000000e-01 : f32
        %mul3A_1432 = vector.broadcast %mul3A_1431 : f32 to vector<16xf32>
        %mul3A_1433 = arith.mulf %mul3A_1432, %mul3A_1389 : vector<16xf32>
        %sub3A_1434 = arith.subf %add3A_1430, %mul3A_1433 : vector<16xf32>
        %add3A_1435 = arith.addf %sub3A_1388, %sub3A_1434 : vector<16xf32>
        %mul3A_1436 = arith.constant 0.693359375 : f32
        %mul3A_1437 = vector.broadcast %mul3A_1436 : f32 to vector<16xf32>
        %mul3A_1438 = arith.mulf %convert_element_type3A_1426, %mul3A_1437 : vector<16xf32>
        %add3A_1439 = arith.addf %add3A_1435, %mul3A_1438 : vector<16xf32>
        %neg3A_1440 = arith.constant 0.000000e+00 : f32
        %neg3A_1441 = vector.broadcast %neg3A_1440 : f32 to vector<16xf32>
        %neg3A_1442 = arith.subf %neg3A_1441, %add3A_1439 : vector<16xf32>
        %get3A_1443 = arith.index_cast %select_n3A_543 : i32 to index
        %get3A_1444 = arith.index_cast %mul3A_1015 : i32 to index
        %get3A_1445 = tpu.vector_load %arg7[%get3A_1443, %get3A_1444] {strides = array<i32>} : memref<8x1536xf32, #tpu.memory_space<vmem>>, vector<1x16xf32>,
        %get3A_1446 = vector.shape_cast %get3A_1445 : vector<1x16xf32> to vector<16xf32>
        %add3A_1447 = arith.addf %get3A_1446, %neg3A_1442 : vector<16xf32>
        %get3A_1448 = arith.index_cast %select_n3A_543 : i32 to index
        %get3A_1449 = arith.constant 16 : index
        %get3A_1450 = tpu.vector_load %arg10[%get3A_1448, %get3A_1449] {strides = array<i32>} : memref<8x32xf32, #tpu.memory_space<vmem>>, vector<1x16xf32>,
        %get3A_1451 = vector.shape_cast %get3A_1450 : vector<1x16xf32> to vector<16xf32>
        %gt3A_1452 = arith.cmpf ogt, %add3A_1447, %get3A_1451 : vector<16xf32>
        %get3A_1453 = arith.index_cast %select_n3A_543 : i32 to index
        %get3A_1454 = arith.constant 16 : index
        %get3A_1455 = tpu.vector_load %arg9[%get3A_1453, %get3A_1454] {strides = array<i32>} : memref<8x32xf32, #tpu.memory_space<vmem>>, vector<1x16xf32>,
        %get3A_1456 = vector.shape_cast %get3A_1455 : vector<1x16xf32> to vector<16xf32>
        %exp3A_1457 = math.exp %get3A_1446 : vector<16xf32>
        %add3A_1458 = arith.addf %get3A_1456, %exp3A_1457 : vector<16xf32>
        %swap3A_1459 = arith.index_cast %select_n3A_543 : i32 to index
        %swap3A_1460 = arith.constant 16 : index
        %swap3A_1461 = tpu.vector_load %arg9[%swap3A_1459, %swap3A_1460] {strides = array<i32>} : memref<8x32xf32, #tpu.memory_space<vmem>>, vector<1x16xf32>,
        %swap3A_1462 = vector.shape_cast %swap3A_1461 : vector<1x16xf32> to vector<16xf32>
        %swap3A_1463 = vector.shape_cast %add3A_1458 : vector<16xf32> to vector<1x16xf32>
        tpu.vector_store %arg9[%swap3A_1459, %swap3A_1460], %swap3A_1463 {strides = array<i32>} : memref<8x32xf32, #tpu.memory_space<vmem>>, vector<1x16xf32>,
        %select_n3A_1464 = arith.select %gt3A_1452, %add3A_1447, %get3A_1451 : vector<16xi1>, vector<16xf32>
        %swap3A_1465 = arith.index_cast %select_n3A_543 : i32 to index
        %swap3A_1466 = arith.constant 16 : index
        %swap3A_1467 = tpu.vector_load %arg10[%swap3A_1465, %swap3A_1466] {strides = array<i32>} : memref<8x32xf32, #tpu.memory_space<vmem>>, vector<1x16xf32>,
        %swap3A_1468 = vector.shape_cast %swap3A_1467 : vector<1x16xf32> to vector<16xf32>
        %swap3A_1469 = vector.shape_cast %select_n3A_1464 : vector<16xf32> to vector<1x16xf32>
        tpu.vector_store %arg10[%swap3A_1465, %swap3A_1466], %swap3A_1469 {strides = array<i32>} : memref<8x32xf32, #tpu.memory_space<vmem>>, vector<1x16xf32>,
        %get3A_1470 = arith.index_cast %select_n3A_543 : i32 to index
        %get3A_1471 = arith.constant 16 : index
        %get3A_1472 = tpu.vector_load %arg11[%get3A_1470, %get3A_1471] {strides = array<i32>} : memref<8x32xi32, #tpu.memory_space<vmem>>, vector<1x16xi32>,
        %get3A_1473 = vector.shape_cast %get3A_1472 : vector<1x16xi32> to vector<16xi32>
        %select_n3A_1474 = arith.select %gt3A_1452, %add3A_1021, %get3A_1473 : vector<16xi1>, vector<16xi32>
        %swap3A_1475 = arith.index_cast %select_n3A_543 : i32 to index
        %swap3A_1476 = arith.constant 16 : index
        %swap3A_1477 = tpu.vector_load %arg11[%swap3A_1475, %swap3A_1476] {strides = array<i32>} : memref<8x32xi32, #tpu.memory_space<vmem>>, vector<1x16xi32>,
        %swap3A_1478 = vector.shape_cast %swap3A_1477 : vector<1x16xi32> to vector<16xi32>
        %swap3A_1479 = vector.shape_cast %select_n3A_1474 : vector<16xi32> to vector<1x16xi32>
        tpu.vector_store %arg11[%swap3A_1475, %swap3A_1476], %swap3A_1479 {strides = array<i32>} : memref<8x32xi32, #tpu.memory_space<vmem>>, vector<1x16xi32>,
        %scan3A_1480 = arith.constant 0 : i32
        scf.yield %scan3A_1480 : i32
      }
      %scan3A_477 = arith.constant 384 : i32
      %min3A_478 = arith.constant 11 : i32
      %min3A_479 = arith.minsi %add3A_464, %min3A_478 : i32
      %mul3A_480 = arith.constant 8 : i32
      %mul3A_481 = arith.muli %mul3A_480, %select_n3A : i32
      %mul3A_482 = arith.constant 1536 : i32
      %mul3A_483 = arith.muli %min3A_479, %mul3A_482 : i32
      %add3A_484 = arith.addi %mul3A_32, %mul3A_483 : i32
      %dma_start3A_485 = tpu.memref_slice %arg2[%mul3A_481, %add3A_484] : memref<32x1000000xf32, #tpu.memory_space<hbm>> -> memref<8x1536xf32, #tpu.memory_space<hbm>>
      %dma_start3A_486 = tpu.memref_slice %arg2[%mul3A_481, %add3A_484] : memref<32x1000000xf32, #tpu.memory_space<hbm>> -> memref<8x1536xf32, #tpu.memory_space<hbm>>
      tpu.enqueue_dma source(%dma_start3A_486 : memref<8x1536xf32, #tpu.memory_space<hbm>>) target(%arg7 : memref<8x1536xf32, #tpu.memory_space<vmem>>) target_semaphore(%arg16 : memref<!tpu.dma_semaphore, #tpu.memory_space<semaphore_mem>>)
      %mul3A_487 = arith.constant 2 : i32
      %mul3A_488 = arith.muli %mul3A_487, %scan3A_457 : i32
      %add3A_489 = arith.constant 1 : i32
      %add3A_490 = arith.addi %mul3A_488, %add3A_489 : i32
      %mul3A_491 = arith.constant 2 : i32
      %mul3A_492 = arith.muli %mul3A_491, %scan3A_457 : i32
      %add3A_493 = arith.constant 3 : i32
      %add3A_494 = arith.addi %mul3A_492, %add3A_493 : i32
      %dma_wait3A_495 = arith.constant 0 : i32
      %dma_wait3A_496 = arith.constant 0 : i32
      %dma_wait3A_497 = tpu.memref_slice %arg2[%dma_wait3A_495, %dma_wait3A_496] : memref<32x1000000xf32, #tpu.memory_space<hbm>> -> memref<8x1536xf32, #tpu.memory_space<hbm>>
      %dma_wait3A_498 = arith.constant 0 : i32
      %dma_wait3A_499 = arith.constant 0 : i32
      %dma_wait3A_500 = tpu.memref_slice %arg2[%dma_wait3A_498, %dma_wait3A_499] : memref<32x1000000xf32, #tpu.memory_space<hbm>> -> memref<8x1536xf32, #tpu.memory_space<hbm>>
      tpu.wait_dma2 semaphore(%arg17 : memref<!tpu.dma_semaphore, #tpu.memory_space<semaphore_mem>>) src(%dma_wait3A_500 : memref<8x1536xf32, #tpu.memory_space<hbm>>) dst(%arg8 : memref<8x1536xf32, #tpu.memory_space<vmem>>)
      %scan3A_501 = arith.constant 0 : i32
      %scan3A_502 = arith.constant 0 : i32
      %scan3A_503 = arith.constant 384 : i32
      %scan3A_504 = arith.addi %scan3A_502, %scan3A_503 : i32
      %scan3A_505 = arith.constant 1 : i32
      %scan3A_506 = scf.for %scan3A_518 = %scan3A_502 to %scan3A_504 step %scan3A_505 iter_args(%scan3A_519 = %scan3A_501) -> (i32)  : i32 {
        %jit3A_520 = arith.constant 48 : i32
        %div3A_521 = arith.divsi %scan3A_518, %jit3A_520 : i32
        %sign3A_522 = arith.constant 0 : i32
        %sign3A_523 = arith.cmpi sgt, %scan3A_518, %sign3A_522 : i32
        %sign3A_524 = arith.extui %sign3A_523 : i1 to i32
        %sign3A_525 = arith.constant 0 : i32
        %sign3A_526 = arith.cmpi slt, %scan3A_518, %sign3A_525 : i32
        %sign3A_527 = arith.extui %sign3A_526 : i1 to i32
        %sign3A_528 = arith.subi %sign3A_524, %sign3A_527 : i32
        %sign3A_529 = arith.constant 0 : i32
        %sign3A_530 = arith.cmpi sgt, %jit3A_520, %sign3A_529 : i32
        %sign3A_531 = arith.extui %sign3A_530 : i1 to i32
        %sign3A_532 = arith.constant 0 : i32
        %sign3A_533 = arith.cmpi slt, %jit3A_520, %sign3A_532 : i32
        %sign3A_534 = arith.extui %sign3A_533 : i1 to i32
        %sign3A_535 = arith.subi %sign3A_531, %sign3A_534 : i32
        %ne3A_536 = arith.cmpi ne, %sign3A_528, %sign3A_535 : i32
        %rem3A_537 = arith.remsi %scan3A_518, %jit3A_520 : i32
        %ne3A_538 = arith.constant 0 : i32
        %ne3A_539 = arith.cmpi ne, %rem3A_537, %ne3A_538 : i32
        %and3A_540 = arith.andi %ne3A_536, %ne3A_539 : i1
        %sub3A_541 = arith.constant 1 : i32
        %sub3A_542 = arith.subi %div3A_521, %sub3A_541 : i32
        %select_n3A_543 = arith.select %and3A_540, %sub3A_542, %div3A_521 : i32
        %mul3A_544 = arith.constant 48 : i32
        %mul3A_545 = arith.muli %select_n3A_543, %mul3A_544 : i32
        %sub3A_546 = arith.subi %scan3A_518, %mul3A_545 : i32
        %mul3A_547 = arith.constant 8 : i32
        %mul3A_548 = arith.muli %mul3A_547, %select_n3A : i32
        %add3A_549 = arith.addi %mul3A_548, %select_n3A_543 : i32
        %mul3A_550 = arith.constant 1000000 : i32
        %mul3A_551 = arith.muli %add3A_549, %mul3A_550 : i32
        %mul3A_552 = arith.constant 2 : i32
        %mul3A_553 = arith.muli %sub3A_546, %mul3A_552 : i32
        %add3A_554 = arith.constant 0 : i32
        %add3A_555 = arith.addi %mul3A_553, %add3A_554 : i32
        %mul3A_556 = arith.constant 16 : i32
        %mul3A_557 = arith.muli %add3A_555, %mul3A_556 : i32
        %mul3A_558 = arith.constant 1536 : i32
        %mul3A_559 = arith.muli %add3A_490, %mul3A_558 : i32
        %add3A_560 = arith.addi %mul3A_32, %mul3A_559 : i32
        %add3A_561 = arith.addi %add3A_560, %mul3A_557 : i32
        %add3A_562 = vector.broadcast %add3A_561 : i32 to vector<16xi32>
        %add3A_563 = arith.addi %add3A_562, %iota3A : vector<16xi32>
        %add3A_564 = vector.broadcast %mul3A_551 : i32 to vector<16xi32>
        %add3A_565 = arith.addi %add3A_564, %add3A_563 : vector<16xi32>
        %bitcast_convert_type3A = tpu.bitcast %add3A_565 : vector<16xi32> -> vector<16xi32>
        %broadcast_in_dim3A_566 = arith.constant 0 : i32
        %broadcast_in_dim3A_567 = vector.broadcast %broadcast_in_dim3A_566 : i32 to vector<16xi32>
        %add3A_568 = arith.constant 0 : i32
        %add3A_569 = vector.broadcast %add3A_568 : i32 to vector<16xi32>
        %add3A_570 = arith.addi %broadcast_in_dim3A_567, %add3A_569 : vector<16xi32>
        %add3A_571 = arith.constant 42 : i32
        %add3A_572 = vector.broadcast %add3A_571 : i32 to vector<16xi32>
        %add3A_573 = arith.addi %bitcast_convert_type3A, %add3A_572 : vector<16xi32>
        %add3A_574 = arith.addi %add3A_570, %add3A_573 : vector<16xi32>
        %shift_left3A = arith.constant 13 : i32
        %shift_left3A_575 = vector.broadcast %shift_left3A : i32 to vector<16xi32>
        %shift_left3A_576 = arith.shli %add3A_573, %shift_left3A_575 : vector<16xi32>
        %shift_right_logical3A = arith.constant 19 : i32
        %shift_right_logical3A_577 = vector.broadcast %shift_right_logical3A : i32 to vector<16xi32>
        %shift_right_logical3A_578 = arith.shrui %add3A_573, %shift_right_logical3A_577 : vector<16xi32>
        %or3A = arith.ori %shift_left3A_576, %shift_right_logical3A_578 : vector<16xi32>
        %xor3A = arith.xori %add3A_574, %or3A : vector<16xi32>
        %add3A_579 = arith.addi %add3A_574, %xor3A : vector<16xi32>
        %shift_left3A_580 = arith.constant 15 : i32
        %shift_left3A_581 = vector.broadcast %shift_left3A_580 : i32 to vector<16xi32>
        %shift_left3A_582 = arith.shli %xor3A, %shift_left3A_581 : vector<16xi32>
        %shift_right_logical3A_583 = arith.constant 17 : i32
        %shift_right_logical3A_584 = vector.broadcast %shift_right_logical3A_583 : i32 to vector<16xi32>
        %shift_right_logical3A_585 = arith.shrui %xor3A, %shift_right_logical3A_584 : vector<16xi32>
        %or3A_586 = arith.ori %shift_left3A_582, %shift_right_logical3A_585 : vector<16xi32>
        %xor3A_587 = arith.xori %add3A_579, %or3A_586 : vector<16xi32>
        %add3A_588 = arith.addi %add3A_579, %xor3A_587 : vector<16xi32>
        %shift_left3A_589 = arith.constant 26 : i32
        %shift_left3A_590 = vector.broadcast %shift_left3A_589 : i32 to vector<16xi32>
        %shift_left3A_591 = arith.shli %xor3A_587, %shift_left3A_590 : vector<16xi32>
        %shift_right_logical3A_592 = arith.constant 6 : i32
        %shift_right_logical3A_593 = vector.broadcast %shift_right_logical3A_592 : i32 to vector<16xi32>
        %shift_right_logical3A_594 = arith.shrui %xor3A_587, %shift_right_logical3A_593 : vector<16xi32>
        %or3A_595 = arith.ori %shift_left3A_591, %shift_right_logical3A_594 : vector<16xi32>
        %xor3A_596 = arith.xori %add3A_588, %or3A_595 : vector<16xi32>
        %add3A_597 = arith.addi %add3A_588, %xor3A_596 : vector<16xi32>
        %shift_left3A_598 = arith.constant 6 : i32
        %shift_left3A_599 = vector.broadcast %shift_left3A_598 : i32 to vector<16xi32>
        %shift_left3A_600 = arith.shli %xor3A_596, %shift_left3A_599 : vector<16xi32>
        %shift_right_logical3A_601 = arith.constant 26 : i32
        %shift_right_logical3A_602 = vector.broadcast %shift_right_logical3A_601 : i32 to vector<16xi32>
        %shift_right_logical3A_603 = arith.shrui %xor3A_596, %shift_right_logical3A_602 : vector<16xi32>
        %or3A_604 = arith.ori %shift_left3A_600, %shift_right_logical3A_603 : vector<16xi32>
        %xor3A_605 = arith.xori %add3A_597, %or3A_604 : vector<16xi32>
        %add3A_606 = arith.constant 42 : i32
        %add3A_607 = vector.broadcast %add3A_606 : i32 to vector<16xi32>
        %add3A_608 = arith.addi %add3A_597, %add3A_607 : vector<16xi32>
        %add3A_609 = arith.constant 466689008 : i32
        %add3A_610 = vector.broadcast %add3A_609 : i32 to vector<16xi32>
        %add3A_611 = arith.addi %xor3A_605, %add3A_610 : vector<16xi32>
        %add3A_612 = arith.constant 1 : i32
        %add3A_613 = vector.broadcast %add3A_612 : i32 to vector<16xi32>
        %add3A_614 = arith.addi %add3A_611, %add3A_613 : vector<16xi32>
        %add3A_615 = arith.addi %add3A_608, %add3A_614 : vector<16xi32>
        %shift_left3A_616 = arith.constant 17 : i32
        %shift_left3A_617 = vector.broadcast %shift_left3A_616 : i32 to vector<16xi32>
        %shift_left3A_618 = arith.shli %add3A_614, %shift_left3A_617 : vector<16xi32>
        %shift_right_logical3A_619 = arith.constant 15 : i32
        %shift_right_logical3A_620 = vector.broadcast %shift_right_logical3A_619 : i32 to vector<16xi32>
        %shift_right_logical3A_621 = arith.shrui %add3A_614, %shift_right_logical3A_620 : vector<16xi32>
        %or3A_622 = arith.ori %shift_left3A_618, %shift_right_logical3A_621 : vector<16xi32>
        %xor3A_623 = arith.xori %add3A_615, %or3A_622 : vector<16xi32>
        %add3A_624 = arith.addi %add3A_615, %xor3A_623 : vector<16xi32>
        %shift_left3A_625 = arith.constant 29 : i32
        %shift_left3A_626 = vector.broadcast %shift_left3A_625 : i32 to vector<16xi32>
        %shift_left3A_627 = arith.shli %xor3A_623, %shift_left3A_626 : vector<16xi32>
        %shift_right_logical3A_628 = arith.constant 3 : i32
        %shift_right_logical3A_629 = vector.broadcast %shift_right_logical3A_628 : i32 to vector<16xi32>
        %shift_right_logical3A_630 = arith.shrui %xor3A_623, %shift_right_logical3A_629 : vector<16xi32>
        %or3A_631 = arith.ori %shift_left3A_627, %shift_right_logical3A_630 : vector<16xi32>
        %xor3A_632 = arith.xori %add3A_624, %or3A_631 : vector<16xi32>
        %add3A_633 = arith.addi %add3A_624, %xor3A_632 : vector<16xi32>
        %shift_left3A_634 = arith.constant 16 : i32
        %shift_left3A_635 = vector.broadcast %shift_left3A_634 : i32 to vector<16xi32>
        %shift_left3A_636 = arith.shli %xor3A_632, %shift_left3A_635 : vector<16xi32>
        %shift_right_logical3A_637 = arith.constant 16 : i32
        %shift_right_logical3A_638 = vector.broadcast %shift_right_logical3A_637 : i32 to vector<16xi32>
        %shift_right_logical3A_639 = arith.shrui %xor3A_632, %shift_right_logical3A_638 : vector<16xi32>
        %or3A_640 = arith.ori %shift_left3A_636, %shift_right_logical3A_639 : vector<16xi32>
        %xor3A_641 = arith.xori %add3A_633, %or3A_640 : vector<16xi32>
        %add3A_642 = arith.addi %add3A_633, %xor3A_641 : vector<16xi32>
        %shift_left3A_643 = arith.constant 24 : i32
        %shift_left3A_644 = vector.broadcast %shift_left3A_643 : i32 to vector<16xi32>
        %shift_left3A_645 = arith.shli %xor3A_641, %shift_left3A_644 : vector<16xi32>
        %shift_right_logical3A_646 = arith.constant 8 : i32
        %shift_right_logical3A_647 = vector.broadcast %shift_right_logical3A_646 : i32 to vector<16xi32>
        %shift_right_logical3A_648 = arith.shrui %xor3A_641, %shift_right_logical3A_647 : vector<16xi32>
        %or3A_649 = arith.ori %shift_left3A_645, %shift_right_logical3A_648 : vector<16xi32>
        %xor3A_650 = arith.xori %add3A_642, %or3A_649 : vector<16xi32>
        %add3A_651 = arith.constant 466689008 : i32
        %add3A_652 = vector.broadcast %add3A_651 : i32 to vector<16xi32>
        %add3A_653 = arith.addi %add3A_642, %add3A_652 : vector<16xi32>
        %add3A_654 = arith.constant 0 : i32
        %add3A_655 = vector.broadcast %add3A_654 : i32 to vector<16xi32>
        %add3A_656 = arith.addi %xor3A_650, %add3A_655 : vector<16xi32>
        %add3A_657 = arith.constant 2 : i32
        %add3A_658 = vector.broadcast %add3A_657 : i32 to vector<16xi32>
        %add3A_659 = arith.addi %add3A_656, %add3A_658 : vector<16xi32>
        %add3A_660 = arith.addi %add3A_653, %add3A_659 : vector<16xi32>
        %shift_left3A_661 = arith.constant 13 : i32
        %shift_left3A_662 = vector.broadcast %shift_left3A_661 : i32 to vector<16xi32>
        %shift_left3A_663 = arith.shli %add3A_659, %shift_left3A_662 : vector<16xi32>
        %shift_right_logical3A_664 = arith.constant 19 : i32
        %shift_right_logical3A_665 = vector.broadcast %shift_right_logical3A_664 : i32 to vector<16xi32>
        %shift_right_logical3A_666 = arith.shrui %add3A_659, %shift_right_logical3A_665 : vector<16xi32>
        %or3A_667 = arith.ori %shift_left3A_663, %shift_right_logical3A_666 : vector<16xi32>
        %xor3A_668 = arith.xori %add3A_660, %or3A_667 : vector<16xi32>
        %add3A_669 = arith.addi %add3A_660, %xor3A_668 : vector<16xi32>
        %shift_left3A_670 = arith.constant 15 : i32
        %shift_left3A_671 = vector.broadcast %shift_left3A_670 : i32 to vector<16xi32>
        %shift_left3A_672 = arith.shli %xor3A_668, %shift_left3A_671 : vector<16xi32>
        %shift_right_logical3A_673 = arith.constant 17 : i32
        %shift_right_logical3A_674 = vector.broadcast %shift_right_logical3A_673 : i32 to vector<16xi32>
        %shift_right_logical3A_675 = arith.shrui %xor3A_668, %shift_right_logical3A_674 : vector<16xi32>
        %or3A_676 = arith.ori %shift_left3A_672, %shift_right_logical3A_675 : vector<16xi32>
        %xor3A_677 = arith.xori %add3A_669, %or3A_676 : vector<16xi32>
        %add3A_678 = arith.addi %add3A_669, %xor3A_677 : vector<16xi32>
        %shift_left3A_679 = arith.constant 26 : i32
        %shift_left3A_680 = vector.broadcast %shift_left3A_679 : i32 to vector<16xi32>
        %shift_left3A_681 = arith.shli %xor3A_677, %shift_left3A_680 : vector<16xi32>
        %shift_right_logical3A_682 = arith.constant 6 : i32
        %shift_right_logical3A_683 = vector.broadcast %shift_right_logical3A_682 : i32 to vector<16xi32>
        %shift_right_logical3A_684 = arith.shrui %xor3A_677, %shift_right_logical3A_683 : vector<16xi32>
        %or3A_685 = arith.ori %shift_left3A_681, %shift_right_logical3A_684 : vector<16xi32>
        %xor3A_686 = arith.xori %add3A_678, %or3A_685 : vector<16xi32>
        %add3A_687 = arith.addi %add3A_678, %xor3A_686 : vector<16xi32>
        %shift_left3A_688 = arith.constant 6 : i32
        %shift_left3A_689 = vector.broadcast %shift_left3A_688 : i32 to vector<16xi32>
        %shift_left3A_690 = arith.shli %xor3A_686, %shift_left3A_689 : vector<16xi32>
        %shift_right_logical3A_691 = arith.constant 26 : i32
        %shift_right_logical3A_692 = vector.broadcast %shift_right_logical3A_691 : i32 to vector<16xi32>
        %shift_right_logical3A_693 = arith.shrui %xor3A_686, %shift_right_logical3A_692 : vector<16xi32>
        %or3A_694 = arith.ori %shift_left3A_690, %shift_right_logical3A_693 : vector<16xi32>
        %xor3A_695 = arith.xori %add3A_687, %or3A_694 : vector<16xi32>
        %add3A_696 = arith.constant 0 : i32
        %add3A_697 = vector.broadcast %add3A_696 : i32 to vector<16xi32>
        %add3A_698 = arith.addi %add3A_687, %add3A_697 : vector<16xi32>
        %add3A_699 = arith.constant 42 : i32
        %add3A_700 = vector.broadcast %add3A_699 : i32 to vector<16xi32>
        %add3A_701 = arith.addi %xor3A_695, %add3A_700 : vector<16xi32>
        %add3A_702 = arith.constant 3 : i32
        %add3A_703 = vector.broadcast %add3A_702 : i32 to vector<16xi32>
        %add3A_704 = arith.addi %add3A_701, %add3A_703 : vector<16xi32>
        %add3A_705 = arith.addi %add3A_698, %add3A_704 : vector<16xi32>
        %shift_left3A_706 = arith.constant 17 : i32
        %shift_left3A_707 = vector.broadcast %shift_left3A_706 : i32 to vector<16xi32>
        %shift_left3A_708 = arith.shli %add3A_704, %shift_left3A_707 : vector<16xi32>
        %shift_right_logical3A_709 = arith.constant 15 : i32
        %shift_right_logical3A_710 = vector.broadcast %shift_right_logical3A_709 : i32 to vector<16xi32>
        %shift_right_logical3A_711 = arith.shrui %add3A_704, %shift_right_logical3A_710 : vector<16xi32>
        %or3A_712 = arith.ori %shift_left3A_708, %shift_right_logical3A_711 : vector<16xi32>
        %xor3A_713 = arith.xori %add3A_705, %or3A_712 : vector<16xi32>
        %add3A_714 = arith.addi %add3A_705, %xor3A_713 : vector<16xi32>
        %shift_left3A_715 = arith.constant 29 : i32
        %shift_left3A_716 = vector.broadcast %shift_left3A_715 : i32 to vector<16xi32>
        %shift_left3A_717 = arith.shli %xor3A_713, %shift_left3A_716 : vector<16xi32>
        %shift_right_logical3A_718 = arith.constant 3 : i32
        %shift_right_logical3A_719 = vector.broadcast %shift_right_logical3A_718 : i32 to vector<16xi32>
        %shift_right_logical3A_720 = arith.shrui %xor3A_713, %shift_right_logical3A_719 : vector<16xi32>
        %or3A_721 = arith.ori %shift_left3A_717, %shift_right_logical3A_720 : vector<16xi32>
        %xor3A_722 = arith.xori %add3A_714, %or3A_721 : vector<16xi32>
        %add3A_723 = arith.addi %add3A_714, %xor3A_722 : vector<16xi32>
        %shift_left3A_724 = arith.constant 16 : i32
        %shift_left3A_725 = vector.broadcast %shift_left3A_724 : i32 to vector<16xi32>
        %shift_left3A_726 = arith.shli %xor3A_722, %shift_left3A_725 : vector<16xi32>
        %shift_right_logical3A_727 = arith.constant 16 : i32
        %shift_right_logical3A_728 = vector.broadcast %shift_right_logical3A_727 : i32 to vector<16xi32>
        %shift_right_logical3A_729 = arith.shrui %xor3A_722, %shift_right_logical3A_728 : vector<16xi32>
        %or3A_730 = arith.ori %shift_left3A_726, %shift_right_logical3A_729 : vector<16xi32>
        %xor3A_731 = arith.xori %add3A_723, %or3A_730 : vector<16xi32>
        %add3A_732 = arith.addi %add3A_723, %xor3A_731 : vector<16xi32>
        %shift_left3A_733 = arith.constant 24 : i32
        %shift_left3A_734 = vector.broadcast %shift_left3A_733 : i32 to vector<16xi32>
        %shift_left3A_735 = arith.shli %xor3A_731, %shift_left3A_734 : vector<16xi32>
        %shift_right_logical3A_736 = arith.constant 8 : i32
        %shift_right_logical3A_737 = vector.broadcast %shift_right_logical3A_736 : i32 to vector<16xi32>
        %shift_right_logical3A_738 = arith.shrui %xor3A_731, %shift_right_logical3A_737 : vector<16xi32>
        %or3A_739 = arith.ori %shift_left3A_735, %shift_right_logical3A_738 : vector<16xi32>
        %xor3A_740 = arith.xori %add3A_732, %or3A_739 : vector<16xi32>
        %add3A_741 = arith.constant 42 : i32
        %add3A_742 = vector.broadcast %add3A_741 : i32 to vector<16xi32>
        %add3A_743 = arith.addi %add3A_732, %add3A_742 : vector<16xi32>
        %add3A_744 = arith.constant 466689008 : i32
        %add3A_745 = vector.broadcast %add3A_744 : i32 to vector<16xi32>
        %add3A_746 = arith.addi %xor3A_740, %add3A_745 : vector<16xi32>
        %add3A_747 = arith.constant 4 : i32
        %add3A_748 = vector.broadcast %add3A_747 : i32 to vector<16xi32>
        %add3A_749 = arith.addi %add3A_746, %add3A_748 : vector<16xi32>
        %add3A_750 = arith.addi %add3A_743, %add3A_749 : vector<16xi32>
        %shift_left3A_751 = arith.constant 13 : i32
        %shift_left3A_752 = vector.broadcast %shift_left3A_751 : i32 to vector<16xi32>
        %shift_left3A_753 = arith.shli %add3A_749, %shift_left3A_752 : vector<16xi32>
        %shift_right_logical3A_754 = arith.constant 19 : i32
        %shift_right_logical3A_755 = vector.broadcast %shift_right_logical3A_754 : i32 to vector<16xi32>
        %shift_right_logical3A_756 = arith.shrui %add3A_749, %shift_right_logical3A_755 : vector<16xi32>
        %or3A_757 = arith.ori %shift_left3A_753, %shift_right_logical3A_756 : vector<16xi32>
        %xor3A_758 = arith.xori %add3A_750, %or3A_757 : vector<16xi32>
        %add3A_759 = arith.addi %add3A_750, %xor3A_758 : vector<16xi32>
        %shift_left3A_760 = arith.constant 15 : i32
        %shift_left3A_761 = vector.broadcast %shift_left3A_760 : i32 to vector<16xi32>
        %shift_left3A_762 = arith.shli %xor3A_758, %shift_left3A_761 : vector<16xi32>
        %shift_right_logical3A_763 = arith.constant 17 : i32
        %shift_right_logical3A_764 = vector.broadcast %shift_right_logical3A_763 : i32 to vector<16xi32>
        %shift_right_logical3A_765 = arith.shrui %xor3A_758, %shift_right_logical3A_764 : vector<16xi32>
        %or3A_766 = arith.ori %shift_left3A_762, %shift_right_logical3A_765 : vector<16xi32>
        %xor3A_767 = arith.xori %add3A_759, %or3A_766 : vector<16xi32>
        %add3A_768 = arith.addi %add3A_759, %xor3A_767 : vector<16xi32>
        %shift_left3A_769 = arith.constant 26 : i32
        %shift_left3A_770 = vector.broadcast %shift_left3A_769 : i32 to vector<16xi32>
        %shift_left3A_771 = arith.shli %xor3A_767, %shift_left3A_770 : vector<16xi32>
        %shift_right_logical3A_772 = arith.constant 6 : i32
        %shift_right_logical3A_773 = vector.broadcast %shift_right_logical3A_772 : i32 to vector<16xi32>
        %shift_right_logical3A_774 = arith.shrui %xor3A_767, %shift_right_logical3A_773 : vector<16xi32>
        %or3A_775 = arith.ori %shift_left3A_771, %shift_right_logical3A_774 : vector<16xi32>
        %xor3A_776 = arith.xori %add3A_768, %or3A_775 : vector<16xi32>
        %add3A_777 = arith.addi %add3A_768, %xor3A_776 : vector<16xi32>
        %shift_left3A_778 = arith.constant 6 : i32
        %shift_left3A_779 = vector.broadcast %shift_left3A_778 : i32 to vector<16xi32>
        %shift_left3A_780 = arith.shli %xor3A_776, %shift_left3A_779 : vector<16xi32>
        %shift_right_logical3A_781 = arith.constant 26 : i32
        %shift_right_logical3A_782 = vector.broadcast %shift_right_logical3A_781 : i32 to vector<16xi32>
        %shift_right_logical3A_783 = arith.shrui %xor3A_776, %shift_right_logical3A_782 : vector<16xi32>
        %or3A_784 = arith.ori %shift_left3A_780, %shift_right_logical3A_783 : vector<16xi32>
        %xor3A_785 = arith.xori %add3A_777, %or3A_784 : vector<16xi32>
        %add3A_786 = arith.constant 466689008 : i32
        %add3A_787 = vector.broadcast %add3A_786 : i32 to vector<16xi32>
        %add3A_788 = arith.addi %add3A_777, %add3A_787 : vector<16xi32>
        %add3A_789 = arith.constant 0 : i32
        %add3A_790 = vector.broadcast %add3A_789 : i32 to vector<16xi32>
        %add3A_791 = arith.addi %xor3A_785, %add3A_790 : vector<16xi32>
        %add3A_792 = arith.constant 5 : i32
        %add3A_793 = vector.broadcast %add3A_792 : i32 to vector<16xi32>
        %add3A_794 = arith.addi %add3A_791, %add3A_793 : vector<16xi32>
        %xor3A_795 = arith.xori %add3A_788, %add3A_794 : vector<16xi32>
        %shift_right_logical3A_796 = arith.constant 9 : i32
        %shift_right_logical3A_797 = vector.broadcast %shift_right_logical3A_796 : i32 to vector<16xi32>
        %shift_right_logical3A_798 = arith.shrui %xor3A_795, %shift_right_logical3A_797 : vector<16xi32>
        %or3A_799 = arith.constant 1065353216 : i32
        %or3A_800 = vector.broadcast %or3A_799 : i32 to vector<16xi32>
        %or3A_801 = arith.ori %shift_right_logical3A_798, %or3A_800 : vector<16xi32>
        %bitcast_convert_type3A_802 = tpu.bitcast %or3A_801 : vector<16xi32> -> vector<16xf32>
        %sub3A_803 = arith.constant 1.000000e+00 : f32
        %sub3A_804 = vector.broadcast %sub3A_803 : f32 to vector<16xf32>
        %sub3A_805 = arith.subf %bitcast_convert_type3A_802, %sub3A_804 : vector<16xf32>
        %add3A_806 = arith.constant 1.17549435E-38 : f32
        %add3A_807 = vector.broadcast %add3A_806 : f32 to vector<16xf32>
        %add3A_808 = arith.addf %sub3A_805, %add3A_807 : vector<16xf32>
        %max3A = arith.constant 1.17549435E-38 : f32
        %max3A_809 = vector.broadcast %max3A : f32 to vector<16xf32>
        %max3A_810 = arith.maximumf %max3A_809, %add3A_808 : vector<16xf32>
        %bitcast_convert_type3A_811 = tpu.bitcast %max3A_810 : vector<16xf32> -> vector<16xi32>
        %shift_right_arithmetic3A = arith.constant 23 : i32
        %shift_right_arithmetic3A_812 = vector.broadcast %shift_right_arithmetic3A : i32 to vector<16xi32>
        %shift_right_arithmetic3A_813 = arith.shrsi %bitcast_convert_type3A_811, %shift_right_arithmetic3A_812 : vector<16xi32>
        %sub3A_814 = arith.constant 127 : i32
        %sub3A_815 = vector.broadcast %sub3A_814 : i32 to vector<16xi32>
        %sub3A_816 = arith.subi %shift_right_arithmetic3A_813, %sub3A_815 : vector<16xi32>
        %and3A_817 = arith.constant 8388607 : i32
        %and3A_818 = vector.broadcast %and3A_817 : i32 to vector<16xi32>
        %and3A_819 = arith.andi %bitcast_convert_type3A_811, %and3A_818 : vector<16xi32>
        %or3A_820 = arith.constant 1065353216 : i32
        %or3A_821 = vector.broadcast %or3A_820 : i32 to vector<16xi32>
        %or3A_822 = arith.ori %and3A_819, %or3A_821 : vector<16xi32>
        %bitcast_convert_type3A_823 = tpu.bitcast %or3A_822 : vector<16xi32> -> vector<16xf32>
        %gt3A = arith.constant 1.41421354 : f32
        %gt3A_824 = vector.broadcast %gt3A : f32 to vector<16xf32>
        %gt3A_825 = arith.cmpf ogt, %bitcast_convert_type3A_823, %gt3A_824 : vector<16xf32>
        %jit3A_826 = arith.constant 1 : i32
        %jit3A_827 = arith.constant 0 : i32
        %broadcast_in_dim3A_828 = vector.broadcast %jit3A_826 : i32 to vector<16xi32>
        %broadcast_in_dim3A_829 = vector.broadcast %jit3A_827 : i32 to vector<16xi32>
        %select_n3A_830 = arith.select %gt3A_825, %broadcast_in_dim3A_828, %broadcast_in_dim3A_829 : vector<16xi1>, vector<16xi32>
        %add3A_831 = arith.addi %sub3A_816, %select_n3A_830 : vector<16xi32>
        %mul3A_832 = arith.constant 5.000000e-01 : f32
        %mul3A_833 = vector.broadcast %mul3A_832 : f32 to vector<16xf32>
        %mul3A_834 = arith.mulf %bitcast_convert_type3A_823, %mul3A_833 : vector<16xf32>
        %select_n3A_835 = arith.select %gt3A_825, %mul3A_834, %bitcast_convert_type3A_823 : vector<16xi1>, vector<16xf32>
        %sub3A_836 = arith.constant 1.000000e+00 : f32
        %sub3A_837 = vector.broadcast %sub3A_836 : f32 to vector<16xf32>
        %sub3A_838 = arith.subf %select_n3A_835, %sub3A_837 : vector<16xf32>
        %mul3A_839 = arith.mulf %sub3A_838, %sub3A_838 : vector<16xf32>
        %broadcast_in_dim3A_840 = arith.constant 0.0703768358 : f32
        %broadcast_in_dim3A_841 = vector.broadcast %broadcast_in_dim3A_840 : f32 to vector<16xf32>
        %mul3A_842 = arith.mulf %broadcast_in_dim3A_841, %sub3A_838 : vector<16xf32>
        %add3A_843 = arith.constant -0.115146101 : f32
        %add3A_844 = vector.broadcast %add3A_843 : f32 to vector<16xf32>
        %add3A_845 = arith.addf %mul3A_842, %add3A_844 : vector<16xf32>
        %mul3A_846 = arith.mulf %add3A_845, %sub3A_838 : vector<16xf32>
        %add3A_847 = arith.constant 0.116769984 : f32
        %add3A_848 = vector.broadcast %add3A_847 : f32 to vector<16xf32>
        %add3A_849 = arith.addf %mul3A_846, %add3A_848 : vector<16xf32>
        %mul3A_850 = arith.mulf %add3A_849, %sub3A_838 : vector<16xf32>
        %add3A_851 = arith.constant -0.12420141 : f32
        %add3A_852 = vector.broadcast %add3A_851 : f32 to vector<16xf32>
        %add3A_853 = arith.addf %mul3A_850, %add3A_852 : vector<16xf32>
        %mul3A_854 = arith.mulf %add3A_853, %sub3A_838 : vector<16xf32>
        %add3A_855 = arith.constant 0.142493233 : f32
        %add3A_856 = vector.broadcast %add3A_855 : f32 to vector<16xf32>
        %add3A_857 = arith.addf %mul3A_854, %add3A_856 : vector<16xf32>
        %mul3A_858 = arith.mulf %add3A_857, %sub3A_838 : vector<16xf32>
        %add3A_859 = arith.constant -0.166680574 : f32
        %add3A_860 = vector.broadcast %add3A_859 : f32 to vector<16xf32>
        %add3A_861 = arith.addf %mul3A_858, %add3A_860 : vector<16xf32>
        %mul3A_862 = arith.mulf %add3A_861, %sub3A_838 : vector<16xf32>
        %add3A_863 = arith.constant 0.200007141 : f32
        %add3A_864 = vector.broadcast %add3A_863 : f32 to vector<16xf32>
        %add3A_865 = arith.addf %mul3A_862, %add3A_864 : vector<16xf32>
        %mul3A_866 = arith.mulf %add3A_865, %sub3A_838 : vector<16xf32>
        %add3A_867 = arith.constant -0.24999994 : f32
        %add3A_868 = vector.broadcast %add3A_867 : f32 to vector<16xf32>
        %add3A_869 = arith.addf %mul3A_866, %add3A_868 : vector<16xf32>
        %mul3A_870 = arith.mulf %add3A_869, %sub3A_838 : vector<16xf32>
        %add3A_871 = arith.constant 0.333333313 : f32
        %add3A_872 = vector.broadcast %add3A_871 : f32 to vector<16xf32>
        %add3A_873 = arith.addf %mul3A_870, %add3A_872 : vector<16xf32>
        %mul3A_874 = arith.mulf %add3A_873, %sub3A_838 : vector<16xf32>
        %mul3A_875 = arith.mulf %mul3A_874, %mul3A_839 : vector<16xf32>
        %convert_element_type3A = arith.sitofp %add3A_831 : vector<16xi32> to vector<16xf32>
        %mul3A_876 = arith.constant -2.12194442E-4 : f32
        %mul3A_877 = vector.broadcast %mul3A_876 : f32 to vector<16xf32>
        %mul3A_878 = arith.mulf %convert_element_type3A, %mul3A_877 : vector<16xf32>
        %add3A_879 = arith.addf %mul3A_875, %mul3A_878 : vector<16xf32>
        %mul3A_880 = arith.constant 5.000000e-01 : f32
        %mul3A_881 = vector.broadcast %mul3A_880 : f32 to vector<16xf32>
        %mul3A_882 = arith.mulf %mul3A_881, %mul3A_839 : vector<16xf32>
        %sub3A_883 = arith.subf %add3A_879, %mul3A_882 : vector<16xf32>
        %add3A_884 = arith.addf %sub3A_838, %sub3A_883 : vector<16xf32>
        %mul3A_885 = arith.constant 0.693359375 : f32
        %mul3A_886 = vector.broadcast %mul3A_885 : f32 to vector<16xf32>
        %mul3A_887 = arith.mulf %convert_element_type3A, %mul3A_886 : vector<16xf32>
        %add3A_888 = arith.addf %add3A_884, %mul3A_887 : vector<16xf32>
        %neg3A = arith.constant 0.000000e+00 : f32
        %neg3A_889 = vector.broadcast %neg3A : f32 to vector<16xf32>
        %neg3A_890 = arith.subf %neg3A_889, %add3A_888 : vector<16xf32>
        %bitcast_convert_type3A_891 = tpu.bitcast %neg3A_890 : vector<16xf32> -> vector<16xi32>
        %shift_right_arithmetic3A_892 = arith.constant 23 : i32
        %shift_right_arithmetic3A_893 = vector.broadcast %shift_right_arithmetic3A_892 : i32 to vector<16xi32>
        %shift_right_arithmetic3A_894 = arith.shrsi %bitcast_convert_type3A_891, %shift_right_arithmetic3A_893 : vector<16xi32>
        %sub3A_895 = arith.constant 127 : i32
        %sub3A_896 = vector.broadcast %sub3A_895 : i32 to vector<16xi32>
        %sub3A_897 = arith.subi %shift_right_arithmetic3A_894, %sub3A_896 : vector<16xi32>
        %and3A_898 = arith.constant 8388607 : i32
        %and3A_899 = vector.broadcast %and3A_898 : i32 to vector<16xi32>
        %and3A_900 = arith.andi %bitcast_convert_type3A_891, %and3A_899 : vector<16xi32>
        %or3A_901 = arith.constant 1065353216 : i32
        %or3A_902 = vector.broadcast %or3A_901 : i32 to vector<16xi32>
        %or3A_903 = arith.ori %and3A_900, %or3A_902 : vector<16xi32>
        %bitcast_convert_type3A_904 = tpu.bitcast %or3A_903 : vector<16xi32> -> vector<16xf32>
        %gt3A_905 = arith.constant 1.41421354 : f32
        %gt3A_906 = vector.broadcast %gt3A_905 : f32 to vector<16xf32>
        %gt3A_907 = arith.cmpf ogt, %bitcast_convert_type3A_904, %gt3A_906 : vector<16xf32>
        %jit3A_908 = arith.constant 1 : i32
        %jit3A_909 = arith.constant 0 : i32
        %broadcast_in_dim3A_910 = vector.broadcast %jit3A_908 : i32 to vector<16xi32>
        %broadcast_in_dim3A_911 = vector.broadcast %jit3A_909 : i32 to vector<16xi32>
        %select_n3A_912 = arith.select %gt3A_907, %broadcast_in_dim3A_910, %broadcast_in_dim3A_911 : vector<16xi1>, vector<16xi32>
        %add3A_913 = arith.addi %sub3A_897, %select_n3A_912 : vector<16xi32>
        %mul3A_914 = arith.constant 5.000000e-01 : f32
        %mul3A_915 = vector.broadcast %mul3A_914 : f32 to vector<16xf32>
        %mul3A_916 = arith.mulf %bitcast_convert_type3A_904, %mul3A_915 : vector<16xf32>
        %select_n3A_917 = arith.select %gt3A_907, %mul3A_916, %bitcast_convert_type3A_904 : vector<16xi1>, vector<16xf32>
        %sub3A_918 = arith.constant 1.000000e+00 : f32
        %sub3A_919 = vector.broadcast %sub3A_918 : f32 to vector<16xf32>
        %sub3A_920 = arith.subf %select_n3A_917, %sub3A_919 : vector<16xf32>
        %mul3A_921 = arith.mulf %sub3A_920, %sub3A_920 : vector<16xf32>
        %broadcast_in_dim3A_922 = arith.constant 0.0703768358 : f32
        %broadcast_in_dim3A_923 = vector.broadcast %broadcast_in_dim3A_922 : f32 to vector<16xf32>
        %mul3A_924 = arith.mulf %broadcast_in_dim3A_923, %sub3A_920 : vector<16xf32>
        %add3A_925 = arith.constant -0.115146101 : f32
        %add3A_926 = vector.broadcast %add3A_925 : f32 to vector<16xf32>
        %add3A_927 = arith.addf %mul3A_924, %add3A_926 : vector<16xf32>
        %mul3A_928 = arith.mulf %add3A_927, %sub3A_920 : vector<16xf32>
        %add3A_929 = arith.constant 0.116769984 : f32
        %add3A_930 = vector.broadcast %add3A_929 : f32 to vector<16xf32>
        %add3A_931 = arith.addf %mul3A_928, %add3A_930 : vector<16xf32>
        %mul3A_932 = arith.mulf %add3A_931, %sub3A_920 : vector<16xf32>
        %add3A_933 = arith.constant -0.12420141 : f32
        %add3A_934 = vector.broadcast %add3A_933 : f32 to vector<16xf32>
        %add3A_935 = arith.addf %mul3A_932, %add3A_934 : vector<16xf32>
        %mul3A_936 = arith.mulf %add3A_935, %sub3A_920 : vector<16xf32>
        %add3A_937 = arith.constant 0.142493233 : f32
        %add3A_938 = vector.broadcast %add3A_937 : f32 to vector<16xf32>
        %add3A_939 = arith.addf %mul3A_936, %add3A_938 : vector<16xf32>
        %mul3A_940 = arith.mulf %add3A_939, %sub3A_920 : vector<16xf32>
        %add3A_941 = arith.constant -0.166680574 : f32
        %add3A_942 = vector.broadcast %add3A_941 : f32 to vector<16xf32>
        %add3A_943 = arith.addf %mul3A_940, %add3A_942 : vector<16xf32>
        %mul3A_944 = arith.mulf %add3A_943, %sub3A_920 : vector<16xf32>
        %add3A_945 = arith.constant 0.200007141 : f32
        %add3A_946 = vector.broadcast %add3A_945 : f32 to vector<16xf32>
        %add3A_947 = arith.addf %mul3A_944, %add3A_946 : vector<16xf32>
        %mul3A_948 = arith.mulf %add3A_947, %sub3A_920 : vector<16xf32>
        %add3A_949 = arith.constant -0.24999994 : f32
        %add3A_950 = vector.broadcast %add3A_949 : f32 to vector<16xf32>
        %add3A_951 = arith.addf %mul3A_948, %add3A_950 : vector<16xf32>
        %mul3A_952 = arith.mulf %add3A_951, %sub3A_920 : vector<16xf32>
        %add3A_953 = arith.constant 0.333333313 : f32
        %add3A_954 = vector.broadcast %add3A_953 : f32 to vector<16xf32>
        %add3A_955 = arith.addf %mul3A_952, %add3A_954 : vector<16xf32>
        %mul3A_956 = arith.mulf %add3A_955, %sub3A_920 : vector<16xf32>
        %mul3A_957 = arith.mulf %mul3A_956, %mul3A_921 : vector<16xf32>
        %convert_element_type3A_958 = arith.sitofp %add3A_913 : vector<16xi32> to vector<16xf32>
        %mul3A_959 = arith.constant -2.12194442E-4 : f32
        %mul3A_960 = vector.broadcast %mul3A_959 : f32 to vector<16xf32>
        %mul3A_961 = arith.mulf %convert_element_type3A_958, %mul3A_960 : vector<16xf32>
        %add3A_962 = arith.addf %mul3A_957, %mul3A_961 : vector<16xf32>
        %mul3A_963 = arith.constant 5.000000e-01 : f32
        %mul3A_964 = vector.broadcast %mul3A_963 : f32 to vector<16xf32>
        %mul3A_965 = arith.mulf %mul3A_964, %mul3A_921 : vector<16xf32>
        %sub3A_966 = arith.subf %add3A_962, %mul3A_965 : vector<16xf32>
        %add3A_967 = arith.addf %sub3A_920, %sub3A_966 : vector<16xf32>
        %mul3A_968 = arith.constant 0.693359375 : f32
        %mul3A_969 = vector.broadcast %mul3A_968 : f32 to vector<16xf32>
        %mul3A_970 = arith.mulf %convert_element_type3A_958, %mul3A_969 : vector<16xf32>
        %add3A_971 = arith.addf %add3A_967, %mul3A_970 : vector<16xf32>
        %neg3A_972 = arith.constant 0.000000e+00 : f32
        %neg3A_973 = vector.broadcast %neg3A_972 : f32 to vector<16xf32>
        %neg3A_974 = arith.subf %neg3A_973, %add3A_971 : vector<16xf32>
        %get3A = arith.index_cast %select_n3A_543 : i32 to index
        %get3A_975 = arith.index_cast %mul3A_557 : i32 to index
        %get3A_976 = tpu.vector_load %arg8[%get3A, %get3A_975] {strides = array<i32>} : memref<8x1536xf32, #tpu.memory_space<vmem>>, vector<1x16xf32>,
        %get3A_977 = vector.shape_cast %get3A_976 : vector<1x16xf32> to vector<16xf32>
        %add3A_978 = arith.addf %get3A_977, %neg3A_974 : vector<16xf32>
        %get3A_979 = arith.index_cast %select_n3A_543 : i32 to index
        %get3A_980 = arith.constant 0 : index
        %get3A_981 = tpu.vector_load %arg10[%get3A_979, %get3A_980] {strides = array<i32>} : memref<8x32xf32, #tpu.memory_space<vmem>>, vector<1x16xf32>,
        %get3A_982 = vector.shape_cast %get3A_981 : vector<1x16xf32> to vector<16xf32>
        %gt3A_983 = arith.cmpf ogt, %add3A_978, %get3A_982 : vector<16xf32>
        %get3A_984 = arith.index_cast %select_n3A_543 : i32 to index
        %get3A_985 = arith.constant 0 : index
        %get3A_986 = tpu.vector_load %arg9[%get3A_984, %get3A_985] {strides = array<i32>} : memref<8x32xf32, #tpu.memory_space<vmem>>, vector<1x16xf32>,
        %get3A_987 = vector.shape_cast %get3A_986 : vector<1x16xf32> to vector<16xf32>
        %exp3A = math.exp %get3A_977 : vector<16xf32>
        %add3A_988 = arith.addf %get3A_987, %exp3A : vector<16xf32>
        %swap3A_989 = arith.index_cast %select_n3A_543 : i32 to index
        %swap3A_990 = arith.constant 0 : index
        %swap3A_991 = tpu.vector_load %arg9[%swap3A_989, %swap3A_990] {strides = array<i32>} : memref<8x32xf32, #tpu.memory_space<vmem>>, vector<1x16xf32>,
        %swap3A_992 = vector.shape_cast %swap3A_991 : vector<1x16xf32> to vector<16xf32>
        %swap3A_993 = vector.shape_cast %add3A_988 : vector<16xf32> to vector<1x16xf32>
        tpu.vector_store %arg9[%swap3A_989, %swap3A_990], %swap3A_993 {strides = array<i32>} : memref<8x32xf32, #tpu.memory_space<vmem>>, vector<1x16xf32>,
        %select_n3A_994 = arith.select %gt3A_983, %add3A_978, %get3A_982 : vector<16xi1>, vector<16xf32>
        %swap3A_995 = arith.index_cast %select_n3A_543 : i32 to index
        %swap3A_996 = arith.constant 0 : index
        %swap3A_997 = tpu.vector_load %arg10[%swap3A_995, %swap3A_996] {strides = array<i32>} : memref<8x32xf32, #tpu.memory_space<vmem>>, vector<1x16xf32>,
        %swap3A_998 = vector.shape_cast %swap3A_997 : vector<1x16xf32> to vector<16xf32>
        %swap3A_999 = vector.shape_cast %select_n3A_994 : vector<16xf32> to vector<1x16xf32>
        tpu.vector_store %arg10[%swap3A_995, %swap3A_996], %swap3A_999 {strides = array<i32>} : memref<8x32xf32, #tpu.memory_space<vmem>>, vector<1x16xf32>,
        %get3A_1000 = arith.index_cast %select_n3A_543 : i32 to index
        %get3A_1001 = arith.constant 0 : index
        %get3A_1002 = tpu.vector_load %arg11[%get3A_1000, %get3A_1001] {strides = array<i32>} : memref<8x32xi32, #tpu.memory_space<vmem>>, vector<1x16xi32>,
        %get3A_1003 = vector.shape_cast %get3A_1002 : vector<1x16xi32> to vector<16xi32>
        %select_n3A_1004 = arith.select %gt3A_983, %add3A_563, %get3A_1003 : vector<16xi1>, vector<16xi32>
        %swap3A_1005 = arith.index_cast %select_n3A_543 : i32 to index
        %swap3A_1006 = arith.constant 0 : index
        %swap3A_1007 = tpu.vector_load %arg11[%swap3A_1005, %swap3A_1006] {strides = array<i32>} : memref<8x32xi32, #tpu.memory_space<vmem>>, vector<1x16xi32>,
        %swap3A_1008 = vector.shape_cast %swap3A_1007 : vector<1x16xi32> to vector<16xi32>
        %swap3A_1009 = vector.shape_cast %select_n3A_1004 : vector<16xi32> to vector<1x16xi32>
        tpu.vector_store %arg11[%swap3A_1005, %swap3A_1006], %swap3A_1009 {strides = array<i32>} : memref<8x32xi32, #tpu.memory_space<vmem>>, vector<1x16xi32>,
        %mul3A_1010 = arith.constant 2 : i32
        %mul3A_1011 = arith.muli %sub3A_546, %mul3A_1010 : i32
        %add3A_1012 = arith.constant 1 : i32
        %add3A_1013 = arith.addi %mul3A_1011, %add3A_1012 : i32
        %mul3A_1014 = arith.constant 16 : i32
        %mul3A_1015 = arith.muli %add3A_1013, %mul3A_1014 : i32
        %mul3A_1016 = arith.constant 1536 : i32
        %mul3A_1017 = arith.muli %add3A_490, %mul3A_1016 : i32
        %add3A_1018 = arith.addi %mul3A_32, %mul3A_1017 : i32
        %add3A_1019 = arith.addi %add3A_1018, %mul3A_1015 : i32
        %add3A_1020 = vector.broadcast %add3A_1019 : i32 to vector<16xi32>
        %add3A_1021 = arith.addi %add3A_1020, %iota3A : vector<16xi32>
        %add3A_1022 = vector.broadcast %mul3A_551 : i32 to vector<16xi32>
        %add3A_1023 = arith.addi %add3A_1022, %add3A_1021 : vector<16xi32>
        %bitcast_convert_type3A_1024 = tpu.bitcast %add3A_1023 : vector<16xi32> -> vector<16xi32>
        %broadcast_in_dim3A_1025 = arith.constant 0 : i32
        %broadcast_in_dim3A_1026 = vector.broadcast %broadcast_in_dim3A_1025 : i32 to vector<16xi32>
        %add3A_1027 = arith.constant 0 : i32
        %add3A_1028 = vector.broadcast %add3A_1027 : i32 to vector<16xi32>
        %add3A_1029 = arith.addi %broadcast_in_dim3A_1026, %add3A_1028 : vector<16xi32>
        %add3A_1030 = arith.constant 42 : i32
        %add3A_1031 = vector.broadcast %add3A_1030 : i32 to vector<16xi32>
        %add3A_1032 = arith.addi %bitcast_convert_type3A_1024, %add3A_1031 : vector<16xi32>
        %add3A_1033 = arith.addi %add3A_1029, %add3A_1032 : vector<16xi32>
        %shift_left3A_1034 = arith.constant 13 : i32
        %shift_left3A_1035 = vector.broadcast %shift_left3A_1034 : i32 to vector<16xi32>
        %shift_left3A_1036 = arith.shli %add3A_1032, %shift_left3A_1035 : vector<16xi32>
        %shift_right_logical3A_1037 = arith.constant 19 : i32
        %shift_right_logical3A_1038 = vector.broadcast %shift_right_logical3A_1037 : i32 to vector<16xi32>
        %shift_right_logical3A_1039 = arith.shrui %add3A_1032, %shift_right_logical3A_1038 : vector<16xi32>
        %or3A_1040 = arith.ori %shift_left3A_1036, %shift_right_logical3A_1039 : vector<16xi32>
        %xor3A_1041 = arith.xori %add3A_1033, %or3A_1040 : vector<16xi32>
        %add3A_1042 = arith.addi %add3A_1033, %xor3A_1041 : vector<16xi32>
        %shift_left3A_1043 = arith.constant 15 : i32
        %shift_left3A_1044 = vector.broadcast %shift_left3A_1043 : i32 to vector<16xi32>
        %shift_left3A_1045 = arith.shli %xor3A_1041, %shift_left3A_1044 : vector<16xi32>
        %shift_right_logical3A_1046 = arith.constant 17 : i32
        %shift_right_logical3A_1047 = vector.broadcast %shift_right_logical3A_1046 : i32 to vector<16xi32>
        %shift_right_logical3A_1048 = arith.shrui %xor3A_1041, %shift_right_logical3A_1047 : vector<16xi32>
        %or3A_1049 = arith.ori %shift_left3A_1045, %shift_right_logical3A_1048 : vector<16xi32>
        %xor3A_1050 = arith.xori %add3A_1042, %or3A_1049 : vector<16xi32>
        %add3A_1051 = arith.addi %add3A_1042, %xor3A_1050 : vector<16xi32>
        %shift_left3A_1052 = arith.constant 26 : i32
        %shift_left3A_1053 = vector.broadcast %shift_left3A_1052 : i32 to vector<16xi32>
        %shift_left3A_1054 = arith.shli %xor3A_1050, %shift_left3A_1053 : vector<16xi32>
        %shift_right_logical3A_1055 = arith.constant 6 : i32
        %shift_right_logical3A_1056 = vector.broadcast %shift_right_logical3A_1055 : i32 to vector<16xi32>
        %shift_right_logical3A_1057 = arith.shrui %xor3A_1050, %shift_right_logical3A_1056 : vector<16xi32>
        %or3A_1058 = arith.ori %shift_left3A_1054, %shift_right_logical3A_1057 : vector<16xi32>
        %xor3A_1059 = arith.xori %add3A_1051, %or3A_1058 : vector<16xi32>
        %add3A_1060 = arith.addi %add3A_1051, %xor3A_1059 : vector<16xi32>
        %shift_left3A_1061 = arith.constant 6 : i32
        %shift_left3A_1062 = vector.broadcast %shift_left3A_1061 : i32 to vector<16xi32>
        %shift_left3A_1063 = arith.shli %xor3A_1059, %shift_left3A_1062 : vector<16xi32>
        %shift_right_logical3A_1064 = arith.constant 26 : i32
        %shift_right_logical3A_1065 = vector.broadcast %shift_right_logical3A_1064 : i32 to vector<16xi32>
        %shift_right_logical3A_1066 = arith.shrui %xor3A_1059, %shift_right_logical3A_1065 : vector<16xi32>
        %or3A_1067 = arith.ori %shift_left3A_1063, %shift_right_logical3A_1066 : vector<16xi32>
        %xor3A_1068 = arith.xori %add3A_1060, %or3A_1067 : vector<16xi32>
        %add3A_1069 = arith.constant 42 : i32
        %add3A_1070 = vector.broadcast %add3A_1069 : i32 to vector<16xi32>
        %add3A_1071 = arith.addi %add3A_1060, %add3A_1070 : vector<16xi32>
        %add3A_1072 = arith.constant 466689008 : i32
        %add3A_1073 = vector.broadcast %add3A_1072 : i32 to vector<16xi32>
        %add3A_1074 = arith.addi %xor3A_1068, %add3A_1073 : vector<16xi32>
        %add3A_1075 = arith.constant 1 : i32
        %add3A_1076 = vector.broadcast %add3A_1075 : i32 to vector<16xi32>
        %add3A_1077 = arith.addi %add3A_1074, %add3A_1076 : vector<16xi32>
        %add3A_1078 = arith.addi %add3A_1071, %add3A_1077 : vector<16xi32>
        %shift_left3A_1079 = arith.constant 17 : i32
        %shift_left3A_1080 = vector.broadcast %shift_left3A_1079 : i32 to vector<16xi32>
        %shift_left3A_1081 = arith.shli %add3A_1077, %shift_left3A_1080 : vector<16xi32>
        %shift_right_logical3A_1082 = arith.constant 15 : i32
        %shift_right_logical3A_1083 = vector.broadcast %shift_right_logical3A_1082 : i32 to vector<16xi32>
        %shift_right_logical3A_1084 = arith.shrui %add3A_1077, %shift_right_logical3A_1083 : vector<16xi32>
        %or3A_1085 = arith.ori %shift_left3A_1081, %shift_right_logical3A_1084 : vector<16xi32>
        %xor3A_1086 = arith.xori %add3A_1078, %or3A_1085 : vector<16xi32>
        %add3A_1087 = arith.addi %add3A_1078, %xor3A_1086 : vector<16xi32>
        %shift_left3A_1088 = arith.constant 29 : i32
        %shift_left3A_1089 = vector.broadcast %shift_left3A_1088 : i32 to vector<16xi32>
        %shift_left3A_1090 = arith.shli %xor3A_1086, %shift_left3A_1089 : vector<16xi32>
        %shift_right_logical3A_1091 = arith.constant 3 : i32
        %shift_right_logical3A_1092 = vector.broadcast %shift_right_logical3A_1091 : i32 to vector<16xi32>
        %shift_right_logical3A_1093 = arith.shrui %xor3A_1086, %shift_right_logical3A_1092 : vector<16xi32>
        %or3A_1094 = arith.ori %shift_left3A_1090, %shift_right_logical3A_1093 : vector<16xi32>
        %xor3A_1095 = arith.xori %add3A_1087, %or3A_1094 : vector<16xi32>
        %add3A_1096 = arith.addi %add3A_1087, %xor3A_1095 : vector<16xi32>
        %shift_left3A_1097 = arith.constant 16 : i32
        %shift_left3A_1098 = vector.broadcast %shift_left3A_1097 : i32 to vector<16xi32>
        %shift_left3A_1099 = arith.shli %xor3A_1095, %shift_left3A_1098 : vector<16xi32>
        %shift_right_logical3A_1100 = arith.constant 16 : i32
        %shift_right_logical3A_1101 = vector.broadcast %shift_right_logical3A_1100 : i32 to vector<16xi32>
        %shift_right_logical3A_1102 = arith.shrui %xor3A_1095, %shift_right_logical3A_1101 : vector<16xi32>
        %or3A_1103 = arith.ori %shift_left3A_1099, %shift_right_logical3A_1102 : vector<16xi32>
        %xor3A_1104 = arith.xori %add3A_1096, %or3A_1103 : vector<16xi32>
        %add3A_1105 = arith.addi %add3A_1096, %xor3A_1104 : vector<16xi32>
        %shift_left3A_1106 = arith.constant 24 : i32
        %shift_left3A_1107 = vector.broadcast %shift_left3A_1106 : i32 to vector<16xi32>
        %shift_left3A_1108 = arith.shli %xor3A_1104, %shift_left3A_1107 : vector<16xi32>
        %shift_right_logical3A_1109 = arith.constant 8 : i32
        %shift_right_logical3A_1110 = vector.broadcast %shift_right_logical3A_1109 : i32 to vector<16xi32>
        %shift_right_logical3A_1111 = arith.shrui %xor3A_1104, %shift_right_logical3A_1110 : vector<16xi32>
        %or3A_1112 = arith.ori %shift_left3A_1108, %shift_right_logical3A_1111 : vector<16xi32>
        %xor3A_1113 = arith.xori %add3A_1105, %or3A_1112 : vector<16xi32>
        %add3A_1114 = arith.constant 466689008 : i32
        %add3A_1115 = vector.broadcast %add3A_1114 : i32 to vector<16xi32>
        %add3A_1116 = arith.addi %add3A_1105, %add3A_1115 : vector<16xi32>
        %add3A_1117 = arith.constant 0 : i32
        %add3A_1118 = vector.broadcast %add3A_1117 : i32 to vector<16xi32>
        %add3A_1119 = arith.addi %xor3A_1113, %add3A_1118 : vector<16xi32>
        %add3A_1120 = arith.constant 2 : i32
        %add3A_1121 = vector.broadcast %add3A_1120 : i32 to vector<16xi32>
        %add3A_1122 = arith.addi %add3A_1119, %add3A_1121 : vector<16xi32>
        %add3A_1123 = arith.addi %add3A_1116, %add3A_1122 : vector<16xi32>
        %shift_left3A_1124 = arith.constant 13 : i32
        %shift_left3A_1125 = vector.broadcast %shift_left3A_1124 : i32 to vector<16xi32>
        %shift_left3A_1126 = arith.shli %add3A_1122, %shift_left3A_1125 : vector<16xi32>
        %shift_right_logical3A_1127 = arith.constant 19 : i32
        %shift_right_logical3A_1128 = vector.broadcast %shift_right_logical3A_1127 : i32 to vector<16xi32>
        %shift_right_logical3A_1129 = arith.shrui %add3A_1122, %shift_right_logical3A_1128 : vector<16xi32>
        %or3A_1130 = arith.ori %shift_left3A_1126, %shift_right_logical3A_1129 : vector<16xi32>
        %xor3A_1131 = arith.xori %add3A_1123, %or3A_1130 : vector<16xi32>
        %add3A_1132 = arith.addi %add3A_1123, %xor3A_1131 : vector<16xi32>
        %shift_left3A_1133 = arith.constant 15 : i32
        %shift_left3A_1134 = vector.broadcast %shift_left3A_1133 : i32 to vector<16xi32>
        %shift_left3A_1135 = arith.shli %xor3A_1131, %shift_left3A_1134 : vector<16xi32>
        %shift_right_logical3A_1136 = arith.constant 17 : i32
        %shift_right_logical3A_1137 = vector.broadcast %shift_right_logical3A_1136 : i32 to vector<16xi32>
        %shift_right_logical3A_1138 = arith.shrui %xor3A_1131, %shift_right_logical3A_1137 : vector<16xi32>
        %or3A_1139 = arith.ori %shift_left3A_1135, %shift_right_logical3A_1138 : vector<16xi32>
        %xor3A_1140 = arith.xori %add3A_1132, %or3A_1139 : vector<16xi32>
        %add3A_1141 = arith.addi %add3A_1132, %xor3A_1140 : vector<16xi32>
        %shift_left3A_1142 = arith.constant 26 : i32
        %shift_left3A_1143 = vector.broadcast %shift_left3A_1142 : i32 to vector<16xi32>
        %shift_left3A_1144 = arith.shli %xor3A_1140, %shift_left3A_1143 : vector<16xi32>
        %shift_right_logical3A_1145 = arith.constant 6 : i32
        %shift_right_logical3A_1146 = vector.broadcast %shift_right_logical3A_1145 : i32 to vector<16xi32>
        %shift_right_logical3A_1147 = arith.shrui %xor3A_1140, %shift_right_logical3A_1146 : vector<16xi32>
        %or3A_1148 = arith.ori %shift_left3A_1144, %shift_right_logical3A_1147 : vector<16xi32>
        %xor3A_1149 = arith.xori %add3A_1141, %or3A_1148 : vector<16xi32>
        %add3A_1150 = arith.addi %add3A_1141, %xor3A_1149 : vector<16xi32>
        %shift_left3A_1151 = arith.constant 6 : i32
        %shift_left3A_1152 = vector.broadcast %shift_left3A_1151 : i32 to vector<16xi32>
        %shift_left3A_1153 = arith.shli %xor3A_1149, %shift_left3A_1152 : vector<16xi32>
        %shift_right_logical3A_1154 = arith.constant 26 : i32
        %shift_right_logical3A_1155 = vector.broadcast %shift_right_logical3A_1154 : i32 to vector<16xi32>
        %shift_right_logical3A_1156 = arith.shrui %xor3A_1149, %shift_right_logical3A_1155 : vector<16xi32>
        %or3A_1157 = arith.ori %shift_left3A_1153, %shift_right_logical3A_1156 : vector<16xi32>
        %xor3A_1158 = arith.xori %add3A_1150, %or3A_1157 : vector<16xi32>
        %add3A_1159 = arith.constant 0 : i32
        %add3A_1160 = vector.broadcast %add3A_1159 : i32 to vector<16xi32>
        %add3A_1161 = arith.addi %add3A_1150, %add3A_1160 : vector<16xi32>
        %add3A_1162 = arith.constant 42 : i32
        %add3A_1163 = vector.broadcast %add3A_1162 : i32 to vector<16xi32>
        %add3A_1164 = arith.addi %xor3A_1158, %add3A_1163 : vector<16xi32>
        %add3A_1165 = arith.constant 3 : i32
        %add3A_1166 = vector.broadcast %add3A_1165 : i32 to vector<16xi32>
        %add3A_1167 = arith.addi %add3A_1164, %add3A_1166 : vector<16xi32>
        %add3A_1168 = arith.addi %add3A_1161, %add3A_1167 : vector<16xi32>
        %shift_left3A_1169 = arith.constant 17 : i32
        %shift_left3A_1170 = vector.broadcast %shift_left3A_1169 : i32 to vector<16xi32>
        %shift_left3A_1171 = arith.shli %add3A_1167, %shift_left3A_1170 : vector<16xi32>
        %shift_right_logical3A_1172 = arith.constant 15 : i32
        %shift_right_logical3A_1173 = vector.broadcast %shift_right_logical3A_1172 : i32 to vector<16xi32>
        %shift_right_logical3A_1174 = arith.shrui %add3A_1167, %shift_right_logical3A_1173 : vector<16xi32>
        %or3A_1175 = arith.ori %shift_left3A_1171, %shift_right_logical3A_1174 : vector<16xi32>
        %xor3A_1176 = arith.xori %add3A_1168, %or3A_1175 : vector<16xi32>
        %add3A_1177 = arith.addi %add3A_1168, %xor3A_1176 : vector<16xi32>
        %shift_left3A_1178 = arith.constant 29 : i32
        %shift_left3A_1179 = vector.broadcast %shift_left3A_1178 : i32 to vector<16xi32>
        %shift_left3A_1180 = arith.shli %xor3A_1176, %shift_left3A_1179 : vector<16xi32>
        %shift_right_logical3A_1181 = arith.constant 3 : i32
        %shift_right_logical3A_1182 = vector.broadcast %shift_right_logical3A_1181 : i32 to vector<16xi32>
        %shift_right_logical3A_1183 = arith.shrui %xor3A_1176, %shift_right_logical3A_1182 : vector<16xi32>
        %or3A_1184 = arith.ori %shift_left3A_1180, %shift_right_logical3A_1183 : vector<16xi32>
        %xor3A_1185 = arith.xori %add3A_1177, %or3A_1184 : vector<16xi32>
        %add3A_1186 = arith.addi %add3A_1177, %xor3A_1185 : vector<16xi32>
        %shift_left3A_1187 = arith.constant 16 : i32
        %shift_left3A_1188 = vector.broadcast %shift_left3A_1187 : i32 to vector<16xi32>
        %shift_left3A_1189 = arith.shli %xor3A_1185, %shift_left3A_1188 : vector<16xi32>
        %shift_right_logical3A_1190 = arith.constant 16 : i32
        %shift_right_logical3A_1191 = vector.broadcast %shift_right_logical3A_1190 : i32 to vector<16xi32>
        %shift_right_logical3A_1192 = arith.shrui %xor3A_1185, %shift_right_logical3A_1191 : vector<16xi32>
        %or3A_1193 = arith.ori %shift_left3A_1189, %shift_right_logical3A_1192 : vector<16xi32>
        %xor3A_1194 = arith.xori %add3A_1186, %or3A_1193 : vector<16xi32>
        %add3A_1195 = arith.addi %add3A_1186, %xor3A_1194 : vector<16xi32>
        %shift_left3A_1196 = arith.constant 24 : i32
        %shift_left3A_1197 = vector.broadcast %shift_left3A_1196 : i32 to vector<16xi32>
        %shift_left3A_1198 = arith.shli %xor3A_1194, %shift_left3A_1197 : vector<16xi32>
        %shift_right_logical3A_1199 = arith.constant 8 : i32
        %shift_right_logical3A_1200 = vector.broadcast %shift_right_logical3A_1199 : i32 to vector<16xi32>
        %shift_right_logical3A_1201 = arith.shrui %xor3A_1194, %shift_right_logical3A_1200 : vector<16xi32>
        %or3A_1202 = arith.ori %shift_left3A_1198, %shift_right_logical3A_1201 : vector<16xi32>
        %xor3A_1203 = arith.xori %add3A_1195, %or3A_1202 : vector<16xi32>
        %add3A_1204 = arith.constant 42 : i32
        %add3A_1205 = vector.broadcast %add3A_1204 : i32 to vector<16xi32>
        %add3A_1206 = arith.addi %add3A_1195, %add3A_1205 : vector<16xi32>
        %add3A_1207 = arith.constant 466689008 : i32
        %add3A_1208 = vector.broadcast %add3A_1207 : i32 to vector<16xi32>
        %add3A_1209 = arith.addi %xor3A_1203, %add3A_1208 : vector<16xi32>
        %add3A_1210 = arith.constant 4 : i32
        %add3A_1211 = vector.broadcast %add3A_1210 : i32 to vector<16xi32>
        %add3A_1212 = arith.addi %add3A_1209, %add3A_1211 : vector<16xi32>
        %add3A_1213 = arith.addi %add3A_1206, %add3A_1212 : vector<16xi32>
        %shift_left3A_1214 = arith.constant 13 : i32
        %shift_left3A_1215 = vector.broadcast %shift_left3A_1214 : i32 to vector<16xi32>
        %shift_left3A_1216 = arith.shli %add3A_1212, %shift_left3A_1215 : vector<16xi32>
        %shift_right_logical3A_1217 = arith.constant 19 : i32
        %shift_right_logical3A_1218 = vector.broadcast %shift_right_logical3A_1217 : i32 to vector<16xi32>
        %shift_right_logical3A_1219 = arith.shrui %add3A_1212, %shift_right_logical3A_1218 : vector<16xi32>
        %or3A_1220 = arith.ori %shift_left3A_1216, %shift_right_logical3A_1219 : vector<16xi32>
        %xor3A_1221 = arith.xori %add3A_1213, %or3A_1220 : vector<16xi32>
        %add3A_1222 = arith.addi %add3A_1213, %xor3A_1221 : vector<16xi32>
        %shift_left3A_1223 = arith.constant 15 : i32
        %shift_left3A_1224 = vector.broadcast %shift_left3A_1223 : i32 to vector<16xi32>
        %shift_left3A_1225 = arith.shli %xor3A_1221, %shift_left3A_1224 : vector<16xi32>
        %shift_right_logical3A_1226 = arith.constant 17 : i32
        %shift_right_logical3A_1227 = vector.broadcast %shift_right_logical3A_1226 : i32 to vector<16xi32>
        %shift_right_logical3A_1228 = arith.shrui %xor3A_1221, %shift_right_logical3A_1227 : vector<16xi32>
        %or3A_1229 = arith.ori %shift_left3A_1225, %shift_right_logical3A_1228 : vector<16xi32>
        %xor3A_1230 = arith.xori %add3A_1222, %or3A_1229 : vector<16xi32>
        %add3A_1231 = arith.addi %add3A_1222, %xor3A_1230 : vector<16xi32>
        %shift_left3A_1232 = arith.constant 26 : i32
        %shift_left3A_1233 = vector.broadcast %shift_left3A_1232 : i32 to vector<16xi32>
        %shift_left3A_1234 = arith.shli %xor3A_1230, %shift_left3A_1233 : vector<16xi32>
        %shift_right_logical3A_1235 = arith.constant 6 : i32
        %shift_right_logical3A_1236 = vector.broadcast %shift_right_logical3A_1235 : i32 to vector<16xi32>
        %shift_right_logical3A_1237 = arith.shrui %xor3A_1230, %shift_right_logical3A_1236 : vector<16xi32>
        %or3A_1238 = arith.ori %shift_left3A_1234, %shift_right_logical3A_1237 : vector<16xi32>
        %xor3A_1239 = arith.xori %add3A_1231, %or3A_1238 : vector<16xi32>
        %add3A_1240 = arith.addi %add3A_1231, %xor3A_1239 : vector<16xi32>
        %shift_left3A_1241 = arith.constant 6 : i32
        %shift_left3A_1242 = vector.broadcast %shift_left3A_1241 : i32 to vector<16xi32>
        %shift_left3A_1243 = arith.shli %xor3A_1239, %shift_left3A_1242 : vector<16xi32>
        %shift_right_logical3A_1244 = arith.constant 26 : i32
        %shift_right_logical3A_1245 = vector.broadcast %shift_right_logical3A_1244 : i32 to vector<16xi32>
        %shift_right_logical3A_1246 = arith.shrui %xor3A_1239, %shift_right_logical3A_1245 : vector<16xi32>
        %or3A_1247 = arith.ori %shift_left3A_1243, %shift_right_logical3A_1246 : vector<16xi32>
        %xor3A_1248 = arith.xori %add3A_1240, %or3A_1247 : vector<16xi32>
        %add3A_1249 = arith.constant 466689008 : i32
        %add3A_1250 = vector.broadcast %add3A_1249 : i32 to vector<16xi32>
        %add3A_1251 = arith.addi %add3A_1240, %add3A_1250 : vector<16xi32>
        %add3A_1252 = arith.constant 0 : i32
        %add3A_1253 = vector.broadcast %add3A_1252 : i32 to vector<16xi32>
        %add3A_1254 = arith.addi %xor3A_1248, %add3A_1253 : vector<16xi32>
        %add3A_1255 = arith.constant 5 : i32
        %add3A_1256 = vector.broadcast %add3A_1255 : i32 to vector<16xi32>
        %add3A_1257 = arith.addi %add3A_1254, %add3A_1256 : vector<16xi32>
        %xor3A_1258 = arith.xori %add3A_1251, %add3A_1257 : vector<16xi32>
        %shift_right_logical3A_1259 = arith.constant 9 : i32
        %shift_right_logical3A_1260 = vector.broadcast %shift_right_logical3A_1259 : i32 to vector<16xi32>
        %shift_right_logical3A_1261 = arith.shrui %xor3A_1258, %shift_right_logical3A_1260 : vector<16xi32>
        %or3A_1262 = arith.constant 1065353216 : i32
        %or3A_1263 = vector.broadcast %or3A_1262 : i32 to vector<16xi32>
        %or3A_1264 = arith.ori %shift_right_logical3A_1261, %or3A_1263 : vector<16xi32>
        %bitcast_convert_type3A_1265 = tpu.bitcast %or3A_1264 : vector<16xi32> -> vector<16xf32>
        %sub3A_1266 = arith.constant 1.000000e+00 : f32
        %sub3A_1267 = vector.broadcast %sub3A_1266 : f32 to vector<16xf32>
        %sub3A_1268 = arith.subf %bitcast_convert_type3A_1265, %sub3A_1267 : vector<16xf32>
        %add3A_1269 = arith.constant 1.17549435E-38 : f32
        %add3A_1270 = vector.broadcast %add3A_1269 : f32 to vector<16xf32>
        %add3A_1271 = arith.addf %sub3A_1268, %add3A_1270 : vector<16xf32>
        %max3A_1272 = arith.constant 1.17549435E-38 : f32
        %max3A_1273 = vector.broadcast %max3A_1272 : f32 to vector<16xf32>
        %max3A_1274 = arith.maximumf %max3A_1273, %add3A_1271 : vector<16xf32>
        %bitcast_convert_type3A_1275 = tpu.bitcast %max3A_1274 : vector<16xf32> -> vector<16xi32>
        %shift_right_arithmetic3A_1276 = arith.constant 23 : i32
        %shift_right_arithmetic3A_1277 = vector.broadcast %shift_right_arithmetic3A_1276 : i32 to vector<16xi32>
        %shift_right_arithmetic3A_1278 = arith.shrsi %bitcast_convert_type3A_1275, %shift_right_arithmetic3A_1277 : vector<16xi32>
        %sub3A_1279 = arith.constant 127 : i32
        %sub3A_1280 = vector.broadcast %sub3A_1279 : i32 to vector<16xi32>
        %sub3A_1281 = arith.subi %shift_right_arithmetic3A_1278, %sub3A_1280 : vector<16xi32>
        %and3A_1282 = arith.constant 8388607 : i32
        %and3A_1283 = vector.broadcast %and3A_1282 : i32 to vector<16xi32>
        %and3A_1284 = arith.andi %bitcast_convert_type3A_1275, %and3A_1283 : vector<16xi32>
        %or3A_1285 = arith.constant 1065353216 : i32
        %or3A_1286 = vector.broadcast %or3A_1285 : i32 to vector<16xi32>
        %or3A_1287 = arith.ori %and3A_1284, %or3A_1286 : vector<16xi32>
        %bitcast_convert_type3A_1288 = tpu.bitcast %or3A_1287 : vector<16xi32> -> vector<16xf32>
        %gt3A_1289 = arith.constant 1.41421354 : f32
        %gt3A_1290 = vector.broadcast %gt3A_1289 : f32 to vector<16xf32>
        %gt3A_1291 = arith.cmpf ogt, %bitcast_convert_type3A_1288, %gt3A_1290 : vector<16xf32>
        %jit3A_1292 = arith.constant 1 : i32
        %jit3A_1293 = arith.constant 0 : i32
        %broadcast_in_dim3A_1294 = vector.broadcast %jit3A_1292 : i32 to vector<16xi32>
        %broadcast_in_dim3A_1295 = vector.broadcast %jit3A_1293 : i32 to vector<16xi32>
        %select_n3A_1296 = arith.select %gt3A_1291, %broadcast_in_dim3A_1294, %broadcast_in_dim3A_1295 : vector<16xi1>, vector<16xi32>
        %add3A_1297 = arith.addi %sub3A_1281, %select_n3A_1296 : vector<16xi32>
        %mul3A_1298 = arith.constant 5.000000e-01 : f32
        %mul3A_1299 = vector.broadcast %mul3A_1298 : f32 to vector<16xf32>
        %mul3A_1300 = arith.mulf %bitcast_convert_type3A_1288, %mul3A_1299 : vector<16xf32>
        %select_n3A_1301 = arith.select %gt3A_1291, %mul3A_1300, %bitcast_convert_type3A_1288 : vector<16xi1>, vector<16xf32>
        %sub3A_1302 = arith.constant 1.000000e+00 : f32
        %sub3A_1303 = vector.broadcast %sub3A_1302 : f32 to vector<16xf32>
        %sub3A_1304 = arith.subf %select_n3A_1301, %sub3A_1303 : vector<16xf32>
        %mul3A_1305 = arith.mulf %sub3A_1304, %sub3A_1304 : vector<16xf32>
        %broadcast_in_dim3A_1306 = arith.constant 0.0703768358 : f32
        %broadcast_in_dim3A_1307 = vector.broadcast %broadcast_in_dim3A_1306 : f32 to vector<16xf32>
        %mul3A_1308 = arith.mulf %broadcast_in_dim3A_1307, %sub3A_1304 : vector<16xf32>
        %add3A_1309 = arith.constant -0.115146101 : f32
        %add3A_1310 = vector.broadcast %add3A_1309 : f32 to vector<16xf32>
        %add3A_1311 = arith.addf %mul3A_1308, %add3A_1310 : vector<16xf32>
        %mul3A_1312 = arith.mulf %add3A_1311, %sub3A_1304 : vector<16xf32>
        %add3A_1313 = arith.constant 0.116769984 : f32
        %add3A_1314 = vector.broadcast %add3A_1313 : f32 to vector<16xf32>
        %add3A_1315 = arith.addf %mul3A_1312, %add3A_1314 : vector<16xf32>
        %mul3A_1316 = arith.mulf %add3A_1315, %sub3A_1304 : vector<16xf32>
        %add3A_1317 = arith.constant -0.12420141 : f32
        %add3A_1318 = vector.broadcast %add3A_1317 : f32 to vector<16xf32>
        %add3A_1319 = arith.addf %mul3A_1316, %add3A_1318 : vector<16xf32>
        %mul3A_1320 = arith.mulf %add3A_1319, %sub3A_1304 : vector<16xf32>
        %add3A_1321 = arith.constant 0.142493233 : f32
        %add3A_1322 = vector.broadcast %add3A_1321 : f32 to vector<16xf32>
        %add3A_1323 = arith.addf %mul3A_1320, %add3A_1322 : vector<16xf32>
        %mul3A_1324 = arith.mulf %add3A_1323, %sub3A_1304 : vector<16xf32>
        %add3A_1325 = arith.constant -0.166680574 : f32
        %add3A_1326 = vector.broadcast %add3A_1325 : f32 to vector<16xf32>
        %add3A_1327 = arith.addf %mul3A_1324, %add3A_1326 : vector<16xf32>
        %mul3A_1328 = arith.mulf %add3A_1327, %sub3A_1304 : vector<16xf32>
        %add3A_1329 = arith.constant 0.200007141 : f32
        %add3A_1330 = vector.broadcast %add3A_1329 : f32 to vector<16xf32>
        %add3A_1331 = arith.addf %mul3A_1328, %add3A_1330 : vector<16xf32>
        %mul3A_1332 = arith.mulf %add3A_1331, %sub3A_1304 : vector<16xf32>
        %add3A_1333 = arith.constant -0.24999994 : f32
        %add3A_1334 = vector.broadcast %add3A_1333 : f32 to vector<16xf32>
        %add3A_1335 = arith.addf %mul3A_1332, %add3A_1334 : vector<16xf32>
        %mul3A_1336 = arith.mulf %add3A_1335, %sub3A_1304 : vector<16xf32>
        %add3A_1337 = arith.constant 0.333333313 : f32
        %add3A_1338 = vector.broadcast %add3A_1337 : f32 to vector<16xf32>
        %add3A_1339 = arith.addf %mul3A_1336, %add3A_1338 : vector<16xf32>
        %mul3A_1340 = arith.mulf %add3A_1339, %sub3A_1304 : vector<16xf32>
        %mul3A_1341 = arith.mulf %mul3A_1340, %mul3A_1305 : vector<16xf32>
        %convert_element_type3A_1342 = arith.sitofp %add3A_1297 : vector<16xi32> to vector<16xf32>
        %mul3A_1343 = arith.constant -2.12194442E-4 : f32
        %mul3A_1344 = vector.broadcast %mul3A_1343 : f32 to vector<16xf32>
        %mul3A_1345 = arith.mulf %convert_element_type3A_1342, %mul3A_1344 : vector<16xf32>
        %add3A_1346 = arith.addf %mul3A_1341, %mul3A_1345 : vector<16xf32>
        %mul3A_1347 = arith.constant 5.000000e-01 : f32
        %mul3A_1348 = vector.broadcast %mul3A_1347 : f32 to vector<16xf32>
        %mul3A_1349 = arith.mulf %mul3A_1348, %mul3A_1305 : vector<16xf32>
        %sub3A_1350 = arith.subf %add3A_1346, %mul3A_1349 : vector<16xf32>
        %add3A_1351 = arith.addf %sub3A_1304, %sub3A_1350 : vector<16xf32>
        %mul3A_1352 = arith.constant 0.693359375 : f32
        %mul3A_1353 = vector.broadcast %mul3A_1352 : f32 to vector<16xf32>
        %mul3A_1354 = arith.mulf %convert_element_type3A_1342, %mul3A_1353 : vector<16xf32>
        %add3A_1355 = arith.addf %add3A_1351, %mul3A_1354 : vector<16xf32>
        %neg3A_1356 = arith.constant 0.000000e+00 : f32
        %neg3A_1357 = vector.broadcast %neg3A_1356 : f32 to vector<16xf32>
        %neg3A_1358 = arith.subf %neg3A_1357, %add3A_1355 : vector<16xf32>
        %bitcast_convert_type3A_1359 = tpu.bitcast %neg3A_1358 : vector<16xf32> -> vector<16xi32>
        %shift_right_arithmetic3A_1360 = arith.constant 23 : i32
        %shift_right_arithmetic3A_1361 = vector.broadcast %shift_right_arithmetic3A_1360 : i32 to vector<16xi32>
        %shift_right_arithmetic3A_1362 = arith.shrsi %bitcast_convert_type3A_1359, %shift_right_arithmetic3A_1361 : vector<16xi32>
        %sub3A_1363 = arith.constant 127 : i32
        %sub3A_1364 = vector.broadcast %sub3A_1363 : i32 to vector<16xi32>
        %sub3A_1365 = arith.subi %shift_right_arithmetic3A_1362, %sub3A_1364 : vector<16xi32>
        %and3A_1366 = arith.constant 8388607 : i32
        %and3A_1367 = vector.broadcast %and3A_1366 : i32 to vector<16xi32>
        %and3A_1368 = arith.andi %bitcast_convert_type3A_1359, %and3A_1367 : vector<16xi32>
        %or3A_1369 = arith.constant 1065353216 : i32
        %or3A_1370 = vector.broadcast %or3A_1369 : i32 to vector<16xi32>
        %or3A_1371 = arith.ori %and3A_1368, %or3A_1370 : vector<16xi32>
        %bitcast_convert_type3A_1372 = tpu.bitcast %or3A_1371 : vector<16xi32> -> vector<16xf32>
        %gt3A_1373 = arith.constant 1.41421354 : f32
        %gt3A_1374 = vector.broadcast %gt3A_1373 : f32 to vector<16xf32>
        %gt3A_1375 = arith.cmpf ogt, %bitcast_convert_type3A_1372, %gt3A_1374 : vector<16xf32>
        %jit3A_1376 = arith.constant 1 : i32
        %jit3A_1377 = arith.constant 0 : i32
        %broadcast_in_dim3A_1378 = vector.broadcast %jit3A_1376 : i32 to vector<16xi32>
        %broadcast_in_dim3A_1379 = vector.broadcast %jit3A_1377 : i32 to vector<16xi32>
        %select_n3A_1380 = arith.select %gt3A_1375, %broadcast_in_dim3A_1378, %broadcast_in_dim3A_1379 : vector<16xi1>, vector<16xi32>
        %add3A_1381 = arith.addi %sub3A_1365, %select_n3A_1380 : vector<16xi32>
        %mul3A_1382 = arith.constant 5.000000e-01 : f32
        %mul3A_1383 = vector.broadcast %mul3A_1382 : f32 to vector<16xf32>
        %mul3A_1384 = arith.mulf %bitcast_convert_type3A_1372, %mul3A_1383 : vector<16xf32>
        %select_n3A_1385 = arith.select %gt3A_1375, %mul3A_1384, %bitcast_convert_type3A_1372 : vector<16xi1>, vector<16xf32>
        %sub3A_1386 = arith.constant 1.000000e+00 : f32
        %sub3A_1387 = vector.broadcast %sub3A_1386 : f32 to vector<16xf32>
        %sub3A_1388 = arith.subf %select_n3A_1385, %sub3A_1387 : vector<16xf32>
        %mul3A_1389 = arith.mulf %sub3A_1388, %sub3A_1388 : vector<16xf32>
        %broadcast_in_dim3A_1390 = arith.constant 0.0703768358 : f32
        %broadcast_in_dim3A_1391 = vector.broadcast %broadcast_in_dim3A_1390 : f32 to vector<16xf32>
        %mul3A_1392 = arith.mulf %broadcast_in_dim3A_1391, %sub3A_1388 : vector<16xf32>
        %add3A_1393 = arith.constant -0.115146101 : f32
        %add3A_1394 = vector.broadcast %add3A_1393 : f32 to vector<16xf32>
        %add3A_1395 = arith.addf %mul3A_1392, %add3A_1394 : vector<16xf32>
        %mul3A_1396 = arith.mulf %add3A_1395, %sub3A_1388 : vector<16xf32>
        %add3A_1397 = arith.constant 0.116769984 : f32
        %add3A_1398 = vector.broadcast %add3A_1397 : f32 to vector<16xf32>
        %add3A_1399 = arith.addf %mul3A_1396, %add3A_1398 : vector<16xf32>
        %mul3A_1400 = arith.mulf %add3A_1399, %sub3A_1388 : vector<16xf32>
        %add3A_1401 = arith.constant -0.12420141 : f32
        %add3A_1402 = vector.broadcast %add3A_1401 : f32 to vector<16xf32>
        %add3A_1403 = arith.addf %mul3A_1400, %add3A_1402 : vector<16xf32>
        %mul3A_1404 = arith.mulf %add3A_1403, %sub3A_1388 : vector<16xf32>
        %add3A_1405 = arith.constant 0.142493233 : f32
        %add3A_1406 = vector.broadcast %add3A_1405 : f32 to vector<16xf32>
        %add3A_1407 = arith.addf %mul3A_1404, %add3A_1406 : vector<16xf32>
        %mul3A_1408 = arith.mulf %add3A_1407, %sub3A_1388 : vector<16xf32>
        %add3A_1409 = arith.constant -0.166680574 : f32
        %add3A_1410 = vector.broadcast %add3A_1409 : f32 to vector<16xf32>
        %add3A_1411 = arith.addf %mul3A_1408, %add3A_1410 : vector<16xf32>
        %mul3A_1412 = arith.mulf %add3A_1411, %sub3A_1388 : vector<16xf32>
        %add3A_1413 = arith.constant 0.200007141 : f32
        %add3A_1414 = vector.broadcast %add3A_1413 : f32 to vector<16xf32>
        %add3A_1415 = arith.addf %mul3A_1412, %add3A_1414 : vector<16xf32>
        %mul3A_1416 = arith.mulf %add3A_1415, %sub3A_1388 : vector<16xf32>
        %add3A_1417 = arith.constant -0.24999994 : f32
        %add3A_1418 = vector.broadcast %add3A_1417 : f32 to vector<16xf32>
        %add3A_1419 = arith.addf %mul3A_1416, %add3A_1418 : vector<16xf32>
        %mul3A_1420 = arith.mulf %add3A_1419, %sub3A_1388 : vector<16xf32>
        %add3A_1421 = arith.constant 0.333333313 : f32
        %add3A_1422 = vector.broadcast %add3A_1421 : f32 to vector<16xf32>
        %add3A_1423 = arith.addf %mul3A_1420, %add3A_1422 : vector<16xf32>
        %mul3A_1424 = arith.mulf %add3A_1423, %sub3A_1388 : vector<16xf32>
        %mul3A_1425 = arith.mulf %mul3A_1424, %mul3A_1389 : vector<16xf32>
        %convert_element_type3A_1426 = arith.sitofp %add3A_1381 : vector<16xi32> to vector<16xf32>
        %mul3A_1427 = arith.constant -2.12194442E-4 : f32
        %mul3A_1428 = vector.broadcast %mul3A_1427 : f32 to vector<16xf32>
        %mul3A_1429 = arith.mulf %convert_element_type3A_1426, %mul3A_1428 : vector<16xf32>
        %add3A_1430 = arith.addf %mul3A_1425, %mul3A_1429 : vector<16xf32>
        %mul3A_1431 = arith.constant 5.000000e-01 : f32
        %mul3A_1432 = vector.broadcast %mul3A_1431 : f32 to vector<16xf32>
        %mul3A_1433 = arith.mulf %mul3A_1432, %mul3A_1389 : vector<16xf32>
        %sub3A_1434 = arith.subf %add3A_1430, %mul3A_1433 : vector<16xf32>
        %add3A_1435 = arith.addf %sub3A_1388, %sub3A_1434 : vector<16xf32>
        %mul3A_1436 = arith.constant 0.693359375 : f32
        %mul3A_1437 = vector.broadcast %mul3A_1436 : f32 to vector<16xf32>
        %mul3A_1438 = arith.mulf %convert_element_type3A_1426, %mul3A_1437 : vector<16xf32>
        %add3A_1439 = arith.addf %add3A_1435, %mul3A_1438 : vector<16xf32>
        %neg3A_1440 = arith.constant 0.000000e+00 : f32
        %neg3A_1441 = vector.broadcast %neg3A_1440 : f32 to vector<16xf32>
        %neg3A_1442 = arith.subf %neg3A_1441, %add3A_1439 : vector<16xf32>
        %get3A_1443 = arith.index_cast %select_n3A_543 : i32 to index
        %get3A_1444 = arith.index_cast %mul3A_1015 : i32 to index
        %get3A_1445 = tpu.vector_load %arg8[%get3A_1443, %get3A_1444] {strides = array<i32>} : memref<8x1536xf32, #tpu.memory_space<vmem>>, vector<1x16xf32>,
        %get3A_1446 = vector.shape_cast %get3A_1445 : vector<1x16xf32> to vector<16xf32>
        %add3A_1447 = arith.addf %get3A_1446, %neg3A_1442 : vector<16xf32>
        %get3A_1448 = arith.index_cast %select_n3A_543 : i32 to index
        %get3A_1449 = arith.constant 16 : index
        %get3A_1450 = tpu.vector_load %arg10[%get3A_1448, %get3A_1449] {strides = array<i32>} : memref<8x32xf32, #tpu.memory_space<vmem>>, vector<1x16xf32>,
        %get3A_1451 = vector.shape_cast %get3A_1450 : vector<1x16xf32> to vector<16xf32>
        %gt3A_1452 = arith.cmpf ogt, %add3A_1447, %get3A_1451 : vector<16xf32>
        %get3A_1453 = arith.index_cast %select_n3A_543 : i32 to index
        %get3A_1454 = arith.constant 16 : index
        %get3A_1455 = tpu.vector_load %arg9[%get3A_1453, %get3A_1454] {strides = array<i32>} : memref<8x32xf32, #tpu.memory_space<vmem>>, vector<1x16xf32>,
        %get3A_1456 = vector.shape_cast %get3A_1455 : vector<1x16xf32> to vector<16xf32>
        %exp3A_1457 = math.exp %get3A_1446 : vector<16xf32>
        %add3A_1458 = arith.addf %get3A_1456, %exp3A_1457 : vector<16xf32>
        %swap3A_1459 = arith.index_cast %select_n3A_543 : i32 to index
        %swap3A_1460 = arith.constant 16 : index
        %swap3A_1461 = tpu.vector_load %arg9[%swap3A_1459, %swap3A_1460] {strides = array<i32>} : memref<8x32xf32, #tpu.memory_space<vmem>>, vector<1x16xf32>,
        %swap3A_1462 = vector.shape_cast %swap3A_1461 : vector<1x16xf32> to vector<16xf32>
        %swap3A_1463 = vector.shape_cast %add3A_1458 : vector<16xf32> to vector<1x16xf32>
        tpu.vector_store %arg9[%swap3A_1459, %swap3A_1460], %swap3A_1463 {strides = array<i32>} : memref<8x32xf32, #tpu.memory_space<vmem>>, vector<1x16xf32>,
        %select_n3A_1464 = arith.select %gt3A_1452, %add3A_1447, %get3A_1451 : vector<16xi1>, vector<16xf32>
        %swap3A_1465 = arith.index_cast %select_n3A_543 : i32 to index
        %swap3A_1466 = arith.constant 16 : index
        %swap3A_1467 = tpu.vector_load %arg10[%swap3A_1465, %swap3A_1466] {strides = array<i32>} : memref<8x32xf32, #tpu.memory_space<vmem>>, vector<1x16xf32>,
        %swap3A_1468 = vector.shape_cast %swap3A_1467 : vector<1x16xf32> to vector<16xf32>
        %swap3A_1469 = vector.shape_cast %select_n3A_1464 : vector<16xf32> to vector<1x16xf32>
        tpu.vector_store %arg10[%swap3A_1465, %swap3A_1466], %swap3A_1469 {strides = array<i32>} : memref<8x32xf32, #tpu.memory_space<vmem>>, vector<1x16xf32>,
        %get3A_1470 = arith.index_cast %select_n3A_543 : i32 to index
        %get3A_1471 = arith.constant 16 : index
        %get3A_1472 = tpu.vector_load %arg11[%get3A_1470, %get3A_1471] {strides = array<i32>} : memref<8x32xi32, #tpu.memory_space<vmem>>, vector<1x16xi32>,
        %get3A_1473 = vector.shape_cast %get3A_1472 : vector<1x16xi32> to vector<16xi32>
        %select_n3A_1474 = arith.select %gt3A_1452, %add3A_1021, %get3A_1473 : vector<16xi1>, vector<16xi32>
        %swap3A_1475 = arith.index_cast %select_n3A_543 : i32 to index
        %swap3A_1476 = arith.constant 16 : index
        %swap3A_1477 = tpu.vector_load %arg11[%swap3A_1475, %swap3A_1476] {strides = array<i32>} : memref<8x32xi32, #tpu.memory_space<vmem>>, vector<1x16xi32>,
        %swap3A_1478 = vector.shape_cast %swap3A_1477 : vector<1x16xi32> to vector<16xi32>
        %swap3A_1479 = vector.shape_cast %select_n3A_1474 : vector<16xi32> to vector<1x16xi32>
        tpu.vector_store %arg11[%swap3A_1475, %swap3A_1476], %swap3A_1479 {strides = array<i32>} : memref<8x32xi32, #tpu.memory_space<vmem>>, vector<1x16xi32>,
        %scan3A_1480 = arith.constant 0 : i32
        scf.yield %scan3A_1480 : i32
      }
      %scan3A_507 = arith.constant 384 : i32
      %min3A_508 = arith.constant 11 : i32
      %min3A_509 = arith.minsi %add3A_494, %min3A_508 : i32
      %mul3A_510 = arith.constant 8 : i32
      %mul3A_511 = arith.muli %mul3A_510, %select_n3A : i32
      %mul3A_512 = arith.constant 1536 : i32
      %mul3A_513 = arith.muli %min3A_509, %mul3A_512 : i32
      %add3A_514 = arith.addi %mul3A_32, %mul3A_513 : i32
      %dma_start3A_515 = tpu.memref_slice %arg2[%mul3A_511, %add3A_514] : memref<32x1000000xf32, #tpu.memory_space<hbm>> -> memref<8x1536xf32, #tpu.memory_space<hbm>>
      %dma_start3A_516 = tpu.memref_slice %arg2[%mul3A_511, %add3A_514] : memref<32x1000000xf32, #tpu.memory_space<hbm>> -> memref<8x1536xf32, #tpu.memory_space<hbm>>
      tpu.enqueue_dma source(%dma_start3A_516 : memref<8x1536xf32, #tpu.memory_space<hbm>>) target(%arg8 : memref<8x1536xf32, #tpu.memory_space<vmem>>) target_semaphore(%arg17 : memref<!tpu.dma_semaphore, #tpu.memory_space<semaphore_mem>>)
      %scan3A_517 = arith.constant 0 : i32
      scf.yield %scan3A_517 : i32
    }
    %scan3A_438 = arith.constant 6 : i32
    %dma_wait3A = arith.constant 0 : i32
    %dma_wait3A_439 = arith.constant 0 : i32
    %dma_wait3A_440 = tpu.memref_slice %arg2[%dma_wait3A, %dma_wait3A_439] : memref<32x1000000xf32, #tpu.memory_space<hbm>> -> memref<8x1536xf32, #tpu.memory_space<hbm>>
    %dma_wait3A_441 = arith.constant 0 : i32
    %dma_wait3A_442 = arith.constant 0 : i32
    %dma_wait3A_443 = tpu.memref_slice %arg2[%dma_wait3A_441, %dma_wait3A_442] : memref<32x1000000xf32, #tpu.memory_space<hbm>> -> memref<8x1536xf32, #tpu.memory_space<hbm>>
    tpu.wait_dma2 semaphore(%arg16 : memref<!tpu.dma_semaphore, #tpu.memory_space<semaphore_mem>>) src(%dma_wait3A_443 : memref<8x1536xf32, #tpu.memory_space<hbm>>) dst(%arg7 : memref<8x1536xf32, #tpu.memory_space<vmem>>)
    %dma_wait3A_444 = arith.constant 0 : i32
    %dma_wait3A_445 = arith.constant 0 : i32
    %dma_wait3A_446 = tpu.memref_slice %arg2[%dma_wait3A_444, %dma_wait3A_445] : memref<32x1000000xf32, #tpu.memory_space<hbm>> -> memref<8x1536xf32, #tpu.memory_space<hbm>>
    %dma_wait3A_447 = arith.constant 0 : i32
    %dma_wait3A_448 = arith.constant 0 : i32
    %dma_wait3A_449 = tpu.memref_slice %arg2[%dma_wait3A_447, %dma_wait3A_448] : memref<32x1000000xf32, #tpu.memory_space<hbm>> -> memref<8x1536xf32, #tpu.memory_space<hbm>>
    tpu.wait_dma2 semaphore(%arg17 : memref<!tpu.dma_semaphore, #tpu.memory_space<semaphore_mem>>) src(%dma_wait3A_449 : memref<8x1536xf32, #tpu.memory_space<hbm>>) dst(%arg8 : memref<8x1536xf32, #tpu.memory_space<vmem>>)
    %scan3A_450 = arith.constant 0 : i32
    %scan3A_451 = arith.constant 0 : i32
    %scan3A_452 = arith.constant 8 : i32
    %scan3A_453 = arith.addi %scan3A_451, %scan3A_452 : i32
    %scan3A_454 = arith.constant 1 : i32
    %scan3A_455 = scf.for %scan3A_457 = %scan3A_451 to %scan3A_453 step %scan3A_454 iter_args(%scan3A_458 = %scan3A_450) -> (i32)  : i32 {
      %mul3A_459 = arith.constant 8 : i32
      %mul3A_460 = arith.muli %mul3A_459, %select_n3A : i32
      %add3A_461 = arith.addi %mul3A_460, %scan3A_457 : i32
      %mul3A_462 = arith.constant 1000000 : i32
      %mul3A_463 = arith.muli %add3A_461, %mul3A_462 : i32
      %get3A = arith.index_cast %scan3A_457 : i32 to index
      %get3A_464 = arith.constant 0 : index
      %get3A_465 = tpu.vector_load %arg9[%get3A, %get3A_464] {strides = array<i32>} : memref<8x32xf32, #tpu.memory_space<vmem>>, vector<1x16xf32>,
      %get3A_466 = vector.shape_cast %get3A_465 : vector<1x16xf32> to vector<16xf32>
      %get3A_467 = arith.index_cast %scan3A_457 : i32 to index
      %get3A_468 = arith.constant 0 : index
      %get3A_469 = tpu.vector_load %arg10[%get3A_467, %get3A_468] {strides = array<i32>} : memref<8x32xf32, #tpu.memory_space<vmem>>, vector<1x16xf32>,
      %get3A_470 = vector.shape_cast %get3A_469 : vector<1x16xf32> to vector<16xf32>
      %get3A_471 = arith.index_cast %scan3A_457 : i32 to index
      %get3A_472 = arith.constant 0 : index
      %get3A_473 = tpu.vector_load %arg11[%get3A_471, %get3A_472] {strides = array<i32>} : memref<8x32xi32, #tpu.memory_space<vmem>>, vector<1x16xi32>,
      %get3A_474 = vector.shape_cast %get3A_473 : vector<1x16xi32> to vector<16xi32>
      %get3A_475 = arith.index_cast %scan3A_457 : i32 to index
      %get3A_476 = arith.constant 16 : index
      %get3A_477 = tpu.vector_load %arg9[%get3A_475, %get3A_476] {strides = array<i32>} : memref<8x32xf32, #tpu.memory_space<vmem>>, vector<1x16xf32>,
      %get3A_478 = vector.shape_cast %get3A_477 : vector<1x16xf32> to vector<16xf32>
      %get3A_479 = arith.index_cast %scan3A_457 : i32 to index
      %get3A_480 = arith.constant 16 : index
      %get3A_481 = tpu.vector_load %arg10[%get3A_479, %get3A_480] {strides = array<i32>} : memref<8x32xf32, #tpu.memory_space<vmem>>, vector<1x16xf32>,
      %get3A_482 = vector.shape_cast %get3A_481 : vector<1x16xf32> to vector<16xf32>
      %get3A_483 = arith.index_cast %scan3A_457 : i32 to index
      %get3A_484 = arith.constant 16 : index
      %get3A_485 = tpu.vector_load %arg11[%get3A_483, %get3A_484] {strides = array<i32>} : memref<8x32xi32, #tpu.memory_space<vmem>>, vector<1x16xi32>,
      %get3A_486 = vector.shape_cast %get3A_485 : vector<1x16xi32> to vector<16xi32>
      %add3A_487 = arith.addf %get3A_466, %get3A_478 : vector<16xf32>
      %gt3A = arith.cmpf ogt, %get3A_482, %get3A_470 : vector<16xf32>
      %select_n3A_488 = arith.select %gt3A, %get3A_482, %get3A_470 : vector<16xi1>, vector<16xf32>
      %select_n3A_489 = arith.select %gt3A, %get3A_486, %get3A_474 : vector<16xi1>, vector<16xi32>
      %add3A_490 = vector.broadcast %mul3A_463 : i32 to vector<16xi32>
      %add3A_491 = arith.addi %add3A_490, %select_n3A_489 : vector<16xi32>
      %bitcast_convert_type3A = tpu.bitcast %add3A_491 : vector<16xi32> -> vector<16xi32>
      %broadcast_in_dim3A_492 = arith.constant 0 : i32
      %broadcast_in_dim3A_493 = vector.broadcast %broadcast_in_dim3A_492 : i32 to vector<16xi32>
      %add3A_494 = arith.constant 0 : i32
      %add3A_495 = vector.broadcast %add3A_494 : i32 to vector<16xi32>
      %add3A_496 = arith.addi %broadcast_in_dim3A_493, %add3A_495 : vector<16xi32>
      %add3A_497 = arith.constant 42 : i32
      %add3A_498 = vector.broadcast %add3A_497 : i32 to vector<16xi32>
      %add3A_499 = arith.addi %bitcast_convert_type3A, %add3A_498 : vector<16xi32>
      %add3A_500 = arith.addi %add3A_496, %add3A_499 : vector<16xi32>
      %shift_left3A = arith.constant 13 : i32
      %shift_left3A_501 = vector.broadcast %shift_left3A : i32 to vector<16xi32>
      %shift_left3A_502 = arith.shli %add3A_499, %shift_left3A_501 : vector<16xi32>
      %shift_right_logical3A = arith.constant 19 : i32
      %shift_right_logical3A_503 = vector.broadcast %shift_right_logical3A : i32 to vector<16xi32>
      %shift_right_logical3A_504 = arith.shrui %add3A_499, %shift_right_logical3A_503 : vector<16xi32>
      %or3A = arith.ori %shift_left3A_502, %shift_right_logical3A_504 : vector<16xi32>
      %xor3A = arith.xori %add3A_500, %or3A : vector<16xi32>
      %add3A_505 = arith.addi %add3A_500, %xor3A : vector<16xi32>
      %shift_left3A_506 = arith.constant 15 : i32
      %shift_left3A_507 = vector.broadcast %shift_left3A_506 : i32 to vector<16xi32>
      %shift_left3A_508 = arith.shli %xor3A, %shift_left3A_507 : vector<16xi32>
      %shift_right_logical3A_509 = arith.constant 17 : i32
      %shift_right_logical3A_510 = vector.broadcast %shift_right_logical3A_509 : i32 to vector<16xi32>
      %shift_right_logical3A_511 = arith.shrui %xor3A, %shift_right_logical3A_510 : vector<16xi32>
      %or3A_512 = arith.ori %shift_left3A_508, %shift_right_logical3A_511 : vector<16xi32>
      %xor3A_513 = arith.xori %add3A_505, %or3A_512 : vector<16xi32>
      %add3A_514 = arith.addi %add3A_505, %xor3A_513 : vector<16xi32>
      %shift_left3A_515 = arith.constant 26 : i32
      %shift_left3A_516 = vector.broadcast %shift_left3A_515 : i32 to vector<16xi32>
      %shift_left3A_517 = arith.shli %xor3A_513, %shift_left3A_516 : vector<16xi32>
      %shift_right_logical3A_518 = arith.constant 6 : i32
      %shift_right_logical3A_519 = vector.broadcast %shift_right_logical3A_518 : i32 to vector<16xi32>
      %shift_right_logical3A_520 = arith.shrui %xor3A_513, %shift_right_logical3A_519 : vector<16xi32>
      %or3A_521 = arith.ori %shift_left3A_517, %shift_right_logical3A_520 : vector<16xi32>
      %xor3A_522 = arith.xori %add3A_514, %or3A_521 : vector<16xi32>
      %add3A_523 = arith.addi %add3A_514, %xor3A_522 : vector<16xi32>
      %shift_left3A_524 = arith.constant 6 : i32
      %shift_left3A_525 = vector.broadcast %shift_left3A_524 : i32 to vector<16xi32>
      %shift_left3A_526 = arith.shli %xor3A_522, %shift_left3A_525 : vector<16xi32>
      %shift_right_logical3A_527 = arith.constant 26 : i32
      %shift_right_logical3A_528 = vector.broadcast %shift_right_logical3A_527 : i32 to vector<16xi32>
      %shift_right_logical3A_529 = arith.shrui %xor3A_522, %shift_right_logical3A_528 : vector<16xi32>
      %or3A_530 = arith.ori %shift_left3A_526, %shift_right_logical3A_529 : vector<16xi32>
      %xor3A_531 = arith.xori %add3A_523, %or3A_530 : vector<16xi32>
      %add3A_532 = arith.constant 42 : i32
      %add3A_533 = vector.broadcast %add3A_532 : i32 to vector<16xi32>
      %add3A_534 = arith.addi %add3A_523, %add3A_533 : vector<16xi32>
      %add3A_535 = arith.constant 466689008 : i32
      %add3A_536 = vector.broadcast %add3A_535 : i32 to vector<16xi32>
      %add3A_537 = arith.addi %xor3A_531, %add3A_536 : vector<16xi32>
      %add3A_538 = arith.constant 1 : i32
      %add3A_539 = vector.broadcast %add3A_538 : i32 to vector<16xi32>
      %add3A_540 = arith.addi %add3A_537, %add3A_539 : vector<16xi32>
      %add3A_541 = arith.addi %add3A_534, %add3A_540 : vector<16xi32>
      %shift_left3A_542 = arith.constant 17 : i32
      %shift_left3A_543 = vector.broadcast %shift_left3A_542 : i32 to vector<16xi32>
      %shift_left3A_544 = arith.shli %add3A_540, %shift_left3A_543 : vector<16xi32>
      %shift_right_logical3A_545 = arith.constant 15 : i32
      %shift_right_logical3A_546 = vector.broadcast %shift_right_logical3A_545 : i32 to vector<16xi32>
      %shift_right_logical3A_547 = arith.shrui %add3A_540, %shift_right_logical3A_546 : vector<16xi32>
      %or3A_548 = arith.ori %shift_left3A_544, %shift_right_logical3A_547 : vector<16xi32>
      %xor3A_549 = arith.xori %add3A_541, %or3A_548 : vector<16xi32>
      %add3A_550 = arith.addi %add3A_541, %xor3A_549 : vector<16xi32>
      %shift_left3A_551 = arith.constant 29 : i32
      %shift_left3A_552 = vector.broadcast %shift_left3A_551 : i32 to vector<16xi32>
      %shift_left3A_553 = arith.shli %xor3A_549, %shift_left3A_552 : vector<16xi32>
      %shift_right_logical3A_554 = arith.constant 3 : i32
      %shift_right_logical3A_555 = vector.broadcast %shift_right_logical3A_554 : i32 to vector<16xi32>
      %shift_right_logical3A_556 = arith.shrui %xor3A_549, %shift_right_logical3A_555 : vector<16xi32>
      %or3A_557 = arith.ori %shift_left3A_553, %shift_right_logical3A_556 : vector<16xi32>
      %xor3A_558 = arith.xori %add3A_550, %or3A_557 : vector<16xi32>
      %add3A_559 = arith.addi %add3A_550, %xor3A_558 : vector<16xi32>
      %shift_left3A_560 = arith.constant 16 : i32
      %shift_left3A_561 = vector.broadcast %shift_left3A_560 : i32 to vector<16xi32>
      %shift_left3A_562 = arith.shli %xor3A_558, %shift_left3A_561 : vector<16xi32>
      %shift_right_logical3A_563 = arith.constant 16 : i32
      %shift_right_logical3A_564 = vector.broadcast %shift_right_logical3A_563 : i32 to vector<16xi32>
      %shift_right_logical3A_565 = arith.shrui %xor3A_558, %shift_right_logical3A_564 : vector<16xi32>
      %or3A_566 = arith.ori %shift_left3A_562, %shift_right_logical3A_565 : vector<16xi32>
      %xor3A_567 = arith.xori %add3A_559, %or3A_566 : vector<16xi32>
      %add3A_568 = arith.addi %add3A_559, %xor3A_567 : vector<16xi32>
      %shift_left3A_569 = arith.constant 24 : i32
      %shift_left3A_570 = vector.broadcast %shift_left3A_569 : i32 to vector<16xi32>
      %shift_left3A_571 = arith.shli %xor3A_567, %shift_left3A_570 : vector<16xi32>
      %shift_right_logical3A_572 = arith.constant 8 : i32
      %shift_right_logical3A_573 = vector.broadcast %shift_right_logical3A_572 : i32 to vector<16xi32>
      %shift_right_logical3A_574 = arith.shrui %xor3A_567, %shift_right_logical3A_573 : vector<16xi32>
      %or3A_575 = arith.ori %shift_left3A_571, %shift_right_logical3A_574 : vector<16xi32>
      %xor3A_576 = arith.xori %add3A_568, %or3A_575 : vector<16xi32>
      %add3A_577 = arith.constant 466689008 : i32
      %add3A_578 = vector.broadcast %add3A_577 : i32 to vector<16xi32>
      %add3A_579 = arith.addi %add3A_568, %add3A_578 : vector<16xi32>
      %add3A_580 = arith.constant 0 : i32
      %add3A_581 = vector.broadcast %add3A_580 : i32 to vector<16xi32>
      %add3A_582 = arith.addi %xor3A_576, %add3A_581 : vector<16xi32>
      %add3A_583 = arith.constant 2 : i32
      %add3A_584 = vector.broadcast %add3A_583 : i32 to vector<16xi32>
      %add3A_585 = arith.addi %add3A_582, %add3A_584 : vector<16xi32>
      %add3A_586 = arith.addi %add3A_579, %add3A_585 : vector<16xi32>
      %shift_left3A_587 = arith.constant 13 : i32
      %shift_left3A_588 = vector.broadcast %shift_left3A_587 : i32 to vector<16xi32>
      %shift_left3A_589 = arith.shli %add3A_585, %shift_left3A_588 : vector<16xi32>
      %shift_right_logical3A_590 = arith.constant 19 : i32
      %shift_right_logical3A_591 = vector.broadcast %shift_right_logical3A_590 : i32 to vector<16xi32>
      %shift_right_logical3A_592 = arith.shrui %add3A_585, %shift_right_logical3A_591 : vector<16xi32>
      %or3A_593 = arith.ori %shift_left3A_589, %shift_right_logical3A_592 : vector<16xi32>
      %xor3A_594 = arith.xori %add3A_586, %or3A_593 : vector<16xi32>
      %add3A_595 = arith.addi %add3A_586, %xor3A_594 : vector<16xi32>
      %shift_left3A_596 = arith.constant 15 : i32
      %shift_left3A_597 = vector.broadcast %shift_left3A_596 : i32 to vector<16xi32>
      %shift_left3A_598 = arith.shli %xor3A_594, %shift_left3A_597 : vector<16xi32>
      %shift_right_logical3A_599 = arith.constant 17 : i32
      %shift_right_logical3A_600 = vector.broadcast %shift_right_logical3A_599 : i32 to vector<16xi32>
      %shift_right_logical3A_601 = arith.shrui %xor3A_594, %shift_right_logical3A_600 : vector<16xi32>
      %or3A_602 = arith.ori %shift_left3A_598, %shift_right_logical3A_601 : vector<16xi32>
      %xor3A_603 = arith.xori %add3A_595, %or3A_602 : vector<16xi32>
      %add3A_604 = arith.addi %add3A_595, %xor3A_603 : vector<16xi32>
      %shift_left3A_605 = arith.constant 26 : i32
      %shift_left3A_606 = vector.broadcast %shift_left3A_605 : i32 to vector<16xi32>
      %shift_left3A_607 = arith.shli %xor3A_603, %shift_left3A_606 : vector<16xi32>
      %shift_right_logical3A_608 = arith.constant 6 : i32
      %shift_right_logical3A_609 = vector.broadcast %shift_right_logical3A_608 : i32 to vector<16xi32>
      %shift_right_logical3A_610 = arith.shrui %xor3A_603, %shift_right_logical3A_609 : vector<16xi32>
      %or3A_611 = arith.ori %shift_left3A_607, %shift_right_logical3A_610 : vector<16xi32>
      %xor3A_612 = arith.xori %add3A_604, %or3A_611 : vector<16xi32>
      %add3A_613 = arith.addi %add3A_604, %xor3A_612 : vector<16xi32>
      %shift_left3A_614 = arith.constant 6 : i32
      %shift_left3A_615 = vector.broadcast %shift_left3A_614 : i32 to vector<16xi32>
      %shift_left3A_616 = arith.shli %xor3A_612, %shift_left3A_615 : vector<16xi32>
      %shift_right_logical3A_617 = arith.constant 26 : i32
      %shift_right_logical3A_618 = vector.broadcast %shift_right_logical3A_617 : i32 to vector<16xi32>
      %shift_right_logical3A_619 = arith.shrui %xor3A_612, %shift_right_logical3A_618 : vector<16xi32>
      %or3A_620 = arith.ori %shift_left3A_616, %shift_right_logical3A_619 : vector<16xi32>
      %xor3A_621 = arith.xori %add3A_613, %or3A_620 : vector<16xi32>
      %add3A_622 = arith.constant 0 : i32
      %add3A_623 = vector.broadcast %add3A_622 : i32 to vector<16xi32>
      %add3A_624 = arith.addi %add3A_613, %add3A_623 : vector<16xi32>
      %add3A_625 = arith.constant 42 : i32
      %add3A_626 = vector.broadcast %add3A_625 : i32 to vector<16xi32>
      %add3A_627 = arith.addi %xor3A_621, %add3A_626 : vector<16xi32>
      %add3A_628 = arith.constant 3 : i32
      %add3A_629 = vector.broadcast %add3A_628 : i32 to vector<16xi32>
      %add3A_630 = arith.addi %add3A_627, %add3A_629 : vector<16xi32>
      %add3A_631 = arith.addi %add3A_624, %add3A_630 : vector<16xi32>
      %shift_left3A_632 = arith.constant 17 : i32
      %shift_left3A_633 = vector.broadcast %shift_left3A_632 : i32 to vector<16xi32>
      %shift_left3A_634 = arith.shli %add3A_630, %shift_left3A_633 : vector<16xi32>
      %shift_right_logical3A_635 = arith.constant 15 : i32
      %shift_right_logical3A_636 = vector.broadcast %shift_right_logical3A_635 : i32 to vector<16xi32>
      %shift_right_logical3A_637 = arith.shrui %add3A_630, %shift_right_logical3A_636 : vector<16xi32>
      %or3A_638 = arith.ori %shift_left3A_634, %shift_right_logical3A_637 : vector<16xi32>
      %xor3A_639 = arith.xori %add3A_631, %or3A_638 : vector<16xi32>
      %add3A_640 = arith.addi %add3A_631, %xor3A_639 : vector<16xi32>
      %shift_left3A_641 = arith.constant 29 : i32
      %shift_left3A_642 = vector.broadcast %shift_left3A_641 : i32 to vector<16xi32>
      %shift_left3A_643 = arith.shli %xor3A_639, %shift_left3A_642 : vector<16xi32>
      %shift_right_logical3A_644 = arith.constant 3 : i32
      %shift_right_logical3A_645 = vector.broadcast %shift_right_logical3A_644 : i32 to vector<16xi32>
      %shift_right_logical3A_646 = arith.shrui %xor3A_639, %shift_right_logical3A_645 : vector<16xi32>
      %or3A_647 = arith.ori %shift_left3A_643, %shift_right_logical3A_646 : vector<16xi32>
      %xor3A_648 = arith.xori %add3A_640, %or3A_647 : vector<16xi32>
      %add3A_649 = arith.addi %add3A_640, %xor3A_648 : vector<16xi32>
      %shift_left3A_650 = arith.constant 16 : i32
      %shift_left3A_651 = vector.broadcast %shift_left3A_650 : i32 to vector<16xi32>
      %shift_left3A_652 = arith.shli %xor3A_648, %shift_left3A_651 : vector<16xi32>
      %shift_right_logical3A_653 = arith.constant 16 : i32
      %shift_right_logical3A_654 = vector.broadcast %shift_right_logical3A_653 : i32 to vector<16xi32>
      %shift_right_logical3A_655 = arith.shrui %xor3A_648, %shift_right_logical3A_654 : vector<16xi32>
      %or3A_656 = arith.ori %shift_left3A_652, %shift_right_logical3A_655 : vector<16xi32>
      %xor3A_657 = arith.xori %add3A_649, %or3A_656 : vector<16xi32>
      %add3A_658 = arith.addi %add3A_649, %xor3A_657 : vector<16xi32>
      %shift_left3A_659 = arith.constant 24 : i32
      %shift_left3A_660 = vector.broadcast %shift_left3A_659 : i32 to vector<16xi32>
      %shift_left3A_661 = arith.shli %xor3A_657, %shift_left3A_660 : vector<16xi32>
      %shift_right_logical3A_662 = arith.constant 8 : i32
      %shift_right_logical3A_663 = vector.broadcast %shift_right_logical3A_662 : i32 to vector<16xi32>
      %shift_right_logical3A_664 = arith.shrui %xor3A_657, %shift_right_logical3A_663 : vector<16xi32>
      %or3A_665 = arith.ori %shift_left3A_661, %shift_right_logical3A_664 : vector<16xi32>
      %xor3A_666 = arith.xori %add3A_658, %or3A_665 : vector<16xi32>
      %add3A_667 = arith.constant 42 : i32
      %add3A_668 = vector.broadcast %add3A_667 : i32 to vector<16xi32>
      %add3A_669 = arith.addi %add3A_658, %add3A_668 : vector<16xi32>
      %add3A_670 = arith.constant 466689008 : i32
      %add3A_671 = vector.broadcast %add3A_670 : i32 to vector<16xi32>
      %add3A_672 = arith.addi %xor3A_666, %add3A_671 : vector<16xi32>
      %add3A_673 = arith.constant 4 : i32
      %add3A_674 = vector.broadcast %add3A_673 : i32 to vector<16xi32>
      %add3A_675 = arith.addi %add3A_672, %add3A_674 : vector<16xi32>
      %add3A_676 = arith.addi %add3A_669, %add3A_675 : vector<16xi32>
      %shift_left3A_677 = arith.constant 13 : i32
      %shift_left3A_678 = vector.broadcast %shift_left3A_677 : i32 to vector<16xi32>
      %shift_left3A_679 = arith.shli %add3A_675, %shift_left3A_678 : vector<16xi32>
      %shift_right_logical3A_680 = arith.constant 19 : i32
      %shift_right_logical3A_681 = vector.broadcast %shift_right_logical3A_680 : i32 to vector<16xi32>
      %shift_right_logical3A_682 = arith.shrui %add3A_675, %shift_right_logical3A_681 : vector<16xi32>
      %or3A_683 = arith.ori %shift_left3A_679, %shift_right_logical3A_682 : vector<16xi32>
      %xor3A_684 = arith.xori %add3A_676, %or3A_683 : vector<16xi32>
      %add3A_685 = arith.addi %add3A_676, %xor3A_684 : vector<16xi32>
      %shift_left3A_686 = arith.constant 15 : i32
      %shift_left3A_687 = vector.broadcast %shift_left3A_686 : i32 to vector<16xi32>
      %shift_left3A_688 = arith.shli %xor3A_684, %shift_left3A_687 : vector<16xi32>
      %shift_right_logical3A_689 = arith.constant 17 : i32
      %shift_right_logical3A_690 = vector.broadcast %shift_right_logical3A_689 : i32 to vector<16xi32>
      %shift_right_logical3A_691 = arith.shrui %xor3A_684, %shift_right_logical3A_690 : vector<16xi32>
      %or3A_692 = arith.ori %shift_left3A_688, %shift_right_logical3A_691 : vector<16xi32>
      %xor3A_693 = arith.xori %add3A_685, %or3A_692 : vector<16xi32>
      %add3A_694 = arith.addi %add3A_685, %xor3A_693 : vector<16xi32>
      %shift_left3A_695 = arith.constant 26 : i32
      %shift_left3A_696 = vector.broadcast %shift_left3A_695 : i32 to vector<16xi32>
      %shift_left3A_697 = arith.shli %xor3A_693, %shift_left3A_696 : vector<16xi32>
      %shift_right_logical3A_698 = arith.constant 6 : i32
      %shift_right_logical3A_699 = vector.broadcast %shift_right_logical3A_698 : i32 to vector<16xi32>
      %shift_right_logical3A_700 = arith.shrui %xor3A_693, %shift_right_logical3A_699 : vector<16xi32>
      %or3A_701 = arith.ori %shift_left3A_697, %shift_right_logical3A_700 : vector<16xi32>
      %xor3A_702 = arith.xori %add3A_694, %or3A_701 : vector<16xi32>
      %add3A_703 = arith.addi %add3A_694, %xor3A_702 : vector<16xi32>
      %shift_left3A_704 = arith.constant 6 : i32
      %shift_left3A_705 = vector.broadcast %shift_left3A_704 : i32 to vector<16xi32>
      %shift_left3A_706 = arith.shli %xor3A_702, %shift_left3A_705 : vector<16xi32>
      %shift_right_logical3A_707 = arith.constant 26 : i32
      %shift_right_logical3A_708 = vector.broadcast %shift_right_logical3A_707 : i32 to vector<16xi32>
      %shift_right_logical3A_709 = arith.shrui %xor3A_702, %shift_right_logical3A_708 : vector<16xi32>
      %or3A_710 = arith.ori %shift_left3A_706, %shift_right_logical3A_709 : vector<16xi32>
      %xor3A_711 = arith.xori %add3A_703, %or3A_710 : vector<16xi32>
      %add3A_712 = arith.constant 466689008 : i32
      %add3A_713 = vector.broadcast %add3A_712 : i32 to vector<16xi32>
      %add3A_714 = arith.addi %add3A_703, %add3A_713 : vector<16xi32>
      %add3A_715 = arith.constant 0 : i32
      %add3A_716 = vector.broadcast %add3A_715 : i32 to vector<16xi32>
      %add3A_717 = arith.addi %xor3A_711, %add3A_716 : vector<16xi32>
      %add3A_718 = arith.constant 5 : i32
      %add3A_719 = vector.broadcast %add3A_718 : i32 to vector<16xi32>
      %add3A_720 = arith.addi %add3A_717, %add3A_719 : vector<16xi32>
      %xor3A_721 = arith.xori %add3A_714, %add3A_720 : vector<16xi32>
      %shift_right_logical3A_722 = arith.constant 9 : i32
      %shift_right_logical3A_723 = vector.broadcast %shift_right_logical3A_722 : i32 to vector<16xi32>
      %shift_right_logical3A_724 = arith.shrui %xor3A_721, %shift_right_logical3A_723 : vector<16xi32>
      %or3A_725 = arith.constant 1065353216 : i32
      %or3A_726 = vector.broadcast %or3A_725 : i32 to vector<16xi32>
      %or3A_727 = arith.ori %shift_right_logical3A_724, %or3A_726 : vector<16xi32>
      %bitcast_convert_type3A_728 = tpu.bitcast %or3A_727 : vector<16xi32> -> vector<16xf32>
      %sub3A_729 = arith.constant 1.000000e+00 : f32
      %sub3A_730 = vector.broadcast %sub3A_729 : f32 to vector<16xf32>
      %sub3A_731 = arith.subf %bitcast_convert_type3A_728, %sub3A_730 : vector<16xf32>
      %add3A_732 = arith.constant 1.17549435E-38 : f32
      %add3A_733 = vector.broadcast %add3A_732 : f32 to vector<16xf32>
      %add3A_734 = arith.addf %sub3A_731, %add3A_733 : vector<16xf32>
      %max3A = arith.constant 1.17549435E-38 : f32
      %max3A_735 = vector.broadcast %max3A : f32 to vector<16xf32>
      %max3A_736 = arith.maximumf %max3A_735, %add3A_734 : vector<16xf32>
      %bitcast_convert_type3A_737 = tpu.bitcast %max3A_736 : vector<16xf32> -> vector<16xi32>
      %shift_right_arithmetic3A = arith.constant 23 : i32
      %shift_right_arithmetic3A_738 = vector.broadcast %shift_right_arithmetic3A : i32 to vector<16xi32>
      %shift_right_arithmetic3A_739 = arith.shrsi %bitcast_convert_type3A_737, %shift_right_arithmetic3A_738 : vector<16xi32>
      %sub3A_740 = arith.constant 127 : i32
      %sub3A_741 = vector.broadcast %sub3A_740 : i32 to vector<16xi32>
      %sub3A_742 = arith.subi %shift_right_arithmetic3A_739, %sub3A_741 : vector<16xi32>
      %and3A_743 = arith.constant 8388607 : i32
      %and3A_744 = vector.broadcast %and3A_743 : i32 to vector<16xi32>
      %and3A_745 = arith.andi %bitcast_convert_type3A_737, %and3A_744 : vector<16xi32>
      %or3A_746 = arith.constant 1065353216 : i32
      %or3A_747 = vector.broadcast %or3A_746 : i32 to vector<16xi32>
      %or3A_748 = arith.ori %and3A_745, %or3A_747 : vector<16xi32>
      %bitcast_convert_type3A_749 = tpu.bitcast %or3A_748 : vector<16xi32> -> vector<16xf32>
      %gt3A_750 = arith.constant 1.41421354 : f32
      %gt3A_751 = vector.broadcast %gt3A_750 : f32 to vector<16xf32>
      %gt3A_752 = arith.cmpf ogt, %bitcast_convert_type3A_749, %gt3A_751 : vector<16xf32>
      %jit3A_753 = arith.constant 1 : i32
      %jit3A_754 = arith.constant 0 : i32
      %broadcast_in_dim3A_755 = vector.broadcast %jit3A_753 : i32 to vector<16xi32>
      %broadcast_in_dim3A_756 = vector.broadcast %jit3A_754 : i32 to vector<16xi32>
      %select_n3A_757 = arith.select %gt3A_752, %broadcast_in_dim3A_755, %broadcast_in_dim3A_756 : vector<16xi1>, vector<16xi32>
      %add3A_758 = arith.addi %sub3A_742, %select_n3A_757 : vector<16xi32>
      %mul3A_759 = arith.constant 5.000000e-01 : f32
      %mul3A_760 = vector.broadcast %mul3A_759 : f32 to vector<16xf32>
      %mul3A_761 = arith.mulf %bitcast_convert_type3A_749, %mul3A_760 : vector<16xf32>
      %select_n3A_762 = arith.select %gt3A_752, %mul3A_761, %bitcast_convert_type3A_749 : vector<16xi1>, vector<16xf32>
      %sub3A_763 = arith.constant 1.000000e+00 : f32
      %sub3A_764 = vector.broadcast %sub3A_763 : f32 to vector<16xf32>
      %sub3A_765 = arith.subf %select_n3A_762, %sub3A_764 : vector<16xf32>
      %mul3A_766 = arith.mulf %sub3A_765, %sub3A_765 : vector<16xf32>
      %broadcast_in_dim3A_767 = arith.constant 0.0703768358 : f32
      %broadcast_in_dim3A_768 = vector.broadcast %broadcast_in_dim3A_767 : f32 to vector<16xf32>
      %mul3A_769 = arith.mulf %broadcast_in_dim3A_768, %sub3A_765 : vector<16xf32>
      %add3A_770 = arith.constant -0.115146101 : f32
      %add3A_771 = vector.broadcast %add3A_770 : f32 to vector<16xf32>
      %add3A_772 = arith.addf %mul3A_769, %add3A_771 : vector<16xf32>
      %mul3A_773 = arith.mulf %add3A_772, %sub3A_765 : vector<16xf32>
      %add3A_774 = arith.constant 0.116769984 : f32
      %add3A_775 = vector.broadcast %add3A_774 : f32 to vector<16xf32>
      %add3A_776 = arith.addf %mul3A_773, %add3A_775 : vector<16xf32>
      %mul3A_777 = arith.mulf %add3A_776, %sub3A_765 : vector<16xf32>
      %add3A_778 = arith.constant -0.12420141 : f32
      %add3A_779 = vector.broadcast %add3A_778 : f32 to vector<16xf32>
      %add3A_780 = arith.addf %mul3A_777, %add3A_779 : vector<16xf32>
      %mul3A_781 = arith.mulf %add3A_780, %sub3A_765 : vector<16xf32>
      %add3A_782 = arith.constant 0.142493233 : f32
      %add3A_783 = vector.broadcast %add3A_782 : f32 to vector<16xf32>
      %add3A_784 = arith.addf %mul3A_781, %add3A_783 : vector<16xf32>
      %mul3A_785 = arith.mulf %add3A_784, %sub3A_765 : vector<16xf32>
      %add3A_786 = arith.constant -0.166680574 : f32
      %add3A_787 = vector.broadcast %add3A_786 : f32 to vector<16xf32>
      %add3A_788 = arith.addf %mul3A_785, %add3A_787 : vector<16xf32>
      %mul3A_789 = arith.mulf %add3A_788, %sub3A_765 : vector<16xf32>
      %add3A_790 = arith.constant 0.200007141 : f32
      %add3A_791 = vector.broadcast %add3A_790 : f32 to vector<16xf32>
      %add3A_792 = arith.addf %mul3A_789, %add3A_791 : vector<16xf32>
      %mul3A_793 = arith.mulf %add3A_792, %sub3A_765 : vector<16xf32>
      %add3A_794 = arith.constant -0.24999994 : f32
      %add3A_795 = vector.broadcast %add3A_794 : f32 to vector<16xf32>
      %add3A_796 = arith.addf %mul3A_793, %add3A_795 : vector<16xf32>
      %mul3A_797 = arith.mulf %add3A_796, %sub3A_765 : vector<16xf32>
      %add3A_798 = arith.constant 0.333333313 : f32
      %add3A_799 = vector.broadcast %add3A_798 : f32 to vector<16xf32>
      %add3A_800 = arith.addf %mul3A_797, %add3A_799 : vector<16xf32>
      %mul3A_801 = arith.mulf %add3A_800, %sub3A_765 : vector<16xf32>
      %mul3A_802 = arith.mulf %mul3A_801, %mul3A_766 : vector<16xf32>
      %convert_element_type3A = arith.sitofp %add3A_758 : vector<16xi32> to vector<16xf32>
      %mul3A_803 = arith.constant -2.12194442E-4 : f32
      %mul3A_804 = vector.broadcast %mul3A_803 : f32 to vector<16xf32>
      %mul3A_805 = arith.mulf %convert_element_type3A, %mul3A_804 : vector<16xf32>
      %add3A_806 = arith.addf %mul3A_802, %mul3A_805 : vector<16xf32>
      %mul3A_807 = arith.constant 5.000000e-01 : f32
      %mul3A_808 = vector.broadcast %mul3A_807 : f32 to vector<16xf32>
      %mul3A_809 = arith.mulf %mul3A_808, %mul3A_766 : vector<16xf32>
      %sub3A_810 = arith.subf %add3A_806, %mul3A_809 : vector<16xf32>
      %add3A_811 = arith.addf %sub3A_765, %sub3A_810 : vector<16xf32>
      %mul3A_812 = arith.constant 0.693359375 : f32
      %mul3A_813 = vector.broadcast %mul3A_812 : f32 to vector<16xf32>
      %mul3A_814 = arith.mulf %convert_element_type3A, %mul3A_813 : vector<16xf32>
      %add3A_815 = arith.addf %add3A_811, %mul3A_814 : vector<16xf32>
      %neg3A = arith.constant 0.000000e+00 : f32
      %neg3A_816 = vector.broadcast %neg3A : f32 to vector<16xf32>
      %neg3A_817 = arith.subf %neg3A_816, %add3A_815 : vector<16xf32>
      %bitcast_convert_type3A_818 = tpu.bitcast %neg3A_817 : vector<16xf32> -> vector<16xi32>
      %shift_right_arithmetic3A_819 = arith.constant 23 : i32
      %shift_right_arithmetic3A_820 = vector.broadcast %shift_right_arithmetic3A_819 : i32 to vector<16xi32>
      %shift_right_arithmetic3A_821 = arith.shrsi %bitcast_convert_type3A_818, %shift_right_arithmetic3A_820 : vector<16xi32>
      %sub3A_822 = arith.constant 127 : i32
      %sub3A_823 = vector.broadcast %sub3A_822 : i32 to vector<16xi32>
      %sub3A_824 = arith.subi %shift_right_arithmetic3A_821, %sub3A_823 : vector<16xi32>
      %and3A_825 = arith.constant 8388607 : i32
      %and3A_826 = vector.broadcast %and3A_825 : i32 to vector<16xi32>
      %and3A_827 = arith.andi %bitcast_convert_type3A_818, %and3A_826 : vector<16xi32>
      %or3A_828 = arith.constant 1065353216 : i32
      %or3A_829 = vector.broadcast %or3A_828 : i32 to vector<16xi32>
      %or3A_830 = arith.ori %and3A_827, %or3A_829 : vector<16xi32>
      %bitcast_convert_type3A_831 = tpu.bitcast %or3A_830 : vector<16xi32> -> vector<16xf32>
      %gt3A_832 = arith.constant 1.41421354 : f32
      %gt3A_833 = vector.broadcast %gt3A_832 : f32 to vector<16xf32>
      %gt3A_834 = arith.cmpf ogt, %bitcast_convert_type3A_831, %gt3A_833 : vector<16xf32>
      %jit3A_835 = arith.constant 1 : i32
      %jit3A_836 = arith.constant 0 : i32
      %broadcast_in_dim3A_837 = vector.broadcast %jit3A_835 : i32 to vector<16xi32>
      %broadcast_in_dim3A_838 = vector.broadcast %jit3A_836 : i32 to vector<16xi32>
      %select_n3A_839 = arith.select %gt3A_834, %broadcast_in_dim3A_837, %broadcast_in_dim3A_838 : vector<16xi1>, vector<16xi32>
      %add3A_840 = arith.addi %sub3A_824, %select_n3A_839 : vector<16xi32>
      %mul3A_841 = arith.constant 5.000000e-01 : f32
      %mul3A_842 = vector.broadcast %mul3A_841 : f32 to vector<16xf32>
      %mul3A_843 = arith.mulf %bitcast_convert_type3A_831, %mul3A_842 : vector<16xf32>
      %select_n3A_844 = arith.select %gt3A_834, %mul3A_843, %bitcast_convert_type3A_831 : vector<16xi1>, vector<16xf32>
      %sub3A_845 = arith.constant 1.000000e+00 : f32
      %sub3A_846 = vector.broadcast %sub3A_845 : f32 to vector<16xf32>
      %sub3A_847 = arith.subf %select_n3A_844, %sub3A_846 : vector<16xf32>
      %mul3A_848 = arith.mulf %sub3A_847, %sub3A_847 : vector<16xf32>
      %broadcast_in_dim3A_849 = arith.constant 0.0703768358 : f32
      %broadcast_in_dim3A_850 = vector.broadcast %broadcast_in_dim3A_849 : f32 to vector<16xf32>
      %mul3A_851 = arith.mulf %broadcast_in_dim3A_850, %sub3A_847 : vector<16xf32>
      %add3A_852 = arith.constant -0.115146101 : f32
      %add3A_853 = vector.broadcast %add3A_852 : f32 to vector<16xf32>
      %add3A_854 = arith.addf %mul3A_851, %add3A_853 : vector<16xf32>
      %mul3A_855 = arith.mulf %add3A_854, %sub3A_847 : vector<16xf32>
      %add3A_856 = arith.constant 0.116769984 : f32
      %add3A_857 = vector.broadcast %add3A_856 : f32 to vector<16xf32>
      %add3A_858 = arith.addf %mul3A_855, %add3A_857 : vector<16xf32>
      %mul3A_859 = arith.mulf %add3A_858, %sub3A_847 : vector<16xf32>
      %add3A_860 = arith.constant -0.12420141 : f32
      %add3A_861 = vector.broadcast %add3A_860 : f32 to vector<16xf32>
      %add3A_862 = arith.addf %mul3A_859, %add3A_861 : vector<16xf32>
      %mul3A_863 = arith.mulf %add3A_862, %sub3A_847 : vector<16xf32>
      %add3A_864 = arith.constant 0.142493233 : f32
      %add3A_865 = vector.broadcast %add3A_864 : f32 to vector<16xf32>
      %add3A_866 = arith.addf %mul3A_863, %add3A_865 : vector<16xf32>
      %mul3A_867 = arith.mulf %add3A_866, %sub3A_847 : vector<16xf32>
      %add3A_868 = arith.constant -0.166680574 : f32
      %add3A_869 = vector.broadcast %add3A_868 : f32 to vector<16xf32>
      %add3A_870 = arith.addf %mul3A_867, %add3A_869 : vector<16xf32>
      %mul3A_871 = arith.mulf %add3A_870, %sub3A_847 : vector<16xf32>
      %add3A_872 = arith.constant 0.200007141 : f32
      %add3A_873 = vector.broadcast %add3A_872 : f32 to vector<16xf32>
      %add3A_874 = arith.addf %mul3A_871, %add3A_873 : vector<16xf32>
      %mul3A_875 = arith.mulf %add3A_874, %sub3A_847 : vector<16xf32>
      %add3A_876 = arith.constant -0.24999994 : f32
      %add3A_877 = vector.broadcast %add3A_876 : f32 to vector<16xf32>
      %add3A_878 = arith.addf %mul3A_875, %add3A_877 : vector<16xf32>
      %mul3A_879 = arith.mulf %add3A_878, %sub3A_847 : vector<16xf32>
      %add3A_880 = arith.constant 0.333333313 : f32
      %add3A_881 = vector.broadcast %add3A_880 : f32 to vector<16xf32>
      %add3A_882 = arith.addf %mul3A_879, %add3A_881 : vector<16xf32>
      %mul3A_883 = arith.mulf %add3A_882, %sub3A_847 : vector<16xf32>
      %mul3A_884 = arith.mulf %mul3A_883, %mul3A_848 : vector<16xf32>
      %convert_element_type3A_885 = arith.sitofp %add3A_840 : vector<16xi32> to vector<16xf32>
      %mul3A_886 = arith.constant -2.12194442E-4 : f32
      %mul3A_887 = vector.broadcast %mul3A_886 : f32 to vector<16xf32>
      %mul3A_888 = arith.mulf %convert_element_type3A_885, %mul3A_887 : vector<16xf32>
      %add3A_889 = arith.addf %mul3A_884, %mul3A_888 : vector<16xf32>
      %mul3A_890 = arith.constant 5.000000e-01 : f32
      %mul3A_891 = vector.broadcast %mul3A_890 : f32 to vector<16xf32>
      %mul3A_892 = arith.mulf %mul3A_891, %mul3A_848 : vector<16xf32>
      %sub3A_893 = arith.subf %add3A_889, %mul3A_892 : vector<16xf32>
      %add3A_894 = arith.addf %sub3A_847, %sub3A_893 : vector<16xf32>
      %mul3A_895 = arith.constant 0.693359375 : f32
      %mul3A_896 = vector.broadcast %mul3A_895 : f32 to vector<16xf32>
      %mul3A_897 = arith.mulf %convert_element_type3A_885, %mul3A_896 : vector<16xf32>
      %add3A_898 = arith.addf %add3A_894, %mul3A_897 : vector<16xf32>
      %neg3A_899 = arith.constant 0.000000e+00 : f32
      %neg3A_900 = vector.broadcast %neg3A_899 : f32 to vector<16xf32>
      %neg3A_901 = arith.subf %neg3A_900, %add3A_898 : vector<16xf32>
      %sub3A_902 = arith.subf %select_n3A_488, %neg3A_901 : vector<16xf32>
      %swap3A_903 = arith.constant 0 : index
      %swap3A_904 = tpu.vector_load %arg12[%swap3A_903] {strides = array<i32>} : memref<16xf32, #tpu.memory_space<vmem>>, vector<16xf32>,
      %swap3A_905 = vector.shape_cast %swap3A_904 : vector<16xf32> to vector<16xf32>
      %swap3A_906 = vector.shape_cast %add3A_487 : vector<16xf32> to vector<16xf32>
      tpu.vector_store %arg12[%swap3A_903], %swap3A_906 {strides = array<i32>} : memref<16xf32, #tpu.memory_space<vmem>>, vector<16xf32>,
      %swap3A_907 = arith.constant 0 : index
      %swap3A_908 = tpu.vector_load %arg13[%swap3A_907] {strides = array<i32>} : memref<16xf32, #tpu.memory_space<vmem>>, vector<16xf32>,
      %swap3A_909 = vector.shape_cast %swap3A_908 : vector<16xf32> to vector<16xf32>
      %swap3A_910 = vector.shape_cast %select_n3A_488 : vector<16xf32> to vector<16xf32>
      tpu.vector_store %arg13[%swap3A_907], %swap3A_910 {strides = array<i32>} : memref<16xf32, #tpu.memory_space<vmem>>, vector<16xf32>,
      %swap3A_911 = arith.constant 0 : index
      %swap3A_912 = tpu.vector_load %arg14[%swap3A_911] {strides = array<i32>} : memref<16xi32, #tpu.memory_space<vmem>>, vector<16xi32>,
      %swap3A_913 = vector.shape_cast %swap3A_912 : vector<16xi32> to vector<16xi32>
      %swap3A_914 = vector.shape_cast %select_n3A_489 : vector<16xi32> to vector<16xi32>
      tpu.vector_store %arg14[%swap3A_911], %swap3A_914 {strides = array<i32>} : memref<16xi32, #tpu.memory_space<vmem>>, vector<16xi32>,
      %swap3A_915 = arith.constant 0 : index
      %swap3A_916 = tpu.vector_load %arg15[%swap3A_915] {strides = array<i32>} : memref<16xf32, #tpu.memory_space<vmem>>, vector<16xf32>,
      %swap3A_917 = vector.shape_cast %swap3A_916 : vector<16xf32> to vector<16xf32>
      %swap3A_918 = vector.shape_cast %sub3A_902 : vector<16xf32> to vector<16xf32>
      tpu.vector_store %arg15[%swap3A_915], %swap3A_918 {strides = array<i32>} : memref<16xf32, #tpu.memory_space<vmem>>, vector<16xf32>,
      %mul3A_919 = arith.constant 8 : i32
      %mul3A_920 = arith.muli %mul3A_919, %select_n3A : i32
      %add3A_921 = arith.addi %mul3A_920, %scan3A_457 : i32
      %mul3A_922 = arith.constant 8 : i32
      %mul3A_923 = arith.muli %add3A_921, %mul3A_922 : i32
      %add3A_924 = arith.addi %mul3A_923, %select_n3A_30 : i32
      %mul3A_925 = arith.constant 16 : i32
      %mul3A_926 = arith.muli %add3A_924, %mul3A_925 : i32
      "tpu.region"() ({
        %run_scoped3A = tpu.sem_alloc : memref<!tpu.dma_semaphore, #tpu.memory_space<semaphore_mem>>
        %dma_start3A_928 = tpu.memref_slice %arg3[%mul3A_926] : memref<4096xf32, #tpu.memory_space<hbm>> -> memref<16xf32, #tpu.memory_space<hbm>>
        %dma_start3A_929 = tpu.memref_slice %arg3[%mul3A_926] : memref<4096xf32, #tpu.memory_space<hbm>> -> memref<16xf32, #tpu.memory_space<hbm>>
        tpu.enqueue_dma source(%arg12 : memref<16xf32, #tpu.memory_space<vmem>>) target(%dma_start3A_929 : memref<16xf32, #tpu.memory_space<hbm>>) target_semaphore(%run_scoped3A : memref<!tpu.dma_semaphore, #tpu.memory_space<semaphore_mem>>)
        %dma_wait3A_930 = tpu.memref_slice %arg3[%mul3A_926] : memref<4096xf32, #tpu.memory_space<hbm>> -> memref<16xf32, #tpu.memory_space<hbm>>
        %dma_wait3A_931 = tpu.memref_slice %arg3[%mul3A_926] : memref<4096xf32, #tpu.memory_space<hbm>> -> memref<16xf32, #tpu.memory_space<hbm>>
        tpu.wait_dma2 semaphore(%run_scoped3A : memref<!tpu.dma_semaphore, #tpu.memory_space<semaphore_mem>>) src(%arg12 : memref<16xf32, #tpu.memory_space<vmem>>) dst(%dma_wait3A_931 : memref<16xf32, #tpu.memory_space<hbm>>)
        tpu.yield
      }) : () -> ()
      "tpu.region"() ({
        %run_scoped3A = tpu.sem_alloc : memref<!tpu.dma_semaphore, #tpu.memory_space<semaphore_mem>>
        %dma_start3A_928 = tpu.memref_slice %arg4[%mul3A_926] : memref<4096xf32, #tpu.memory_space<hbm>> -> memref<16xf32, #tpu.memory_space<hbm>>
        %dma_start3A_929 = tpu.memref_slice %arg4[%mul3A_926] : memref<4096xf32, #tpu.memory_space<hbm>> -> memref<16xf32, #tpu.memory_space<hbm>>
        tpu.enqueue_dma source(%arg13 : memref<16xf32, #tpu.memory_space<vmem>>) target(%dma_start3A_929 : memref<16xf32, #tpu.memory_space<hbm>>) target_semaphore(%run_scoped3A : memref<!tpu.dma_semaphore, #tpu.memory_space<semaphore_mem>>)
        %dma_wait3A_930 = tpu.memref_slice %arg4[%mul3A_926] : memref<4096xf32, #tpu.memory_space<hbm>> -> memref<16xf32, #tpu.memory_space<hbm>>
        %dma_wait3A_931 = tpu.memref_slice %arg4[%mul3A_926] : memref<4096xf32, #tpu.memory_space<hbm>> -> memref<16xf32, #tpu.memory_space<hbm>>
        tpu.wait_dma2 semaphore(%run_scoped3A : memref<!tpu.dma_semaphore, #tpu.memory_space<semaphore_mem>>) src(%arg13 : memref<16xf32, #tpu.memory_space<vmem>>) dst(%dma_wait3A_931 : memref<16xf32, #tpu.memory_space<hbm>>)
        tpu.yield
      }) : () -> ()
      "tpu.region"() ({
        %run_scoped3A = tpu.sem_alloc : memref<!tpu.dma_semaphore, #tpu.memory_space<semaphore_mem>>
        %dma_start3A_928 = tpu.memref_slice %arg5[%mul3A_926] : memref<4096xi32, #tpu.memory_space<hbm>> -> memref<16xi32, #tpu.memory_space<hbm>>
        %dma_start3A_929 = tpu.memref_slice %arg5[%mul3A_926] : memref<4096xi32, #tpu.memory_space<hbm>> -> memref<16xi32, #tpu.memory_space<hbm>>
        tpu.enqueue_dma source(%arg14 : memref<16xi32, #tpu.memory_space<vmem>>) target(%dma_start3A_929 : memref<16xi32, #tpu.memory_space<hbm>>) target_semaphore(%run_scoped3A : memref<!tpu.dma_semaphore, #tpu.memory_space<semaphore_mem>>)
        %dma_wait3A_930 = tpu.memref_slice %arg5[%mul3A_926] : memref<4096xi32, #tpu.memory_space<hbm>> -> memref<16xi32, #tpu.memory_space<hbm>>
        %dma_wait3A_931 = tpu.memref_slice %arg5[%mul3A_926] : memref<4096xi32, #tpu.memory_space<hbm>> -> memref<16xi32, #tpu.memory_space<hbm>>
        tpu.wait_dma2 semaphore(%run_scoped3A : memref<!tpu.dma_semaphore, #tpu.memory_space<semaphore_mem>>) src(%arg14 : memref<16xi32, #tpu.memory_space<vmem>>) dst(%dma_wait3A_931 : memref<16xi32, #tpu.memory_space<hbm>>)
        tpu.yield
      }) : () -> ()
      "tpu.region"() ({
        %run_scoped3A = tpu.sem_alloc : memref<!tpu.dma_semaphore, #tpu.memory_space<semaphore_mem>>
        %dma_start3A_928 = tpu.memref_slice %arg6[%mul3A_926] : memref<4096xf32, #tpu.memory_space<hbm>> -> memref<16xf32, #tpu.memory_space<hbm>>
        %dma_start3A_929 = tpu.memref_slice %arg6[%mul3A_926] : memref<4096xf32, #tpu.memory_space<hbm>> -> memref<16xf32, #tpu.memory_space<hbm>>
        tpu.enqueue_dma source(%arg15 : memref<16xf32, #tpu.memory_space<vmem>>) target(%dma_start3A_929 : memref<16xf32, #tpu.memory_space<hbm>>) target_semaphore(%run_scoped3A : memref<!tpu.dma_semaphore, #tpu.memory_space<semaphore_mem>>)
        %dma_wait3A_930 = tpu.memref_slice %arg6[%mul3A_926] : memref<4096xf32, #tpu.memory_space<hbm>> -> memref<16xf32, #tpu.memory_space<hbm>>
        %dma_wait3A_931 = tpu.memref_slice %arg6[%mul3A_926] : memref<4096xf32, #tpu.memory_space<hbm>> -> memref<16xf32, #tpu.memory_space<hbm>>
        tpu.wait_dma2 semaphore(%run_scoped3A : memref<!tpu.dma_semaphore, #tpu.memory_space<semaphore_mem>>) src(%arg15 : memref<16xf32, #tpu.memory_space<vmem>>) dst(%dma_wait3A_931 : memref<16xf32, #tpu.memory_space<hbm>>)
        tpu.yield
      }) : () -> ()
      %scan3A_927 = arith.constant 0 : i32
      scf.yield %scan3A_927 : i32
    }
    %scan3A_456 = arith.constant 8 : i32
    return
  }
}

module attributes {stable_mosaic.version = 14 : i64} {
  func.func @_tc_body(%arg0: i32, %arg1: memref<32x12288xf32, #tpu.memory_space<vmem>>, %arg2: memref<32x1xi32, #tpu.memory_space<vmem>>, %arg3: memref<32x1xf32, #tpu.memory_space<vmem>>, %arg4: memref<32x1xf32, #tpu.memory_space<vmem>>, %arg5: memref<32x1xf32, #tpu.memory_space<vmem>>, %arg6: memref<32x384xf32, #tpu.memory_space<vmem>>, %arg7: memref<32x384xf32, #tpu.memory_space<vmem>>, %arg8: memref<32x384xi32, #tpu.memory_space<vmem>>) attributes {dimension_semantics = [#tpu.dimension_semantics<arbitrary>], iteration_bounds = array<i64: 70>, scalar_prefetch = 0 : i64, scratch_operands = 3 : i64, tpu.core_type = #tpu.core_type<tc>, window_params = [{transform_indices = @transform_0, window_bounds = array<i64: 32, 12288>}, {pipeline_mode = #tpu.pipeline_mode<synchronous>, transform_indices = @transform_1, window_bounds = array<i64: 32, 1>}, {pipeline_mode = #tpu.pipeline_mode<synchronous>, transform_indices = @transform_2, window_bounds = array<i64: 32, 1>}, {pipeline_mode = #tpu.pipeline_mode<synchronous>, transform_indices = @transform_3, window_bounds = array<i64: 32, 1>}, {pipeline_mode = #tpu.pipeline_mode<synchronous>, transform_indices = @transform_4, window_bounds = array<i64: 32, 1>}]} {
    %iota3A = tpu.iota {dimensions = array<i32: 1>} : vector<32x384xi32>
    %iota3A_0 = tpu.iota {dimensions = array<i32: 0>} : vector<32x384xi32>
    %mul3A = arith.constant 1000000 : i32
    %mul3A_1 = vector.broadcast %mul3A : i32 to vector<32x384xi32>
    %mul3A_2 = arith.muli %iota3A_0, %mul3A_1 : vector<32x384xi32>
    %add3A = arith.addi %mul3A_2, %iota3A : vector<32x384xi32>
    %eq3A = arith.constant 0 : i32
    %eq3A_3 = arith.cmpi eq, %arg0, %eq3A : i32
    %convert_element_type3A = arith.extui %eq3A_3 : i1 to i32
    %cond3A = arith.constant 0 : i32
    %cond3A_4 = arith.cmpi ne, %convert_element_type3A, %cond3A : i32
    scf.if %cond3A_4 {
      %broadcast_in_dim3A = arith.constant 0.000000e+00 : f32
      %broadcast_in_dim3A_22 = vector.broadcast %broadcast_in_dim3A : f32 to vector<32x384xf32>
      %swap3A = arith.constant 0 : index
      %swap3A_23 = arith.constant 0 : index
      %swap3A_24 = vector.load %arg6[%swap3A, %swap3A_23] : memref<32x384xf32, #tpu.memory_space<vmem>>, vector<32x384xf32>
      tpu.vector_store %arg6[%swap3A, %swap3A_23], %broadcast_in_dim3A_22 {strides = array<i32>} : memref<32x384xf32, #tpu.memory_space<vmem>>, vector<32x384xf32>,
      %broadcast_in_dim3A_25 = arith.constant 0xFF800000 : f32
      %broadcast_in_dim3A_26 = vector.broadcast %broadcast_in_dim3A_25 : f32 to vector<32x384xf32>
      %swap3A_27 = arith.constant 0 : index
      %swap3A_28 = arith.constant 0 : index
      %swap3A_29 = vector.load %arg7[%swap3A_27, %swap3A_28] : memref<32x384xf32, #tpu.memory_space<vmem>>, vector<32x384xf32>
      tpu.vector_store %arg7[%swap3A_27, %swap3A_28], %broadcast_in_dim3A_26 {strides = array<i32>} : memref<32x384xf32, #tpu.memory_space<vmem>>, vector<32x384xf32>,
      %broadcast_in_dim3A_30 = arith.constant 0 : i32
      %broadcast_in_dim3A_31 = vector.broadcast %broadcast_in_dim3A_30 : i32 to vector<32x384xi32>
      %swap3A_32 = arith.constant 0 : index
      %swap3A_33 = arith.constant 0 : index
      %swap3A_34 = vector.load %arg8[%swap3A_32, %swap3A_33] : memref<32x384xi32, #tpu.memory_space<vmem>>, vector<32x384xi32>
      tpu.vector_store %arg8[%swap3A_32, %swap3A_33], %broadcast_in_dim3A_31 {strides = array<i32>} : memref<32x384xi32, #tpu.memory_space<vmem>>, vector<32x384xi32>,
    } else {
    }
    %get3A = arith.constant 0 : index
    %get3A_5 = arith.constant 0 : index
    %get3A_6 = vector.load %arg6[%get3A, %get3A_5] : memref<32x384xf32, #tpu.memory_space<vmem>>, vector<32x384xf32>
    %get3A_7 = arith.constant 0 : index
    %get3A_8 = arith.constant 0 : index
    %get3A_9 = vector.load %arg7[%get3A_7, %get3A_8] : memref<32x384xf32, #tpu.memory_space<vmem>>, vector<32x384xf32>
    %get3A_10 = arith.constant 0 : index
    %get3A_11 = arith.constant 0 : index
    %get3A_12 = vector.load %arg8[%get3A_10, %get3A_11] : memref<32x384xi32, #tpu.memory_space<vmem>>, vector<32x384xi32>
    %lt3A = arith.constant 69 : i32
    %lt3A_13 = arith.cmpi slt, %arg0, %lt3A : i32
    %convert_element_type3A_14 = arith.extui %lt3A_13 : i1 to i32
    %cond3A_15 = arith.constant 0 : i32
    %cond3A_16 = arith.cmpi ne, %convert_element_type3A_14, %cond3A_15 : i32
    scf.if %cond3A_16 {
      %scan3A = arith.constant 0 : i32
      %scan3A_22 = arith.constant 32 : i32
      %scan3A_23 = arith.addi %scan3A, %scan3A_22 : i32
      %scan3A_24 = arith.constant 1 : i32
      %scan3A_25:3 = scf.for %scan3A_35 = %scan3A to %scan3A_23 step %scan3A_24 iter_args(%scan3A_36 = %get3A_6, %scan3A_37 = %get3A_9, %scan3A_38 = %get3A_12) -> (vector<32x384xf32>, vector<32x384xf32>, vector<32x384xi32>)  : i32 {
        %mul3A_39 = arith.constant 12288 : i32
        %mul3A_40 = arith.muli %arg0, %mul3A_39 : i32
        %add3A_41 = arith.constant 147456 : i32
        %add3A_42 = arith.addi %add3A_41, %mul3A_40 : i32
        %mul3A_43 = arith.constant 384 : i32
        %mul3A_44 = arith.muli %scan3A_35, %mul3A_43 : i32
        %add3A_45 = arith.addi %add3A_42, %mul3A_44 : i32
        %add3A_46 = vector.broadcast %add3A_45 : i32 to vector<32x384xi32>
        %add3A_47 = arith.addi %add3A, %add3A_46 : vector<32x384xi32>
        %broadcast_in_dim3A = arith.constant 0 : i32
        %broadcast_in_dim3A_48 = vector.broadcast %broadcast_in_dim3A : i32 to vector<32x384xi32>
        %add3A_49 = arith.constant 0 : i32
        %add3A_50 = vector.broadcast %add3A_49 : i32 to vector<32x384xi32>
        %add3A_51 = arith.addi %broadcast_in_dim3A_48, %add3A_50 : vector<32x384xi32>
        %add3A_52 = arith.constant 42 : i32
        %add3A_53 = vector.broadcast %add3A_52 : i32 to vector<32x384xi32>
        %add3A_54 = arith.addi %add3A_47, %add3A_53 : vector<32x384xi32>
        %add3A_55 = arith.addi %add3A_51, %add3A_54 : vector<32x384xi32>
        %shift_left3A = arith.constant 13 : i32
        %shift_left3A_56 = vector.broadcast %shift_left3A : i32 to vector<32x384xi32>
        %shift_left3A_57 = arith.shli %add3A_54, %shift_left3A_56 : vector<32x384xi32>
        %shift_right_logical3A = arith.constant 19 : i32
        %shift_right_logical3A_58 = vector.broadcast %shift_right_logical3A : i32 to vector<32x384xi32>
        %shift_right_logical3A_59 = arith.shrui %add3A_54, %shift_right_logical3A_58 : vector<32x384xi32>
        %or3A = arith.ori %shift_left3A_57, %shift_right_logical3A_59 : vector<32x384xi32>
        %xor3A = arith.xori %add3A_55, %or3A : vector<32x384xi32>
        %add3A_60 = arith.addi %add3A_55, %xor3A : vector<32x384xi32>
        %shift_left3A_61 = arith.constant 15 : i32
        %shift_left3A_62 = vector.broadcast %shift_left3A_61 : i32 to vector<32x384xi32>
        %shift_left3A_63 = arith.shli %xor3A, %shift_left3A_62 : vector<32x384xi32>
        %shift_right_logical3A_64 = arith.constant 17 : i32
        %shift_right_logical3A_65 = vector.broadcast %shift_right_logical3A_64 : i32 to vector<32x384xi32>
        %shift_right_logical3A_66 = arith.shrui %xor3A, %shift_right_logical3A_65 : vector<32x384xi32>
        %or3A_67 = arith.ori %shift_left3A_63, %shift_right_logical3A_66 : vector<32x384xi32>
        %xor3A_68 = arith.xori %add3A_60, %or3A_67 : vector<32x384xi32>
        %add3A_69 = arith.addi %add3A_60, %xor3A_68 : vector<32x384xi32>
        %shift_left3A_70 = arith.constant 26 : i32
        %shift_left3A_71 = vector.broadcast %shift_left3A_70 : i32 to vector<32x384xi32>
        %shift_left3A_72 = arith.shli %xor3A_68, %shift_left3A_71 : vector<32x384xi32>
        %shift_right_logical3A_73 = arith.constant 6 : i32
        %shift_right_logical3A_74 = vector.broadcast %shift_right_logical3A_73 : i32 to vector<32x384xi32>
        %shift_right_logical3A_75 = arith.shrui %xor3A_68, %shift_right_logical3A_74 : vector<32x384xi32>
        %or3A_76 = arith.ori %shift_left3A_72, %shift_right_logical3A_75 : vector<32x384xi32>
        %xor3A_77 = arith.xori %add3A_69, %or3A_76 : vector<32x384xi32>
        %add3A_78 = arith.addi %add3A_69, %xor3A_77 : vector<32x384xi32>
        %shift_left3A_79 = arith.constant 6 : i32
        %shift_left3A_80 = vector.broadcast %shift_left3A_79 : i32 to vector<32x384xi32>
        %shift_left3A_81 = arith.shli %xor3A_77, %shift_left3A_80 : vector<32x384xi32>
        %shift_right_logical3A_82 = arith.constant 26 : i32
        %shift_right_logical3A_83 = vector.broadcast %shift_right_logical3A_82 : i32 to vector<32x384xi32>
        %shift_right_logical3A_84 = arith.shrui %xor3A_77, %shift_right_logical3A_83 : vector<32x384xi32>
        %or3A_85 = arith.ori %shift_left3A_81, %shift_right_logical3A_84 : vector<32x384xi32>
        %xor3A_86 = arith.xori %add3A_78, %or3A_85 : vector<32x384xi32>
        %add3A_87 = arith.constant 42 : i32
        %add3A_88 = vector.broadcast %add3A_87 : i32 to vector<32x384xi32>
        %add3A_89 = arith.addi %add3A_78, %add3A_88 : vector<32x384xi32>
        %add3A_90 = arith.constant 466689008 : i32
        %add3A_91 = vector.broadcast %add3A_90 : i32 to vector<32x384xi32>
        %add3A_92 = arith.addi %xor3A_86, %add3A_91 : vector<32x384xi32>
        %add3A_93 = arith.constant 1 : i32
        %add3A_94 = vector.broadcast %add3A_93 : i32 to vector<32x384xi32>
        %add3A_95 = arith.addi %add3A_92, %add3A_94 : vector<32x384xi32>
        %add3A_96 = arith.addi %add3A_89, %add3A_95 : vector<32x384xi32>
        %shift_left3A_97 = arith.constant 17 : i32
        %shift_left3A_98 = vector.broadcast %shift_left3A_97 : i32 to vector<32x384xi32>
        %shift_left3A_99 = arith.shli %add3A_95, %shift_left3A_98 : vector<32x384xi32>
        %shift_right_logical3A_100 = arith.constant 15 : i32
        %shift_right_logical3A_101 = vector.broadcast %shift_right_logical3A_100 : i32 to vector<32x384xi32>
        %shift_right_logical3A_102 = arith.shrui %add3A_95, %shift_right_logical3A_101 : vector<32x384xi32>
        %or3A_103 = arith.ori %shift_left3A_99, %shift_right_logical3A_102 : vector<32x384xi32>
        %xor3A_104 = arith.xori %add3A_96, %or3A_103 : vector<32x384xi32>
        %add3A_105 = arith.addi %add3A_96, %xor3A_104 : vector<32x384xi32>
        %shift_left3A_106 = arith.constant 29 : i32
        %shift_left3A_107 = vector.broadcast %shift_left3A_106 : i32 to vector<32x384xi32>
        %shift_left3A_108 = arith.shli %xor3A_104, %shift_left3A_107 : vector<32x384xi32>
        %shift_right_logical3A_109 = arith.constant 3 : i32
        %shift_right_logical3A_110 = vector.broadcast %shift_right_logical3A_109 : i32 to vector<32x384xi32>
        %shift_right_logical3A_111 = arith.shrui %xor3A_104, %shift_right_logical3A_110 : vector<32x384xi32>
        %or3A_112 = arith.ori %shift_left3A_108, %shift_right_logical3A_111 : vector<32x384xi32>
        %xor3A_113 = arith.xori %add3A_105, %or3A_112 : vector<32x384xi32>
        %add3A_114 = arith.addi %add3A_105, %xor3A_113 : vector<32x384xi32>
        %shift_left3A_115 = arith.constant 16 : i32
        %shift_left3A_116 = vector.broadcast %shift_left3A_115 : i32 to vector<32x384xi32>
        %shift_left3A_117 = arith.shli %xor3A_113, %shift_left3A_116 : vector<32x384xi32>
        %shift_right_logical3A_118 = arith.constant 16 : i32
        %shift_right_logical3A_119 = vector.broadcast %shift_right_logical3A_118 : i32 to vector<32x384xi32>
        %shift_right_logical3A_120 = arith.shrui %xor3A_113, %shift_right_logical3A_119 : vector<32x384xi32>
        %or3A_121 = arith.ori %shift_left3A_117, %shift_right_logical3A_120 : vector<32x384xi32>
        %xor3A_122 = arith.xori %add3A_114, %or3A_121 : vector<32x384xi32>
        %add3A_123 = arith.addi %add3A_114, %xor3A_122 : vector<32x384xi32>
        %shift_left3A_124 = arith.constant 24 : i32
        %shift_left3A_125 = vector.broadcast %shift_left3A_124 : i32 to vector<32x384xi32>
        %shift_left3A_126 = arith.shli %xor3A_122, %shift_left3A_125 : vector<32x384xi32>
        %shift_right_logical3A_127 = arith.constant 8 : i32
        %shift_right_logical3A_128 = vector.broadcast %shift_right_logical3A_127 : i32 to vector<32x384xi32>
        %shift_right_logical3A_129 = arith.shrui %xor3A_122, %shift_right_logical3A_128 : vector<32x384xi32>
        %or3A_130 = arith.ori %shift_left3A_126, %shift_right_logical3A_129 : vector<32x384xi32>
        %xor3A_131 = arith.xori %add3A_123, %or3A_130 : vector<32x384xi32>
        %add3A_132 = arith.constant 466689008 : i32
        %add3A_133 = vector.broadcast %add3A_132 : i32 to vector<32x384xi32>
        %add3A_134 = arith.addi %add3A_123, %add3A_133 : vector<32x384xi32>
        %add3A_135 = arith.constant 0 : i32
        %add3A_136 = vector.broadcast %add3A_135 : i32 to vector<32x384xi32>
        %add3A_137 = arith.addi %xor3A_131, %add3A_136 : vector<32x384xi32>
        %add3A_138 = arith.constant 2 : i32
        %add3A_139 = vector.broadcast %add3A_138 : i32 to vector<32x384xi32>
        %add3A_140 = arith.addi %add3A_137, %add3A_139 : vector<32x384xi32>
        %add3A_141 = arith.addi %add3A_134, %add3A_140 : vector<32x384xi32>
        %shift_left3A_142 = arith.constant 13 : i32
        %shift_left3A_143 = vector.broadcast %shift_left3A_142 : i32 to vector<32x384xi32>
        %shift_left3A_144 = arith.shli %add3A_140, %shift_left3A_143 : vector<32x384xi32>
        %shift_right_logical3A_145 = arith.constant 19 : i32
        %shift_right_logical3A_146 = vector.broadcast %shift_right_logical3A_145 : i32 to vector<32x384xi32>
        %shift_right_logical3A_147 = arith.shrui %add3A_140, %shift_right_logical3A_146 : vector<32x384xi32>
        %or3A_148 = arith.ori %shift_left3A_144, %shift_right_logical3A_147 : vector<32x384xi32>
        %xor3A_149 = arith.xori %add3A_141, %or3A_148 : vector<32x384xi32>
        %add3A_150 = arith.addi %add3A_141, %xor3A_149 : vector<32x384xi32>
        %shift_left3A_151 = arith.constant 15 : i32
        %shift_left3A_152 = vector.broadcast %shift_left3A_151 : i32 to vector<32x384xi32>
        %shift_left3A_153 = arith.shli %xor3A_149, %shift_left3A_152 : vector<32x384xi32>
        %shift_right_logical3A_154 = arith.constant 17 : i32
        %shift_right_logical3A_155 = vector.broadcast %shift_right_logical3A_154 : i32 to vector<32x384xi32>
        %shift_right_logical3A_156 = arith.shrui %xor3A_149, %shift_right_logical3A_155 : vector<32x384xi32>
        %or3A_157 = arith.ori %shift_left3A_153, %shift_right_logical3A_156 : vector<32x384xi32>
        %xor3A_158 = arith.xori %add3A_150, %or3A_157 : vector<32x384xi32>
        %add3A_159 = arith.addi %add3A_150, %xor3A_158 : vector<32x384xi32>
        %shift_left3A_160 = arith.constant 26 : i32
        %shift_left3A_161 = vector.broadcast %shift_left3A_160 : i32 to vector<32x384xi32>
        %shift_left3A_162 = arith.shli %xor3A_158, %shift_left3A_161 : vector<32x384xi32>
        %shift_right_logical3A_163 = arith.constant 6 : i32
        %shift_right_logical3A_164 = vector.broadcast %shift_right_logical3A_163 : i32 to vector<32x384xi32>
        %shift_right_logical3A_165 = arith.shrui %xor3A_158, %shift_right_logical3A_164 : vector<32x384xi32>
        %or3A_166 = arith.ori %shift_left3A_162, %shift_right_logical3A_165 : vector<32x384xi32>
        %xor3A_167 = arith.xori %add3A_159, %or3A_166 : vector<32x384xi32>
        %add3A_168 = arith.addi %add3A_159, %xor3A_167 : vector<32x384xi32>
        %shift_left3A_169 = arith.constant 6 : i32
        %shift_left3A_170 = vector.broadcast %shift_left3A_169 : i32 to vector<32x384xi32>
        %shift_left3A_171 = arith.shli %xor3A_167, %shift_left3A_170 : vector<32x384xi32>
        %shift_right_logical3A_172 = arith.constant 26 : i32
        %shift_right_logical3A_173 = vector.broadcast %shift_right_logical3A_172 : i32 to vector<32x384xi32>
        %shift_right_logical3A_174 = arith.shrui %xor3A_167, %shift_right_logical3A_173 : vector<32x384xi32>
        %or3A_175 = arith.ori %shift_left3A_171, %shift_right_logical3A_174 : vector<32x384xi32>
        %xor3A_176 = arith.xori %add3A_168, %or3A_175 : vector<32x384xi32>
        %add3A_177 = arith.constant 0 : i32
        %add3A_178 = vector.broadcast %add3A_177 : i32 to vector<32x384xi32>
        %add3A_179 = arith.addi %add3A_168, %add3A_178 : vector<32x384xi32>
        %add3A_180 = arith.constant 42 : i32
        %add3A_181 = vector.broadcast %add3A_180 : i32 to vector<32x384xi32>
        %add3A_182 = arith.addi %xor3A_176, %add3A_181 : vector<32x384xi32>
        %add3A_183 = arith.constant 3 : i32
        %add3A_184 = vector.broadcast %add3A_183 : i32 to vector<32x384xi32>
        %add3A_185 = arith.addi %add3A_182, %add3A_184 : vector<32x384xi32>
        %add3A_186 = arith.addi %add3A_179, %add3A_185 : vector<32x384xi32>
        %shift_left3A_187 = arith.constant 17 : i32
        %shift_left3A_188 = vector.broadcast %shift_left3A_187 : i32 to vector<32x384xi32>
        %shift_left3A_189 = arith.shli %add3A_185, %shift_left3A_188 : vector<32x384xi32>
        %shift_right_logical3A_190 = arith.constant 15 : i32
        %shift_right_logical3A_191 = vector.broadcast %shift_right_logical3A_190 : i32 to vector<32x384xi32>
        %shift_right_logical3A_192 = arith.shrui %add3A_185, %shift_right_logical3A_191 : vector<32x384xi32>
        %or3A_193 = arith.ori %shift_left3A_189, %shift_right_logical3A_192 : vector<32x384xi32>
        %xor3A_194 = arith.xori %add3A_186, %or3A_193 : vector<32x384xi32>
        %add3A_195 = arith.addi %add3A_186, %xor3A_194 : vector<32x384xi32>
        %shift_left3A_196 = arith.constant 29 : i32
        %shift_left3A_197 = vector.broadcast %shift_left3A_196 : i32 to vector<32x384xi32>
        %shift_left3A_198 = arith.shli %xor3A_194, %shift_left3A_197 : vector<32x384xi32>
        %shift_right_logical3A_199 = arith.constant 3 : i32
        %shift_right_logical3A_200 = vector.broadcast %shift_right_logical3A_199 : i32 to vector<32x384xi32>
        %shift_right_logical3A_201 = arith.shrui %xor3A_194, %shift_right_logical3A_200 : vector<32x384xi32>
        %or3A_202 = arith.ori %shift_left3A_198, %shift_right_logical3A_201 : vector<32x384xi32>
        %xor3A_203 = arith.xori %add3A_195, %or3A_202 : vector<32x384xi32>
        %add3A_204 = arith.addi %add3A_195, %xor3A_203 : vector<32x384xi32>
        %shift_left3A_205 = arith.constant 16 : i32
        %shift_left3A_206 = vector.broadcast %shift_left3A_205 : i32 to vector<32x384xi32>
        %shift_left3A_207 = arith.shli %xor3A_203, %shift_left3A_206 : vector<32x384xi32>
        %shift_right_logical3A_208 = arith.constant 16 : i32
        %shift_right_logical3A_209 = vector.broadcast %shift_right_logical3A_208 : i32 to vector<32x384xi32>
        %shift_right_logical3A_210 = arith.shrui %xor3A_203, %shift_right_logical3A_209 : vector<32x384xi32>
        %or3A_211 = arith.ori %shift_left3A_207, %shift_right_logical3A_210 : vector<32x384xi32>
        %xor3A_212 = arith.xori %add3A_204, %or3A_211 : vector<32x384xi32>
        %add3A_213 = arith.addi %add3A_204, %xor3A_212 : vector<32x384xi32>
        %shift_left3A_214 = arith.constant 24 : i32
        %shift_left3A_215 = vector.broadcast %shift_left3A_214 : i32 to vector<32x384xi32>
        %shift_left3A_216 = arith.shli %xor3A_212, %shift_left3A_215 : vector<32x384xi32>
        %shift_right_logical3A_217 = arith.constant 8 : i32
        %shift_right_logical3A_218 = vector.broadcast %shift_right_logical3A_217 : i32 to vector<32x384xi32>
        %shift_right_logical3A_219 = arith.shrui %xor3A_212, %shift_right_logical3A_218 : vector<32x384xi32>
        %or3A_220 = arith.ori %shift_left3A_216, %shift_right_logical3A_219 : vector<32x384xi32>
        %xor3A_221 = arith.xori %add3A_213, %or3A_220 : vector<32x384xi32>
        %add3A_222 = arith.constant 42 : i32
        %add3A_223 = vector.broadcast %add3A_222 : i32 to vector<32x384xi32>
        %add3A_224 = arith.addi %add3A_213, %add3A_223 : vector<32x384xi32>
        %add3A_225 = arith.constant 466689008 : i32
        %add3A_226 = vector.broadcast %add3A_225 : i32 to vector<32x384xi32>
        %add3A_227 = arith.addi %xor3A_221, %add3A_226 : vector<32x384xi32>
        %add3A_228 = arith.constant 4 : i32
        %add3A_229 = vector.broadcast %add3A_228 : i32 to vector<32x384xi32>
        %add3A_230 = arith.addi %add3A_227, %add3A_229 : vector<32x384xi32>
        %add3A_231 = arith.addi %add3A_224, %add3A_230 : vector<32x384xi32>
        %shift_left3A_232 = arith.constant 13 : i32
        %shift_left3A_233 = vector.broadcast %shift_left3A_232 : i32 to vector<32x384xi32>
        %shift_left3A_234 = arith.shli %add3A_230, %shift_left3A_233 : vector<32x384xi32>
        %shift_right_logical3A_235 = arith.constant 19 : i32
        %shift_right_logical3A_236 = vector.broadcast %shift_right_logical3A_235 : i32 to vector<32x384xi32>
        %shift_right_logical3A_237 = arith.shrui %add3A_230, %shift_right_logical3A_236 : vector<32x384xi32>
        %or3A_238 = arith.ori %shift_left3A_234, %shift_right_logical3A_237 : vector<32x384xi32>
        %xor3A_239 = arith.xori %add3A_231, %or3A_238 : vector<32x384xi32>
        %add3A_240 = arith.addi %add3A_231, %xor3A_239 : vector<32x384xi32>
        %shift_left3A_241 = arith.constant 15 : i32
        %shift_left3A_242 = vector.broadcast %shift_left3A_241 : i32 to vector<32x384xi32>
        %shift_left3A_243 = arith.shli %xor3A_239, %shift_left3A_242 : vector<32x384xi32>
        %shift_right_logical3A_244 = arith.constant 17 : i32
        %shift_right_logical3A_245 = vector.broadcast %shift_right_logical3A_244 : i32 to vector<32x384xi32>
        %shift_right_logical3A_246 = arith.shrui %xor3A_239, %shift_right_logical3A_245 : vector<32x384xi32>
        %or3A_247 = arith.ori %shift_left3A_243, %shift_right_logical3A_246 : vector<32x384xi32>
        %xor3A_248 = arith.xori %add3A_240, %or3A_247 : vector<32x384xi32>
        %add3A_249 = arith.addi %add3A_240, %xor3A_248 : vector<32x384xi32>
        %shift_left3A_250 = arith.constant 26 : i32
        %shift_left3A_251 = vector.broadcast %shift_left3A_250 : i32 to vector<32x384xi32>
        %shift_left3A_252 = arith.shli %xor3A_248, %shift_left3A_251 : vector<32x384xi32>
        %shift_right_logical3A_253 = arith.constant 6 : i32
        %shift_right_logical3A_254 = vector.broadcast %shift_right_logical3A_253 : i32 to vector<32x384xi32>
        %shift_right_logical3A_255 = arith.shrui %xor3A_248, %shift_right_logical3A_254 : vector<32x384xi32>
        %or3A_256 = arith.ori %shift_left3A_252, %shift_right_logical3A_255 : vector<32x384xi32>
        %xor3A_257 = arith.xori %add3A_249, %or3A_256 : vector<32x384xi32>
        %add3A_258 = arith.addi %add3A_249, %xor3A_257 : vector<32x384xi32>
        %shift_left3A_259 = arith.constant 6 : i32
        %shift_left3A_260 = vector.broadcast %shift_left3A_259 : i32 to vector<32x384xi32>
        %shift_left3A_261 = arith.shli %xor3A_257, %shift_left3A_260 : vector<32x384xi32>
        %shift_right_logical3A_262 = arith.constant 26 : i32
        %shift_right_logical3A_263 = vector.broadcast %shift_right_logical3A_262 : i32 to vector<32x384xi32>
        %shift_right_logical3A_264 = arith.shrui %xor3A_257, %shift_right_logical3A_263 : vector<32x384xi32>
        %or3A_265 = arith.ori %shift_left3A_261, %shift_right_logical3A_264 : vector<32x384xi32>
        %xor3A_266 = arith.xori %add3A_258, %or3A_265 : vector<32x384xi32>
        %add3A_267 = arith.constant 466689008 : i32
        %add3A_268 = vector.broadcast %add3A_267 : i32 to vector<32x384xi32>
        %add3A_269 = arith.addi %add3A_258, %add3A_268 : vector<32x384xi32>
        %add3A_270 = arith.constant 0 : i32
        %add3A_271 = vector.broadcast %add3A_270 : i32 to vector<32x384xi32>
        %add3A_272 = arith.addi %xor3A_266, %add3A_271 : vector<32x384xi32>
        %add3A_273 = arith.constant 5 : i32
        %add3A_274 = vector.broadcast %add3A_273 : i32 to vector<32x384xi32>
        %add3A_275 = arith.addi %add3A_272, %add3A_274 : vector<32x384xi32>
        %xor3A_276 = arith.xori %add3A_269, %add3A_275 : vector<32x384xi32>
        %shift_right_logical3A_277 = arith.constant 9 : i32
        %shift_right_logical3A_278 = vector.broadcast %shift_right_logical3A_277 : i32 to vector<32x384xi32>
        %shift_right_logical3A_279 = arith.shrui %xor3A_276, %shift_right_logical3A_278 : vector<32x384xi32>
        %or3A_280 = arith.constant 1065353216 : i32
        %or3A_281 = vector.broadcast %or3A_280 : i32 to vector<32x384xi32>
        %or3A_282 = arith.ori %shift_right_logical3A_279, %or3A_281 : vector<32x384xi32>
        %bitcast_convert_type3A = tpu.bitcast %or3A_282 : vector<32x384xi32> -> vector<32x384xf32>
        %sub3A = arith.constant 1.000000e+00 : f32
        %sub3A_283 = vector.broadcast %sub3A : f32 to vector<32x384xf32>
        %sub3A_284 = arith.subf %bitcast_convert_type3A, %sub3A_283 : vector<32x384xf32>
        %add3A_285 = arith.constant 1.17549435E-38 : f32
        %add3A_286 = vector.broadcast %add3A_285 : f32 to vector<32x384xf32>
        %add3A_287 = arith.addf %sub3A_284, %add3A_286 : vector<32x384xf32>
        %max3A = arith.constant 1.17549435E-38 : f32
        %max3A_288 = vector.broadcast %max3A : f32 to vector<32x384xf32>
        %max3A_289 = arith.maximumf %max3A_288, %add3A_287 : vector<32x384xf32>
        %log3A = math.log %max3A_289 : vector<32x384xf32>
        %neg3A = arith.constant 0.000000e+00 : f32
        %neg3A_290 = vector.broadcast %neg3A : f32 to vector<32x384xf32>
        %neg3A_291 = arith.subf %neg3A_290, %log3A : vector<32x384xf32>
        %log3A_292 = math.log %neg3A_291 : vector<32x384xf32>
        %neg3A_293 = arith.constant 0.000000e+00 : f32
        %neg3A_294 = vector.broadcast %neg3A_293 : f32 to vector<32x384xf32>
        %neg3A_295 = arith.subf %neg3A_294, %log3A_292 : vector<32x384xf32>
        %mul3A_296 = arith.constant 384 : i32
        %mul3A_297 = arith.muli %scan3A_35, %mul3A_296 : i32
        %get3A_298 = arith.constant 0 : index
        %get3A_299 = arith.index_cast %mul3A_297 : i32 to index
        %get3A_300 = vector.load %arg1[%get3A_298, %get3A_299] : memref<32x12288xf32, #tpu.memory_space<vmem>>, vector<32x384xf32>
        %add3A_301 = arith.addf %get3A_300, %neg3A_295 : vector<32x384xf32>
        %add3A_302 = vector.broadcast %add3A_45 : i32 to vector<32x384xi32>
        %add3A_303 = arith.addi %iota3A, %add3A_302 : vector<32x384xi32>
        %gt3A = arith.cmpf ogt, %add3A_301, %scan3A_37 : vector<32x384xf32>
        %exp3A = math.exp %get3A_300 : vector<32x384xf32>
        %add3A_304 = arith.addf %scan3A_36, %exp3A : vector<32x384xf32>
        %select_n3A = arith.select %gt3A, %add3A_301, %scan3A_37 : vector<32x384xi1>, vector<32x384xf32>
        %select_n3A_305 = arith.select %gt3A, %add3A_303, %scan3A_38 : vector<32x384xi1>, vector<32x384xi32>
        scf.yield %add3A_304, %select_n3A, %select_n3A_305 : vector<32x384xf32>, vector<32x384xf32>, vector<32x384xi32>
      }
      %scan3A_26 = arith.constant 32 : i32
      %swap3A = arith.constant 0 : index
      %swap3A_27 = arith.constant 0 : index
      %swap3A_28 = vector.load %arg6[%swap3A, %swap3A_27] : memref<32x384xf32, #tpu.memory_space<vmem>>, vector<32x384xf32>
      tpu.vector_store %arg6[%swap3A, %swap3A_27], %scan3A_25#0 {strides = array<i32>} : memref<32x384xf32, #tpu.memory_space<vmem>>, vector<32x384xf32>,
      %swap3A_29 = arith.constant 0 : index
      %swap3A_30 = arith.constant 0 : index
      %swap3A_31 = vector.load %arg7[%swap3A_29, %swap3A_30] : memref<32x384xf32, #tpu.memory_space<vmem>>, vector<32x384xf32>
      tpu.vector_store %arg7[%swap3A_29, %swap3A_30], %scan3A_25#1 {strides = array<i32>} : memref<32x384xf32, #tpu.memory_space<vmem>>, vector<32x384xf32>,
      %swap3A_32 = arith.constant 0 : index
      %swap3A_33 = arith.constant 0 : index
      %swap3A_34 = vector.load %arg8[%swap3A_32, %swap3A_33] : memref<32x384xi32, #tpu.memory_space<vmem>>, vector<32x384xi32>
      tpu.vector_store %arg8[%swap3A_32, %swap3A_33], %scan3A_25#2 {strides = array<i32>} : memref<32x384xi32, #tpu.memory_space<vmem>>, vector<32x384xi32>,
    } else {
    }
    %eq3A_17 = arith.constant 69 : i32
    %eq3A_18 = arith.cmpi eq, %arg0, %eq3A_17 : i32
    %convert_element_type3A_19 = arith.extui %eq3A_18 : i1 to i32
    %cond3A_20 = arith.constant 0 : i32
    %cond3A_21 = arith.cmpi ne, %convert_element_type3A_19, %cond3A_20 : i32
    scf.if %cond3A_21 {
      %scan3A = arith.constant 0 : i32
      %scan3A_22 = arith.constant 13 : i32
      %scan3A_23 = arith.addi %scan3A, %scan3A_22 : i32
      %scan3A_24 = arith.constant 1 : i32
      %scan3A_25:3 = scf.for %scan3A_301 = %scan3A to %scan3A_23 step %scan3A_24 iter_args(%scan3A_302 = %get3A_6, %scan3A_303 = %get3A_9, %scan3A_304 = %get3A_12) -> (vector<32x384xf32>, vector<32x384xf32>, vector<32x384xi32>)  : i32 {
        %mul3A_305 = arith.constant 12288 : i32
        %mul3A_306 = arith.muli %arg0, %mul3A_305 : i32
        %add3A_307 = arith.constant 147456 : i32
        %add3A_308 = arith.addi %add3A_307, %mul3A_306 : i32
        %mul3A_309 = arith.constant 384 : i32
        %mul3A_310 = arith.muli %scan3A_301, %mul3A_309 : i32
        %add3A_311 = arith.addi %add3A_308, %mul3A_310 : i32
        %add3A_312 = vector.broadcast %add3A_311 : i32 to vector<32x384xi32>
        %add3A_313 = arith.addi %add3A, %add3A_312 : vector<32x384xi32>
        %broadcast_in_dim3A_314 = arith.constant 0 : i32
        %broadcast_in_dim3A_315 = vector.broadcast %broadcast_in_dim3A_314 : i32 to vector<32x384xi32>
        %add3A_316 = arith.constant 0 : i32
        %add3A_317 = vector.broadcast %add3A_316 : i32 to vector<32x384xi32>
        %add3A_318 = arith.addi %broadcast_in_dim3A_315, %add3A_317 : vector<32x384xi32>
        %add3A_319 = arith.constant 42 : i32
        %add3A_320 = vector.broadcast %add3A_319 : i32 to vector<32x384xi32>
        %add3A_321 = arith.addi %add3A_313, %add3A_320 : vector<32x384xi32>
        %add3A_322 = arith.addi %add3A_318, %add3A_321 : vector<32x384xi32>
        %shift_left3A_323 = arith.constant 13 : i32
        %shift_left3A_324 = vector.broadcast %shift_left3A_323 : i32 to vector<32x384xi32>
        %shift_left3A_325 = arith.shli %add3A_321, %shift_left3A_324 : vector<32x384xi32>
        %shift_right_logical3A_326 = arith.constant 19 : i32
        %shift_right_logical3A_327 = vector.broadcast %shift_right_logical3A_326 : i32 to vector<32x384xi32>
        %shift_right_logical3A_328 = arith.shrui %add3A_321, %shift_right_logical3A_327 : vector<32x384xi32>
        %or3A_329 = arith.ori %shift_left3A_325, %shift_right_logical3A_328 : vector<32x384xi32>
        %xor3A_330 = arith.xori %add3A_322, %or3A_329 : vector<32x384xi32>
        %add3A_331 = arith.addi %add3A_322, %xor3A_330 : vector<32x384xi32>
        %shift_left3A_332 = arith.constant 15 : i32
        %shift_left3A_333 = vector.broadcast %shift_left3A_332 : i32 to vector<32x384xi32>
        %shift_left3A_334 = arith.shli %xor3A_330, %shift_left3A_333 : vector<32x384xi32>
        %shift_right_logical3A_335 = arith.constant 17 : i32
        %shift_right_logical3A_336 = vector.broadcast %shift_right_logical3A_335 : i32 to vector<32x384xi32>
        %shift_right_logical3A_337 = arith.shrui %xor3A_330, %shift_right_logical3A_336 : vector<32x384xi32>
        %or3A_338 = arith.ori %shift_left3A_334, %shift_right_logical3A_337 : vector<32x384xi32>
        %xor3A_339 = arith.xori %add3A_331, %or3A_338 : vector<32x384xi32>
        %add3A_340 = arith.addi %add3A_331, %xor3A_339 : vector<32x384xi32>
        %shift_left3A_341 = arith.constant 26 : i32
        %shift_left3A_342 = vector.broadcast %shift_left3A_341 : i32 to vector<32x384xi32>
        %shift_left3A_343 = arith.shli %xor3A_339, %shift_left3A_342 : vector<32x384xi32>
        %shift_right_logical3A_344 = arith.constant 6 : i32
        %shift_right_logical3A_345 = vector.broadcast %shift_right_logical3A_344 : i32 to vector<32x384xi32>
        %shift_right_logical3A_346 = arith.shrui %xor3A_339, %shift_right_logical3A_345 : vector<32x384xi32>
        %or3A_347 = arith.ori %shift_left3A_343, %shift_right_logical3A_346 : vector<32x384xi32>
        %xor3A_348 = arith.xori %add3A_340, %or3A_347 : vector<32x384xi32>
        %add3A_349 = arith.addi %add3A_340, %xor3A_348 : vector<32x384xi32>
        %shift_left3A_350 = arith.constant 6 : i32
        %shift_left3A_351 = vector.broadcast %shift_left3A_350 : i32 to vector<32x384xi32>
        %shift_left3A_352 = arith.shli %xor3A_348, %shift_left3A_351 : vector<32x384xi32>
        %shift_right_logical3A_353 = arith.constant 26 : i32
        %shift_right_logical3A_354 = vector.broadcast %shift_right_logical3A_353 : i32 to vector<32x384xi32>
        %shift_right_logical3A_355 = arith.shrui %xor3A_348, %shift_right_logical3A_354 : vector<32x384xi32>
        %or3A_356 = arith.ori %shift_left3A_352, %shift_right_logical3A_355 : vector<32x384xi32>
        %xor3A_357 = arith.xori %add3A_349, %or3A_356 : vector<32x384xi32>
        %add3A_358 = arith.constant 42 : i32
        %add3A_359 = vector.broadcast %add3A_358 : i32 to vector<32x384xi32>
        %add3A_360 = arith.addi %add3A_349, %add3A_359 : vector<32x384xi32>
        %add3A_361 = arith.constant 466689008 : i32
        %add3A_362 = vector.broadcast %add3A_361 : i32 to vector<32x384xi32>
        %add3A_363 = arith.addi %xor3A_357, %add3A_362 : vector<32x384xi32>
        %add3A_364 = arith.constant 1 : i32
        %add3A_365 = vector.broadcast %add3A_364 : i32 to vector<32x384xi32>
        %add3A_366 = arith.addi %add3A_363, %add3A_365 : vector<32x384xi32>
        %add3A_367 = arith.addi %add3A_360, %add3A_366 : vector<32x384xi32>
        %shift_left3A_368 = arith.constant 17 : i32
        %shift_left3A_369 = vector.broadcast %shift_left3A_368 : i32 to vector<32x384xi32>
        %shift_left3A_370 = arith.shli %add3A_366, %shift_left3A_369 : vector<32x384xi32>
        %shift_right_logical3A_371 = arith.constant 15 : i32
        %shift_right_logical3A_372 = vector.broadcast %shift_right_logical3A_371 : i32 to vector<32x384xi32>
        %shift_right_logical3A_373 = arith.shrui %add3A_366, %shift_right_logical3A_372 : vector<32x384xi32>
        %or3A_374 = arith.ori %shift_left3A_370, %shift_right_logical3A_373 : vector<32x384xi32>
        %xor3A_375 = arith.xori %add3A_367, %or3A_374 : vector<32x384xi32>
        %add3A_376 = arith.addi %add3A_367, %xor3A_375 : vector<32x384xi32>
        %shift_left3A_377 = arith.constant 29 : i32
        %shift_left3A_378 = vector.broadcast %shift_left3A_377 : i32 to vector<32x384xi32>
        %shift_left3A_379 = arith.shli %xor3A_375, %shift_left3A_378 : vector<32x384xi32>
        %shift_right_logical3A_380 = arith.constant 3 : i32
        %shift_right_logical3A_381 = vector.broadcast %shift_right_logical3A_380 : i32 to vector<32x384xi32>
        %shift_right_logical3A_382 = arith.shrui %xor3A_375, %shift_right_logical3A_381 : vector<32x384xi32>
        %or3A_383 = arith.ori %shift_left3A_379, %shift_right_logical3A_382 : vector<32x384xi32>
        %xor3A_384 = arith.xori %add3A_376, %or3A_383 : vector<32x384xi32>
        %add3A_385 = arith.addi %add3A_376, %xor3A_384 : vector<32x384xi32>
        %shift_left3A_386 = arith.constant 16 : i32
        %shift_left3A_387 = vector.broadcast %shift_left3A_386 : i32 to vector<32x384xi32>
        %shift_left3A_388 = arith.shli %xor3A_384, %shift_left3A_387 : vector<32x384xi32>
        %shift_right_logical3A_389 = arith.constant 16 : i32
        %shift_right_logical3A_390 = vector.broadcast %shift_right_logical3A_389 : i32 to vector<32x384xi32>
        %shift_right_logical3A_391 = arith.shrui %xor3A_384, %shift_right_logical3A_390 : vector<32x384xi32>
        %or3A_392 = arith.ori %shift_left3A_388, %shift_right_logical3A_391 : vector<32x384xi32>
        %xor3A_393 = arith.xori %add3A_385, %or3A_392 : vector<32x384xi32>
        %add3A_394 = arith.addi %add3A_385, %xor3A_393 : vector<32x384xi32>
        %shift_left3A_395 = arith.constant 24 : i32
        %shift_left3A_396 = vector.broadcast %shift_left3A_395 : i32 to vector<32x384xi32>
        %shift_left3A_397 = arith.shli %xor3A_393, %shift_left3A_396 : vector<32x384xi32>
        %shift_right_logical3A_398 = arith.constant 8 : i32
        %shift_right_logical3A_399 = vector.broadcast %shift_right_logical3A_398 : i32 to vector<32x384xi32>
        %shift_right_logical3A_400 = arith.shrui %xor3A_393, %shift_right_logical3A_399 : vector<32x384xi32>
        %or3A_401 = arith.ori %shift_left3A_397, %shift_right_logical3A_400 : vector<32x384xi32>
        %xor3A_402 = arith.xori %add3A_394, %or3A_401 : vector<32x384xi32>
        %add3A_403 = arith.constant 466689008 : i32
        %add3A_404 = vector.broadcast %add3A_403 : i32 to vector<32x384xi32>
        %add3A_405 = arith.addi %add3A_394, %add3A_404 : vector<32x384xi32>
        %add3A_406 = arith.constant 0 : i32
        %add3A_407 = vector.broadcast %add3A_406 : i32 to vector<32x384xi32>
        %add3A_408 = arith.addi %xor3A_402, %add3A_407 : vector<32x384xi32>
        %add3A_409 = arith.constant 2 : i32
        %add3A_410 = vector.broadcast %add3A_409 : i32 to vector<32x384xi32>
        %add3A_411 = arith.addi %add3A_408, %add3A_410 : vector<32x384xi32>
        %add3A_412 = arith.addi %add3A_405, %add3A_411 : vector<32x384xi32>
        %shift_left3A_413 = arith.constant 13 : i32
        %shift_left3A_414 = vector.broadcast %shift_left3A_413 : i32 to vector<32x384xi32>
        %shift_left3A_415 = arith.shli %add3A_411, %shift_left3A_414 : vector<32x384xi32>
        %shift_right_logical3A_416 = arith.constant 19 : i32
        %shift_right_logical3A_417 = vector.broadcast %shift_right_logical3A_416 : i32 to vector<32x384xi32>
        %shift_right_logical3A_418 = arith.shrui %add3A_411, %shift_right_logical3A_417 : vector<32x384xi32>
        %or3A_419 = arith.ori %shift_left3A_415, %shift_right_logical3A_418 : vector<32x384xi32>
        %xor3A_420 = arith.xori %add3A_412, %or3A_419 : vector<32x384xi32>
        %add3A_421 = arith.addi %add3A_412, %xor3A_420 : vector<32x384xi32>
        %shift_left3A_422 = arith.constant 15 : i32
        %shift_left3A_423 = vector.broadcast %shift_left3A_422 : i32 to vector<32x384xi32>
        %shift_left3A_424 = arith.shli %xor3A_420, %shift_left3A_423 : vector<32x384xi32>
        %shift_right_logical3A_425 = arith.constant 17 : i32
        %shift_right_logical3A_426 = vector.broadcast %shift_right_logical3A_425 : i32 to vector<32x384xi32>
        %shift_right_logical3A_427 = arith.shrui %xor3A_420, %shift_right_logical3A_426 : vector<32x384xi32>
        %or3A_428 = arith.ori %shift_left3A_424, %shift_right_logical3A_427 : vector<32x384xi32>
        %xor3A_429 = arith.xori %add3A_421, %or3A_428 : vector<32x384xi32>
        %add3A_430 = arith.addi %add3A_421, %xor3A_429 : vector<32x384xi32>
        %shift_left3A_431 = arith.constant 26 : i32
        %shift_left3A_432 = vector.broadcast %shift_left3A_431 : i32 to vector<32x384xi32>
        %shift_left3A_433 = arith.shli %xor3A_429, %shift_left3A_432 : vector<32x384xi32>
        %shift_right_logical3A_434 = arith.constant 6 : i32
        %shift_right_logical3A_435 = vector.broadcast %shift_right_logical3A_434 : i32 to vector<32x384xi32>
        %shift_right_logical3A_436 = arith.shrui %xor3A_429, %shift_right_logical3A_435 : vector<32x384xi32>
        %or3A_437 = arith.ori %shift_left3A_433, %shift_right_logical3A_436 : vector<32x384xi32>
        %xor3A_438 = arith.xori %add3A_430, %or3A_437 : vector<32x384xi32>
        %add3A_439 = arith.addi %add3A_430, %xor3A_438 : vector<32x384xi32>
        %shift_left3A_440 = arith.constant 6 : i32
        %shift_left3A_441 = vector.broadcast %shift_left3A_440 : i32 to vector<32x384xi32>
        %shift_left3A_442 = arith.shli %xor3A_438, %shift_left3A_441 : vector<32x384xi32>
        %shift_right_logical3A_443 = arith.constant 26 : i32
        %shift_right_logical3A_444 = vector.broadcast %shift_right_logical3A_443 : i32 to vector<32x384xi32>
        %shift_right_logical3A_445 = arith.shrui %xor3A_438, %shift_right_logical3A_444 : vector<32x384xi32>
        %or3A_446 = arith.ori %shift_left3A_442, %shift_right_logical3A_445 : vector<32x384xi32>
        %xor3A_447 = arith.xori %add3A_439, %or3A_446 : vector<32x384xi32>
        %add3A_448 = arith.constant 0 : i32
        %add3A_449 = vector.broadcast %add3A_448 : i32 to vector<32x384xi32>
        %add3A_450 = arith.addi %add3A_439, %add3A_449 : vector<32x384xi32>
        %add3A_451 = arith.constant 42 : i32
        %add3A_452 = vector.broadcast %add3A_451 : i32 to vector<32x384xi32>
        %add3A_453 = arith.addi %xor3A_447, %add3A_452 : vector<32x384xi32>
        %add3A_454 = arith.constant 3 : i32
        %add3A_455 = vector.broadcast %add3A_454 : i32 to vector<32x384xi32>
        %add3A_456 = arith.addi %add3A_453, %add3A_455 : vector<32x384xi32>
        %add3A_457 = arith.addi %add3A_450, %add3A_456 : vector<32x384xi32>
        %shift_left3A_458 = arith.constant 17 : i32
        %shift_left3A_459 = vector.broadcast %shift_left3A_458 : i32 to vector<32x384xi32>
        %shift_left3A_460 = arith.shli %add3A_456, %shift_left3A_459 : vector<32x384xi32>
        %shift_right_logical3A_461 = arith.constant 15 : i32
        %shift_right_logical3A_462 = vector.broadcast %shift_right_logical3A_461 : i32 to vector<32x384xi32>
        %shift_right_logical3A_463 = arith.shrui %add3A_456, %shift_right_logical3A_462 : vector<32x384xi32>
        %or3A_464 = arith.ori %shift_left3A_460, %shift_right_logical3A_463 : vector<32x384xi32>
        %xor3A_465 = arith.xori %add3A_457, %or3A_464 : vector<32x384xi32>
        %add3A_466 = arith.addi %add3A_457, %xor3A_465 : vector<32x384xi32>
        %shift_left3A_467 = arith.constant 29 : i32
        %shift_left3A_468 = vector.broadcast %shift_left3A_467 : i32 to vector<32x384xi32>
        %shift_left3A_469 = arith.shli %xor3A_465, %shift_left3A_468 : vector<32x384xi32>
        %shift_right_logical3A_470 = arith.constant 3 : i32
        %shift_right_logical3A_471 = vector.broadcast %shift_right_logical3A_470 : i32 to vector<32x384xi32>
        %shift_right_logical3A_472 = arith.shrui %xor3A_465, %shift_right_logical3A_471 : vector<32x384xi32>
        %or3A_473 = arith.ori %shift_left3A_469, %shift_right_logical3A_472 : vector<32x384xi32>
        %xor3A_474 = arith.xori %add3A_466, %or3A_473 : vector<32x384xi32>
        %add3A_475 = arith.addi %add3A_466, %xor3A_474 : vector<32x384xi32>
        %shift_left3A_476 = arith.constant 16 : i32
        %shift_left3A_477 = vector.broadcast %shift_left3A_476 : i32 to vector<32x384xi32>
        %shift_left3A_478 = arith.shli %xor3A_474, %shift_left3A_477 : vector<32x384xi32>
        %shift_right_logical3A_479 = arith.constant 16 : i32
        %shift_right_logical3A_480 = vector.broadcast %shift_right_logical3A_479 : i32 to vector<32x384xi32>
        %shift_right_logical3A_481 = arith.shrui %xor3A_474, %shift_right_logical3A_480 : vector<32x384xi32>
        %or3A_482 = arith.ori %shift_left3A_478, %shift_right_logical3A_481 : vector<32x384xi32>
        %xor3A_483 = arith.xori %add3A_475, %or3A_482 : vector<32x384xi32>
        %add3A_484 = arith.addi %add3A_475, %xor3A_483 : vector<32x384xi32>
        %shift_left3A_485 = arith.constant 24 : i32
        %shift_left3A_486 = vector.broadcast %shift_left3A_485 : i32 to vector<32x384xi32>
        %shift_left3A_487 = arith.shli %xor3A_483, %shift_left3A_486 : vector<32x384xi32>
        %shift_right_logical3A_488 = arith.constant 8 : i32
        %shift_right_logical3A_489 = vector.broadcast %shift_right_logical3A_488 : i32 to vector<32x384xi32>
        %shift_right_logical3A_490 = arith.shrui %xor3A_483, %shift_right_logical3A_489 : vector<32x384xi32>
        %or3A_491 = arith.ori %shift_left3A_487, %shift_right_logical3A_490 : vector<32x384xi32>
        %xor3A_492 = arith.xori %add3A_484, %or3A_491 : vector<32x384xi32>
        %add3A_493 = arith.constant 42 : i32
        %add3A_494 = vector.broadcast %add3A_493 : i32 to vector<32x384xi32>
        %add3A_495 = arith.addi %add3A_484, %add3A_494 : vector<32x384xi32>
        %add3A_496 = arith.constant 466689008 : i32
        %add3A_497 = vector.broadcast %add3A_496 : i32 to vector<32x384xi32>
        %add3A_498 = arith.addi %xor3A_492, %add3A_497 : vector<32x384xi32>
        %add3A_499 = arith.constant 4 : i32
        %add3A_500 = vector.broadcast %add3A_499 : i32 to vector<32x384xi32>
        %add3A_501 = arith.addi %add3A_498, %add3A_500 : vector<32x384xi32>
        %add3A_502 = arith.addi %add3A_495, %add3A_501 : vector<32x384xi32>
        %shift_left3A_503 = arith.constant 13 : i32
        %shift_left3A_504 = vector.broadcast %shift_left3A_503 : i32 to vector<32x384xi32>
        %shift_left3A_505 = arith.shli %add3A_501, %shift_left3A_504 : vector<32x384xi32>
        %shift_right_logical3A_506 = arith.constant 19 : i32
        %shift_right_logical3A_507 = vector.broadcast %shift_right_logical3A_506 : i32 to vector<32x384xi32>
        %shift_right_logical3A_508 = arith.shrui %add3A_501, %shift_right_logical3A_507 : vector<32x384xi32>
        %or3A_509 = arith.ori %shift_left3A_505, %shift_right_logical3A_508 : vector<32x384xi32>
        %xor3A_510 = arith.xori %add3A_502, %or3A_509 : vector<32x384xi32>
        %add3A_511 = arith.addi %add3A_502, %xor3A_510 : vector<32x384xi32>
        %shift_left3A_512 = arith.constant 15 : i32
        %shift_left3A_513 = vector.broadcast %shift_left3A_512 : i32 to vector<32x384xi32>
        %shift_left3A_514 = arith.shli %xor3A_510, %shift_left3A_513 : vector<32x384xi32>
        %shift_right_logical3A_515 = arith.constant 17 : i32
        %shift_right_logical3A_516 = vector.broadcast %shift_right_logical3A_515 : i32 to vector<32x384xi32>
        %shift_right_logical3A_517 = arith.shrui %xor3A_510, %shift_right_logical3A_516 : vector<32x384xi32>
        %or3A_518 = arith.ori %shift_left3A_514, %shift_right_logical3A_517 : vector<32x384xi32>
        %xor3A_519 = arith.xori %add3A_511, %or3A_518 : vector<32x384xi32>
        %add3A_520 = arith.addi %add3A_511, %xor3A_519 : vector<32x384xi32>
        %shift_left3A_521 = arith.constant 26 : i32
        %shift_left3A_522 = vector.broadcast %shift_left3A_521 : i32 to vector<32x384xi32>
        %shift_left3A_523 = arith.shli %xor3A_519, %shift_left3A_522 : vector<32x384xi32>
        %shift_right_logical3A_524 = arith.constant 6 : i32
        %shift_right_logical3A_525 = vector.broadcast %shift_right_logical3A_524 : i32 to vector<32x384xi32>
        %shift_right_logical3A_526 = arith.shrui %xor3A_519, %shift_right_logical3A_525 : vector<32x384xi32>
        %or3A_527 = arith.ori %shift_left3A_523, %shift_right_logical3A_526 : vector<32x384xi32>
        %xor3A_528 = arith.xori %add3A_520, %or3A_527 : vector<32x384xi32>
        %add3A_529 = arith.addi %add3A_520, %xor3A_528 : vector<32x384xi32>
        %shift_left3A_530 = arith.constant 6 : i32
        %shift_left3A_531 = vector.broadcast %shift_left3A_530 : i32 to vector<32x384xi32>
        %shift_left3A_532 = arith.shli %xor3A_528, %shift_left3A_531 : vector<32x384xi32>
        %shift_right_logical3A_533 = arith.constant 26 : i32
        %shift_right_logical3A_534 = vector.broadcast %shift_right_logical3A_533 : i32 to vector<32x384xi32>
        %shift_right_logical3A_535 = arith.shrui %xor3A_528, %shift_right_logical3A_534 : vector<32x384xi32>
        %or3A_536 = arith.ori %shift_left3A_532, %shift_right_logical3A_535 : vector<32x384xi32>
        %xor3A_537 = arith.xori %add3A_529, %or3A_536 : vector<32x384xi32>
        %add3A_538 = arith.constant 466689008 : i32
        %add3A_539 = vector.broadcast %add3A_538 : i32 to vector<32x384xi32>
        %add3A_540 = arith.addi %add3A_529, %add3A_539 : vector<32x384xi32>
        %add3A_541 = arith.constant 0 : i32
        %add3A_542 = vector.broadcast %add3A_541 : i32 to vector<32x384xi32>
        %add3A_543 = arith.addi %xor3A_537, %add3A_542 : vector<32x384xi32>
        %add3A_544 = arith.constant 5 : i32
        %add3A_545 = vector.broadcast %add3A_544 : i32 to vector<32x384xi32>
        %add3A_546 = arith.addi %add3A_543, %add3A_545 : vector<32x384xi32>
        %xor3A_547 = arith.xori %add3A_540, %add3A_546 : vector<32x384xi32>
        %shift_right_logical3A_548 = arith.constant 9 : i32
        %shift_right_logical3A_549 = vector.broadcast %shift_right_logical3A_548 : i32 to vector<32x384xi32>
        %shift_right_logical3A_550 = arith.shrui %xor3A_547, %shift_right_logical3A_549 : vector<32x384xi32>
        %or3A_551 = arith.constant 1065353216 : i32
        %or3A_552 = vector.broadcast %or3A_551 : i32 to vector<32x384xi32>
        %or3A_553 = arith.ori %shift_right_logical3A_550, %or3A_552 : vector<32x384xi32>
        %bitcast_convert_type3A_554 = tpu.bitcast %or3A_553 : vector<32x384xi32> -> vector<32x384xf32>
        %sub3A_555 = arith.constant 1.000000e+00 : f32
        %sub3A_556 = vector.broadcast %sub3A_555 : f32 to vector<32x384xf32>
        %sub3A_557 = arith.subf %bitcast_convert_type3A_554, %sub3A_556 : vector<32x384xf32>
        %add3A_558 = arith.constant 1.17549435E-38 : f32
        %add3A_559 = vector.broadcast %add3A_558 : f32 to vector<32x384xf32>
        %add3A_560 = arith.addf %sub3A_557, %add3A_559 : vector<32x384xf32>
        %max3A_561 = arith.constant 1.17549435E-38 : f32
        %max3A_562 = vector.broadcast %max3A_561 : f32 to vector<32x384xf32>
        %max3A_563 = arith.maximumf %max3A_562, %add3A_560 : vector<32x384xf32>
        %log3A_564 = math.log %max3A_563 : vector<32x384xf32>
        %neg3A_565 = arith.constant 0.000000e+00 : f32
        %neg3A_566 = vector.broadcast %neg3A_565 : f32 to vector<32x384xf32>
        %neg3A_567 = arith.subf %neg3A_566, %log3A_564 : vector<32x384xf32>
        %log3A_568 = math.log %neg3A_567 : vector<32x384xf32>
        %neg3A_569 = arith.constant 0.000000e+00 : f32
        %neg3A_570 = vector.broadcast %neg3A_569 : f32 to vector<32x384xf32>
        %neg3A_571 = arith.subf %neg3A_570, %log3A_568 : vector<32x384xf32>
        %mul3A_572 = arith.constant 384 : i32
        %mul3A_573 = arith.muli %scan3A_301, %mul3A_572 : i32
        %get3A_574 = arith.constant 0 : index
        %get3A_575 = arith.index_cast %mul3A_573 : i32 to index
        %get3A_576 = vector.load %arg1[%get3A_574, %get3A_575] : memref<32x12288xf32, #tpu.memory_space<vmem>>, vector<32x384xf32>
        %add3A_577 = arith.addf %get3A_576, %neg3A_571 : vector<32x384xf32>
        %add3A_578 = vector.broadcast %add3A_311 : i32 to vector<32x384xi32>
        %add3A_579 = arith.addi %iota3A, %add3A_578 : vector<32x384xi32>
        %lt3A_580 = arith.constant 1000000 : i32
        %lt3A_581 = vector.broadcast %lt3A_580 : i32 to vector<32x384xi32>
        %lt3A_582 = arith.cmpi slt, %add3A_579, %lt3A_581 : vector<32x384xi32>
        %gt3A = arith.cmpf ogt, %add3A_577, %scan3A_303 : vector<32x384xf32>
        %and3A = arith.andi %gt3A, %lt3A_582 : vector<32x384xi1>
        %exp3A = math.exp %get3A_576 : vector<32x384xf32>
        %jit3A_583 = arith.constant 0.000000e+00 : f32
        %broadcast_in_dim3A_584 = vector.broadcast %jit3A_583 : f32 to vector<32x384xf32>
        %select_n3A_585 = arith.select %lt3A_582, %exp3A, %broadcast_in_dim3A_584 : vector<32x384xi1>, vector<32x384xf32>
        %add3A_586 = arith.addf %scan3A_302, %select_n3A_585 : vector<32x384xf32>
        %select_n3A_587 = arith.select %and3A, %add3A_577, %scan3A_303 : vector<32x384xi1>, vector<32x384xf32>
        %select_n3A_588 = arith.select %and3A, %add3A_579, %scan3A_304 : vector<32x384xi1>, vector<32x384xi32>
        scf.yield %add3A_586, %select_n3A_587, %select_n3A_588 : vector<32x384xf32>, vector<32x384xf32>, vector<32x384xi32>
      }
      %scan3A_26 = arith.constant 13 : i32
      %reduce_max3A = arith.constant dense<0xFF800000> : vector<32xf32>
      %reduce_max3A_27 = vector.multi_reduction <maximumf>, %scan3A_25#1, %reduce_max3A [1] : vector<32x384xf32> to vector<32xf32>
      %broadcast_in_dim3A = vector.shape_cast %reduce_max3A_27 : vector<32xf32> to vector<32x1xf32>
      %eq3A_28 = vector.broadcast %broadcast_in_dim3A : vector<32x1xf32> to vector<32x384xf32>
      %eq3A_29 = arith.cmpf oeq, %scan3A_25#1, %eq3A_28 : vector<32x384xf32>
      %jit3A = arith.constant 1000000 : i32
      %broadcast_in_dim3A_30 = vector.broadcast %jit3A : i32 to vector<32x384xi32>
      %select_n3A = arith.select %eq3A_29, %scan3A_25#2, %broadcast_in_dim3A_30 : vector<32x384xi1>, vector<32x384xi32>
      %reduce_min3A = arith.constant dense<2147483647> : vector<32xi32>
      %reduce_min3A_31 = vector.multi_reduction <minsi>, %select_n3A, %reduce_min3A [1] : vector<32x384xi32> to vector<32xi32>
      %broadcast_in_dim3A_32 = vector.shape_cast %reduce_min3A_31 : vector<32xi32> to vector<32x1xi32>
      %reduce_sum3A = arith.constant dense<0.000000e+00> : vector<32xf32>
      %reduce_sum3A_33 = vector.multi_reduction <add>, %scan3A_25#0, %reduce_sum3A [1] : vector<32x384xf32> to vector<32xf32>
      %broadcast_in_dim3A_34 = vector.shape_cast %reduce_sum3A_33 : vector<32xf32> to vector<32x1xf32>
      %iota3A_35 = tpu.iota {dimensions = array<i32: 0>} : vector<32x1xi32>
      %mul3A_36 = arith.constant 1000000 : i32
      %mul3A_37 = vector.broadcast %mul3A_36 : i32 to vector<32x1xi32>
      %mul3A_38 = arith.muli %iota3A_35, %mul3A_37 : vector<32x1xi32>
      %add3A_39 = arith.addi %mul3A_38, %broadcast_in_dim3A_32 : vector<32x1xi32>
      %broadcast_in_dim3A_40 = arith.constant 0 : i32
      %broadcast_in_dim3A_41 = vector.broadcast %broadcast_in_dim3A_40 : i32 to vector<32x1xi32>
      %add3A_42 = arith.constant 0 : i32
      %add3A_43 = vector.broadcast %add3A_42 : i32 to vector<32x1xi32>
      %add3A_44 = arith.addi %broadcast_in_dim3A_41, %add3A_43 : vector<32x1xi32>
      %add3A_45 = arith.constant 42 : i32
      %add3A_46 = vector.broadcast %add3A_45 : i32 to vector<32x1xi32>
      %add3A_47 = arith.addi %add3A_39, %add3A_46 : vector<32x1xi32>
      %add3A_48 = arith.addi %add3A_44, %add3A_47 : vector<32x1xi32>
      %shift_left3A = arith.constant 13 : i32
      %shift_left3A_49 = vector.broadcast %shift_left3A : i32 to vector<32x1xi32>
      %shift_left3A_50 = arith.shli %add3A_47, %shift_left3A_49 : vector<32x1xi32>
      %shift_right_logical3A = arith.constant 19 : i32
      %shift_right_logical3A_51 = vector.broadcast %shift_right_logical3A : i32 to vector<32x1xi32>
      %shift_right_logical3A_52 = arith.shrui %add3A_47, %shift_right_logical3A_51 : vector<32x1xi32>
      %or3A = arith.ori %shift_left3A_50, %shift_right_logical3A_52 : vector<32x1xi32>
      %xor3A = arith.xori %add3A_48, %or3A : vector<32x1xi32>
      %add3A_53 = arith.addi %add3A_48, %xor3A : vector<32x1xi32>
      %shift_left3A_54 = arith.constant 15 : i32
      %shift_left3A_55 = vector.broadcast %shift_left3A_54 : i32 to vector<32x1xi32>
      %shift_left3A_56 = arith.shli %xor3A, %shift_left3A_55 : vector<32x1xi32>
      %shift_right_logical3A_57 = arith.constant 17 : i32
      %shift_right_logical3A_58 = vector.broadcast %shift_right_logical3A_57 : i32 to vector<32x1xi32>
      %shift_right_logical3A_59 = arith.shrui %xor3A, %shift_right_logical3A_58 : vector<32x1xi32>
      %or3A_60 = arith.ori %shift_left3A_56, %shift_right_logical3A_59 : vector<32x1xi32>
      %xor3A_61 = arith.xori %add3A_53, %or3A_60 : vector<32x1xi32>
      %add3A_62 = arith.addi %add3A_53, %xor3A_61 : vector<32x1xi32>
      %shift_left3A_63 = arith.constant 26 : i32
      %shift_left3A_64 = vector.broadcast %shift_left3A_63 : i32 to vector<32x1xi32>
      %shift_left3A_65 = arith.shli %xor3A_61, %shift_left3A_64 : vector<32x1xi32>
      %shift_right_logical3A_66 = arith.constant 6 : i32
      %shift_right_logical3A_67 = vector.broadcast %shift_right_logical3A_66 : i32 to vector<32x1xi32>
      %shift_right_logical3A_68 = arith.shrui %xor3A_61, %shift_right_logical3A_67 : vector<32x1xi32>
      %or3A_69 = arith.ori %shift_left3A_65, %shift_right_logical3A_68 : vector<32x1xi32>
      %xor3A_70 = arith.xori %add3A_62, %or3A_69 : vector<32x1xi32>
      %add3A_71 = arith.addi %add3A_62, %xor3A_70 : vector<32x1xi32>
      %shift_left3A_72 = arith.constant 6 : i32
      %shift_left3A_73 = vector.broadcast %shift_left3A_72 : i32 to vector<32x1xi32>
      %shift_left3A_74 = arith.shli %xor3A_70, %shift_left3A_73 : vector<32x1xi32>
      %shift_right_logical3A_75 = arith.constant 26 : i32
      %shift_right_logical3A_76 = vector.broadcast %shift_right_logical3A_75 : i32 to vector<32x1xi32>
      %shift_right_logical3A_77 = arith.shrui %xor3A_70, %shift_right_logical3A_76 : vector<32x1xi32>
      %or3A_78 = arith.ori %shift_left3A_74, %shift_right_logical3A_77 : vector<32x1xi32>
      %xor3A_79 = arith.xori %add3A_71, %or3A_78 : vector<32x1xi32>
      %add3A_80 = arith.constant 42 : i32
      %add3A_81 = vector.broadcast %add3A_80 : i32 to vector<32x1xi32>
      %add3A_82 = arith.addi %add3A_71, %add3A_81 : vector<32x1xi32>
      %add3A_83 = arith.constant 466689008 : i32
      %add3A_84 = vector.broadcast %add3A_83 : i32 to vector<32x1xi32>
      %add3A_85 = arith.addi %xor3A_79, %add3A_84 : vector<32x1xi32>
      %add3A_86 = arith.constant 1 : i32
      %add3A_87 = vector.broadcast %add3A_86 : i32 to vector<32x1xi32>
      %add3A_88 = arith.addi %add3A_85, %add3A_87 : vector<32x1xi32>
      %add3A_89 = arith.addi %add3A_82, %add3A_88 : vector<32x1xi32>
      %shift_left3A_90 = arith.constant 17 : i32
      %shift_left3A_91 = vector.broadcast %shift_left3A_90 : i32 to vector<32x1xi32>
      %shift_left3A_92 = arith.shli %add3A_88, %shift_left3A_91 : vector<32x1xi32>
      %shift_right_logical3A_93 = arith.constant 15 : i32
      %shift_right_logical3A_94 = vector.broadcast %shift_right_logical3A_93 : i32 to vector<32x1xi32>
      %shift_right_logical3A_95 = arith.shrui %add3A_88, %shift_right_logical3A_94 : vector<32x1xi32>
      %or3A_96 = arith.ori %shift_left3A_92, %shift_right_logical3A_95 : vector<32x1xi32>
      %xor3A_97 = arith.xori %add3A_89, %or3A_96 : vector<32x1xi32>
      %add3A_98 = arith.addi %add3A_89, %xor3A_97 : vector<32x1xi32>
      %shift_left3A_99 = arith.constant 29 : i32
      %shift_left3A_100 = vector.broadcast %shift_left3A_99 : i32 to vector<32x1xi32>
      %shift_left3A_101 = arith.shli %xor3A_97, %shift_left3A_100 : vector<32x1xi32>
      %shift_right_logical3A_102 = arith.constant 3 : i32
      %shift_right_logical3A_103 = vector.broadcast %shift_right_logical3A_102 : i32 to vector<32x1xi32>
      %shift_right_logical3A_104 = arith.shrui %xor3A_97, %shift_right_logical3A_103 : vector<32x1xi32>
      %or3A_105 = arith.ori %shift_left3A_101, %shift_right_logical3A_104 : vector<32x1xi32>
      %xor3A_106 = arith.xori %add3A_98, %or3A_105 : vector<32x1xi32>
      %add3A_107 = arith.addi %add3A_98, %xor3A_106 : vector<32x1xi32>
      %shift_left3A_108 = arith.constant 16 : i32
      %shift_left3A_109 = vector.broadcast %shift_left3A_108 : i32 to vector<32x1xi32>
      %shift_left3A_110 = arith.shli %xor3A_106, %shift_left3A_109 : vector<32x1xi32>
      %shift_right_logical3A_111 = arith.constant 16 : i32
      %shift_right_logical3A_112 = vector.broadcast %shift_right_logical3A_111 : i32 to vector<32x1xi32>
      %shift_right_logical3A_113 = arith.shrui %xor3A_106, %shift_right_logical3A_112 : vector<32x1xi32>
      %or3A_114 = arith.ori %shift_left3A_110, %shift_right_logical3A_113 : vector<32x1xi32>
      %xor3A_115 = arith.xori %add3A_107, %or3A_114 : vector<32x1xi32>
      %add3A_116 = arith.addi %add3A_107, %xor3A_115 : vector<32x1xi32>
      %shift_left3A_117 = arith.constant 24 : i32
      %shift_left3A_118 = vector.broadcast %shift_left3A_117 : i32 to vector<32x1xi32>
      %shift_left3A_119 = arith.shli %xor3A_115, %shift_left3A_118 : vector<32x1xi32>
      %shift_right_logical3A_120 = arith.constant 8 : i32
      %shift_right_logical3A_121 = vector.broadcast %shift_right_logical3A_120 : i32 to vector<32x1xi32>
      %shift_right_logical3A_122 = arith.shrui %xor3A_115, %shift_right_logical3A_121 : vector<32x1xi32>
      %or3A_123 = arith.ori %shift_left3A_119, %shift_right_logical3A_122 : vector<32x1xi32>
      %xor3A_124 = arith.xori %add3A_116, %or3A_123 : vector<32x1xi32>
      %add3A_125 = arith.constant 466689008 : i32
      %add3A_126 = vector.broadcast %add3A_125 : i32 to vector<32x1xi32>
      %add3A_127 = arith.addi %add3A_116, %add3A_126 : vector<32x1xi32>
      %add3A_128 = arith.constant 0 : i32
      %add3A_129 = vector.broadcast %add3A_128 : i32 to vector<32x1xi32>
      %add3A_130 = arith.addi %xor3A_124, %add3A_129 : vector<32x1xi32>
      %add3A_131 = arith.constant 2 : i32
      %add3A_132 = vector.broadcast %add3A_131 : i32 to vector<32x1xi32>
      %add3A_133 = arith.addi %add3A_130, %add3A_132 : vector<32x1xi32>
      %add3A_134 = arith.addi %add3A_127, %add3A_133 : vector<32x1xi32>
      %shift_left3A_135 = arith.constant 13 : i32
      %shift_left3A_136 = vector.broadcast %shift_left3A_135 : i32 to vector<32x1xi32>
      %shift_left3A_137 = arith.shli %add3A_133, %shift_left3A_136 : vector<32x1xi32>
      %shift_right_logical3A_138 = arith.constant 19 : i32
      %shift_right_logical3A_139 = vector.broadcast %shift_right_logical3A_138 : i32 to vector<32x1xi32>
      %shift_right_logical3A_140 = arith.shrui %add3A_133, %shift_right_logical3A_139 : vector<32x1xi32>
      %or3A_141 = arith.ori %shift_left3A_137, %shift_right_logical3A_140 : vector<32x1xi32>
      %xor3A_142 = arith.xori %add3A_134, %or3A_141 : vector<32x1xi32>
      %add3A_143 = arith.addi %add3A_134, %xor3A_142 : vector<32x1xi32>
      %shift_left3A_144 = arith.constant 15 : i32
      %shift_left3A_145 = vector.broadcast %shift_left3A_144 : i32 to vector<32x1xi32>
      %shift_left3A_146 = arith.shli %xor3A_142, %shift_left3A_145 : vector<32x1xi32>
      %shift_right_logical3A_147 = arith.constant 17 : i32
      %shift_right_logical3A_148 = vector.broadcast %shift_right_logical3A_147 : i32 to vector<32x1xi32>
      %shift_right_logical3A_149 = arith.shrui %xor3A_142, %shift_right_logical3A_148 : vector<32x1xi32>
      %or3A_150 = arith.ori %shift_left3A_146, %shift_right_logical3A_149 : vector<32x1xi32>
      %xor3A_151 = arith.xori %add3A_143, %or3A_150 : vector<32x1xi32>
      %add3A_152 = arith.addi %add3A_143, %xor3A_151 : vector<32x1xi32>
      %shift_left3A_153 = arith.constant 26 : i32
      %shift_left3A_154 = vector.broadcast %shift_left3A_153 : i32 to vector<32x1xi32>
      %shift_left3A_155 = arith.shli %xor3A_151, %shift_left3A_154 : vector<32x1xi32>
      %shift_right_logical3A_156 = arith.constant 6 : i32
      %shift_right_logical3A_157 = vector.broadcast %shift_right_logical3A_156 : i32 to vector<32x1xi32>
      %shift_right_logical3A_158 = arith.shrui %xor3A_151, %shift_right_logical3A_157 : vector<32x1xi32>
      %or3A_159 = arith.ori %shift_left3A_155, %shift_right_logical3A_158 : vector<32x1xi32>
      %xor3A_160 = arith.xori %add3A_152, %or3A_159 : vector<32x1xi32>
      %add3A_161 = arith.addi %add3A_152, %xor3A_160 : vector<32x1xi32>
      %shift_left3A_162 = arith.constant 6 : i32
      %shift_left3A_163 = vector.broadcast %shift_left3A_162 : i32 to vector<32x1xi32>
      %shift_left3A_164 = arith.shli %xor3A_160, %shift_left3A_163 : vector<32x1xi32>
      %shift_right_logical3A_165 = arith.constant 26 : i32
      %shift_right_logical3A_166 = vector.broadcast %shift_right_logical3A_165 : i32 to vector<32x1xi32>
      %shift_right_logical3A_167 = arith.shrui %xor3A_160, %shift_right_logical3A_166 : vector<32x1xi32>
      %or3A_168 = arith.ori %shift_left3A_164, %shift_right_logical3A_167 : vector<32x1xi32>
      %xor3A_169 = arith.xori %add3A_161, %or3A_168 : vector<32x1xi32>
      %add3A_170 = arith.constant 0 : i32
      %add3A_171 = vector.broadcast %add3A_170 : i32 to vector<32x1xi32>
      %add3A_172 = arith.addi %add3A_161, %add3A_171 : vector<32x1xi32>
      %add3A_173 = arith.constant 42 : i32
      %add3A_174 = vector.broadcast %add3A_173 : i32 to vector<32x1xi32>
      %add3A_175 = arith.addi %xor3A_169, %add3A_174 : vector<32x1xi32>
      %add3A_176 = arith.constant 3 : i32
      %add3A_177 = vector.broadcast %add3A_176 : i32 to vector<32x1xi32>
      %add3A_178 = arith.addi %add3A_175, %add3A_177 : vector<32x1xi32>
      %add3A_179 = arith.addi %add3A_172, %add3A_178 : vector<32x1xi32>
      %shift_left3A_180 = arith.constant 17 : i32
      %shift_left3A_181 = vector.broadcast %shift_left3A_180 : i32 to vector<32x1xi32>
      %shift_left3A_182 = arith.shli %add3A_178, %shift_left3A_181 : vector<32x1xi32>
      %shift_right_logical3A_183 = arith.constant 15 : i32
      %shift_right_logical3A_184 = vector.broadcast %shift_right_logical3A_183 : i32 to vector<32x1xi32>
      %shift_right_logical3A_185 = arith.shrui %add3A_178, %shift_right_logical3A_184 : vector<32x1xi32>
      %or3A_186 = arith.ori %shift_left3A_182, %shift_right_logical3A_185 : vector<32x1xi32>
      %xor3A_187 = arith.xori %add3A_179, %or3A_186 : vector<32x1xi32>
      %add3A_188 = arith.addi %add3A_179, %xor3A_187 : vector<32x1xi32>
      %shift_left3A_189 = arith.constant 29 : i32
      %shift_left3A_190 = vector.broadcast %shift_left3A_189 : i32 to vector<32x1xi32>
      %shift_left3A_191 = arith.shli %xor3A_187, %shift_left3A_190 : vector<32x1xi32>
      %shift_right_logical3A_192 = arith.constant 3 : i32
      %shift_right_logical3A_193 = vector.broadcast %shift_right_logical3A_192 : i32 to vector<32x1xi32>
      %shift_right_logical3A_194 = arith.shrui %xor3A_187, %shift_right_logical3A_193 : vector<32x1xi32>
      %or3A_195 = arith.ori %shift_left3A_191, %shift_right_logical3A_194 : vector<32x1xi32>
      %xor3A_196 = arith.xori %add3A_188, %or3A_195 : vector<32x1xi32>
      %add3A_197 = arith.addi %add3A_188, %xor3A_196 : vector<32x1xi32>
      %shift_left3A_198 = arith.constant 16 : i32
      %shift_left3A_199 = vector.broadcast %shift_left3A_198 : i32 to vector<32x1xi32>
      %shift_left3A_200 = arith.shli %xor3A_196, %shift_left3A_199 : vector<32x1xi32>
      %shift_right_logical3A_201 = arith.constant 16 : i32
      %shift_right_logical3A_202 = vector.broadcast %shift_right_logical3A_201 : i32 to vector<32x1xi32>
      %shift_right_logical3A_203 = arith.shrui %xor3A_196, %shift_right_logical3A_202 : vector<32x1xi32>
      %or3A_204 = arith.ori %shift_left3A_200, %shift_right_logical3A_203 : vector<32x1xi32>
      %xor3A_205 = arith.xori %add3A_197, %or3A_204 : vector<32x1xi32>
      %add3A_206 = arith.addi %add3A_197, %xor3A_205 : vector<32x1xi32>
      %shift_left3A_207 = arith.constant 24 : i32
      %shift_left3A_208 = vector.broadcast %shift_left3A_207 : i32 to vector<32x1xi32>
      %shift_left3A_209 = arith.shli %xor3A_205, %shift_left3A_208 : vector<32x1xi32>
      %shift_right_logical3A_210 = arith.constant 8 : i32
      %shift_right_logical3A_211 = vector.broadcast %shift_right_logical3A_210 : i32 to vector<32x1xi32>
      %shift_right_logical3A_212 = arith.shrui %xor3A_205, %shift_right_logical3A_211 : vector<32x1xi32>
      %or3A_213 = arith.ori %shift_left3A_209, %shift_right_logical3A_212 : vector<32x1xi32>
      %xor3A_214 = arith.xori %add3A_206, %or3A_213 : vector<32x1xi32>
      %add3A_215 = arith.constant 42 : i32
      %add3A_216 = vector.broadcast %add3A_215 : i32 to vector<32x1xi32>
      %add3A_217 = arith.addi %add3A_206, %add3A_216 : vector<32x1xi32>
      %add3A_218 = arith.constant 466689008 : i32
      %add3A_219 = vector.broadcast %add3A_218 : i32 to vector<32x1xi32>
      %add3A_220 = arith.addi %xor3A_214, %add3A_219 : vector<32x1xi32>
      %add3A_221 = arith.constant 4 : i32
      %add3A_222 = vector.broadcast %add3A_221 : i32 to vector<32x1xi32>
      %add3A_223 = arith.addi %add3A_220, %add3A_222 : vector<32x1xi32>
      %add3A_224 = arith.addi %add3A_217, %add3A_223 : vector<32x1xi32>
      %shift_left3A_225 = arith.constant 13 : i32
      %shift_left3A_226 = vector.broadcast %shift_left3A_225 : i32 to vector<32x1xi32>
      %shift_left3A_227 = arith.shli %add3A_223, %shift_left3A_226 : vector<32x1xi32>
      %shift_right_logical3A_228 = arith.constant 19 : i32
      %shift_right_logical3A_229 = vector.broadcast %shift_right_logical3A_228 : i32 to vector<32x1xi32>
      %shift_right_logical3A_230 = arith.shrui %add3A_223, %shift_right_logical3A_229 : vector<32x1xi32>
      %or3A_231 = arith.ori %shift_left3A_227, %shift_right_logical3A_230 : vector<32x1xi32>
      %xor3A_232 = arith.xori %add3A_224, %or3A_231 : vector<32x1xi32>
      %add3A_233 = arith.addi %add3A_224, %xor3A_232 : vector<32x1xi32>
      %shift_left3A_234 = arith.constant 15 : i32
      %shift_left3A_235 = vector.broadcast %shift_left3A_234 : i32 to vector<32x1xi32>
      %shift_left3A_236 = arith.shli %xor3A_232, %shift_left3A_235 : vector<32x1xi32>
      %shift_right_logical3A_237 = arith.constant 17 : i32
      %shift_right_logical3A_238 = vector.broadcast %shift_right_logical3A_237 : i32 to vector<32x1xi32>
      %shift_right_logical3A_239 = arith.shrui %xor3A_232, %shift_right_logical3A_238 : vector<32x1xi32>
      %or3A_240 = arith.ori %shift_left3A_236, %shift_right_logical3A_239 : vector<32x1xi32>
      %xor3A_241 = arith.xori %add3A_233, %or3A_240 : vector<32x1xi32>
      %add3A_242 = arith.addi %add3A_233, %xor3A_241 : vector<32x1xi32>
      %shift_left3A_243 = arith.constant 26 : i32
      %shift_left3A_244 = vector.broadcast %shift_left3A_243 : i32 to vector<32x1xi32>
      %shift_left3A_245 = arith.shli %xor3A_241, %shift_left3A_244 : vector<32x1xi32>
      %shift_right_logical3A_246 = arith.constant 6 : i32
      %shift_right_logical3A_247 = vector.broadcast %shift_right_logical3A_246 : i32 to vector<32x1xi32>
      %shift_right_logical3A_248 = arith.shrui %xor3A_241, %shift_right_logical3A_247 : vector<32x1xi32>
      %or3A_249 = arith.ori %shift_left3A_245, %shift_right_logical3A_248 : vector<32x1xi32>
      %xor3A_250 = arith.xori %add3A_242, %or3A_249 : vector<32x1xi32>
      %add3A_251 = arith.addi %add3A_242, %xor3A_250 : vector<32x1xi32>
      %shift_left3A_252 = arith.constant 6 : i32
      %shift_left3A_253 = vector.broadcast %shift_left3A_252 : i32 to vector<32x1xi32>
      %shift_left3A_254 = arith.shli %xor3A_250, %shift_left3A_253 : vector<32x1xi32>
      %shift_right_logical3A_255 = arith.constant 26 : i32
      %shift_right_logical3A_256 = vector.broadcast %shift_right_logical3A_255 : i32 to vector<32x1xi32>
      %shift_right_logical3A_257 = arith.shrui %xor3A_250, %shift_right_logical3A_256 : vector<32x1xi32>
      %or3A_258 = arith.ori %shift_left3A_254, %shift_right_logical3A_257 : vector<32x1xi32>
      %xor3A_259 = arith.xori %add3A_251, %or3A_258 : vector<32x1xi32>
      %add3A_260 = arith.constant 466689008 : i32
      %add3A_261 = vector.broadcast %add3A_260 : i32 to vector<32x1xi32>
      %add3A_262 = arith.addi %add3A_251, %add3A_261 : vector<32x1xi32>
      %add3A_263 = arith.constant 0 : i32
      %add3A_264 = vector.broadcast %add3A_263 : i32 to vector<32x1xi32>
      %add3A_265 = arith.addi %xor3A_259, %add3A_264 : vector<32x1xi32>
      %add3A_266 = arith.constant 5 : i32
      %add3A_267 = vector.broadcast %add3A_266 : i32 to vector<32x1xi32>
      %add3A_268 = arith.addi %add3A_265, %add3A_267 : vector<32x1xi32>
      %xor3A_269 = arith.xori %add3A_262, %add3A_268 : vector<32x1xi32>
      %shift_right_logical3A_270 = arith.constant 9 : i32
      %shift_right_logical3A_271 = vector.broadcast %shift_right_logical3A_270 : i32 to vector<32x1xi32>
      %shift_right_logical3A_272 = arith.shrui %xor3A_269, %shift_right_logical3A_271 : vector<32x1xi32>
      %or3A_273 = arith.constant 1065353216 : i32
      %or3A_274 = vector.broadcast %or3A_273 : i32 to vector<32x1xi32>
      %or3A_275 = arith.ori %shift_right_logical3A_272, %or3A_274 : vector<32x1xi32>
      %bitcast_convert_type3A = tpu.bitcast %or3A_275 : vector<32x1xi32> -> vector<32x1xf32>
      %sub3A = arith.constant 1.000000e+00 : f32
      %sub3A_276 = vector.broadcast %sub3A : f32 to vector<32x1xf32>
      %sub3A_277 = arith.subf %bitcast_convert_type3A, %sub3A_276 : vector<32x1xf32>
      %add3A_278 = arith.constant 1.17549435E-38 : f32
      %add3A_279 = vector.broadcast %add3A_278 : f32 to vector<32x1xf32>
      %add3A_280 = arith.addf %sub3A_277, %add3A_279 : vector<32x1xf32>
      %max3A = arith.constant 1.17549435E-38 : f32
      %max3A_281 = vector.broadcast %max3A : f32 to vector<32x1xf32>
      %max3A_282 = arith.maximumf %max3A_281, %add3A_280 : vector<32x1xf32>
      %log3A = math.log %max3A_282 : vector<32x1xf32>
      %neg3A = arith.constant 0.000000e+00 : f32
      %neg3A_283 = vector.broadcast %neg3A : f32 to vector<32x1xf32>
      %neg3A_284 = arith.subf %neg3A_283, %log3A : vector<32x1xf32>
      %log3A_285 = math.log %neg3A_284 : vector<32x1xf32>
      %neg3A_286 = arith.constant 0.000000e+00 : f32
      %neg3A_287 = vector.broadcast %neg3A_286 : f32 to vector<32x1xf32>
      %neg3A_288 = arith.subf %neg3A_287, %log3A_285 : vector<32x1xf32>
      %sub3A_289 = arith.subf %broadcast_in_dim3A, %neg3A_288 : vector<32x1xf32>
      %swap3A = arith.constant 0 : index
      %swap3A_290 = arith.constant 0 : index
      %swap3A_291 = vector.load %arg2[%swap3A, %swap3A_290] : memref<32x1xi32, #tpu.memory_space<vmem>>, vector<32x1xi32>
      tpu.vector_store %arg2[%swap3A, %swap3A_290], %broadcast_in_dim3A_32 {strides = array<i32>} : memref<32x1xi32, #tpu.memory_space<vmem>>, vector<32x1xi32>,
      %swap3A_292 = arith.constant 0 : index
      %swap3A_293 = arith.constant 0 : index
      %swap3A_294 = vector.load %arg3[%swap3A_292, %swap3A_293] : memref<32x1xf32, #tpu.memory_space<vmem>>, vector<32x1xf32>
      tpu.vector_store %arg3[%swap3A_292, %swap3A_293], %sub3A_289 {strides = array<i32>} : memref<32x1xf32, #tpu.memory_space<vmem>>, vector<32x1xf32>,
      %swap3A_295 = arith.constant 0 : index
      %swap3A_296 = arith.constant 0 : index
      %swap3A_297 = vector.load %arg4[%swap3A_295, %swap3A_296] : memref<32x1xf32, #tpu.memory_space<vmem>>, vector<32x1xf32>
      tpu.vector_store %arg4[%swap3A_295, %swap3A_296], %broadcast_in_dim3A {strides = array<i32>} : memref<32x1xf32, #tpu.memory_space<vmem>>, vector<32x1xf32>,
      %swap3A_298 = arith.constant 0 : index
      %swap3A_299 = arith.constant 0 : index
      %swap3A_300 = vector.load %arg5[%swap3A_298, %swap3A_299] : memref<32x1xf32, #tpu.memory_space<vmem>>, vector<32x1xf32>
      tpu.vector_store %arg5[%swap3A_298, %swap3A_299], %broadcast_in_dim3A_34 {strides = array<i32>} : memref<32x1xf32, #tpu.memory_space<vmem>>, vector<32x1xf32>,
    } else {
    }
    return
  }
  func.func @transform_0(%arg0: i32) -> (i32, i32) {
    %add3A = arith.constant 12 : i32
    %add3A_0 = arith.addi %arg0, %add3A : i32
    %c0_i32 = arith.constant 0 : i32
    %c0_i32_1 = arith.constant 0 : i32
    return %c0_i32, %add3A_0 : i32, i32
  }
  func.func @transform_1(%arg0: i32) -> (i32, i32) {
    %c0_i32 = arith.constant 0 : i32
    %c0_i32_0 = arith.constant 0 : i32
    %c0_i32_1 = arith.constant 0 : i32
    return %c0_i32, %c0_i32_0 : i32, i32
  }
  func.func @transform_2(%arg0: i32) -> (i32, i32) {
    %c0_i32 = arith.constant 0 : i32
    %c0_i32_0 = arith.constant 0 : i32
    %c0_i32_1 = arith.constant 0 : i32
    return %c0_i32, %c0_i32_0 : i32, i32
  }
  func.func @transform_3(%arg0: i32) -> (i32, i32) {
    %c0_i32 = arith.constant 0 : i32
    %c0_i32_0 = arith.constant 0 : i32
    %c0_i32_1 = arith.constant 0 : i32
    return %c0_i32, %c0_i32_0 : i32, i32
  }
  func.func @transform_4(%arg0: i32) -> (i32, i32) {
    %c0_i32 = arith.constant 0 : i32
    %c0_i32_0 = arith.constant 0 : i32
    %c0_i32_1 = arith.constant 0 : i32
    return %c0_i32, %c0_i32_0 : i32, i32
  }
}

</mosaic_0001>

<sc_bundles>
// kernel: kernel.4.cloned.1.call-start
scs
__scs_entry_jumppad:
0x0: {  	(pc) =	sbr.rel $0x88, $3  }
0x1: {  	(tag) =	ssettag $0x0;
	lr =	simm.s32 $0x1  }
0x2: {  	[smem:$0x3FA0] =	sst lr;
	_ =	strace $0xD0000000  }
0x3: {  	_ = 	snop  }
0x4: {  	_ = 	snop  }
0x5: {  	_ = 	snop  }
0x6: {  	_ = 	snop  }
0x7: {  	_ = 	snop  }
__scs_overlays_trampoline_lowered:
0x8: {  	[smem:$0x3FAF] =	sst s0  }
0x9: {  	[smem:$0x3FB0] =	sst s1  }
0xa: {  	[smem:$0x3FB1] =	sst s2  }
0xb: {  	[smem:$0x3FB2] =	sst s3  }
0xc: {  	[smem:$0x3FB3] =	sst s4  }
0xd: {  	[smem:$0x3FB4] =	sst s5  }
0xe: {  	[smem:$0x3FB5] =	sst s6  }
0xf: {  	[smem:$0x3FB6] =	sst s7  }
0x10: {  	[smem:$0x3FB7] =	sst s8  }
0x11: {  	[smem:$0x3FB8] =	sst s9;
	s0 =	simm.s32 @!p0 $0x0  }
0x12: {  	s1 =	sld [smem:$0x3F9E];
	s0 =	simm.s32 @p0 $0x1  }
0x13: {  	[smem:$0x3FB9] =	sst s0;
	s0 =	simm.s32 @!p1 $0x0  }
0x14: {  	s2 =	sld [smem:$0x3F9D];
	s0 =	simm.s32 @p1 $0x1  }
0x15: {  	[smem:$0x3FBA] =	sst s0;
	s0 =	simm.s32 @!p2 $0x0  }
0x16: {  	s3 =	sld [smem:$0x3FDB];
	s0 =	simm.s32 @p2 $0x1  }
0x17: {  	s4 =	simm.s32 $0x1BF5;
	[smem:$0x3FBC] =	sst s0  }
0x18: {  	s0 =	sld [smem:$0x3F9F];
	_ =	swait.ge [sflag:s4], $0x0  }
0x19: {  	s7 =	sld [smem:$0x3FA0]  }
0x1a: {  	s8 =	sadd.s32 $0xFFFFE003, lr  }
0x1b: {  	s9 =	sadd.s32 $0xFFFFFEF7, lr;
	s5 =	simm.s32 $0xFFFFFFFF;
	p2 =	slt.u32 s8, $0xFFFFF086  }
0x1c: {  	p1 =	slt.u32 s9, $0xF7A;
	s5 =	simm.s32 @!p2 $0x0  }
0x1d: {  	s5 =	simm.s32 @p1 $0x1;
	p0 =	seq.s32 s7, s2  }
0x1e: {  	s7 =	smul.u32 @!p0 $0xF7A, s2;
	p2 =	seq.s32 @!p0 s5, $0x0  }
0x1f: {  	s9 =	smul.u32 $0xF7A, s1;
	s8 =	simm.s32 @!p0 $0x1BF5;
	p2 =	por !p2, p0  }
0x20: {  	[sflag:s8] =	ssyncset.s32 @!p0 $0xFFFFF086;
	s6 =	sadd.s32 @!p0 s3, s7;
	s7 =	simm.s32 @!p0 $0x108  }
0x21: {  	s3 =	sadd.s32 s3, s9;
	s6 =	sadd.s32 @!p0 $0x88, s6;
	s7 =	simm.s32 @p2 $0x1082  }
0x22: {  	[simem:s7], [sflag:s8] =	dma.local @!p0 [hbm:s6], $0xF7A  }
0x23: {  	s9 =	sor.u32 $0xD0000000, s2;
	s6 =	simm.s32 $0x108;
	_ =	swait.ge @!p0 [sflag:s8], $0x0  }
0x24: {  	s3 =	sadd.s32 $0x88, s3;
	s6 =	simm.s32 @!p1 $0x1082;
	[sflag:s4] =	ssyncset.s32 $0xFFFFF086  }
0x25: {  	[simem:s6], [sflag:s4] =	dma.local [hbm:s3], $0xF7A  }
0x26: {  	[smem:$0x3FA0] =	sst s1;
	(tag) =	ssettag s2;
	_ =	strace s9  }
0x27: {  	s1 =	sld [smem:$0x3FB0]  }
0x28: {  	s2 =	sld [smem:$0x3FB1]  }
0x29: {  	s4 =	sld [smem:$0x3FB3]  }
0x2a: {  	p0 =	seq.s32 s5, $0x0;
	s5 =	sld [smem:$0x3FB4]  }
0x2b: {  	s6 =	sld [smem:$0x3FB5]  }
0x2c: {  	s7 =	sld [smem:$0x3FB6]  }
0x2d: {  	s3 =	simm.s32 $0x108;
	s8 =	sld [smem:$0x3FB7]  }
0x2e: {  	s3 =	simm.s32 @!p0 $0x1082;
	s9 =	sld [smem:$0x3FB8]  }
0x2f: {  	lr =	sadd.s32 s0, s3;
	s0 =	sld [smem:$0x3FAF]  }
0x30: {  	s3 =	sld [smem:$0x3FB2]  }
0x31: {  	[smem:$0x3FBB] =	sst s10  }
0x32: {  	s10 =	sld [smem:$0x3FB9];
	_ =	sdelay $0x3  }
0x33: {  	p0 =	seq.s32 s10, $0x1;
	s10 =	sld [smem:$0x3FBB];
	_ =	sdelay $0x3  }
0x34: {  	[smem:$0x3FBB] =	sst s10  }
0x35: {  	s10 =	sld [smem:$0x3FBA];
	_ =	sdelay $0x3  }
0x36: {  	p1 =	seq.s32 s10, $0x1;
	s10 =	sld [smem:$0x3FBB];
	_ =	sdelay $0x3  }
0x37: {  	[smem:$0x3FBB] =	sst s10  }
0x38: {  	s10 =	sld [smem:$0x3FBC]  }
0x39: {  	_ = 	snop;
	(pc) =	sbr.ind lr, $3  }
0x3a: {  	_ = 	snop  }
0x3b: {  	_ = 	snop  }
0x3c: {  	p2 =	seq.s32 s10, $0x1;
	s10 =	sld [smem:$0x3FBB]  }
0x3d: {  	_ =	shalt  }
0x3e: {  	_ =	shalt  }
0x3f: {  	_ =	shalt  }
0x40: {  	_ =	shalt  }
0x41: {  	_ =	shalt  }
0x42: {  	_ =	shalt  }
0x43: {  	_ =	shalt  }
0x44: {  	_ =	shalt  }
0x45: {  	_ =	shalt  }
0x46: {  	_ =	shalt  }
0x47: {  	_ =	shalt  }
0x48: {  	_ =	shalt  }
0x49: {  	_ =	shalt  }
0x4a: {  	_ =	shalt  }
0x4b: {  	_ =	shalt  }
0x4c: {  	_ =	shalt  }
0x4d: {  	_ =	shalt  }
0x4e: {  	_ =	shalt  }
0x4f: {  	_ =	shalt  }
0x50: {  	_ =	shalt  }
0x51: {  	_ =	shalt  }
0x52: {  	_ =	shalt  }
0x53: {  	_ =	shalt  }
0x54: {  	_ =	shalt  }
0x55: {  	_ =	shalt  }
0x56: {  	_ =	shalt  }
0x57: {  	_ =	shalt  }
0x58: {  	_ =	shalt  }
0x59: {  	_ =	shalt  }
0x5a: {  	_ =	shalt  }
0x5b: {  	_ =	shalt  }
0x5c: {  	_ =	shalt  }
0x5d: {  	_ =	shalt  }
0x5e: {  	_ =	shalt  }
0x5f: {  	_ =	shalt  }
0x60: {  	_ =	shalt  }
0x61: {  	_ =	shalt  }
0x62: {  	_ =	shalt  }
0x63: {  	_ =	shalt  }
0x64: {  	_ =	shalt  }
0x65: {  	_ =	shalt  }
0x66: {  	_ =	shalt  }
0x67: {  	_ =	shalt  }
0x68: {  	_ =	shalt  }
0x69: {  	_ =	shalt  }
0x6a: {  	_ =	shalt  }
0x6b: {  	_ =	shalt  }
0x6c: {  	_ =	shalt  }
0x6d: {  	_ =	shalt  }
0x6e: {  	_ =	shalt  }
0x6f: {  	_ =	shalt  }
0x70: {  	_ =	shalt  }
0x71: {  	_ =	shalt  }
0x72: {  	_ =	shalt  }
0x73: {  	_ =	shalt  }
0x74: {  	_ =	shalt  }
0x75: {  	_ =	shalt  }
0x76: {  	_ =	shalt  }
0x77: {  	_ =	shalt  }
0x78: {  	_ =	shalt  }
0x79: {  	_ =	shalt  }
0x7a: {  	_ =	shalt  }
0x7b: {  	_ =	shalt  }
0x7c: {  	_ =	shalt  }
0x7d: {  	_ =	shalt  }
0x7e: {  	_ =	shalt  }
0x7f: {  	_ =	shalt  }
0x80: {  	_ =	shalt  }
0x81: {  	_ =	shalt  }
0x82: {  	_ =	shalt  }
0x83: {  	_ =	shalt  }
0x84: {  	_ =	shalt  }
0x85: {  	_ =	shalt  }
0x86: {  	_ =	shalt  }
0x87: {  	_ =	shalt  }
.Lfunc_end0:
.L_simem_size_0:
called_computation_lowered:
.L_overlay_start_0:
0x88: {  	s2 =	sld [smem:$0x3FD9]  }
0x89: {  	s3 =	sld [smem:$0x3FFE];
	_ =	sdelay $0x1  }
0x8a: {  	s1 =	srdreg.scid  }
0x8b: {  	s0 =	sand.u32 $0x1, s1  }
0x8c: {  	s17 =	sshll.u32 s0, $0xA;
	s2 =	sadd.s32 s3, s2  }
0x8d: {  	s2 =	sadd.s32 s2, s17  }
0x8e: {  	[smem:$0x3FC7] =	sst s2  }
0x8f: {  	_ = 	snop  }
0x90: {  	s2 =	sld [smem:$0x3FC9];
	(tm) =	ssettm $0x1  }
0x91: {  	s18 =	sld [smem:$0x3FFB];
	_ =	sdelay $0x3  }
0x92: {  	_ =	strace s18  }
0x93: {  	s3 =	sld [smem:$0x3FFC];
	_ =	sdelay $0x3  }
0x94: {  	_ =	strace s3  }
0x95: {  	s3 =	sld [smem:$0x3FFD];
	_ =	sdelay $0x3  }
0x96: {  	_ =	strace s3  }
0x97: {  	_ =	strace $0x8FFFFFFF  }
0x98: {  	s19 =	sld [smem:$0x3FDB];
	_ =	sdelay $0x1  }
0x99: {  	s4 =	simm.s32 $_scs_section_size  }
0x9a: {  	s5 =	simm.s32 $_size__tile_overlayer_lowered;
	s6 =	simm.s32 $_tile_overlayer_lowered  }
0x9b: {  	s22 =	simm.s32 $0x1BFF;
	s21 =	sshll.u32 s6, $0x1;
	s3 =	sadd.s32 s4, s19  }
0x9c: {  	s7 =	simm.s32 $0x0;
	s20 =	sshll.u32 s5, $0x1;
	s5 =	sadd.s32 s21, s3  }
0x9d: {  	[timem:s7], [sflag:s22] =	dma.local [hbm:s5], s20  }
0x9e: {  	_ =	swait.ge [sflag:s22], s20  }
0x9f: {  	s4 =	ssub.s32 $0x0, s20;
	[sflag:s22] =	ssyncset.done $0x0  }
0xa0: {  	[sflag:s22] =	ssyncadd.s32 s4;
	_ =	sdelay $0x1  }
0xa1: {  	s23 =	simm.s32 $0x1B8B  }
0xa2: {  	_ =	swait.ge [sflag:s23], $0x1  }
0xa3: {  	[sflag:s23] =	ssyncset.done $0x0  }
0xa4: {  	s25 =	simm.s32 $0x1B8E;
	s24 =	sld [smem:$0x3FFE];
	[sflag:s23] =	ssyncadd.s32 $0xFFFFFFFF  }
0xa5: {  	s26 =	simm.s32 $execute0_lowered;
	[smem:$0x3FD2] =	sst s25  }
0xa6: {  	s5 =	sshll.u32 s26, $0x1;
	_ =	strace $0x80000046;
	[dreg:$0x1] =	wrdreg $0xFFFFFFFF  }
0xa7: {  	s28 =	simm.s32 $_size_execute0_lowered;
	s3 =	sadd.s32 s3, s5;
	[dreg:$0x0] =	wrdreg $0x0  }
0xa8: {  	s5 =	sshll.u32 s28, $0x1;
	[dreg:$0x2] =	wrdreg s3  }
0xa9: {  	[dreg:$0x3] =	wrdreg s5  }
0xaa: {  	[dreg:$0x4] =	wrdreg $0xC0  }
0xab: {  	_ =	task [dreg:s7], $0x5FFFF  }
0xac: {  	[dreg:$0x1] =	wrdreg $0xFFFFFFFF  }
0xad: {  	[dreg:$0x0] =	wrdreg $0x60  }
0xae: {  	[dreg:$0x2] =	wrdreg s2  }
0xaf: {  	[dreg:$0x3] =	wrdreg s24  }
0xb0: {  	[dreg:$0x4] =	wrdreg $0x9  }
0xb1: {  	_ =	task.clear_ibuf [dreg:s7], $0x5FFFF;
	_ =	strace $0x90000046  }
0xb2: {  	s29 =	simm.s32 $0x9;
	_ =	strace $0x80000048  }
0xb3: {  	_ =	swait.ge [sflag:s29], $0x1  }
0xb4: {  	[sflag:s29] =	ssyncadd.s32 $0xFFFFFFFF  }
0xb5: {  	_ =	strace $0x90000048  }
0xb6: {  	_ =	sfence  }
0xb7: {  	s30 =	sld [smem:$0x0];
	_ =	sdelay $0x2  }
0xb8: {  	s31 =	sshll.u32 s1, $0xD;
	s1 =	sshrl.u32 s1, $0x2  }
0xb9: {  	s3 =	sand.u32 $0x4000, s31;
	s1 =	sadd.s32 s1, s30  }
0xba: {  	s0 =	sor.u32 s3, s0;
	s1 =	sshll.u32 s1, $0x11  }
0xbb: {  	s0 =	sor.u32 s1, s0  }
0xbc: {  	s0 =	sadd.s32 $0x8F2B, s0  }
0xbd: {  	[sflag:s0] =	ssyncadd.remote.s32 $0x1  }
0xbe: {  	_ =	sfence.sel $0xFFFF  }
0xbf: {  	[dreg:$0x0] =	wrdreg $0xFFFFFFFF;
	(pc) =	sbr.abs _section_cstart, $3  }
0xc0: {  	[dreg:$0x1] =	wrdreg $0xFFFFFFFF  }
0xc1: {  	_ =	task.clear_ibuf [dreg:s7], $0x2FFFF;
	_ =	strace $0x9FFFFFFF  }
0xc2: {  	(tm) =	ssettm $0x7FFFFFFF  }
0xc3: {  	_ =	shalt  }
tec
execute0_lowered:
.L_overlay_start_1:
0x0: {  	(tag) =	ssettag $0x1  }
0x1: {  	s10 =	stileid.u32  }
0x2: {  	s0 =	srdreg.scid;
	s5 =	rddreg [dreg:$0x0]  }
0x3: {  	s6 =	rddreg [dreg:$0x1];
	s2 =	simm.s32 $0x0;
	s17 =	simm.s32 $0x2  }
0x4: {  	s18 =	simm.s32 $0x6C00;
	s19 =	simm.s32 $0x3;
	s20 =	simm.s32 $0x6C80  }
0x5: {  	s21 =	simm.s32 $0x6D00;
	s22 =	simm.s32 $0x6D80;
	s3 =	sshrl.u32 s10, $0x2  }
0x6: {  	s1 =	sshll.u32 s10, $0x1;
	s25 =	sand.u32 $0x3, s10;
	s4 =	smul.u32 $0x7A1400, s3  }
0x7: {  	s0 =	sand.u32 $0x1, s0;
	[smem:$0x7FF] =	sst s2;
	s10 =	smul.u32 $0x9000, s25  }
0x8: {  	s1 =	sand.u32 $0x6, s1;
	s8 =	ssub.s32 $0x2, s0;
	s11 =	smul.u32 $0x4800, s0  }
0x9: {  	_ =	strace $0x80000047;
	s26 =	sshll.u32 s3, $0x7;
	s31 =	smul.u32 $0x7A1200, s3  }
0xa: {  	s1 =	sor.u32 s0, s1;
	s9 =	sshrl.u32 s8, $0x1;
	s6 =	sadd.s32 s26, s6  }
0xb: {  	s0 =	sshll.u32 s0, $0x1;
	s7 =	smul.u32 $0x24000, s1;
	s9 =	ssub.s32 s8, s9  }
0xc: {  	s1 =	smul.u32 $0x4800, s1;
	s24 =	sshrl.u32 s4, $0x3;
	s30 =	sadd.s32 s11, s10  }
0xd: {  	[dreg:$0x9] =	wrdreg s31;
	s29 =	smax.u32 s9, $0x1;
	s7 =	sadd.s32 s4, s7  }
0xe: {  	[dreg:$0x8] =	wrdreg s30;
	s4 =	sshll.u32 s3, $0x3;
	s7 =	sshrl.u32 s7, $0x3  }
0xf: {  	[dreg:$0x7] =	wrdreg s29;
	s23 =	sadd.s32 s5, s7;
	s5 =	sadd.s32 s24, s5  }
0x10: {  	[dreg:$0x3] =	wrdreg s23;
	s8 =	sadd.s32 $0x600, s23;
	s1 =	sadd.s32 s1, s5  }
0x11: {  	s5 =	sshll.u32 s25, $0x2;
	[dreg:$0x4] =	wrdreg s8;
	s28 =	sadd.s32 $0xC00, s1  }
0x12: {  	s5 =	sadd.s32 s5, s6;
	s1 =	sadd.s32 $0x1200, s1;
	[dreg:$0x5] =	wrdreg s28  }
0x13: {  	v0 =	vimm.f32 $0.0e+00;
	[dreg:$0x6] =	wrdreg s1;
	s8 =	sadd.s32 s0, s5;
	s1 =	simm.s32 $0x0  }
0x14: {  	v1 =	vimm.f32 $-Inf;
	v2 =	vimm.s32 $0x0;
	v3 =	vlaneseq.u32;
	s11 =	sadd.s32 $0x600, s8;
	s12 =	sadd.s32 $0x400, s8;
	s14 =	sadd.s32 $0x200, s8  }
.LBB2_1:
0x15: {  	[tilespmem:$0x6000] =	vst v0  }
0x16: {  	[tilespmem:$0x6400] =	vst v1  }
0x17: {  	[tilespmem:$0x6800] =	vst v2  }
0x18: {  	[tilespmem:$0x6010] =	vst v0  }
0x19: {  	[tilespmem:$0x6410] =	vst v1  }
0x1a: {  	[tilespmem:$0x6810] =	vst v2  }
0x1b: {  	[tilespmem:$0x6080] =	vst v0  }
0x1c: {  	[tilespmem:$0x6480] =	vst v1  }
0x1d: {  	[tilespmem:$0x6880] =	vst v2  }
0x1e: {  	[tilespmem:$0x6090] =	vst v0  }
0x1f: {  	[tilespmem:$0x6490] =	vst v1  }
0x20: {  	[tilespmem:$0x6890] =	vst v2  }
0x21: {  	[tilespmem:$0x6100] =	vst v0  }
0x22: {  	[tilespmem:$0x6500] =	vst v1  }
0x23: {  	[tilespmem:$0x6900] =	vst v2  }
0x24: {  	[tilespmem:$0x6110] =	vst v0  }
0x25: {  	[tilespmem:$0x6510] =	vst v1  }
0x26: {  	[tilespmem:$0x6910] =	vst v2  }
0x27: {  	[tilespmem:$0x6180] =	vst v0  }
0x28: {  	[tilespmem:$0x6580] =	vst v1  }
0x29: {  	[tilespmem:$0x6980] =	vst v2  }
0x2a: {  	[tilespmem:$0x6190] =	vst v0  }
0x2b: {  	[tilespmem:$0x6590] =	vst v1  }
0x2c: {  	[tilespmem:$0x6990] =	vst v2  }
0x2d: {  	[tilespmem:$0x6200] =	vst v0  }
0x2e: {  	[tilespmem:$0x6600] =	vst v1  }
0x2f: {  	[tilespmem:$0x6A00] =	vst v2  }
0x30: {  	[tilespmem:$0x6210] =	vst v0  }
0x31: {  	[tilespmem:$0x6610] =	vst v1  }
0x32: {  	[tilespmem:$0x6A10] =	vst v2  }
0x33: {  	[tilespmem:$0x6280] =	vst v0  }
0x34: {  	[tilespmem:$0x6680] =	vst v1  }
0x35: {  	[tilespmem:$0x6A80] =	vst v2  }
0x36: {  	[tilespmem:$0x6290] =	vst v0  }
0x37: {  	[tilespmem:$0x6690] =	vst v1  }
0x38: {  	[tilespmem:$0x6A90] =	vst v2  }
0x39: {  	[tilespmem:$0x6300] =	vst v0  }
0x3a: {  	[tilespmem:$0x6700] =	vst v1  }
0x3b: {  	[tilespmem:$0x6B00] =	vst v2  }
0x3c: {  	[tilespmem:$0x6310] =	vst v0  }
0x3d: {  	[tilespmem:$0x6710] =	vst v1  }
0x3e: {  	[tilespmem:$0x6B10] =	vst v2  }
0x3f: {  	[tilespmem:$0x6380] =	vst v0  }
0x40: {  	[tilespmem:$0x6780] =	vst v1  }
0x41: {  	[tilespmem:$0x6B80] =	vst v2  }
0x42: {  	[dreg:$0xa] =	wrdreg s1;
	[tilespmem:$0x6390] =	vst v0  }
0x43: {  	[tilespmem:$0x6790] =	vst v1;
	s0 =	rddreg [dreg:$0x3]  }
0x44: {  	[tilespmem:$0x6B90] =	vst v2;
	s30 =	rddreg [dreg:$0x4]  }
0x45: {  	[tilespmem:s2], [sflag:$0x1] =	stream.linear.gather [hbm4b:s0+s2], $0x3000, $0x38;
	[tilespmem:$0x6E00] =	vst v63  }
0x46: {  	s31 =	simm.s32 $0x3000;
	s24 =	rddreg [dreg:$0x8];
	s25 =	simm.s32 $0x0  }
0x47: {  	[tilespmem:s31], [sflag:$0x2] =	stream.linear.gather [hbm4b:s30+s2], $0x3000, $0x38;
	[tilespmem:$0x6E00] =	vst v63  }
.LBB2_2:
0x48: {  	s0 =	simm.s32 $0x0  }
0x49: {  	s10 =	smul.u32 $0xAAAB, s0;
	_ =	sdelay $0x1  }
0x4a: {  	s0 =	smulhi.u32 $0xAAAAAAAB, s0;
	s5 =	sshrl.u32 s10, $0x15  }
0x4b: {  	s1 =	sadd.s32 s5, s4  }
0x4c: {  	s13 =	sshrl.u32 s0, $0x5;
	s26 =	smul.u32 $0xF4240, s1  }
0x4d: {  	s9 =	smul.u32 $0x600, s13  }
0x4e: {  	v4 =	vmov s26  }
0x4f: {  	s1 =	ssub.s32 s24, s9;
	v4 =	vor.u32 $0x2A, v4  }
0x50: {  	s0 =	sadd.s32 $0x0, s1;
	v4 =	vbroadcast v4, $0x0  }
0x51: {  	v7 =	vor.u32 s0, v3  }
0x52: {  	v5 =	vadd.s32 v7, v4  }
0x53: {  	v6 =	vshrl.u32 v5, $0x13;
	v8 =	vshll.u32 v5, $0xD  }
0x54: {  	v6 =	vor.u32 v6, v8  }
0x55: {  	v6 =	vxor.u32 v5, v6  }
0x56: {  	v8 =	vshrl.u32 v6, $0x11;
	v9 =	vshll.u32 v6, $0xF  }
0x57: {  	v5 =	vadd.s32 v5, v6;
	v6 =	vor.u32 v8, v9  }
0x58: {  	v6 =	vxor.u32 v6, v5  }
0x59: {  	v8 =	vshrl.u32 v6, $0x6;
	v9 =	vshll.u32 v6, $0x1A  }
0x5a: {  	v5 =	vadd.s32 v5, v6;
	v6 =	vor.u32 v8, v9  }
0x5b: {  	v6 =	vxor.u32 v6, v5  }
0x5c: {  	v8 =	vshrl.u32 v6, $0x1A;
	v9 =	vshll.u32 v6, $0x6  }
0x5d: {  	v5 =	vadd.s32 v5, v6;
	v6 =	vor.u32 v8, v9  }
0x5e: {  	v6 =	vxor.u32 v6, v5  }
0x5f: {  	v6 =	vadd.s32 $0x1BD11BF1, v6  }
0x60: {  	v5 =	vadd.s32 v6, v5;
	v8 =	vshrl.u32 v6, $0xF;
	v6 =	vshll.u32 v6, $0x11  }
0x61: {  	v5 =	vadd.s32 $0x2A, v5;
	v6 =	vor.u32 v8, v6  }
0x62: {  	v6 =	vxor.u32 v6, v5  }
0x63: {  	v8 =	vshrl.u32 v6, $0x3;
	v9 =	vshll.u32 v6, $0x1D  }
0x64: {  	v5 =	vadd.s32 v5, v6;
	v6 =	vor.u32 v8, v9  }
0x65: {  	v6 =	vxor.u32 v6, v5  }
0x66: {  	v8 =	vshrl.u32 v6, $0x10;
	v9 =	vshll.u32 v6, $0x10  }
0x67: {  	v5 =	vadd.s32 v5, v6;
	v6 =	vor.u32 v8, v9  }
0x68: {  	v6 =	vxor.u32 v6, v5  }
0x69: {  	v8 =	vshrl.u32 v6, $0x8;
	v9 =	vshll.u32 v6, $0x18  }
0x6a: {  	v5 =	vadd.s32 v5, v6;
	v6 =	vor.u32 v8, v9  }
0x6b: {  	v6 =	vxor.u32 v6, v5  }
0x6c: {  	v6 =	vadd.s32 $0x2, v6  }
0x6d: {  	v5 =	vadd.s32 v6, v5;
	v8 =	vshrl.u32 v6, $0x13;
	v6 =	vshll.u32 v6, $0xD  }
0x6e: {  	v5 =	vadd.s32 $0x1BD11BF0, v5;
	v6 =	vor.u32 v8, v6  }
0x6f: {  	v6 =	vxor.u32 v6, v5  }
0x70: {  	v8 =	vshrl.u32 v6, $0x11;
	v9 =	vshll.u32 v6, $0xF  }
0x71: {  	v5 =	vadd.s32 v5, v6;
	v6 =	vor.u32 v8, v9  }
0x72: {  	v6 =	vxor.u32 v6, v5  }
0x73: {  	v8 =	vshrl.u32 v6, $0x6;
	v9 =	vshll.u32 v6, $0x1A  }
0x74: {  	v5 =	vadd.s32 v5, v6;
	v6 =	vor.u32 v8, v9  }
0x75: {  	v6 =	vxor.u32 v6, v5  }
0x76: {  	v8 =	vshrl.u32 v6, $0x1A;
	v9 =	vshll.u32 v6, $0x6  }
0x77: {  	v5 =	vadd.s32 v5, v6;
	v6 =	vor.u32 v8, v9  }
0x78: {  	v6 =	vxor.u32 v6, v5  }
0x79: {  	v6 =	vadd.s32 $0x2D, v6  }
0x7a: {  	v8 =	vshrl.u32 v6, $0xF;
	v9 =	vshll.u32 v6, $0x11  }
0x7b: {  	v5 =	vadd.s32 v5, v6;
	v6 =	vor.u32 v8, v9  }
0x7c: {  	v6 =	vxor.u32 v6, v5  }
0x7d: {  	v8 =	vshrl.u32 v6, $0x3;
	v9 =	vshll.u32 v6, $0x1D  }
0x7e: {  	v5 =	vadd.s32 v5, v6;
	v6 =	vor.u32 v8, v9  }
0x7f: {  	v6 =	vxor.u32 v6, v5  }
0x80: {  	v8 =	vshrl.u32 v6, $0x10;
	v9 =	vshll.u32 v6, $0x10  }
0x81: {  	v5 =	vadd.s32 v5, v6;
	v6 =	vor.u32 v8, v9  }
0x82: {  	v6 =	vxor.u32 v6, v5  }
0x83: {  	v8 =	vshrl.u32 v6, $0x8;
	v9 =	vshll.u32 v6, $0x18  }
0x84: {  	v5 =	vadd.s32 v5, v6;
	v6 =	vor.u32 v8, v9  }
0x85: {  	v6 =	vxor.u32 v6, v5  }
0x86: {  	v6 =	vadd.s32 $0x1BD11BF4, v6  }
0x87: {  	v5 =	vadd.s32 v6, v5;
	v8 =	vshrl.u32 v6, $0x13;
	v6 =	vshll.u32 v6, $0xD  }
0x88: {  	v5 =	vadd.s32 $0x2A, v5;
	v6 =	vor.u32 v8, v6  }
0x89: {  	v6 =	vxor.u32 v6, v5  }
0x8a: {  	v8 =	vshrl.u32 v6, $0x11;
	v9 =	vshll.u32 v6, $0xF  }
0x8b: {  	v5 =	vadd.s32 v5, v6;
	v6 =	vor.u32 v8, v9  }
0x8c: {  	v6 =	vxor.u32 v6, v5  }
0x8d: {  	v8 =	vshrl.u32 v6, $0x6;
	v9 =	vshll.u32 v6, $0x1A  }
0x8e: {  	v5 =	vadd.s32 v5, v6;
	v6 =	vor.u32 v8, v9  }
0x8f: {  	v6 =	vxor.u32 v6, v5  }
0x90: {  	v8 =	vshrl.u32 v6, $0x1A;
	v9 =	vshll.u32 v6, $0x6  }
0x91: {  	v5 =	vadd.s32 v5, v6;
	v6 =	vor.u32 v8, v9  }
0x92: {  	v6 =	vxor.u32 v6, v5  }
0x93: {  	v5 =	vadd.s32 $0x1BD11BF0, v5;
	v6 =	vadd.s32 $0x5, v6  }
0x94: {  	s0 =	sadd.s32 $0x10, s0;
	v5 =	vxor.u32 v5, v6  }
0x95: {  	v6 =	vshrl.u32 v5, $0x9;
	v5 =	vor.u32 s0, v3  }
0x96: {  	v6 =	vor.u32 $0x3F800000, v6;
	v4 =	vadd.s32 v5, v4  }
0x97: {  	v6 =	vadd.f32 $-1.000000000e+00, v6;
	v8 =	vshrl.u32 v4, $0x13;
	v9 =	vshll.u32 v4, $0xD  }
0x98: {  	v8 =	vor.u32 v8, v9  }
0x99: {  	v6 =	vadd.f32 $1.175494350e-38, v6;
	v8 =	vxor.u32 v4, v8  }
0x9a: {  	v9 =	vshrl.u32 v8, $0x11;
	v10 =	vshll.u32 v8, $0xF  }
0x9b: {  	v4 =	vadd.s32 v4, v8;
	v11 =	vmax.f32 v6, $1.175494350e-38;
	v6 =	vor.u32 v9, v10  }
0x9c: {  	v8 =	vand.u32 $0x7FFFFF, v11;
	v6 =	vxor.u32 v6, v4  }
0x9d: {  	v8 =	vor.u32 $0x3F800000, v8;
	v9 =	vshrl.u32 v6, $0x6;
	v10 =	vshll.u32 v6, $0x1A  }
0x9e: {  	v4 =	vadd.s32 v4, v6;
	v12 =	vmul.f32 $5.000000000e-01, v8;
	v6 =	vor.u32 v9, v10  }
0x9f: {  	vm0 =	vgt.f32 v8, $1.414213540e+00;
	v9 =	vxor.u32 v6, v4  }
0xa0: {  	v6 =	vsel vm0, v12, v8;
	v8 =	vshrl.u32 v9, $0x1A;
	v10 =	vshll.u32 v9, $0x6  }
0xa1: {  	v4 =	vadd.s32 v4, v9;
	v6 =	vadd.f32 $-1.000000000e+00, v6;
	v8 =	vor.u32 v8, v10  }
0xa2: {  	v8 =	vxor.u32 v8, v4  }
0xa3: {  	v9 =	vmul.f32 $7.037683580e-02, v6;
	v8 =	vadd.s32 $0x1BD11BF1, v8  }
0xa4: {  	v4 =	vadd.s32 v8, v4  }
0xa5: {  	v10 =	vshrl.u32 v8, $0xF;
	v8 =	vshll.u32 v8, $0x11;
	v9 =	vadd.f32 $-1.151461010e-01, v9  }
0xa6: {  	v4 =	vadd.s32 $0x2A, v4;
	v8 =	vor.u32 v10, v8  }
0xa7: {  	v8 =	vxor.u32 v8, v4;
	v9 =	vmul.f32 v9, v6  }
0xa8: {  	v10 =	vshrl.u32 v8, $0x3;
	v12 =	vshll.u32 v8, $0x1D  }
0xa9: {  	v4 =	vadd.s32 v4, v8;
	v8 =	vor.u32 v10, v12;
	v9 =	vadd.f32 $1.167699840e-01, v9  }
0xaa: {  	v8 =	vxor.u32 v8, v4  }
0xab: {  	v10 =	vshrl.u32 v8, $0x10;
	v12 =	vshll.u32 v8, $0x10;
	v9 =	vmul.f32 v9, v6  }
0xac: {  	v4 =	vadd.s32 v4, v8;
	v8 =	vor.u32 v10, v12  }
0xad: {  	v8 =	vxor.u32 v8, v4;
	v9 =	vadd.f32 $-1.242014100e-01, v9  }
0xae: {  	v10 =	vshrl.u32 v8, $0x8;
	v12 =	vshll.u32 v8, $0x18  }
0xaf: {  	v4 =	vadd.s32 v4, v8;
	v8 =	vor.u32 v10, v12;
	v9 =	vmul.f32 v9, v6  }
0xb0: {  	v8 =	vxor.u32 v8, v4  }
0xb1: {  	v8 =	vadd.s32 $0x2, v8;
	v9 =	vadd.f32 $1.424932330e-01, v9  }
0xb2: {  	v4 =	vadd.s32 v8, v4;
	v10 =	vshrl.u32 v8, $0x13;
	v8 =	vshll.u32 v8, $0xD  }
0xb3: {  	v4 =	vadd.s32 $0x1BD11BF0, v4;
	v8 =	vor.u32 v10, v8  }
0xb4: {  	v9 =	vmul.f32 v9, v6;
	v8 =	vxor.u32 v8, v4  }
0xb5: {  	v10 =	vshrl.u32 v8, $0x11;
	v12 =	vshll.u32 v8, $0xF  }
0xb6: {  	v4 =	vadd.s32 v4, v8;
	v9 =	vadd.f32 $-1.666805740e-01, v9;
	v8 =	vor.u32 v10, v12  }
0xb7: {  	v8 =	vxor.u32 v8, v4  }
0xb8: {  	v9 =	vmul.f32 v9, v6;
	v10 =	vshrl.u32 v8, $0x6;
	v12 =	vshll.u32 v8, $0x1A  }
0xb9: {  	v4 =	vadd.s32 v4, v8;
	v8 =	vor.u32 v10, v12  }
0xba: {  	v9 =	vadd.f32 $2.000071410e-01, v9;
	v8 =	vxor.u32 v8, v4  }
0xbb: {  	v10 =	vshrl.u32 v8, $0x1A  }
0xbc: {  	v12 =	vshll.u32 v8, $0x6;
	v4 =	vadd.s32 v4, v8;
	v9 =	vmul.f32 v9, v6  }
0xbd: {  	v8 =	vor.u32 v10, v12;
	v10 =	vshra.s32 v11, $0x17;
	v11 =	vsel vm0, $0x1, v2  }
0xbe: {  	v8 =	vxor.u32 v8, v4;
	v10 =	vadd.s32 v11, v10  }
0xbf: {  	v9 =	vadd.f32 $-2.499999400e-01, v9;
	v8 =	vadd.s32 $0x2D, v8;
	v10 =	vadd.s32 $0xFFFFFF81, v10  }
0xc0: {  	s3 =	simm.s32 $0x1;
	v11 =	vshrl.u32 v8, $0xF;
	v12 =	vshll.u32 v8, $0x11;
	v10 =	vcvt.s32.f32 v10  }
0xc1: {  	s0 =	smul.u32 $0xAAAB, s3;
	v4 =	vadd.s32 v4, v8;
	v8 =	vor.u32 v11, v12;
	v9 =	vmul.f32 v9, v6  }
0xc2: {  	v8 =	vxor.u32 v8, v4;
	v13 =	vmul.f32 $2.121944420e-04, v10  }
0xc3: {  	s1 =	smulhi.u32 $0xAAAAAAAB, s3;
	s26 =	sshrl.u32 s0, $0x15;
	v11 =	vshrl.u32 v8, $0x3;
	v12 =	vshll.u32 v8, $0x1D;
	v9 =	vadd.f32 $3.333333130e-01, v9  }
0xc4: {  	s15 =	sadd.s32 s26, s4;
	v10 =	vmul.f32 $6.933593750e-01, v10;
	v4 =	vadd.s32 v4, v8;
	v8 =	vor.u32 v11, v12  }
0xc5: {  	s3 =	sshrl.u32 s1, $0x5;
	s15 =	smul.u32 $0xF4240, s15;
	v11 =	vmul.f32 v6, v6;
	v8 =	vxor.u32 v8, v4;
	v9 =	vmul.f32 v9, v6  }
0xc6: {  	s1 =	smul.u32 $0x600, s3;
	v12 =	vshrl.u32 v8, $0x10;
	v14 =	vshll.u32 v8, $0x10;
	v4 =	vadd.s32 v4, v8  }
0xc7: {  	v9 =	vmul.f32 v9, v11;
	v8 =	vor.u32 v12, v14;
	v12 =	vmov s15  }
0xc8: {  	s6 =	ssub.s32 s24, s1;
	v11 =	vmul.f32 $5.000000000e-01, v11;
	v14 =	vxor.u32 v8, v4;
	v8 =	vor.u32 $0x2A, v12  }
0xc9: {  	s23 =	sadd.s32 $0x20, s6;
	v12 =	vshrl.u32 v14, $0x8;
	v15 =	vshll.u32 v14, $0x18;
	v8 =	vbroadcast v8, $0x0  }
0xca: {  	v14 =	vadd.s32 v4, v14;
	v4 =	vor.u32 s23, v3;
	v12 =	vor.u32 v12, v15  }
0xcb: {  	v9 =	vsub.f32 v9, v13;
	v12 =	vxor.u32 v12, v14;
	v15 =	vadd.s32 v4, v8  }
0xcc: {  	v12 =	vadd.s32 $0x1BD11BF4, v12;
	v16 =	vshrl.u32 v15, $0x13;
	v17 =	vshll.u32 v15, $0xD  }
0xcd: {  	v18 =	vshll.u32 v12, $0xD;
	v19 =	vshrl.u32 v12, $0x13;
	v16 =	vor.u32 v16, v17  }
0xce: {  	v12 =	vadd.s32 v12, v14;
	v14 =	vor.u32 v19, v18;
	v16 =	vxor.u32 v15, v16  }
0xcf: {  	v12 =	vadd.s32 $0x2A, v12;
	v17 =	vshrl.u32 v16, $0x11;
	v18 =	vshll.u32 v16, $0xF  }
0xd0: {  	v14 =	vxor.u32 v14, v12;
	v15 =	vadd.s32 v15, v16;
	v16 =	vor.u32 v17, v18  }
0xd1: {  	v12 =	vadd.s32 v12, v14;
	v17 =	vshrl.u32 v14, $0x11;
	v14 =	vshll.u32 v14, $0xF  }
0xd2: {  	v9 =	vsub.f32 v9, v11;
	v16 =	vxor.u32 v16, v15;
	v14 =	vor.u32 v17, v14  }
0xd3: {  	v18 =	vshrl.u32 v16, $0x6;
	v19 =	vshll.u32 v16, $0x1A;
	v13 =	vxor.u32 v14, v12  }
0xd4: {  	v15 =	vadd.s32 v15, v16;
	v16 =	vor.u32 v18, v19;
	v19 =	vshll.u32 v13, $0x1A  }
0xd5: {  	v12 =	vadd.s32 v12, v13;
	v14 =	vxor.u32 v16, v15;
	v16 =	vshrl.u32 v13, $0x6  }
0xd6: {  	v17 =	vshrl.u32 v14, $0x1A;
	v18 =	vshll.u32 v14, $0x6;
	v16 =	vor.u32 v16, v19  }
0xd7: {  	v14 =	vadd.s32 v15, v14;
	v15 =	vor.u32 v17, v18;
	v11 =	vxor.u32 v16, v12  }
0xd8: {  	v6 =	vadd.f32 v9, v6;
	v13 =	vxor.u32 v15, v14;
	v15 =	vshrl.u32 v11, $0x1A  }
0xd9: {  	v16 =	vshll.u32 v11, $0x6;
	v11 =	vadd.s32 v12, v11;
	v13 =	vadd.s32 $0x1BD11BF1, v13  }
0xda: {  	v14 =	vadd.s32 v13, v14;
	v17 =	vshrl.u32 v13, $0xF;
	v12 =	vshll.u32 v13, $0x11  }
0xdb: {  	v13 =	vadd.s32 $0x2A, v14;
	v14 =	vor.u32 v15, v16;
	v12 =	vor.u32 v17, v12  }
0xdc: {  	v14 =	vxor.u32 v14, v11;
	v12 =	vxor.u32 v12, v13;
	v11 =	vadd.s32 $0x1BD11BF0, v11  }
0xdd: {  	v14 =	vadd.s32 $0x5, v14;
	v15 =	vshrl.u32 v12, $0x3;
	v16 =	vshll.u32 v12, $0x1D  }
0xde: {  	v12 =	vadd.s32 v13, v12;
	v11 =	vxor.u32 v11, v14;
	v13 =	vor.u32 v15, v16  }
0xdf: {  	v9 =	vshrl.u32 v11, $0x9;
	v11 =	vxor.u32 v13, v12  }
0xe0: {  	v6 =	vadd.f32 v6, v10;
	v13 =	vshrl.u32 v11, $0x10;
	v14 =	vshll.u32 v11, $0x10  }
0xe1: {  	v9 =	vor.u32 $0x3F800000, v9;
	v11 =	vadd.s32 v12, v11;
	v12 =	vor.u32 v13, v14  }
0xe2: {  	v9 =	vadd.f32 $-1.000000000e+00, v9;
	v10 =	vxor.u32 v12, v11  }
0xe3: {  	v6 =	vsub.f32 $0.0e+00, v6;
	v12 =	vshrl.u32 v10, $0x8;
	v13 =	vshll.u32 v10, $0x18  }
0xe4: {  	v9 =	vadd.f32 $1.175494350e-38, v9;
	v10 =	vadd.s32 v11, v10;
	v11 =	vor.u32 v12, v13  }
0xe5: {  	v11 =	vxor.u32 v11, v10  }
0xe6: {  	v13 =	vand.u32 $0x7FFFFF, v6;
	v12 =	vmax.f32 v9, $1.175494350e-38;
	v9 =	vadd.s32 $0x2, v11  }
0xe7: {  	v13 =	vor.u32 $0x3F800000, v13;
	v11 =	vand.u32 $0x7FFFFF, v12;
	v10 =	vadd.s32 v9, v10  }
0xe8: {  	v11 =	vor.u32 $0x3F800000, v11;
	v14 =	vshrl.u32 v9, $0x13;
	v9 =	vshll.u32 v9, $0xD  }
0xe9: {  	v15 =	vmul.f32 $5.000000000e-01, v11;
	v10 =	vadd.s32 $0x1BD11BF0, v10;
	v9 =	vor.u32 v14, v9  }
0xea: {  	v16 =	vmul.f32 $5.000000000e-01, v13;
	vm1 =	vgt.f32 v11, $1.414213540e+00;
	v14 =	vxor.u32 v9, v10  }
0xeb: {  	v9 =	vsel vm1, v15, v11;
	v11 =	vshrl.u32 v14, $0x11;
	v15 =	vshll.u32 v14, $0xF  }
0xec: {  	v10 =	vadd.s32 v10, v14;
	v9 =	vadd.f32 $-1.000000000e+00, v9;
	v11 =	vor.u32 v11, v15  }
0xed: {  	vm12 =	vgt.f32 v13, $1.414213540e+00;
	v11 =	vxor.u32 v11, v10  }
0xee: {  	v13 =	vsel vm12, v16, v13;
	v14 =	vmul.f32 $7.037683580e-02, v9;
	v15 =	vshrl.u32 v11, $0x6  }
0xef: {  	v16 =	vshll.u32 v11, $0x1A;
	v11 =	vadd.s32 v10, v11;
	v10 =	vadd.f32 $-1.000000000e+00, v13  }
0xf0: {  	v15 =	vor.u32 v15, v16;
	v14 =	vadd.f32 $-1.151461010e-01, v14  }
0xf1: {  	v13 =	vxor.u32 v15, v11;
	v17 =	vmul.f32 $7.037683580e-02, v10  }
0xf2: {  	v15 =	vshrl.u32 v13, $0x1A;
	v16 =	vshll.u32 v13, $0x6;
	v14 =	vmul.f32 v14, v9  }
0xf3: {  	v11 =	vadd.s32 v11, v13;
	v13 =	vor.u32 v15, v16;
	v15 =	vadd.f32 $-1.151461010e-01, v17  }
0xf4: {  	v13 =	vxor.u32 v13, v11;
	v14 =	vadd.f32 $1.167699840e-01, v14  }
0xf5: {  	v12 =	vshra.s32 v12, $0x17;
	v13 =	vadd.s32 $0x2D, v13;
	v15 =	vmul.f32 v15, v10  }
0xf6: {  	v16 =	vshrl.u32 v13, $0xF;
	v17 =	vshll.u32 v13, $0x11;
	v14 =	vmul.f32 v14, v9  }
0xf7: {  	v11 =	vadd.s32 v11, v13;
	v13 =	vor.u32 v16, v17;
	v15 =	vadd.f32 $1.167699840e-01, v15  }
0xf8: {  	v16 =	vsel vm1, $0x1, v2;
	v13 =	vxor.u32 v13, v11;
	v14 =	vadd.f32 $-1.242014100e-01, v14  }
0xf9: {  	s10 =	sshrl.u32 s10, $0x18;
	s13 =	smul.u32 $0x3000, s13;
	v17 =	vshrl.u32 v13, $0x3;
	v18 =	vshll.u32 v13, $0x1D;
	v15 =	vmul.f32 v15, v10  }
0xfa: {  	s7 =	smul.u32 $0xC000, s10;
	v13 =	vadd.s32 v11, v13;
	v11 =	vor.u32 v17, v18;
	v14 =	vmul.f32 v14, v9  }
0xfb: {  	s28 =	sshll.u32 s5, $0x7;
	s13 =	ssub.s32 $0x0, s13;
	s10 =	ssub.s32 $0x0, s9;
	v12 =	vadd.s32 v16, v12;
	v16 =	vxor.u32 v11, v13;
	v15 =	vadd.f32 $-1.242014100e-01, v15  }
0xfc: {  	s13 =	sand.u32 $0xFFFFFC00, s13;
	s6 =	simm.s32 $0x1;
	s15 =	sshrl.u32 s7, $0x2;
	v17 =	vshrl.u32 v16, $0x10;
	v18 =	vshll.u32 v16, $0x10;
	v14 =	vadd.f32 $1.424932330e-01, v14  }
0xfd: {  	s16 =	sand.u32 $0x60, s10;
	_ =	swait.ge [sflag:s6], $0x3000;
	s9 =	sadd.s32 s13, s15;
	v13 =	vadd.s32 v13, v16;
	v16 =	vor.u32 v17, v18  }
0xfe: {  	s5 =	sand.u32 $0x380, s28;
	[sflag:s6] =	ssyncset.done $0x0;
	s13 =	sor.u32 s16, s9;
	v15 =	vmul.f32 v15, v10;
	v16 =	vxor.u32 v16, v13;
	v14 =	vmul.f32 v14, v9  }
0xff: {  	[sflag:s6] =	ssyncadd.s32 $0xFFFFD000;
	s13 =	sor.u32 s5, s13;
	v17 =	vshrl.u32 v16, $0x8;
	v18 =	vshll.u32 v16, $0x18;
	v13 =	vadd.s32 v13, v16  }
0x100: {  	v11 =	vld [tilespmem:s13+$0x0];
	v15 =	vadd.f32 $1.424932330e-01, v15;
	v16 =	vor.u32 v17, v18;
	v14 =	vadd.f32 $-1.666805740e-01, v14  }
0x101: {  	v6 =	vshra.s32 v6, $0x17;
	v12 =	vadd.s32 $0xFFFFFF81, v12;
	v16 =	vxor.u32 v16, v13  }
0x102: {  	v15 =	vmul.f32 v15, v10;
	v16 =	vadd.s32 $0x1BD11BF4, v16;
	v14 =	vmul.f32 v14, v9  }
0x103: {  	v13 =	vadd.s32 v16, v13;
	v18 =	vshrl.u32 v16, $0x13;
	v16 =	vshll.u32 v16, $0xD  }
0x104: {  	v15 =	vadd.f32 $-1.666805740e-01, v15;
	v13 =	vadd.s32 $0x2A, v13;
	v16 =	vor.u32 v18, v16  }
0x105: {  	v17 =	vmul.f32 $1.442695020e+00, v11;
	v14 =	vadd.f32 $2.000071410e-01, v14;
	v16 =	vxor.u32 v16, v13  }
0x106: {  	v15 =	vmul.f32 v15, v10;
	v18 =	vshrl.u32 v16, $0x11;
	v19 =	vshll.u32 v16, $0xF  }
0x107: {  	v13 =	vadd.s32 v13, v16;
	v14 =	vmul.f32 v14, v9;
	v16 =	vor.u32 v18, v19  }
0x108: {  	(erf) = vpow2.f32 v17;
	v15 =	vadd.f32 $2.000071410e-01, v15;
	v16 =	vxor.u32 v16, v13  }
0x109: {  	v14 =	vadd.f32 $-2.499999400e-01, v14;
	v17 =	vshrl.u32 v16, $0x6;
	v18 =	vshll.u32 v16, $0x1A  }
0x10a: {  	v12 =	vcvt.s32.f32 v12;
	v13 =	vadd.s32 v13, v16;
	v16 =	vor.u32 v17, v18  }
0x10b: {  	v15 =	vmul.f32 v15, v10;
	v14 =	vmul.f32 v14, v9;
	v16 =	vxor.u32 v16, v13  }
0x10c: {  	v17 =	vsel vm12, $0x1, v2;
	v18 =	vshrl.u32 v16, $0x1A;
	v19 =	vshll.u32 v16, $0x6  }
0x10d: {  	v13 =	vadd.s32 v13, v16;
	v14 =	vadd.f32 $3.333333130e-01, v14;
	v16 =	vor.u32 v18, v19  }
0x10e: {  	v15 =	vadd.f32 $-2.499999400e-01, v15;
	v19 =	vmul.f32 v9, v9;
	v16 =	vxor.u32 v16, v13  }
0x10f: {  	v18 =	vld [tilespmem:s28+$0x6000];
	v13 =	vadd.s32 $0x1BD11BF0, v13;
	v14 =	vmul.f32 v14, v9;
	v16 =	vadd.s32 $0x5, v16  }
0x110: {  	v6 =	vadd.s32 v17, v6;
	v15 =	vmul.f32 v15, v10;
	v13 =	vxor.u32 v13, v16  }
0x111: {  	v16 =	vmul.f32 $2.121944420e-04, v12;
	v14 =	vmul.f32 v14, v19;
	v13 =	vshrl.u32 v13, $0x9  }
0x112: {  	v6 =	vadd.s32 $0xFFFFFF81, v6;
	v15 =	vadd.f32 $3.333333130e-01, v15;
	v13 =	vor.u32 $0x3F800000, v13  }
0x113: {  	v17 =	vpop (erf);
	v14 =	vsub.f32 v14, v16;
	v16 =	vmul.f32 $5.000000000e-01, v19;
	v13 =	vadd.f32 $-1.000000000e+00, v13  }
0x114: {  	v12 =	vmul.f32 $6.933593750e-01, v12;
	v17 =	vadd.f32 v17, v18;
	v18 =	vcvt.s32.f32 v6  }
0x115: {  	s7 =	sadd.s32 $0x10, s23;
	v15 =	vmul.f32 v15, v10;
	v14 =	vsub.f32 v14, v16;
	v13 =	vadd.f32 $1.175494350e-38, v13  }
0x116: {  	v6 =	vor.u32 s7, v3;
	v19 =	vmul.f32 $2.121944420e-04, v18;
	v16 =	vmul.f32 v10, v10  }
0x117: {  	v9 =	vadd.f32 v14, v9;
	v13 =	vmax.f32 v13, $1.175494350e-38;
	v14 =	vadd.s32 v6, v8  }
0x118: {  	v8 =	vmul.f32 v15, v16;
	v15 =	vshra.s32 v13, $0x17;
	v13 =	vand.u32 $0x7FFFFF, v13  }
0x119: {  	v20 =	vshll.u32 v14, $0xD;
	v9 =	vadd.f32 v9, v12;
	v12 =	vor.u32 $0x3F800000, v13  }
0x11a: {  	v13 =	vshrl.u32 v14, $0x13;
	v19 =	vsub.f32 v8, v19;
	v21 =	vmul.f32 $5.000000000e-01, v12  }
0x11b: {  	vm13 =	vgt.f32 v12, $1.414213540e+00;
	v8 =	vor.u32 v13, v20;
	v13 =	vmul.f32 $5.000000000e-01, v16  }
0x11c: {  	v9 =	vsub.f32 $0.0e+00, v9;
	v16 =	vxor.u32 v14, v8;
	v20 =	vsel vm13, $0x1, v2  }
0x11d: {  	v12 =	vsel vm13, v21, v12;
	v15 =	vadd.s32 v20, v15;
	v20 =	vshll.u32 v16, $0xF  }
0x11e: {  	v14 =	vadd.s32 v14, v16;
	v8 =	vadd.f32 $-1.000000000e+00, v12;
	v12 =	vshrl.u32 v16, $0x11  }
0x11f: {  	v13 =	vsub.f32 v19, v13;
	v21 =	vand.u32 $0x7FFFFF, v9;
	v12 =	vor.u32 v12, v20  }
0x120: {  	v20 =	vor.u32 $0x3F800000, v21;
	v21 =	vshra.s32 v9, $0x17;
	v12 =	vxor.u32 v12, v14  }
0x121: {  	v10 =	vadd.f32 v13, v10;
	v9 =	vshrl.u32 v12, $0x6;
	v22 =	vshll.u32 v12, $0x1A  }
0x122: {  	v12 =	vadd.s32 v14, v12;
	v14 =	vmul.f32 $5.000000000e-01, v20;
	v9 =	vor.u32 v9, v22  }
0x123: {  	v16 =	vmul.f32 $7.037683580e-02, v8;
	vm14 =	vgt.f32 v20, $1.414213540e+00;
	v9 =	vxor.u32 v9, v12  }
0x124: {  	v14 =	vsel vm14, v14, v20;
	v19 =	vshrl.u32 v9, $0x1A;
	v22 =	vshll.u32 v9, $0x6  }
0x125: {  	v12 =	vadd.s32 v12, v9;
	v9 =	vadd.f32 $-1.000000000e+00, v14;
	v19 =	vor.u32 v19, v22  }
0x126: {  	v16 =	vadd.f32 $-1.151461010e-01, v16;
	v14 =	vmul.f32 $6.933593750e-01, v18;
	v19 =	vxor.u32 v19, v12  }
0x127: {  	v15 =	vadd.s32 $0xFFFFFF81, v15;
	v13 =	vadd.s32 $0x1BD11BF1, v19;
	v19 =	vmul.f32 $7.037683580e-02, v9  }
0x128: {  	v16 =	vmul.f32 v16, v8;
	v10 =	vadd.f32 v10, v14;
	v12 =	vadd.s32 v13, v12  }
0x129: {  	v20 =	vshrl.u32 v13, $0xF;
	v13 =	vshll.u32 v13, $0x11;
	v14 =	vadd.f32 $-1.151461010e-01, v19  }
0x12a: {  	v16 =	vadd.f32 $1.167699840e-01, v16;
	v12 =	vadd.s32 $0x2A, v12;
	v13 =	vor.u32 v20, v13  }
0x12b: {  	v10 =	vsub.f32 $0.0e+00, v10;
	v13 =	vxor.u32 v13, v12;
	v14 =	vmul.f32 v14, v9  }
0x12c: {  	[tilespmem:s28+$0x6000] =	vst v17;
	v16 =	vmul.f32 v16, v8;
	v17 =	vshrl.u32 v13, $0x3;
	v19 =	vshll.u32 v13, $0x1D  }
0x12d: {  	v20 =	vld [tilespmem:s28+$0x6400];
	v12 =	vadd.s32 v12, v13;
	v13 =	vor.u32 v17, v19;
	v14 =	vadd.f32 $1.167699840e-01, v14  }
0x12e: {  	v10 =	vadd.f32 v11, v10;
	v16 =	vadd.f32 $-1.242014100e-01, v16;
	v13 =	vxor.u32 v13, v12  }
0x12f: {  	v11 =	vshrl.u32 v13, $0x10;
	v17 =	vshll.u32 v13, $0x10;
	v14 =	vmul.f32 v14, v9  }
0x130: {  	v18 =	vsel vm14, $0x1, v2;
	v12 =	vadd.s32 v12, v13;
	v13 =	vld [tilespmem:s28+$0x6800];
	v11 =	vor.u32 v11, v17  }
0x131: {  	v16 =	vmul.f32 v16, v8;
	v11 =	vxor.u32 v11, v12;
	v14 =	vadd.f32 $-1.242014100e-01, v14  }
0x132: {  	vm15 =	vgt.f32 v10, v20;
	v17 =	vshrl.u32 v11, $0x8;
	v19 =	vshll.u32 v11, $0x18  }
0x133: {  	s10 =	sadd.s32 $0x10, s10;
	v11 =	vadd.s32 v12, v11;
	v12 =	vor.u32 v17, v19;
	v14 =	vmul.f32 v14, v9  }
0x134: {  	s10 =	sand.u32 $0x70, s10;
	v16 =	vadd.f32 $1.424932330e-01, v16;
	v10 =	vsel vm15, v10, v20;
	v12 =	vxor.u32 v12, v11  }
0x135: {  	s9 =	sor.u32 s10, s9;
	[tilespmem:s28+$0x6400] =	vst v10;
	v7 =	vsel vm15, v7, v13;
	v12 =	vadd.s32 $0x2, v12;
	v13 =	vadd.f32 $1.424932330e-01, v14  }
0x136: {  	s5 =	sor.u32 s5, s9;
	v18 =	vadd.s32 v18, v21;
	v16 =	vmul.f32 v16, v8;
	[tilespmem:s28+$0x6800] =	vst v7;
	v11 =	vadd.s32 v12, v11  }
0x137: {  	v7 =	vshrl.u32 v12, $0x13;
	v12 =	vshll.u32 v12, $0xD;
	v10 =	vld [tilespmem:s5+$0x0];
	v13 =	vmul.f32 v13, v9  }
0x138: {  	v14 =	vadd.s32 $0xFFFFFF81, v18;
	v17 =	vadd.s32 $0x1BD11BF0, v11;
	v7 =	vor.u32 v7, v12  }
0x139: {  	v11 =	vcvt.s32.f32 v14;
	v7 =	vxor.u32 v7, v17;
	v12 =	vadd.f32 $-1.666805740e-01, v13  }
0x13a: {  	v14 =	vshrl.u32 v7, $0x11;
	v13 =	vadd.f32 $-1.666805740e-01, v16;
	v16 =	vshll.u32 v7, $0xF  }
0x13b: {  	v7 =	vadd.s32 v17, v7;
	v14 =	vor.u32 v14, v16;
	v12 =	vmul.f32 v12, v9  }
0x13c: {  	v16 =	vmul.f32 $1.442695020e+00, v10;
	v13 =	vmul.f32 v13, v8;
	v14 =	vxor.u32 v14, v7  }
0x13d: {  	v17 =	vshrl.u32 v14, $0x6;
	v18 =	vshll.u32 v14, $0x1A;
	v12 =	vadd.f32 $2.000071410e-01, v12  }
0x13e: {  	v7 =	vadd.s32 v7, v14;
	v13 =	vadd.f32 $2.000071410e-01, v13;
	v14 =	vor.u32 v17, v18  }
0x13f: {  	(erf) = vpow2.f32 v16;
	v14 =	vxor.u32 v14, v7;
	v12 =	vmul.f32 v12, v9  }
0x140: {  	v13 =	vmul.f32 v13, v8;
	v16 =	vshrl.u32 v14, $0x1A;
	v17 =	vshll.u32 v14, $0x6  }
0x141: {  	v14 =	vadd.s32 v7, v14;
	v16 =	vor.u32 v16, v17;
	v17 =	vadd.f32 $-2.499999400e-01, v12  }
0x142: {  	v21 =	vmul.f32 v9, v9;
	v7 =	vcvt.s32.f32 v15;
	v15 =	vxor.u32 v16, v14  }
0x143: {  	v13 =	vadd.f32 $-2.499999400e-01, v13;
	v15 =	vadd.s32 $0x2D, v15;
	v16 =	vmul.f32 v17, v9  }
0x144: {  	s3 =	smul.u32 $0x3000, s3;
	v17 =	vadd.s32 v14, v15;
	v14 =	vshrl.u32 v15, $0xF;
	v15 =	vshll.u32 v15, $0x11  }
0x145: {  	s0 =	sshrl.u32 s0, $0x18;
	v20 =	vld [tilespmem:s28+$0x6010];
	v12 =	vmul.f32 v8, v8;
	v13 =	vmul.f32 v13, v8;
	v15 =	vor.u32 v14, v15  }
0x146: {  	s3 =	ssub.s32 $0x100, s3;
	s15 =	smul.u32 $0xC000, s0;
	v14 =	vmul.f32 $2.121944420e-04, v11;
	v16 =	vadd.f32 $3.333333130e-01, v16;
	v15 =	vxor.u32 v15, v17  }
0x147: {  	s3 =	sand.u32 $0xFFFFFC00, s3;
	v24 =	vadd.f32 $3.333333130e-01, v13;
	v19 =	vshrl.u32 v15, $0x3;
	v22 =	vshll.u32 v15, $0x1D  }
0x148: {  	s0 =	simm.s32 $0x40;
	s16 =	ssub.s32 $0x20, s1;
	s5 =	sshrl.u32 s15, $0x2;
	v18 =	vadd.s32 v17, v15;
	v16 =	vmul.f32 v16, v9;
	v13 =	vor.u32 v19, v22  }
0x149: {  	s1 =	simm.s32 $0x100;
	s23 =	sand.u32 $0x60, s16;
	s29 =	sadd.s32 s3, s5;
	v23 =	vpop (erf);
	v15 =	vmul.f32 $5.000000000e-01, v21;
	v17 =	vmul.f32 v24, v8;
	v19 =	vxor.u32 v13, v18  }
0x14a: {  	s30 =	sadd.s32 $0x10, s16;
	s5 =	simm.s32 $0x2;
	s31 =	sor.u32 s23, s29;
	v13 =	vadd.f32 v23, v20;
	v16 =	vmul.f32 v16, v21;
	v20 =	vshrl.u32 v19, $0x10  }
.LBB2_3:
0x14b: {  	s3 =	smul.u32 $0xAAAB, s5  }
0x14c: {  	p0 =	sne.s32 s0, $0x2FE0;
	v21 =	vmul.f32 $2.121944420e-04, v7;
	v22 =	vshll.u32 v19, $0x10;
	v14 =	vsub.f32 v16, v14;
	s9 =	smov.u32 s0;
	s0 =	sadd.s32 $0x20, s0  }
0x14d: {  	s13 =	smulhi.u32 $0xAAAAAAAB, s5;
	v16 =	vmul.f32 v17, v12;
	v17 =	vadd.s32 v18, v19;
	v18 =	vor.u32 v20, v22  }
0x14e: {  	v12 =	vmul.f32 $5.000000000e-01, v12;
	v19 =	vmul.f32 $6.933593750e-01, v7;
	s10 =	sshrl.u32 s3, $0x15;
	s3 =	sshrl.u32 s3, $0x18;
	v7 =	vxor.u32 v18, v17  }
0x14f: {  	s13 =	sshrl.u32 s13, $0x5;
	s15 =	sadd.s32 s10, s4;
	s23 =	smul.u32 $0xC000, s3;
	v16 =	vsub.f32 v16, v21;
	v18 =	vshrl.u32 v7, $0x8;
	v20 =	vshll.u32 v7, $0x18  }
0x150: {  	v14 =	vsub.f32 v14, v15;
	v7 =	vadd.s32 v17, v7;
	s3 =	smul.u32 $0xF4240, s15;
	v17 =	vor.u32 v18, v20  }
0x151: {  	v11 =	vmul.f32 $6.933593750e-01, v11;
	s15 =	smul.u32 $0x600, s13;
	v12 =	vsub.f32 v16, v12;
	v15 =	vxor.u32 v17, v7  }
0x152: {  	s13 =	smul.u32 $0x3000, s13;
	v9 =	vadd.f32 v14, v9;
	v16 =	vmov s3;
	v15 =	vadd.s32 $0x1BD11BF4, v15  }
0x153: {  	s1 =	sadd.s32 $0x100, s1;
	s6 =	ssub.s32 s24, s15;
	s15 =	ssub.s32 s9, s15;
	v14 =	vor.u32 $0x2A, v16;
	v12 =	vadd.f32 v12, v8;
	v16 =	vadd.s32 v15, v7;
	[tilespmem:s28+$0x6010] =	vst v13  }
0x154: {  	s7 =	ssub.s32 s1, s13;
	v9 =	vadd.f32 v9, v11;
	s3 =	sadd.s32 $0x10, s15;
	s13 =	sadd.s32 s6, s9;
	v13 =	vshll.u32 v15, $0xD;
	v8 =	vbroadcast v14, $0x0  }
0x155: {  	s6 =	sand.u32 $0xFFFFFC00, s7;
	s7 =	sshrl.u32 s23, $0x2;
	v7 =	vor.u32 s13, v3;
	v11 =	vadd.f32 v12, v19;
	v12 =	vshrl.u32 v15, $0x13;
	v14 =	vld [tilespmem:s28+$0x6410]  }
0x156: {  	s15 =	sand.u32 $0x60, s15;
	s9 =	sadd.s32 s6, s7;
	v9 =	vsub.f32 $0.0e+00, v9;
	v15 =	vadd.s32 v7, v8;
	v12 =	vor.u32 v12, v13  }
0x157: {  	v16 =	vadd.s32 $0x2A, v16;
	s15 =	sor.u32 s15, s9;
	v13 =	vshrl.u32 v15, $0x13;
	v17 =	vshll.u32 v15, $0xD;
	v18 =	vld [tilespmem:s28+$0x6810]  }
0x158: {  	v9 =	vadd.f32 v10, v9;
	v12 =	vxor.u32 v12, v16;
	v13 =	vor.u32 v13, v17  }
0x159: {  	v10 =	vxor.u32 v15, v13;
	v13 =	vadd.s32 v16, v12;
	v16 =	vshrl.u32 v12, $0x11  }
0x15a: {  	v17 =	vshrl.u32 v10, $0x11;
	v19 =	vshll.u32 v10, $0xF;
	vm0 =	vgt.f32 v9, v14  }
0x15b: {  	v10 =	vadd.s32 v15, v10;
	v15 =	vor.u32 v17, v19;
	v9 =	vsel vm0, v9, v14  }
0x15c: {  	v12 =	vshll.u32 v12, $0xF;
	v14 =	vxor.u32 v15, v10;
	[tilespmem:s28+$0x6410] =	vst v9;
	v9 =	vsel vm0, v5, v18;
	v5 =	vmovc v6  }
0x15d: {  	v12 =	vor.u32 v16, v12;
	v6 =	vshrl.u32 v14, $0x6;
	v15 =	vshll.u32 v14, $0x1A;
	[tilespmem:s28+$0x6810] =	vst v9  }
0x15e: {  	v9 =	vadd.s32 v10, v14;
	v10 =	vxor.u32 v12, v13;
	v6 =	vor.u32 v6, v15  }
0x15f: {  	v12 =	vshrl.u32 v10, $0x6;
	v14 =	vshll.u32 v10, $0x1A;
	v6 =	vxor.u32 v6, v9  }
0x160: {  	v12 =	vor.u32 v12, v14;
	v15 =	vshrl.u32 v6, $0x1A;
	v16 =	vshll.u32 v6, $0x6  }
0x161: {  	v10 =	vadd.s32 v13, v10;
	v6 =	vadd.s32 v9, v6;
	v9 =	vor.u32 v15, v16  }
0x162: {  	v11 =	vsub.f32 $0.0e+00, v11;
	v12 =	vxor.u32 v12, v10;
	v9 =	vxor.u32 v9, v6  }
0x163: {  	v13 =	vshrl.u32 v12, $0x1A;
	v14 =	vshll.u32 v12, $0x6;
	v9 =	vadd.s32 $0x1BD11BF1, v9  }
0x164: {  	v10 =	vadd.s32 v10, v12;
	v6 =	vadd.s32 v9, v6;
	v15 =	vshrl.u32 v9, $0xF  }
0x165: {  	s28 =	sshll.u32 s26, $0x7;
	s26 =	smov.u32 s10;
	v12 =	vor.u32 v13, v14;
	v9 =	vshll.u32 v9, $0x11;
	v6 =	vadd.s32 $0x2A, v6  }
0x166: {  	s10 =	sand.u32 $0x380, s28;
	v13 =	vand.u32 $0x7FFFFF, v11;
	v12 =	vxor.u32 v12, v10;
	v9 =	vor.u32 v15, v9  }
0x167: {  	s6 =	sor.u32 s10, s31;
	s31 =	smov.u32 s15;
	v14 =	vadd.s32 $0x1BD11BF0, v10;
	v12 =	vadd.s32 $0x5, v12;
	v9 =	vxor.u32 v9, v6  }
0x168: {  	v12 =	vxor.u32 v14, v12;
	v15 =	vshrl.u32 v9, $0x3;
	v16 =	vshll.u32 v9, $0x1D;
	v10 =	vld [tilespmem:s6+$0x0]  }
0x169: {  	v12 =	vshrl.u32 v12, $0x9;
	v6 =	vadd.s32 v6, v9;
	v9 =	vor.u32 v15, v16  }
0x16a: {  	v13 =	vor.u32 $0x3F800000, v13;
	v12 =	vor.u32 $0x3F800000, v12;
	v9 =	vxor.u32 v9, v6  }
0x16b: {  	v6 =	vadd.s32 v6, v9;
	v14 =	vshrl.u32 v9, $0x10;
	v9 =	vshll.u32 v9, $0x10  }
0x16c: {  	v12 =	vadd.f32 $-1.000000000e+00, v12;
	v9 =	vor.u32 v14, v9;
	v14 =	vmul.f32 $5.000000000e-01, v13  }
0x16d: {  	vm0 =	vgt.f32 v13, $1.414213540e+00;
	v9 =	vxor.u32 v9, v6;
	v15 =	vmul.f32 $1.442695020e+00, v10  }
0x16e: {  	v12 =	vadd.f32 $1.175494350e-38, v12;
	v16 =	vshrl.u32 v9, $0x8;
	v17 =	vshll.u32 v9, $0x18  }
0x16f: {  	v6 =	vadd.s32 v6, v9;
	v13 =	vsel vm0, v14, v13;
	v9 =	vor.u32 v16, v17  }
0x170: {  	v12 =	vmax.f32 v12, $1.175494350e-38;
	v14 =	vxor.u32 v9, v6;
	v9 =	vadd.f32 $-1.000000000e+00, v13  }
0x171: {  	v13 =	vadd.s32 $0x2, v14;
	v14 =	vshra.s32 v12, $0x17;
	v12 =	vand.u32 $0x7FFFFF, v12  }
0x172: {  	v6 =	vadd.s32 v13, v6;
	v16 =	vshrl.u32 v13, $0x13;
	v12 =	vor.u32 $0x3F800000, v12  }
0x173: {  	v13 =	vshll.u32 v13, $0xD;
	vm1 =	vgt.f32 v12, $1.414213540e+00;
	v17 =	vmul.f32 $5.000000000e-01, v12  }
0x174: {  	v6 =	vadd.s32 $0x1BD11BF0, v6;
	v13 =	vor.u32 v16, v13;
	v16 =	vsel vm1, $0x1, v2  }
0x175: {  	v13 =	vxor.u32 v13, v6;
	v14 =	vadd.s32 v16, v14;
	v12 =	vsel vm1, v17, v12  }
0x176: {  	v16 =	vshrl.u32 v13, $0x11;
	v17 =	vshll.u32 v13, $0xF;
	v12 =	vadd.f32 $-1.000000000e+00, v12  }
0x177: {  	v6 =	vadd.s32 v6, v13;
	v13 =	vor.u32 v16, v17;
	v14 =	vadd.s32 $0xFFFFFF81, v14  }
0x178: {  	v16 =	vxor.u32 v13, v6;
	v13 =	vcvt.s32.f32 v14;
	v17 =	vmul.f32 $7.037683580e-02, v12  }
0x179: {  	v6 =	vadd.s32 v6, v16;
	v14 =	vshrl.u32 v16, $0x6;
	v16 =	vshll.u32 v16, $0x1A  }
0x17a: {  	v14 =	vor.u32 v14, v16;
	v16 =	vmul.f32 $7.037683580e-02, v9;
	v17 =	vadd.f32 $-1.151461010e-01, v17  }
0x17b: {  	v11 =	vshra.s32 v11, $0x17;
	v18 =	vsel vm0, $0x1, v2;
	v14 =	vxor.u32 v14, v6  }
0x17c: {  	v19 =	vshrl.u32 v14, $0x1A;
	v20 =	vshll.u32 v14, $0x6;
	v17 =	vmul.f32 v17, v12  }
0x17d: {  	v6 =	vadd.s32 v6, v14;
	v16 =	vadd.f32 $-1.151461010e-01, v16;
	v14 =	vor.u32 v19, v20  }
0x17e: {  	v11 =	vadd.s32 v18, v11;
	v14 =	vxor.u32 v14, v6;
	v17 =	vadd.f32 $1.167699840e-01, v17  }
0x17f: {  	v11 =	vadd.s32 $0xFFFFFF81, v11;
	v16 =	vmul.f32 v16, v9;
	v14 =	vadd.s32 $0x2D, v14  }
0x180: {  	v18 =	vshrl.u32 v14, $0xF;
	v19 =	vshll.u32 v14, $0x11;
	v17 =	vmul.f32 v17, v12  }
0x181: {  	v6 =	vadd.s32 v6, v14;
	v16 =	vadd.f32 $1.167699840e-01, v16;
	v14 =	vor.u32 v18, v19  }
0x182: {  	v11 =	vcvt.s32.f32 v11;
	v14 =	vxor.u32 v14, v6;
	v17 =	vadd.f32 $-1.242014100e-01, v17  }
0x183: {  	v16 =	vmul.f32 v16, v9;
	v18 =	vshrl.u32 v14, $0x3;
	v19 =	vshll.u32 v14, $0x1D  }
0x184: {  	v6 =	vadd.s32 v6, v14;
	v14 =	vor.u32 v18, v19;
	v17 =	vmul.f32 v17, v12  }
0x185: {  	v16 =	vadd.f32 $-1.242014100e-01, v16;
	v14 =	vxor.u32 v14, v6;
	(erf) = vpow2.f32 v15  }
0x186: {  	v18 =	vshll.u32 v14, $0x10;
	v15 =	vshrl.u32 v14, $0x10;
	v17 =	vadd.f32 $1.424932330e-01, v17  }
0x187: {  	v6 =	vadd.s32 v6, v14;
	v14 =	vor.u32 v15, v18;
	v15 =	vmul.f32 v16, v9  }
0x188: {  	v14 =	vxor.u32 v14, v6;
	v16 =	vmul.f32 v17, v12  }
0x189: {  	v6 =	vadd.s32 v6, v14;
	v17 =	vshrl.u32 v14, $0x8;
	v14 =	vshll.u32 v14, $0x18  }
0x18a: {  	v15 =	vadd.f32 $1.424932330e-01, v15;
	v14 =	vor.u32 v17, v14;
	v16 =	vadd.f32 $-1.666805740e-01, v16;
	v17 =	vld [tilespmem:s28+$0x6000]  }
0x18b: {  	v14 =	vxor.u32 v14, v6  }
0x18c: {  	v15 =	vmul.f32 v15, v9;
	v14 =	vadd.s32 $0x1BD11BF4, v14;
	v16 =	vmul.f32 v16, v12  }
0x18d: {  	v6 =	vadd.s32 v14, v6;
	v19 =	vshrl.u32 v14, $0x13;
	v14 =	vshll.u32 v14, $0xD  }
0x18e: {  	v6 =	vadd.s32 $0x2A, v6;
	v14 =	vor.u32 v19, v14;
	v16 =	vadd.f32 $2.000071410e-01, v16;
	v18 =	vpop (erf)  }
0x18f: {  	v15 =	vadd.f32 $-1.666805740e-01, v15;
	v14 =	vxor.u32 v14, v6;
	v17 =	vadd.f32 v18, v17  }
0x190: {  	v18 =	vshrl.u32 v14, $0x11;
	v19 =	vshll.u32 v14, $0xF;
	v16 =	vmul.f32 v16, v12  }
0x191: {  	v15 =	vmul.f32 v15, v9;
	v6 =	vadd.s32 v6, v14;
	v14 =	vor.u32 v18, v19;
	[tilespmem:s28+$0x6000] =	vst v17  }
0x192: {  	v14 =	vxor.u32 v14, v6;
	v16 =	vadd.f32 $-2.499999400e-01, v16  }
0x193: {  	v6 =	vadd.s32 v6, v14;
	v17 =	vshrl.u32 v14, $0x6;
	v14 =	vshll.u32 v14, $0x1A  }
0x194: {  	v15 =	vadd.f32 $2.000071410e-01, v15;
	v14 =	vor.u32 v17, v14;
	v16 =	vmul.f32 v16, v12  }
0x195: {  	v14 =	vxor.u32 v14, v6  }
0x196: {  	v17 =	vshrl.u32 v14, $0x1A;
	v18 =	vshll.u32 v14, $0x6;
	v16 =	vadd.f32 $3.333333130e-01, v16  }
0x197: {  	v15 =	vmul.f32 v15, v9;
	v6 =	vadd.s32 v6, v14;
	v14 =	vor.u32 v17, v18  }
0x198: {  	v17 =	vmul.f32 v12, v12;
	v14 =	vxor.u32 v14, v6;
	v16 =	vmul.f32 v16, v12  }
0x199: {  	v15 =	vadd.f32 $-2.499999400e-01, v15;
	v6 =	vadd.s32 $0x1BD11BF0, v6;
	v14 =	vadd.s32 $0x5, v14  }
0x19a: {  	v6 =	vxor.u32 v6, v14;
	v14 =	vmul.f32 v16, v17;
	v16 =	vmul.f32 $2.121944420e-04, v13  }
0x19b: {  	v15 =	vmul.f32 v15, v9;
	v6 =	vshrl.u32 v6, $0x9  }
0x19c: {  	v6 =	vor.u32 $0x3F800000, v6;
	v14 =	vsub.f32 v14, v16;
	v16 =	vmul.f32 $5.000000000e-01, v17  }
0x19d: {  	v15 =	vadd.f32 $3.333333130e-01, v15;
	v6 =	vadd.f32 $-1.000000000e+00, v6  }
0x19e: {  	s6 =	sadd.s32 $0x10, s13;
	v17 =	vmul.f32 v9, v9;
	v14 =	vsub.f32 v14, v16  }
0x19f: {  	v15 =	vmul.f32 v15, v9;
	v16 =	vadd.f32 $1.175494350e-38, v6;
	v6 =	vor.u32 s6, v3  }
0x1a0: {  	v18 =	vmul.f32 $2.121944420e-04, v11;
	v13 =	vmul.f32 $6.933593750e-01, v13;
	v12 =	vadd.f32 v14, v12  }
0x1a1: {  	v14 =	vmax.f32 v16, $1.175494350e-38;
	v16 =	vadd.s32 v6, v8;
	v8 =	vmul.f32 v15, v17  }
0x1a2: {  	v15 =	vshra.s32 v14, $0x17;
	v14 =	vand.u32 $0x7FFFFF, v14;
	v12 =	vadd.f32 v12, v13  }
0x1a3: {  	v19 =	vshll.u32 v16, $0xD;
	v13 =	vor.u32 $0x3F800000, v14;
	v14 =	vshrl.u32 v16, $0x13  }
0x1a4: {  	v18 =	vsub.f32 v8, v18;
	v20 =	vmul.f32 $5.000000000e-01, v13;
	v12 =	vsub.f32 $0.0e+00, v12  }
0x1a5: {  	vm0 =	vgt.f32 v13, $1.414213540e+00;
	v8 =	vor.u32 v14, v19;
	v14 =	vmul.f32 $5.000000000e-01, v17  }
0x1a6: {  	v17 =	vsel vm0, $0x1, v2;
	v19 =	vxor.u32 v16, v8;
	v13 =	vsel vm0, v20, v13  }
0x1a7: {  	v20 =	vand.u32 $0x7FFFFF, v12;
	v8 =	vadd.f32 $-1.000000000e+00, v13;
	v13 =	vshrl.u32 v19, $0x11  }
0x1a8: {  	v15 =	vadd.s32 v17, v15;
	v16 =	vadd.s32 v16, v19;
	v17 =	vshll.u32 v19, $0xF  }
0x1a9: {  	v13 =	vor.u32 v13, v17;
	v17 =	vor.u32 $0x3F800000, v20;
	v19 =	vmul.f32 $7.037683580e-02, v8  }
0x1aa: {  	v12 =	vshra.s32 v12, $0x17;
	v15 =	vadd.s32 $0xFFFFFF81, v15;
	v13 =	vxor.u32 v13, v16  }
0x1ab: {  	v22 =	vmul.f32 $5.000000000e-01, v17;
	v20 =	vshrl.u32 v13, $0x6;
	v21 =	vshll.u32 v13, $0x1A  }
0x1ac: {  	v11 =	vmul.f32 $6.933593750e-01, v11;
	v13 =	vadd.s32 v16, v13;
	v16 =	vor.u32 v20, v21  }
0x1ad: {  	v14 =	vsub.f32 v18, v14;
	vm0 =	vgt.f32 v17, $1.414213540e+00;
	v16 =	vxor.u32 v16, v13  }
0x1ae: {  	v21 =	vsel vm0, $0x1, v2;
	v18 =	vshrl.u32 v16, $0x1A;
	v20 =	vshll.u32 v16, $0x6  }
0x1af: {  	v17 =	vsel vm0, v22, v17;
	v13 =	vadd.s32 v13, v16;
	v16 =	vor.u32 v18, v20  }
0x1b0: {  	v14 =	vadd.f32 v14, v9;
	v9 =	vadd.s32 v21, v12;
	v16 =	vxor.u32 v16, v13  }
0x1b1: {  	v12 =	vadd.s32 $0x1BD11BF1, v16;
	v16 =	vadd.s32 $0xFFFFFF81, v9;
	v9 =	vadd.f32 $-1.000000000e+00, v17  }
0x1b2: {  	v11 =	vadd.f32 v14, v11;
	v13 =	vadd.s32 v12, v13;
	v17 =	vshrl.u32 v12, $0xF  }
0x1b3: {  	v12 =	vshll.u32 v12, $0x11;
	v13 =	vadd.s32 $0x2A, v13;
	v14 =	vmul.f32 $7.037683580e-02, v9  }
0x1b4: {  	v18 =	vadd.f32 $-1.151461010e-01, v19;
	v12 =	vor.u32 v17, v12;
	v17 =	vsub.f32 $0.0e+00, v11  }
0x1b5: {  	v11 =	vcvt.s32.f32 v16;
	v12 =	vxor.u32 v12, v13;
	v14 =	vadd.f32 $-1.151461010e-01, v14  }
0x1b6: {  	v16 =	vmul.f32 v18, v8;
	v18 =	vshrl.u32 v12, $0x3;
	v19 =	vshll.u32 v12, $0x1D;
	v20 =	vld [tilespmem:s28+$0x6400]  }
0x1b7: {  	v12 =	vadd.s32 v13, v12;
	v13 =	vor.u32 v18, v19;
	v14 =	vmul.f32 v14, v9  }
0x1b8: {  	v16 =	vadd.f32 $1.167699840e-01, v16;
	v10 =	vadd.f32 v10, v17;
	v13 =	vxor.u32 v13, v12  }
0x1b9: {  	v17 =	vshrl.u32 v13, $0x10;
	v18 =	vshll.u32 v13, $0x10;
	v14 =	vadd.f32 $1.167699840e-01, v14  }
0x1ba: {  	v16 =	vmul.f32 v16, v8;
	v12 =	vadd.s32 v12, v13;
	v13 =	vor.u32 v17, v18;
	v17 =	vld [tilespmem:s28+$0x6800]  }
0x1bb: {  	v13 =	vxor.u32 v13, v12;
	v14 =	vmul.f32 v14, v9;
	vm0 =	vgt.f32 v10, v20  }
0x1bc: {  	v16 =	vadd.f32 $-1.242014100e-01, v16;
	v18 =	vshrl.u32 v13, $0x8;
	v19 =	vshll.u32 v13, $0x18  }
0x1bd: {  	v12 =	vadd.s32 v12, v13;
	v13 =	vor.u32 v18, v19;
	v14 =	vadd.f32 $-1.242014100e-01, v14  }
0x1be: {  	v16 =	vmul.f32 v16, v8;
	v13 =	vxor.u32 v13, v12;
	v10 =	vsel vm0, v10, v20  }
0x1bf: {  	s6 =	sand.u32 $0x70, s30;
	s30 =	smov.u32 s3;
	v13 =	vadd.s32 $0x2, v13;
	v14 =	vmul.f32 v14, v9;
	[tilespmem:s28+$0x6400] =	vst v10;
	v10 =	vsel vm0, v4, v17;
	v4 =	vmovc v7  }
0x1c0: {  	s3 =	sor.u32 s6, s29;
	s29 =	smov.u32 s9;
	v12 =	vadd.s32 v13, v12;
	v7 =	vadd.f32 $1.424932330e-01, v16;
	v16 =	vshrl.u32 v13, $0x13;
	[tilespmem:s28+$0x6800] =	vst v10  }
0x1c1: {  	s3 =	sor.u32 s10, s3;
	v12 =	vadd.s32 $0x1BD11BF0, v12;
	v10 =	vshll.u32 v13, $0xD;
	v13 =	vadd.f32 $1.424932330e-01, v14  }
0x1c2: {  	v14 =	vmul.f32 v7, v8;
	v7 =	vcvt.s32.f32 v15;
	v15 =	vor.u32 v16, v10;
	v10 =	vld [tilespmem:s3+$0x0]  }
0x1c3: {  	v13 =	vmul.f32 v13, v9  }
0x1c4: {  	v15 =	vxor.u32 v15, v12;
	v14 =	vadd.f32 $-1.666805740e-01, v14  }
0x1c5: {  	v16 =	vshrl.u32 v15, $0x11;
	v17 =	vshll.u32 v15, $0xF;
	v13 =	vadd.f32 $-1.666805740e-01, v13  }
0x1c6: {  	v12 =	vadd.s32 v12, v15;
	v15 =	vor.u32 v16, v17;
	v14 =	vmul.f32 v14, v8  }
0x1c7: {  	v15 =	vxor.u32 v15, v12;
	v13 =	vmul.f32 v13, v9;
	v16 =	vmul.f32 $1.442695020e+00, v10  }
0x1c8: {  	v12 =	vadd.s32 v12, v15;
	v17 =	vshrl.u32 v15, $0x6;
	v15 =	vshll.u32 v15, $0x1A  }
0x1c9: {  	v14 =	vadd.f32 $2.000071410e-01, v14;
	v15 =	vor.u32 v17, v15;
	v13 =	vadd.f32 $2.000071410e-01, v13  }
0x1ca: {  	v15 =	vxor.u32 v15, v12;
	(erf) = vpow2.f32 v16  }
0x1cb: {  	v14 =	vmul.f32 v14, v8;
	v16 =	vshrl.u32 v15, $0x1A;
	v13 =	vmul.f32 v13, v9  }
0x1cc: {  	v17 =	vadd.s32 v12, v15;
	v12 =	vshll.u32 v15, $0x6  }
0x1cd: {  	v15 =	vadd.f32 $-2.499999400e-01, v14;
	v12 =	vor.u32 v16, v12;
	v13 =	vadd.f32 $-2.499999400e-01, v13  }
0x1ce: {  	v14 =	vxor.u32 v12, v17  }
0x1cf: {  	v12 =	vmul.f32 v8, v8;
	v14 =	vadd.s32 $0x2D, v14;
	v13 =	vmul.f32 v13, v9  }
0x1d0: {  	v16 =	vadd.s32 v17, v14;
	v17 =	vshrl.u32 v14, $0xF;
	v14 =	vshll.u32 v14, $0x11;
	v20 =	vld [tilespmem:s28+$0x6010]  }
0x1d1: {  	v17 =	vor.u32 v17, v14;
	v14 =	vmul.f32 $2.121944420e-04, v11;
	v13 =	vadd.f32 $3.333333130e-01, v13  }
.Ltmp0:
0x1d2: {  	v21 =	vmul.f32 v9, v9;
	v15 =	vmul.f32 v15, v8;
	v17 =	vxor.u32 v17, v16;
	(pc) =	sbr.rel @p0 .LBB2_3-.Ltmp0, $4  }
0x1d3: {  	v19 =	vshrl.u32 v17, $0x3;
	v22 =	vshll.u32 v17, $0x1D;
	v13 =	vmul.f32 v13, v9;
	v23 =	vpop (erf)  }
0x1d4: {  	v15 =	vadd.f32 $3.333333130e-01, v15;
	v18 =	vadd.s32 v16, v17;
	v16 =	vor.u32 v19, v22  }
0x1d5: {  	v19 =	vxor.u32 v16, v18;
	v16 =	vmul.f32 v13, v21;
	v13 =	vadd.f32 v23, v20  }
0x1d6: {  	s5 =	sadd.s32 $0x1, s5;
	v17 =	vmul.f32 v15, v8;
	v15 =	vmul.f32 $5.000000000e-01, v21;
	v20 =	vshrl.u32 v19, $0x10  }
0x1d7: {  	v21 =	vshll.u32 v19, $0x10  }
0x1d8: {  	v18 =	vadd.s32 v18, v19;
	v19 =	vor.u32 v20, v21  }
0x1d9: {  	v19 =	vxor.u32 v19, v18  }
0x1da: {  	v20 =	vshrl.u32 v19, $0x8;
	v46 =	vshll.u32 v19, $0x18  }
0x1db: {  	v18 =	vadd.s32 v18, v19;
	v19 =	vor.u32 v20, v46  }
0x1dc: {  	v19 =	vxor.u32 v19, v18  }
0x1dd: {  	v19 =	vadd.s32 $0x1BD11BF4, v19  }
0x1de: {  	v18 =	vadd.s32 v19, v18;
	v20 =	vshll.u32 v19, $0xD;
	v19 =	vshrl.u32 v19, $0x13  }
0x1df: {  	v19 =	vor.u32 v19, v20;
	v18 =	vadd.s32 $0x2A, v18  }
0x1e0: {  	v19 =	vxor.u32 v19, v18  }
0x1e1: {  	v20 =	vshrl.u32 v19, $0x11;
	v47 =	vshll.u32 v19, $0xF  }
0x1e2: {  	v18 =	vadd.s32 v18, v19;
	v19 =	vor.u32 v20, v47  }
0x1e3: {  	v19 =	vxor.u32 v19, v18  }
0x1e4: {  	v20 =	vshrl.u32 v19, $0x6;
	v48 =	vshll.u32 v19, $0x1A  }
0x1e5: {  	v18 =	vadd.s32 v18, v19;
	v20 =	vor.u32 v20, v48  }
0x1e6: {  	v19 =	vxor.u32 v20, v18  }
0x1e7: {  	s5 =	simm.s32 $0x0;
	v20 =	vshrl.u32 v19, $0x1A;
	v49 =	vshll.u32 v19, $0x6  }
0x1e8: {  	s9 =	smul.u32 $0xAAAB, s5;
	v18 =	vadd.s32 v18, v19;
	v19 =	vor.u32 v20, v49  }
0x1e9: {  	s1 =	smulhi.u32 $0xAAAAAAAB, s5;
	v19 =	vxor.u32 v19, v18  }
0x1ea: {  	v18 =	vadd.s32 $0x1BD11BF0, v18;
	v19 =	vadd.s32 $0x5, v19  }
0x1eb: {  	s0 =	sshrl.u32 s9, $0x15;
	s10 =	sshrl.u32 s1, $0x5;
	v18 =	vxor.u32 v18, v19  }
0x1ec: {  	v14 =	vsub.f32 v16, v14;
	s3 =	sadd.s32 s0, s4;
	s1 =	smul.u32 $0x600, s10;
	v18 =	vshrl.u32 v18, $0x9  }
0x1ed: {  	s3 =	smul.u32 $0xF4240, s3;
	v18 =	vor.u32 $0x3F800000, v18  }
0x1ee: {  	v17 =	vmul.f32 v17, v12;
	v14 =	vsub.f32 v14, v15;
	v16 =	vadd.f32 $-1.000000000e+00, v18  }
0x1ef: {  	s6 =	ssub.s32 s24, s1;
	v20 =	vmul.f32 $6.933593750e-01, v7;
	v18 =	vmul.f32 $5.000000000e-01, v12;
	v12 =	vmov s3  }
0x1f0: {  	v19 =	vmul.f32 $2.121944420e-04, v7;
	s3 =	sadd.s32 $0x0, s6;
	v12 =	vor.u32 $0x2A, v12;
	v7 =	vadd.f32 $1.175494350e-38, v16  }
0x1f1: {  	v11 =	vmul.f32 $6.933593750e-01, v11;
	s6 =	sadd.s32 $0x600, s3;
	v12 =	vbroadcast v12, $0x0  }
0x1f2: {  	v9 =	vadd.f32 v14, v9;
	v15 =	vmax.f32 v7, $1.175494350e-38;
	v7 =	vor.u32 s6, v3  }
0x1f3: {  	v16 =	vsub.f32 v17, v19;
	v14 =	vand.u32 $0x7FFFFF, v15;
	v17 =	vadd.s32 v7, v12  }
0x1f4: {  	v14 =	vor.u32 $0x3F800000, v14;
	v19 =	vshrl.u32 v17, $0x13;
	v50 =	vshll.u32 v17, $0xD  }
0x1f5: {  	v16 =	vsub.f32 v16, v18;
	v18 =	vmul.f32 $5.000000000e-01, v14;
	v19 =	vor.u32 v19, v50  }
0x1f6: {  	v9 =	vadd.f32 v9, v11;
	vm1 =	vgt.f32 v14, $1.414213540e+00;
	v19 =	vxor.u32 v17, v19  }
0x1f7: {  	v11 =	vsel vm1, v18, v14;
	v14 =	vshrl.u32 v19, $0x11;
	v18 =	vshll.u32 v19, $0xF  }
0x1f8: {  	v17 =	vadd.s32 v17, v19;
	v11 =	vadd.f32 $-1.000000000e+00, v11;
	v14 =	vor.u32 v14, v18  }
0x1f9: {  	[tilespmem:s28+$0x6010] =	vst v13;
	v9 =	vsub.f32 $0.0e+00, v9;
	v8 =	vadd.f32 v16, v8;
	v13 =	vxor.u32 v14, v17  }
0x1fa: {  	v14 =	vld [tilespmem:s28+$0x6410];
	v16 =	vmul.f32 $7.037683580e-02, v11;
	v18 =	vshrl.u32 v13, $0x6;
	v19 =	vshll.u32 v13, $0x1A  }
0x1fb: {  	v8 =	vadd.f32 v8, v20;
	v13 =	vadd.s32 v17, v13;
	v17 =	vor.u32 v18, v19  }
0x1fc: {  	v9 =	vadd.f32 v10, v9;
	v10 =	vadd.f32 $-1.151461010e-01, v16;
	v16 =	vxor.u32 v17, v13  }
0x1fd: {  	v8 =	vsub.f32 $0.0e+00, v8;
	v17 =	vshrl.u32 v16, $0x1A;
	v18 =	vshll.u32 v16, $0x6  }
0x1fe: {  	v13 =	vadd.s32 v13, v16;
	v10 =	vmul.f32 v10, v11;
	v16 =	vor.u32 v17, v18  }
0x1ff: {  	vm2 =	vgt.f32 v9, v14;
	v17 =	vand.u32 $0x7FFFFF, v8;
	v16 =	vxor.u32 v16, v13  }
0x200: {  	v17 =	vor.u32 $0x3F800000, v17;
	v10 =	vadd.f32 $1.167699840e-01, v10;
	v16 =	vadd.s32 $0x1BD11BF1, v16  }
0x201: {  	v19 =	vmul.f32 $5.000000000e-01, v17;
	vm0 =	vgt.f32 v17, $1.414213540e+00;
	v13 =	vadd.s32 v16, v13  }
0x202: {  	v18 =	vshrl.u32 v16, $0xF;
	v16 =	vshll.u32 v16, $0x11;
	v13 =	vadd.s32 $0x2A, v13  }
0x203: {  	v16 =	vor.u32 v18, v16;
	v10 =	vmul.f32 v10, v11;
	v17 =	vsel vm0, v19, v17  }
0x204: {  	v14 =	vsel vm2, v9, v14;
	v16 =	vxor.u32 v16, v13;
	v9 =	vadd.f32 $-1.000000000e+00, v17  }
0x205: {  	v17 =	vld [tilespmem:s28+$0x6810];
	v18 =	vshrl.u32 v16, $0x3;
	v19 =	vshll.u32 v16, $0x1D;
	v10 =	vadd.f32 $-1.242014100e-01, v10  }
0x206: {  	v13 =	vadd.s32 v13, v16;
	v16 =	vor.u32 v18, v19  }
0x207: {  	v15 =	vshra.s32 v15, $0x17;
	v16 =	vxor.u32 v16, v13;
	v10 =	vmul.f32 v10, v11  }
0x208: {  	v18 =	vshrl.u32 v16, $0x10;
	v19 =	vshll.u32 v16, $0x10;
	v13 =	vadd.s32 v13, v16  }
0x209: {  	v16 =	vor.u32 v18, v19;
	v18 =	vsel vm1, $0x1, v2;
	v10 =	vadd.f32 $1.424932330e-01, v10  }
0x20a: {  	v19 =	vmul.f32 $7.037683580e-02, v9;
	v5 =	vsel vm2, v5, v17;
	v16 =	vxor.u32 v16, v13  }
0x20b: {  	v20 =	vshrl.u32 v16, $0x8;
	v51 =	vshll.u32 v16, $0x18;
	v10 =	vmul.f32 v10, v11  }
0x20c: {  	v13 =	vadd.s32 v13, v16;
	v17 =	vadd.f32 $-1.151461010e-01, v19;
	v16 =	vor.u32 v20, v51  }
0x20d: {  	v15 =	vadd.s32 v18, v15;
	v16 =	vxor.u32 v16, v13  }
0x20e: {  	v10 =	vadd.f32 $-1.666805740e-01, v10;
	v17 =	vmul.f32 v17, v9;
	v16 =	vadd.s32 $0x2, v16  }
0x20f: {  	v13 =	vadd.s32 v16, v13;
	v18 =	vshrl.u32 v16, $0x13;
	v16 =	vshll.u32 v16, $0xD  }
0x210: {  	v10 =	vmul.f32 v10, v11;
	v13 =	vadd.s32 $0x1BD11BF0, v13;
	v16 =	vor.u32 v18, v16  }
0x211: {  	v8 =	vshra.s32 v8, $0x17;
	v17 =	vadd.f32 $1.167699840e-01, v17;
	v16 =	vxor.u32 v16, v13  }
0x212: {  	v10 =	vadd.f32 $2.000071410e-01, v10;
	v18 =	vshrl.u32 v16, $0x11;
	v19 =	vshll.u32 v16, $0xF  }
0x213: {  	v17 =	vmul.f32 v17, v9;
	v13 =	vadd.s32 v13, v16;
	v16 =	vor.u32 v18, v19  }
0x214: {  	v15 =	vadd.s32 $0xFFFFFF81, v15;
	v10 =	vmul.f32 v10, v11;
	v16 =	vxor.u32 v16, v13  }
0x215: {  	v17 =	vadd.f32 $-1.242014100e-01, v17;
	v18 =	vshrl.u32 v16, $0x6;
	v19 =	vshll.u32 v16, $0x1A  }
0x216: {  	v10 =	vadd.f32 $-2.499999400e-01, v10;
	v13 =	vadd.s32 v13, v16;
	v16 =	vor.u32 v18, v19  }
0x217: {  	v15 =	vcvt.s32.f32 v15;
	v17 =	vmul.f32 v17, v9;
	v16 =	vxor.u32 v16, v13  }
0x218: {  	v10 =	vmul.f32 v10, v11;
	v18 =	vshrl.u32 v16, $0x1A;
	v19 =	vshll.u32 v16, $0x6  }
0x219: {  	v17 =	vadd.f32 $1.424932330e-01, v17;
	v13 =	vadd.s32 v13, v16;
	v16 =	vor.u32 v18, v19  }
0x21a: {  	v18 =	vsel vm0, $0x1, v2;
	v10 =	vadd.f32 $3.333333130e-01, v10;
	v16 =	vxor.u32 v16, v13  }
0x21b: {  	v19 =	vmul.f32 v11, v11;
	v17 =	vmul.f32 v17, v9;
	v16 =	vadd.s32 $0x2D, v16  }
0x21c: {  	v10 =	vmul.f32 v10, v11;
	v20 =	vshrl.u32 v16, $0xF;
	v52 =	vshll.u32 v16, $0x11  }
0x21d: {  	v8 =	vadd.s32 v18, v8;
	v13 =	vadd.s32 v13, v16;
	v16 =	vor.u32 v20, v52  }
0x21e: {  	v18 =	vmul.f32 $2.121944420e-04, v15;
	v10 =	vmul.f32 v10, v19;
	v16 =	vxor.u32 v16, v13  }
0x21f: {  	s13 =	sshll.u32 s26, $0x7;
	v20 =	vshrl.u32 v16, $0x3;
	v53 =	vshll.u32 v16, $0x1D;
	v13 =	vadd.s32 v13, v16  }
0x220: {  	s23 =	sand.u32 $0x380, s13;
	[tilespmem:s28+$0x6810] =	vst v5;
	v5 =	vsub.f32 v10, v18;
	v10 =	vmul.f32 $5.000000000e-01, v19;
	v16 =	vor.u32 v20, v53  }
0x221: {  	s7 =	sor.u32 s23, s31;
	[tilespmem:s28+$0x6410] =	vst v14;
	v15 =	vmul.f32 $6.933593750e-01, v15;
	v14 =	vadd.f32 $-1.666805740e-01, v17;
	v16 =	vxor.u32 v16, v13  }
0x222: {  	v17 =	vld [tilespmem:s7+$0x0];
	v5 =	vsub.f32 v5, v10;
	v18 =	vshrl.u32 v16, $0x10;
	v19 =	vshll.u32 v16, $0x10  }
0x223: {  	v14 =	vmul.f32 v14, v9;
	v10 =	vadd.s32 v13, v16;
	v13 =	vor.u32 v18, v19  }
0x224: {  	v8 =	vadd.s32 $0xFFFFFF81, v8;
	v5 =	vadd.f32 v5, v11;
	v13 =	vxor.u32 v13, v10  }
0x225: {  	v14 =	vadd.f32 $2.000071410e-01, v14;
	v11 =	vshrl.u32 v13, $0x8;
	v16 =	vshll.u32 v13, $0x18  }
0x226: {  	v10 =	vadd.s32 v10, v13;
	v5 =	vadd.f32 v5, v15;
	v11 =	vor.u32 v11, v16  }
0x227: {  	v13 =	vmul.f32 $1.442695020e+00, v17;
	v16 =	vcvt.s32.f32 v8;
	v8 =	vxor.u32 v11, v10  }
0x228: {  	v11 =	vmul.f32 v14, v9;
	v5 =	vsub.f32 $0.0e+00, v5;
	v8 =	vadd.s32 $0x1BD11BF4, v8  }
0x229: {  	v10 =	vadd.s32 v8, v10;
	v14 =	vshrl.u32 v8, $0x13;
	v8 =	vshll.u32 v8, $0xD  }
0x22a: {  	v11 =	vadd.f32 $-2.499999400e-01, v11;
	v10 =	vadd.s32 $0x2A, v10;
	v8 =	vor.u32 v14, v8  }
0x22b: {  	(erf) = vpow2.f32 v13;
	v15 =	vand.u32 $0x7FFFFF, v5;
	v8 =	vxor.u32 v8, v10  }
0x22c: {  	v11 =	vmul.f32 v11, v9;
	v13 =	vshrl.u32 v8, $0x11;
	v14 =	vshll.u32 v8, $0xF  }
0x22d: {  	v8 =	vadd.s32 v10, v8;
	v10 =	vor.u32 v13, v14;
	v13 =	vor.u32 $0x3F800000, v15  }
0x22e: {  	v11 =	vadd.f32 $3.333333130e-01, v11;
	v10 =	vxor.u32 v10, v8;
	v14 =	vmul.f32 $5.000000000e-01, v13  }
0x22f: {  	vm7 =	vgt.f32 v13, $1.414213540e+00;
	v15 =	vshrl.u32 v10, $0x6;
	v18 =	vshll.u32 v10, $0x1A  }
0x230: {  	v10 =	vadd.s32 v8, v10;
	v11 =	vmul.f32 v11, v9;
	v8 =	vor.u32 v15, v18  }
0x231: {  	v15 =	vmul.f32 v9, v9;
	v13 =	vsel vm7, v14, v13;
	v14 =	vxor.u32 v8, v10  }
0x232: {  	v8 =	vadd.f32 $-1.000000000e+00, v13;
	v13 =	vshrl.u32 v14, $0x1A;
	v18 =	vshll.u32 v14, $0x6  }
0x233: {  	v10 =	vadd.s32 v10, v14;
	v14 =	vmul.f32 $2.121944420e-04, v16;
	v11 =	vmul.f32 v11, v15  }
0x234: {  	v13 =	vor.u32 v13, v18;
	v18 =	vmul.f32 $7.037683580e-02, v8  }
0x235: {  	v13 =	vxor.u32 v13, v10;
	v11 =	vsub.f32 v11, v14;
	v14 =	vmul.f32 $5.000000000e-01, v15  }
0x236: {  	v10 =	vadd.s32 $0x1BD11BF0, v10;
	v13 =	vadd.s32 $0x5, v13;
	v18 =	vadd.f32 $-1.151461010e-01, v18  }
0x237: {  	v10 =	vxor.u32 v10, v13;
	v11 =	vsub.f32 v11, v14  }
0x238: {  	v13 =	vld [tilespmem:s13+$0x6000];
	v10 =	vshrl.u32 v10, $0x9;
	v15 =	vmul.f32 v18, v8  }
0x239: {  	v10 =	vor.u32 $0x3F800000, v10;
	v9 =	vadd.f32 v11, v9  }
0x23a: {  	v14 =	vmul.f32 $6.933593750e-01, v16;
	v10 =	vadd.f32 $-1.000000000e+00, v10;
	v15 =	vadd.f32 $1.167699840e-01, v15  }
0x23b: {  	v5 =	vshra.s32 v5, $0x17;
	v18 =	vsel vm7, $0x1, v2  }
0x23c: {  	s3 =	sadd.s32 $0x610, s3;
	v16 =	vpop (erf);
	v9 =	vadd.f32 v9, v14;
	v10 =	vadd.f32 $1.175494350e-38, v10;
	v11 =	vmul.f32 v15, v8  }
0x23d: {  	v13 =	vadd.f32 v16, v13;
	v16 =	vadd.s32 v18, v5;
	v5 =	vor.u32 s3, v3  }
0x23e: {  	v12 =	vadd.s32 v5, v12;
	v14 =	vmax.f32 v10, $1.175494350e-38;
	v10 =	vadd.f32 $-1.242014100e-01, v11  }
0x23f: {  	v15 =	vshrl.u32 v12, $0x13;
	v18 =	vshll.u32 v12, $0xD;
	v11 =	vand.u32 $0x7FFFFF, v14  }
0x240: {  	v9 =	vsub.f32 $0.0e+00, v9;
	v15 =	vor.u32 v15, v18;
	v18 =	vld [tilespmem:s13+$0x6400];
	v11 =	vor.u32 $0x3F800000, v11  }
0x241: {  	v10 =	vmul.f32 v10, v8;
	v15 =	vxor.u32 v12, v15;
	v19 =	vmul.f32 $5.000000000e-01, v11  }
0x242: {  	v9 =	vadd.f32 v17, v9;
	vm8 =	vgt.f32 v11, $1.414213540e+00;
	v20 =	vshll.u32 v15, $0xF  }
0x243: {  	v10 =	vadd.f32 $1.424932330e-01, v10;
	v11 =	vsel vm8, v19, v11;
	v19 =	vshrl.u32 v15, $0x11  }
0x244: {  	v12 =	vadd.s32 v12, v15;
	v11 =	vadd.f32 $-1.000000000e+00, v11;
	v15 =	vor.u32 v19, v20  }
0x245: {  	v10 =	vmul.f32 v10, v8;
	vm9 =	vgt.f32 v9, v18;
	v15 =	vxor.u32 v15, v12  }
0x246: {  	v17 =	vld [tilespmem:s13+$0x6800];
	v19 =	vmul.f32 $7.037683580e-02, v11;
	v20 =	vshrl.u32 v15, $0x6;
	v54 =	vshll.u32 v15, $0x1A  }
0x247: {  	v12 =	vadd.s32 v12, v15;
	v10 =	vadd.f32 $-1.666805740e-01, v10;
	v15 =	vor.u32 v20, v54  }
0x248: {  	v9 =	vsel vm9, v9, v18;
	v19 =	vadd.f32 $-1.151461010e-01, v19;
	v15 =	vxor.u32 v15, v12  }
0x249: {  	v10 =	vmul.f32 v10, v8;
	v20 =	vshrl.u32 v15, $0x1A;
	v55 =	vshll.u32 v15, $0x6  }
0x24a: {  	v12 =	vadd.s32 v12, v15;
	v19 =	vmul.f32 v19, v11;
	v15 =	vor.u32 v20, v55  }
0x24b: {  	v4 =	vsel vm9, v4, v17;
	[tilespmem:s13+$0x6400] =	vst v9;
	v15 =	vxor.u32 v15, v12  }
0x24c: {  	v9 =	vadd.f32 $2.000071410e-01, v10;
	v17 =	vadd.f32 $1.167699840e-01, v19;
	v15 =	vadd.s32 $0x1BD11BF1, v15  }
0x24d: {  	[tilespmem:s13+$0x6000] =	vst v13;
	v12 =	vadd.s32 v15, v12;
	v13 =	vshrl.u32 v15, $0xF;
	v15 =	vshll.u32 v15, $0x11  }
0x24e: {  	s15 =	sand.u32 $0x70, s30;
	v9 =	vmul.f32 v9, v8;
	v12 =	vadd.s32 $0x2A, v12;
	v10 =	vor.u32 v13, v15  }
0x24f: {  	s3 =	sor.u32 s15, s29;
	[tilespmem:s13+$0x6800] =	vst v4;
	v13 =	vadd.s32 $0xFFFFFF81, v16;
	v4 =	vmul.f32 v17, v11;
	v15 =	vxor.u32 v10, v12  }
0x250: {  	s3 =	sor.u32 s23, s3;
	v9 =	vadd.f32 $-2.499999400e-01, v9;
	v16 =	vshrl.u32 v15, $0x3;
	v17 =	vshll.u32 v15, $0x1D  }
0x251: {  	v10 =	vld [tilespmem:s3+$0x0];
	v4 =	vadd.f32 $-1.242014100e-01, v4;
	v12 =	vadd.s32 v12, v15;
	v15 =	vor.u32 v16, v17  }
0x252: {  	v9 =	vmul.f32 v9, v8;
	v15 =	vxor.u32 v15, v12  }
0x253: {  	v4 =	vmul.f32 v4, v11;
	v16 =	vshrl.u32 v15, $0x10;
	v17 =	vshll.u32 v15, $0x10  }
0x254: {  	v13 =	vcvt.s32.f32 v13;
	v12 =	vadd.s32 v12, v15;
	v16 =	vor.u32 v16, v17  }
0x255: {  	v9 =	vadd.f32 $3.333333130e-01, v9;
	v4 =	vadd.f32 $1.424932330e-01, v4;
	v16 =	vxor.u32 v16, v12  }
0x256: {  	v15 =	vmul.f32 $1.442695020e+00, v10;
	v17 =	vshrl.u32 v16, $0x8;
	v18 =	vshll.u32 v16, $0x18  }
0x257: {  	v4 =	vmul.f32 v4, v11;
	v12 =	vadd.s32 v12, v16;
	v16 =	vor.u32 v17, v18  }
0x258: {  	v9 =	vmul.f32 v9, v8;
	v17 =	vmul.f32 $2.121944420e-04, v13;
	v16 =	vxor.u32 v16, v12  }
0x259: {  	v18 =	vmul.f32 v8, v8;
	v4 =	vadd.f32 $-1.666805740e-01, v4;
	v16 =	vadd.s32 $0x2, v16  }
0x25a: {  	v12 =	vadd.s32 v16, v12;
	v19 =	vshrl.u32 v16, $0x13;
	v16 =	vshll.u32 v16, $0xD  }
0x25b: {  	s16 =	simm.s32 $0x1;
	v4 =	vmul.f32 v4, v11;
	v12 =	vadd.s32 $0x1BD11BF0, v12;
	v16 =	vor.u32 v19, v16  }
0x25c: {  	s3 =	smul.u32 $0xAAAB, s16;
	v9 =	vmul.f32 v9, v18;
	v18 =	vmul.f32 $5.000000000e-01, v18;
	v16 =	vxor.u32 v16, v12  }
0x25d: {  	v4 =	vadd.f32 $2.000071410e-01, v4;
	v19 =	vshrl.u32 v16, $0x11;
	v20 =	vshll.u32 v16, $0xF  }
0x25e: {  	s26 =	sshrl.u32 s3, $0x15;
	v9 =	vsub.f32 v9, v17;
	v16 =	vadd.s32 v12, v16;
	v12 =	vor.u32 v19, v20  }
0x25f: {  	s7 =	sadd.s32 s26, s4;
	(erf) = vpow2.f32 v15;
	v4 =	vmul.f32 v4, v11;
	v15 =	vxor.u32 v12, v16  }
0x260: {  	s23 =	smul.u32 $0xF4240, s7;
	v12 =	vsub.f32 v9, v18;
	v9 =	vshrl.u32 v15, $0x6;
	v17 =	vshll.u32 v15, $0x1A  }
0x261: {  	v14 =	vshra.s32 v14, $0x17;
	v15 =	vadd.s32 v16, v15;
	v9 =	vor.u32 v9, v17  }
0x262: {  	v20 =	vmov s23;
	v4 =	vadd.f32 $-2.499999400e-01, v4;
	v9 =	vxor.u32 v9, v15  }
0x263: {  	v16 =	vsel vm8, $0x1, v2;
	v17 =	vshrl.u32 v9, $0x1A;
	v18 =	vshll.u32 v9, $0x6  }
0x264: {  	v4 =	vmul.f32 v4, v11;
	v9 =	vadd.s32 v15, v9;
	v15 =	vor.u32 v17, v18  }
0x265: {  	s6 =	smulhi.u32 $0xAAAAAAAB, s16;
	v14 =	vadd.s32 v16, v14;
	v16 =	vmul.f32 v11, v11;
	v15 =	vxor.u32 v15, v9  }
0x266: {  	v14 =	vadd.s32 $0xFFFFFF81, v14;
	v4 =	vadd.f32 $3.333333130e-01, v4;
	v15 =	vadd.s32 $0x2D, v15  }
0x267: {  	s31 =	sshrl.u32 s6, $0x5;
	v14 =	vcvt.s32.f32 v14;
	v17 =	vshrl.u32 v15, $0xF;
	v18 =	vshll.u32 v15, $0x11  }
0x268: {  	s30 =	smul.u32 $0x600, s31;
	v4 =	vmul.f32 v4, v11;
	v9 =	vadd.s32 v9, v15;
	v15 =	vor.u32 v17, v18  }
0x269: {  	v19 =	vmul.f32 $6.933593750e-01, v14;
	v14 =	vmul.f32 $2.121944420e-04, v14;
	v15 =	vxor.u32 v15, v9  }
0x26a: {  	s7 =	ssub.s32 s24, s30;
	v4 =	vmul.f32 v4, v16;
	v17 =	vshrl.u32 v15, $0x3;
	v18 =	vshll.u32 v15, $0x1D  }
0x26b: {  	s23 =	sadd.s32 $0x20, s7;
	v15 =	vadd.s32 v9, v15;
	v9 =	vor.u32 v17, v18;
	v17 =	vor.u32 $0x2A, v20  }
0x26c: {  	s6 =	sadd.s32 $0x600, s23;
	v16 =	vmul.f32 $5.000000000e-01, v16;
	v18 =	vxor.u32 v9, v15;
	v9 =	vbroadcast v17, $0x0  }
0x26d: {  	v14 =	vsub.f32 v4, v14;
	v4 =	vor.u32 s6, v3;
	v15 =	vadd.s32 v15, v18  }
0x26e: {  	v17 =	vshrl.u32 v18, $0x10;
	v18 =	vshll.u32 v18, $0x10;
	v20 =	vadd.s32 v4, v9  }
0x26f: {  	v17 =	vor.u32 v17, v18;
	v18 =	vshrl.u32 v20, $0x13;
	v56 =	vshll.u32 v20, $0xD  }
0x270: {  	v14 =	vsub.f32 v14, v16;
	v16 =	vxor.u32 v17, v15;
	v17 =	vor.u32 v18, v56  }
0x271: {  	v18 =	vshrl.u32 v16, $0x8;
	v15 =	vadd.s32 v15, v16;
	v17 =	vxor.u32 v20, v17  }
0x272: {  	v16 =	vshll.u32 v16, $0x18;
	v57 =	vshrl.u32 v17, $0x11;
	v22 =	vshll.u32 v17, $0xF  }
0x273: {  	v16 =	vor.u32 v18, v16;
	v17 =	vadd.s32 v20, v17;
	v20 =	vor.u32 v57, v22  }
0x274: {  	v11 =	vadd.f32 v14, v11;
	v16 =	vxor.u32 v16, v15;
	v14 =	vxor.u32 v20, v17  }
0x275: {  	v16 =	vadd.s32 $0x1BD11BF4, v16;
	v18 =	vshrl.u32 v14, $0x6;
	v20 =	vshll.u32 v14, $0x1A  }
0x276: {  	v15 =	vadd.s32 v16, v15;
	v14 =	vadd.s32 v17, v14;
	v17 =	vor.u32 v18, v20  }
0x277: {  	v15 =	vadd.s32 $0x2A, v15;
	v18 =	vshrl.u32 v16, $0x13;
	v17 =	vxor.u32 v17, v14  }
0x278: {  	v16 =	vshll.u32 v16, $0xD;
	v20 =	vshrl.u32 v17, $0x1A;
	v58 =	vshll.u32 v17, $0x6  }
0x279: {  	v16 =	vor.u32 v18, v16;
	v14 =	vadd.s32 v14, v17;
	v17 =	vor.u32 v20, v58  }
0x27a: {  	v18 =	vmul.f32 $6.933593750e-01, v13;
	v16 =	vxor.u32 v16, v15;
	v13 =	vxor.u32 v17, v14  }
0x27b: {  	v11 =	vadd.f32 v11, v19;
	v20 =	vshll.u32 v16, $0xF;
	v13 =	vadd.s32 $0x1BD11BF1, v13  }
0x27c: {  	v14 =	vadd.s32 v13, v14;
	v19 =	vshrl.u32 v13, $0xF;
	v13 =	vshll.u32 v13, $0x11  }
0x27d: {  	v17 =	vshrl.u32 v16, $0x11;
	v14 =	vadd.s32 $0x2A, v14;
	v13 =	vor.u32 v19, v13  }
0x27e: {  	v15 =	vadd.s32 v15, v16;
	v16 =	vor.u32 v17, v20;
	v13 =	vxor.u32 v13, v14  }
0x27f: {  	v16 =	vxor.u32 v16, v15;
	v17 =	vshrl.u32 v13, $0x3;
	v19 =	vshll.u32 v13, $0x1D  }
0x280: {  	v15 =	vadd.s32 v15, v16;
	v13 =	vadd.s32 v14, v13;
	v14 =	vor.u32 v17, v19  }
0x281: {  	v17 =	vshrl.u32 v16, $0x6;
	v16 =	vshll.u32 v16, $0x1A;
	v14 =	vxor.u32 v14, v13  }
0x282: {  	v16 =	vor.u32 v17, v16;
	v17 =	vshrl.u32 v14, $0x10;
	v19 =	vshll.u32 v14, $0x10  }
0x283: {  	v16 =	vxor.u32 v16, v15;
	v13 =	vadd.s32 v13, v14;
	v14 =	vor.u32 v17, v19  }
0x284: {  	v17 =	vshrl.u32 v16, $0x1A;
	v15 =	vadd.s32 v15, v16;
	v14 =	vxor.u32 v14, v13  }
0x285: {  	v16 =	vshll.u32 v16, $0x6;
	v19 =	vshrl.u32 v14, $0x8;
	v20 =	vshll.u32 v14, $0x18  }
0x286: {  	v16 =	vor.u32 v17, v16;
	v13 =	vadd.s32 v13, v14;
	v14 =	vor.u32 v19, v20  }
0x287: {  	v11 =	vsub.f32 $0.0e+00, v11;
	v16 =	vxor.u32 v16, v15;
	v14 =	vxor.u32 v14, v13  }
0x288: {  	v15 =	vadd.s32 $0x1BD11BF0, v15;
	v16 =	vadd.s32 $0x5, v16;
	v14 =	vadd.s32 $0x2, v14  }
0x289: {  	v13 =	vadd.s32 v14, v13;
	v17 =	vshrl.u32 v14, $0x13;
	v14 =	vshll.u32 v14, $0xD  }
0x28a: {  	v15 =	vxor.u32 v15, v16;
	v13 =	vadd.s32 $0x1BD11BF0, v13;
	v14 =	vor.u32 v17, v14  }
0x28b: {  	v16 =	vand.u32 $0x7FFFFF, v11;
	v15 =	vshrl.u32 v15, $0x9;
	v14 =	vxor.u32 v14, v13  }
0x28c: {  	v15 =	vor.u32 $0x3F800000, v15;
	v17 =	vshrl.u32 v14, $0x11;
	v19 =	vshll.u32 v14, $0xF  }
0x28d: {  	v15 =	vadd.f32 $-1.000000000e+00, v15;
	v13 =	vadd.s32 v13, v14;
	v14 =	vor.u32 v17, v19  }
0x28e: {  	v17 =	vadd.f32 v12, v8;
	v8 =	vor.u32 $0x3F800000, v16;
	v12 =	vxor.u32 v14, v13  }
0x28f: {  	v14 =	vadd.f32 $1.175494350e-38, v15;
	v15 =	vshrl.u32 v12, $0x6;
	v16 =	vshll.u32 v12, $0x1A  }
0x290: {  	v19 =	vmul.f32 $5.000000000e-01, v8;
	v12 =	vadd.s32 v13, v12;
	v15 =	vor.u32 v15, v16  }
0x291: {  	vm10 =	vgt.f32 v8, $1.414213540e+00;
	v13 =	vmax.f32 v14, $1.175494350e-38;
	v14 =	vxor.u32 v15, v12  }
0x292: {  	v15 =	vand.u32 $0x7FFFFF, v13;
	v16 =	vshrl.u32 v14, $0x1A;
	v20 =	vshll.u32 v14, $0x6  }
0x293: {  	v15 =	vor.u32 $0x3F800000, v15;
	v14 =	vadd.s32 v12, v14;
	v12 =	vor.u32 v16, v20  }
0x294: {  	v8 =	vsel vm10, v19, v8;
	v16 =	vmul.f32 $5.000000000e-01, v15;
	v12 =	vxor.u32 v12, v14  }
0x295: {  	v8 =	vadd.f32 $-1.000000000e+00, v8;
	vm11 =	vgt.f32 v15, $1.414213540e+00;
	v19 =	vadd.s32 $0x2D, v12  }
0x296: {  	v12 =	vsel vm11, v16, v15;
	v15 =	vshrl.u32 v19, $0xF;
	v16 =	vshll.u32 v19, $0x11  }
0x297: {  	v12 =	vadd.f32 $-1.000000000e+00, v12;
	v14 =	vadd.s32 v14, v19;
	v15 =	vor.u32 v15, v16  }
0x298: {  	v16 =	vadd.f32 v17, v18;
	v17 =	vmul.f32 $7.037683580e-02, v8;
	v15 =	vxor.u32 v15, v14  }
0x299: {  	v18 =	vmul.f32 $7.037683580e-02, v12;
	v19 =	vshrl.u32 v15, $0x3;
	v20 =	vshll.u32 v15, $0x1D  }
0x29a: {  	v17 =	vadd.f32 $-1.151461010e-01, v17;
	v14 =	vadd.s32 v14, v15;
	v15 =	vor.u32 v19, v20  }
0x29b: {  	v16 =	vsub.f32 $0.0e+00, v16;
	v18 =	vadd.f32 $-1.151461010e-01, v18;
	v20 =	vld [tilespmem:s13+$0x6410];
	v15 =	vxor.u32 v15, v14  }
0x29c: {  	v19 =	vld [tilespmem:s13+$0x6010];
	v17 =	vmul.f32 v17, v8;
	v59 =	vshrl.u32 v15, $0x10;
	v60 =	vshll.u32 v15, $0x10  }
0x29d: {  	v23 =	vld [tilespmem:s13+$0x6810];
	v18 =	vmul.f32 v18, v12;
	v14 =	vadd.s32 v14, v15;
	v15 =	vor.u32 v59, v60  }
0x29e: {  	v10 =	vadd.f32 v10, v16;
	v16 =	vadd.f32 $1.167699840e-01, v17;
	v15 =	vxor.u32 v15, v14  }
0x29f: {  	v18 =	vadd.f32 $1.167699840e-01, v18;
	v61 =	vshrl.u32 v15, $0x8;
	v62 =	vshll.u32 v15, $0x18  }
0x2a0: {  	v17 =	vpop (erf);
	v14 =	vadd.s32 v14, v15;
	vm12 =	vgt.f32 v10, v20;
	v16 =	vmul.f32 v16, v8  }
0x2a1: {  	v17 =	vadd.f32 v17, v19;
	v15 =	vor.u32 v61, v62;
	v18 =	vmul.f32 v18, v12  }
0x2a2: {  	v10 =	vsel vm12, v10, v20;
	v6 =	vsel vm12, v6, v23;
	v15 =	vxor.u32 v15, v14  }
0x2a3: {  	v16 =	vadd.f32 $-1.242014100e-01, v16;
	[tilespmem:s13+$0x6010] =	vst v17;
	v17 =	vadd.f32 $-1.242014100e-01, v18;
	v15 =	vadd.s32 $0x1BD11BF4, v15  }
0x2a4: {  	s28 =	sshll.u32 s25, $0x1;
	[tilespmem:s13+$0x6410] =	vst v10;
	v10 =	vadd.s32 v15, v14;
	v14 =	vshrl.u32 v15, $0x13;
	v15 =	vshll.u32 v15, $0xD  }
0x2a5: {  	s15 =	smin.u32 s28, $0x9;
	[tilespmem:s13+$0x6810] =	vst v6;
	v6 =	vmul.f32 v16, v8;
	v10 =	vadd.s32 $0x2A, v10;
	v14 =	vor.u32 v14, v15  }
0x2a6: {  	s6 =	smul.u32 $0x600, s15;
	v15 =	vmul.f32 v17, v12;
	v14 =	vxor.u32 v14, v10  }
0x2a7: {  	s16 =	rddreg [dreg:$0x5];
	v6 =	vadd.f32 $1.424932330e-01, v6;
	v16 =	vshrl.u32 v14, $0x11;
	v17 =	vshll.u32 v14, $0xF  }
0x2a8: {  	s9 =	sshrl.u32 s9, $0x18;
	s6 =	sadd.s32 s6, s16;
	s13 =	smul.u32 $0x3000, s10;
	v10 =	vadd.s32 v10, v14;
	v15 =	vadd.f32 $1.424932330e-01, v15;
	v14 =	vor.u32 v16, v17  }
0x2a9: {  	v11 =	vshra.s32 v11, $0x17;
	[tilespmem:s5], [sflag:$0x1] =	stream.linear.gather [hbm4b:s6+s5], $0x3000, $0x38;
	v6 =	vmul.f32 v6, v8;
	v14 =	vxor.u32 v14, v10;
	[tilespmem:$0x6E00] =	vst v63  }
0x2aa: {  	s5 =	smul.u32 $0xC000, s9;
	v15 =	vmul.f32 v15, v12;
	v16 =	vshrl.u32 v14, $0x6;
	v17 =	vshll.u32 v14, $0x1A  }
0x2ab: {  	s6 =	ssub.s32 $0x0, s13;
	v6 =	vadd.f32 $-1.666805740e-01, v6;
	v10 =	vadd.s32 v10, v14;
	v14 =	vor.u32 v16, v17  }
0x2ac: {  	v13 =	vshra.s32 v13, $0x17;
	s6 =	sand.u32 $0xFFFFFC00, s6;
	s15 =	sshrl.u32 s5, $0x2;
	v15 =	vadd.f32 $-1.666805740e-01, v15;
	v14 =	vxor.u32 v14, v10  }
0x2ad: {  	s29 =	sshll.u32 s0, $0x7;
	s16 =	ssub.s32 $0x0, s1;
	s6 =	sadd.s32 s6, s15;
	v6 =	vmul.f32 v6, v8;
	v16 =	vshrl.u32 v14, $0x1A;
	v17 =	vshll.u32 v14, $0x6  }
0x2ae: {  	s7 =	sand.u32 $0x60, s16;
	_ =	swait.ge [sflag:s17], $0x3000;
	s1 =	sadd.s32 $0x3000, s6;
	v10 =	vadd.s32 v10, v14;
	v15 =	vmul.f32 v15, v12;
	v14 =	vor.u32 v16, v17  }
0x2af: {  	s0 =	sand.u32 $0x380, s29;
	v18 =	vmul.f32 v8, v8;
	[sflag:s17] =	ssyncset.done $0x0;
	s6 =	sor.u32 s7, s1;
	v6 =	vadd.f32 $2.000071410e-01, v6;
	v14 =	vxor.u32 v14, v10  }
0x2b0: {  	[sflag:s17] =	ssyncadd.s32 $0xFFFFD000;
	s6 =	sor.u32 s0, s6;
	v10 =	vadd.s32 $0x1BD11BF0, v10;
	v15 =	vadd.f32 $2.000071410e-01, v15;
	v14 =	vadd.s32 $0x5, v14  }
0x2b1: {  	v16 =	vld [tilespmem:s6+$0x0];
	v17 =	vsel vm10, $0x1, v2;
	v6 =	vmul.f32 v6, v8;
	v10 =	vxor.u32 v10, v14  }
0x2b2: {  	v11 =	vadd.s32 v17, v11;
	v14 =	vmul.f32 v15, v12;
	v10 =	vshrl.u32 v10, $0x9  }
0x2b3: {  	v17 =	vsel vm11, $0x1, v2;
	v6 =	vadd.f32 $-2.499999400e-01, v6;
	v10 =	vor.u32 $0x3F800000, v10  }
0x2b4: {  	v11 =	vadd.s32 $0xFFFFFF81, v11;
	v14 =	vadd.f32 $-2.499999400e-01, v14;
	v10 =	vadd.f32 $-1.000000000e+00, v10  }
0x2b5: {  	v13 =	vadd.s32 v17, v13;
	v17 =	vcvt.s32.f32 v11;
	v6 =	vmul.f32 v6, v8  }
0x2b6: {  	v15 =	vmul.f32 $1.442695020e+00, v16;
	v14 =	vmul.f32 v14, v12;
	v10 =	vadd.f32 $1.175494350e-38, v10  }
0x2b7: {  	v11 =	vadd.s32 $0xFFFFFF81, v13;
	v63 =	vmul.f32 $2.121944420e-04, v17;
	v6 =	vadd.f32 $3.333333130e-01, v6  }
0x2b8: {  	(erf) = vpow2.f32 v15;
	v13 =	vadd.f32 $3.333333130e-01, v14;
	v10 =	vmax.f32 v10, $1.175494350e-38  }
0x2b9: {  	v15 =	vcvt.s32.f32 v11;
	v6 =	vmul.f32 v6, v8;
	v14 =	vand.u32 $0x7FFFFF, v10  }
0x2ba: {  	v13 =	vmul.f32 v13, v12;
	v11 =	vor.u32 $0x3F800000, v14;
	v14 =	vmul.f32 v12, v12  }
0x2bb: {  	v6 =	vmul.f32 v6, v18;
	v19 =	vmul.f32 $5.000000000e-01, v11  }
0x2bc: {  	v20 =	vmul.f32 $2.121944420e-04, v15;
	vm13 =	vgt.f32 v11, $1.414213540e+00;
	v13 =	vmul.f32 v13, v14  }
0x2bd: {  	v18 =	vmul.f32 $5.000000000e-01, v18;
	v6 =	vsub.f32 v6, v63;
	v11 =	vsel vm13, v19, v11  }
0x2be: {  	v14 =	vmul.f32 $5.000000000e-01, v14;
	v11 =	vadd.f32 $-1.000000000e+00, v11;
	v13 =	vsub.f32 v13, v20  }
0x2bf: {  	v19 =	vld [tilespmem:s29+$0x6000];
	v6 =	vsub.f32 v6, v18  }
0x2c0: {  	s9 =	sadd.s32 $0x610, s23;
	v20 =	vmul.f32 $7.037683580e-02, v11;
	v13 =	vsub.f32 v13, v14  }
0x2c1: {  	v8 =	vadd.f32 v6, v8;
	v6 =	vor.u32 s9, v3  }
0x2c2: {  	v14 =	vadd.f32 $-1.151461010e-01, v20;
	v12 =	vadd.f32 v13, v12;
	v13 =	vmul.f32 $6.933593750e-01, v15  }
0x2c3: {  	v10 =	vshra.s32 v10, $0x17;
	v9 =	vadd.s32 v6, v9;
	v15 =	vmul.f32 $6.933593750e-01, v17;
	v17 =	vpop (erf)  }
0x2c4: {  	v12 =	vadd.f32 v12, v13;
	v13 =	vmul.f32 v14, v11;
	v14 =	vadd.f32 v17, v19  }
0x2c5: {  	v15 =	vadd.f32 v8, v15;
	v8 =	vshrl.u32 v9, $0x13;
	v17 =	vshll.u32 v9, $0xD  }
0x2c6: {  	v18 =	vsel vm13, $0x1, v2;
	v8 =	vor.u32 v8, v17;
	v12 =	vsub.f32 $0.0e+00, v12  }
0x2c7: {  	v10 =	vadd.s32 v18, v10;
	v8 =	vxor.u32 v9, v8  }
0x2c8: {  	v13 =	vadd.f32 $1.167699840e-01, v13;
	v19 =	vshrl.u32 v8, $0x11;
	v17 =	vand.u32 $0x7FFFFF, v12  }
0x2c9: {  	v20 =	vshll.u32 v8, $0xF;
	v9 =	vadd.s32 v9, v8;
	v17 =	vor.u32 $0x3F800000, v17  }
0x2ca: {  	v13 =	vmul.f32 v13, v11;
	v8 =	vor.u32 v19, v20;
	v19 =	vmul.f32 $5.000000000e-01, v17  }
0x2cb: {  	v10 =	vadd.s32 $0xFFFFFF81, v10;
	vm14 =	vgt.f32 v17, $1.414213540e+00  }
0x2cc: {  	v20 =	vxor.u32 v8, v9;
	v13 =	vadd.f32 $-1.242014100e-01, v13;
	v8 =	vsel vm14, v19, v17  }
0x2cd: {  	v18 =	vshrl.u32 v20, $0x6;
	v17 =	vshll.u32 v20, $0x1A;
	v8 =	vadd.f32 $-1.000000000e+00, v8  }
0x2ce: {  	v9 =	vadd.s32 v9, v20;
	v13 =	vmul.f32 v13, v11;
	v17 =	vor.u32 v18, v17  }
0x2cf: {  	v15 =	vsub.f32 $0.0e+00, v15;
	v17 =	vxor.u32 v17, v9;
	v18 =	vmul.f32 $7.037683580e-02, v8  }
0x2d0: {  	[tilespmem:s29+$0x6000] =	vst v14;
	v13 =	vadd.f32 $1.424932330e-01, v13;
	v14 =	vshrl.u32 v17, $0x1A;
	v19 =	vshll.u32 v17, $0x6  }
0x2d1: {  	v9 =	vadd.s32 v9, v17;
	v14 =	vor.u32 v14, v19;
	v18 =	vadd.f32 $-1.151461010e-01, v18  }
0x2d2: {  	v15 =	vadd.f32 v16, v15;
	v17 =	vld [tilespmem:s29+$0x6400];
	v13 =	vmul.f32 v13, v11;
	v14 =	vxor.u32 v14, v9  }
0x2d3: {  	v12 =	vshra.s32 v12, $0x17;
	v14 =	vadd.s32 $0x1BD11BF1, v14;
	v16 =	vmul.f32 v18, v8  }
0x2d4: {  	v13 =	vadd.f32 $-1.666805740e-01, v13;
	v18 =	vcvt.s32.f32 v10;
	v9 =	vadd.s32 v14, v9  }
0x2d5: {  	v10 =	vshrl.u32 v14, $0xF;
	v14 =	vshll.u32 v14, $0x11;
	v16 =	vadd.f32 $1.167699840e-01, v16  }
0x2d6: {  	v13 =	vmul.f32 v13, v11;
	v9 =	vadd.s32 $0x2A, v9;
	v10 =	vor.u32 v10, v14  }
0x2d7: {  	vm15 =	vgt.f32 v15, v17;
	v10 =	vxor.u32 v10, v9;
	v14 =	vmul.f32 v16, v8  }
0x2d8: {  	v13 =	vadd.f32 $2.000071410e-01, v13;
	v19 =	vshrl.u32 v10, $0x3;
	v20 =	vshll.u32 v10, $0x1D;
	v16 =	vld [tilespmem:s29+$0x6800]  }
0x2d9: {  	v10 =	vadd.s32 v9, v10;
	v19 =	vor.u32 v19, v20;
	v14 =	vadd.f32 $-1.242014100e-01, v14  }
0x2da: {  	v15 =	vsel vm15, v15, v17;
	v13 =	vmul.f32 v13, v11;
	v17 =	vxor.u32 v19, v10  }
0x2db: {  	v19 =	vshrl.u32 v17, $0x10;
	v20 =	vshll.u32 v17, $0x10;
	v14 =	vmul.f32 v14, v8  }
0x2dc: {  	v10 =	vadd.s32 v10, v17;
	v13 =	vadd.f32 $-2.499999400e-01, v13;
	v19 =	vor.u32 v19, v20  }
0x2dd: {  	s5 =	sadd.s32 $0x10, s16;
	v7 =	vsel vm15, v7, v16;
	v16 =	vxor.u32 v19, v10;
	v14 =	vadd.f32 $1.424932330e-01, v14  }
0x2de: {  	s5 =	sand.u32 $0x70, s5;
	v13 =	vmul.f32 v13, v11;
	v17 =	vshrl.u32 v16, $0x8;
	v19 =	vshll.u32 v16, $0x18  }
0x2df: {  	s1 =	sor.u32 s5, s1;
	[tilespmem:s29+$0x6400] =	vst v15;
	v15 =	vadd.s32 v10, v16;
	v10 =	vor.u32 v17, v19;
	v14 =	vmul.f32 v14, v8  }
0x2e0: {  	s0 =	sor.u32 s0, s1;
	v9 =	vmul.f32 $6.933593750e-01, v18;
	[tilespmem:s29+$0x6800] =	vst v7;
	v13 =	vadd.f32 $3.333333130e-01, v13;
	v10 =	vxor.u32 v10, v15  }
0x2e1: {  	v7 =	vsel vm14, $0x1, v2;
	v16 =	vadd.s32 $0x2, v10;
	v10 =	vld [tilespmem:s0+$0x0];
	v14 =	vadd.f32 $-1.666805740e-01, v14  }
0x2e2: {  	v17 =	vmul.f32 v11, v11;
	v13 =	vmul.f32 v13, v11;
	v15 =	vadd.s32 v16, v15  }
0x2e3: {  	v19 =	vshrl.u32 v16, $0x13;
	v16 =	vshll.u32 v16, $0xD;
	v14 =	vmul.f32 v14, v8  }
0x2e4: {  	v7 =	vadd.s32 v7, v12;
	v12 =	vadd.s32 $0x1BD11BF0, v15;
	v15 =	vor.u32 v19, v16  }
0x2e5: {  	v13 =	vmul.f32 v13, v17;
	v15 =	vxor.u32 v15, v12;
	v14 =	vadd.f32 $2.000071410e-01, v14  }
0x2e6: {  	v16 =	vshrl.u32 v15, $0x11;
	v19 =	vshll.u32 v15, $0xF;
	v20 =	vmul.f32 $1.442695020e+00, v10  }
0x2e7: {  	v12 =	vadd.s32 v12, v15;
	v15 =	vor.u32 v16, v19;
	v14 =	vmul.f32 v14, v8  }
0x2e8: {  	v16 =	vmul.f32 $2.121944420e-04, v18;
	v15 =	vxor.u32 v15, v12;
	(erf) = vpow2.f32 v20  }
0x2e9: {  	v18 =	vshrl.u32 v15, $0x6;
	v19 =	vshll.u32 v15, $0x1A;
	v14 =	vadd.f32 $-2.499999400e-01, v14  }
0x2ea: {  	v7 =	vadd.s32 $0xFFFFFF81, v7;
	v12 =	vadd.s32 v12, v15;
	v15 =	vor.u32 v18, v19  }
0x2eb: {  	s10 =	sshrl.u32 s3, $0x18;
	s13 =	smul.u32 $0x3000, s31;
	v13 =	vsub.f32 v13, v16;
	v15 =	vxor.u32 v15, v12;
	v14 =	vmul.f32 v14, v8  }
0x2ec: {  	s0 =	smul.u32 $0xC000, s10;
	v16 =	vmul.f32 $5.000000000e-01, v17;
	v17 =	vshrl.u32 v15, $0x1A;
	v18 =	vshll.u32 v15, $0x6  }
0x2ed: {  	s1 =	ssub.s32 $0x100, s13;
	v19 =	vadd.s32 v12, v15;
	v12 =	vor.u32 v17, v18;
	v14 =	vadd.f32 $3.333333130e-01, v14  }
0x2ee: {  	s16 =	ssub.s32 $0x20, s30;
	s1 =	sand.u32 $0xFFFFFC00, s1;
	v7 =	vcvt.s32.f32 v7;
	s15 =	sshrl.u32 s0, $0x2;
	v13 =	vsub.f32 v13, v16;
	v12 =	vxor.u32 v12, v19  }
0x2ef: {  	s23 =	sand.u32 $0x60, s16;
	s1 =	sadd.s32 s1, s15;
	v18 =	vadd.s32 $0x2D, v12;
	v12 =	vmul.f32 v8, v8;
	v14 =	vmul.f32 v14, v8  }
0x2f0: {  	s31 =	sadd.s32 $0x10, s16;
	s5 =	simm.s32 $0x100;
	s30 =	sadd.s32 $0x3000, s1;
	v15 =	vadd.f32 v13, v11;
	v13 =	vmul.f32 $2.121944420e-04, v7;
	v17 =	vshrl.u32 v18, $0xF  }
0x2f1: {  	s9 =	simm.s32 $0x2;
	s0 =	simm.s32 $0x40;
	s1 =	sor.u32 s23, s30;
	v16 =	vadd.s32 v19, v18;
	v18 =	vshll.u32 v18, $0x11;
	v11 =	vpop (erf);
	v14 =	vmul.f32 v14, v12  }
.LBB2_5:
0x2f2: {  	s3 =	smul.u32 $0xAAAB, s9  }
0x2f3: {  	p0 =	sne.s32 s0, $0x2FE0;
	v17 =	vor.u32 v17, v18;
	s6 =	smov.u32 s0;
	s0 =	sadd.s32 $0x20, s0  }
0x2f4: {  	s7 =	smulhi.u32 $0xAAAAAAAB, s9;
	v12 =	vmul.f32 $5.000000000e-01, v12;
	v17 =	vxor.u32 v17, v16;
	v13 =	vsub.f32 v14, v13  }
0x2f5: {  	v9 =	vadd.f32 v15, v9;
	s23 =	sshrl.u32 s3, $0x15;
	s3 =	sshrl.u32 s3, $0x18;
	v14 =	vshrl.u32 v17, $0x3;
	v15 =	vshll.u32 v17, $0x1D  }
0x2f6: {  	s7 =	sshrl.u32 s7, $0x5;
	v16 =	vadd.s32 v16, v17;
	s10 =	sadd.s32 s23, s4;
	s3 =	smul.u32 $0xC000, s3;
	v14 =	vor.u32 v14, v15;
	v12 =	vsub.f32 v13, v12  }
0x2f7: {  	v9 =	vsub.f32 $0.0e+00, v9;
	s10 =	smul.u32 $0xF4240, s10;
	v13 =	vxor.u32 v14, v16;
	v14 =	vmul.f32 $6.933593750e-01, v7  }
0x2f8: {  	s13 =	smul.u32 $0x600, s7;
	v15 =	vadd.s32 v16, v13;
	v7 =	vshrl.u32 v13, $0x10;
	v13 =	vshll.u32 v13, $0x10  }
0x2f9: {  	s7 =	smul.u32 $0x3000, s7;
	v8 =	vadd.f32 v12, v8;
	v16 =	vmov s10;
	v7 =	vor.u32 v7, v13  }
0x2fa: {  	s5 =	sadd.s32 $0x100, s5;
	s15 =	ssub.s32 s24, s13;
	s16 =	ssub.s32 s6, s13;
	v13 =	vand.u32 $0x7FFFFF, v9;
	v12 =	vor.u32 $0x2A, v16;
	v16 =	vxor.u32 v7, v15  }
0x2fb: {  	s7 =	ssub.s32 s5, s7;
	s10 =	sadd.s32 $0x10, s16;
	s13 =	sadd.s32 s15, s6;
	v14 =	vadd.f32 v8, v14;
	v7 =	vbroadcast v12, $0x0;
	v12 =	vshrl.u32 v16, $0x8;
	v17 =	vld [tilespmem:s29+$0x6010]  }
0x2fc: {  	s3 =	sshrl.u32 s3, $0x2;
	s7 =	sand.u32 $0xFFFFFC00, s7;
	s6 =	sadd.s32 $0x600, s13;
	v13 =	vor.u32 $0x3F800000, v13;
	v15 =	vadd.s32 v15, v16;
	v18 =	vld [tilespmem:s29+$0x6410]  }
0x2fd: {  	s3 =	sadd.s32 s7, s3;
	v8 =	vor.u32 s6, v3;
	v19 =	vmul.f32 $5.000000000e-01, v13;
	v14 =	vsub.f32 $0.0e+00, v14  }
0x2fe: {  	v21 =	vshra.s32 v9, $0x17;
	s6 =	sand.u32 $0x60, s16;
	s3 =	sadd.s32 $0x3000, s3;
	vm0 =	vgt.f32 v13, $1.414213540e+00;
	v20 =	vadd.s32 v8, v7  }
0x2ff: {  	s15 =	sor.u32 s6, s3;
	v9 =	vshrl.u32 v20, $0x13;
	v22 =	vshll.u32 v20, $0xD;
	v10 =	vadd.f32 v10, v14  }
0x300: {  	v13 =	vsel vm0, v19, v13;
	v9 =	vor.u32 v9, v22;
	v11 =	vadd.f32 v11, v17  }
0x301: {  	v14 =	vxor.u32 v20, v9;
	v9 =	vadd.f32 $-1.000000000e+00, v13;
	vm1 =	vgt.f32 v10, v18  }
0x302: {  	v16 =	vshll.u32 v16, $0x18;
	v13 =	vshrl.u32 v14, $0x11;
	v17 =	vshll.u32 v14, $0xF;
	[tilespmem:s29+$0x6010] =	vst v11  }
0x303: {  	v12 =	vor.u32 v12, v16;
	v11 =	vadd.s32 v20, v14;
	v13 =	vor.u32 v13, v17  }
0x304: {  	v12 =	vxor.u32 v12, v15;
	v10 =	vsel vm1, v10, v18;
	v13 =	vxor.u32 v13, v11  }
0x305: {  	v12 =	vadd.s32 $0x1BD11BF4, v12;
	v14 =	vshrl.u32 v13, $0x6;
	v16 =	vshll.u32 v13, $0x1A;
	[tilespmem:s29+$0x6410] =	vst v10;
	v10 =	vld [tilespmem:s29+$0x6810]  }
0x306: {  	v11 =	vadd.s32 v11, v13;
	v13 =	vor.u32 v14, v16;
	v14 =	vadd.s32 v12, v15  }
0x307: {  	v15 =	vshrl.u32 v12, $0x13;
	v12 =	vshll.u32 v12, $0xD;
	v13 =	vxor.u32 v13, v11  }
0x308: {  	v14 =	vadd.s32 $0x2A, v14;
	v16 =	vshrl.u32 v13, $0x1A;
	v17 =	vshll.u32 v13, $0x6  }
0x309: {  	v12 =	vor.u32 v15, v12;
	v11 =	vadd.s32 v11, v13;
	v13 =	vor.u32 v16, v17  }
0x30a: {  	v12 =	vxor.u32 v12, v14;
	v13 =	vxor.u32 v13, v11;
	v10 =	vsel vm1, v5, v10;
	v5 =	vmovc v6  }
0x30b: {  	v15 =	vshll.u32 v12, $0xF;
	v6 =	vadd.s32 $0x1BD11BF1, v13;
	v13 =	vshrl.u32 v12, $0x11;
	[tilespmem:s29+$0x6810] =	vst v10  }
0x30c: {  	v12 =	vadd.s32 v14, v12;
	v10 =	vadd.s32 v6, v11;
	v11 =	vshrl.u32 v6, $0xF  }
0x30d: {  	v6 =	vshll.u32 v6, $0x11;
	v13 =	vor.u32 v13, v15;
	v10 =	vadd.s32 $0x2A, v10  }
0x30e: {  	v6 =	vor.u32 v11, v6;
	v11 =	vmul.f32 $7.037683580e-02, v9;
	v13 =	vxor.u32 v13, v12  }
0x30f: {  	v6 =	vxor.u32 v6, v10;
	v12 =	vadd.s32 v12, v13;
	v14 =	vshrl.u32 v13, $0x6  }
0x310: {  	v10 =	vadd.s32 v10, v6;
	v15 =	vshrl.u32 v6, $0x3;
	v6 =	vshll.u32 v6, $0x1D  }
0x311: {  	v13 =	vshll.u32 v13, $0x1A;
	v11 =	vadd.f32 $-1.151461010e-01, v11;
	v6 =	vor.u32 v15, v6  }
0x312: {  	v13 =	vor.u32 v14, v13;
	v15 =	vsel vm0, $0x1, v2;
	v6 =	vxor.u32 v6, v10  }
0x313: {  	v13 =	vxor.u32 v13, v12;
	v11 =	vmul.f32 v11, v9;
	v14 =	vshrl.u32 v6, $0x10  }
0x314: {  	v16 =	vshrl.u32 v13, $0x1A;
	v10 =	vadd.s32 v10, v6;
	v6 =	vshll.u32 v6, $0x10  }
0x315: {  	v12 =	vadd.s32 v12, v13;
	v13 =	vshll.u32 v13, $0x6;
	v6 =	vor.u32 v14, v6  }
0x316: {  	v13 =	vor.u32 v16, v13;
	v11 =	vadd.f32 $1.167699840e-01, v11;
	v6 =	vxor.u32 v6, v10  }
0x317: {  	v13 =	vxor.u32 v13, v12;
	v12 =	vadd.s32 $0x1BD11BF0, v12;
	v14 =	vshrl.u32 v6, $0x8  }
0x318: {  	v13 =	vadd.s32 $0x5, v13;
	v10 =	vadd.s32 v10, v6;
	v6 =	vshll.u32 v6, $0x18  }
0x319: {  	s29 =	sshll.u32 s26, $0x7;
	s26 =	smov.u32 s23;
	v11 =	vmul.f32 v11, v9;
	v12 =	vxor.u32 v12, v13;
	v6 =	vor.u32 v14, v6  }
0x31a: {  	s23 =	sand.u32 $0x380, s29;
	v13 =	vadd.s32 v15, v21;
	v12 =	vshrl.u32 v12, $0x9;
	v6 =	vxor.u32 v6, v10  }
0x31b: {  	s6 =	sor.u32 s23, s1;
	s1 =	smov.u32 s15;
	v11 =	vadd.f32 $-1.242014100e-01, v11;
	v12 =	vor.u32 $0x3F800000, v12;
	v6 =	vadd.s32 $0x2, v6  }
0x31c: {  	v10 =	vadd.s32 v6, v10;
	v14 =	vshrl.u32 v6, $0x13;
	v15 =	vshll.u32 v6, $0xD;
	v6 =	vld [tilespmem:s6+$0x0]  }
0x31d: {  	v12 =	vadd.f32 $-1.000000000e+00, v12;
	v10 =	vadd.s32 $0x1BD11BF0, v10;
	v14 =	vor.u32 v14, v15  }
0x31e: {  	v13 =	vadd.s32 $0xFFFFFF81, v13;
	v11 =	vmul.f32 v11, v9;
	v14 =	vxor.u32 v14, v10  }
0x31f: {  	v10 =	vadd.s32 v10, v14;
	v15 =	vshrl.u32 v14, $0x11;
	v14 =	vshll.u32 v14, $0xF  }
0x320: {  	v12 =	vadd.f32 $1.175494350e-38, v12;
	v14 =	vor.u32 v15, v14;
	v15 =	vadd.f32 $1.424932330e-01, v11  }
0x321: {  	v11 =	vcvt.s32.f32 v13;
	v14 =	vxor.u32 v14, v10;
	v13 =	vmul.f32 $1.442695020e+00, v6  }
0x322: {  	v12 =	vmax.f32 v12, $1.175494350e-38;
	v16 =	vshrl.u32 v14, $0x6;
	v17 =	vshll.u32 v14, $0x1A  }
0x323: {  	v10 =	vadd.s32 v10, v14;
	v14 =	vor.u32 v16, v17;
	v16 =	vand.u32 $0x7FFFFF, v12  }
0x324: {  	v12 =	vshra.s32 v12, $0x17;
	v14 =	vxor.u32 v14, v10;
	v16 =	vor.u32 $0x3F800000, v16  }
0x325: {  	v17 =	vshrl.u32 v14, $0x1A;
	v18 =	vshll.u32 v14, $0x6;
	v19 =	vmul.f32 $5.000000000e-01, v16  }
0x326: {  	v14 =	vadd.s32 v10, v14;
	vm0 =	vgt.f32 v16, $1.414213540e+00;
	v10 =	vor.u32 v17, v18  }
0x327: {  	v17 =	vsel vm0, $0x1, v2;
	v10 =	vxor.u32 v10, v14;
	v16 =	vsel vm0, v19, v16  }
0x328: {  	v12 =	vadd.s32 v17, v12;
	v18 =	vadd.s32 $0x2D, v10;
	v10 =	vadd.f32 $-1.000000000e+00, v16  }
0x329: {  	v12 =	vadd.s32 $0xFFFFFF81, v12;
	v16 =	vshrl.u32 v18, $0xF;
	v17 =	vshll.u32 v18, $0x11  }
0x32a: {  	v14 =	vadd.s32 v14, v18;
	v16 =	vor.u32 v16, v17;
	v17 =	vmul.f32 $7.037683580e-02, v10  }
0x32b: {  	v15 =	vmul.f32 v15, v9;
	v16 =	vxor.u32 v16, v14;
	(erf) = vpow2.f32 v13  }
0x32c: {  	v18 =	vshll.u32 v16, $0x1D;
	v17 =	vadd.f32 $-1.151461010e-01, v17;
	v13 =	vshrl.u32 v16, $0x3  }
0x32d: {  	v15 =	vadd.f32 $-1.666805740e-01, v15;
	v14 =	vadd.s32 v14, v16;
	v13 =	vor.u32 v13, v18  }
0x32e: {  	v16 =	vmul.f32 v17, v10;
	v13 =	vxor.u32 v13, v14  }
0x32f: {  	v14 =	vadd.s32 v14, v13;
	v17 =	vshrl.u32 v13, $0x10;
	v13 =	vshll.u32 v13, $0x10  }
0x330: {  	v15 =	vmul.f32 v15, v9;
	v16 =	vadd.f32 $1.167699840e-01, v16;
	v13 =	vor.u32 v17, v13;
	v17 =	vld [tilespmem:s29+$0x6000]  }
0x331: {  	v13 =	vxor.u32 v13, v14  }
0x332: {  	v16 =	vmul.f32 v16, v10;
	v20 =	vshrl.u32 v13, $0x8;
	v19 =	vshll.u32 v13, $0x18  }
0x333: {  	v15 =	vadd.f32 $2.000071410e-01, v15;
	v13 =	vadd.s32 v14, v13;
	v14 =	vor.u32 v20, v19  }
0x334: {  	v16 =	vadd.f32 $-1.242014100e-01, v16;
	v14 =	vxor.u32 v14, v13;
	v18 =	vpop (erf)  }
0x335: {  	v15 =	vmul.f32 v15, v9;
	v14 =	vadd.s32 $0x1BD11BF4, v14;
	v17 =	vadd.f32 v18, v17  }
0x336: {  	v13 =	vadd.s32 v14, v13;
	v18 =	vshrl.u32 v14, $0x13;
	v14 =	vshll.u32 v14, $0xD  }
0x337: {  	v16 =	vmul.f32 v16, v10;
	v13 =	vadd.s32 $0x2A, v13;
	v14 =	vor.u32 v18, v14;
	[tilespmem:s29+$0x6000] =	vst v17  }
0x338: {  	v15 =	vadd.f32 $-2.499999400e-01, v15;
	v14 =	vxor.u32 v14, v13  }
0x339: {  	v13 =	vadd.s32 v13, v14;
	v17 =	vshrl.u32 v14, $0x11;
	v14 =	vshll.u32 v14, $0xF  }
0x33a: {  	v15 =	vmul.f32 v15, v9;
	v16 =	vadd.f32 $1.424932330e-01, v16;
	v14 =	vor.u32 v17, v14  }
0x33b: {  	v14 =	vxor.u32 v14, v13  }
0x33c: {  	v16 =	vmul.f32 v16, v10;
	v17 =	vshrl.u32 v14, $0x6;
	v18 =	vshll.u32 v14, $0x1A  }
0x33d: {  	v15 =	vadd.f32 $3.333333130e-01, v15;
	v13 =	vadd.s32 v13, v14;
	v14 =	vor.u32 v17, v18  }
0x33e: {  	v16 =	vadd.f32 $-1.666805740e-01, v16;
	v14 =	vxor.u32 v14, v13  }
0x33f: {  	v13 =	vadd.s32 v13, v14;
	v17 =	vshrl.u32 v14, $0x1A;
	v14 =	vshll.u32 v14, $0x6  }
0x340: {  	v15 =	vmul.f32 v15, v9;
	v16 =	vmul.f32 v16, v10;
	v14 =	vor.u32 v17, v14  }
0x341: {  	v17 =	vmul.f32 v9, v9;
	v14 =	vxor.u32 v14, v13  }
0x342: {  	v16 =	vadd.f32 $2.000071410e-01, v16;
	v13 =	vadd.s32 $0x1BD11BF0, v13;
	v14 =	vadd.s32 $0x5, v14  }
0x343: {  	v13 =	vxor.u32 v13, v14;
	v14 =	vmul.f32 v15, v17;
	v15 =	vmul.f32 $2.121944420e-04, v11  }
0x344: {  	v16 =	vmul.f32 v16, v10;
	v13 =	vshrl.u32 v13, $0x9  }
0x345: {  	v13 =	vor.u32 $0x3F800000, v13;
	v14 =	vsub.f32 v14, v15;
	v15 =	vmul.f32 $5.000000000e-01, v17  }
0x346: {  	v16 =	vadd.f32 $-2.499999400e-01, v16;
	v13 =	vadd.f32 $-1.000000000e+00, v13  }
0x347: {  	v14 =	vsub.f32 v14, v15  }
0x348: {  	v15 =	vmul.f32 v16, v10;
	v13 =	vadd.f32 $1.175494350e-38, v13  }
0x349: {  	v11 =	vmul.f32 $6.933593750e-01, v11;
	v9 =	vadd.f32 v14, v9  }
0x34a: {  	v14 =	vadd.f32 $3.333333130e-01, v15;
	v13 =	vmax.f32 v13, $1.175494350e-38  }
0x34b: {  	v16 =	vcvt.s32.f32 v12;
	v15 =	vand.u32 $0x7FFFFF, v13;
	v9 =	vadd.f32 v9, v11  }
0x34c: {  	v12 =	vmul.f32 v10, v10;
	v14 =	vmul.f32 v14, v10;
	v11 =	vor.u32 $0x3F800000, v15  }
0x34d: {  	v13 =	vshra.s32 v13, $0x17;
	vm0 =	vgt.f32 v11, $1.414213540e+00;
	v15 =	vmul.f32 $5.000000000e-01, v11  }
0x34e: {  	v19 =	vmul.f32 $2.121944420e-04, v16;
	v14 =	vmul.f32 v14, v12;
	v17 =	vsel vm0, $0x1, v2;
	v18 =	vld [tilespmem:s29+$0x6400]  }
0x34f: {  	v9 =	vsub.f32 $0.0e+00, v9;
	v13 =	vadd.s32 v17, v13;
	v11 =	vsel vm0, v15, v11  }
0x350: {  	v14 =	vsub.f32 v14, v19;
	v17 =	vmul.f32 $5.000000000e-01, v12;
	v11 =	vadd.f32 $-1.000000000e+00, v11;
	v15 =	vld [tilespmem:s29+$0x6800]  }
0x351: {  	v6 =	vadd.f32 v6, v9;
	v12 =	vadd.s32 $0xFFFFFF81, v13  }
0x352: {  	v12 =	vcvt.s32.f32 v12;
	v13 =	vsub.f32 v14, v17;
	v9 =	vmul.f32 $7.037683580e-02, v11  }
0x353: {  	vm0 =	vgt.f32 v6, v18  }
0x354: {  	v10 =	vadd.f32 v13, v10;
	v13 =	vmul.f32 $6.933593750e-01, v16;
	v14 =	vadd.f32 $-1.151461010e-01, v9  }
0x355: {  	s6 =	sadd.s32 $0x610, s13;
	v9 =	vmul.f32 $6.933593750e-01, v12;
	v16 =	vsel vm0, v6, v18;
	v15 =	vsel vm0, v4, v15;
	v4 =	vmovc v8  }
0x356: {  	v6 =	vor.u32 s6, v3;
	v8 =	vadd.f32 v10, v13;
	[tilespmem:s29+$0x6400] =	vst v16  }
0x357: {  	v10 =	vmul.f32 v14, v11;
	v7 =	vadd.s32 v6, v7  }
0x358: {  	v13 =	vshrl.u32 v7, $0x13;
	v14 =	vshll.u32 v7, $0xD;
	v8 =	vsub.f32 $0.0e+00, v8  }
0x359: {  	v10 =	vadd.f32 $1.167699840e-01, v10;
	v13 =	vor.u32 v13, v14  }
0x35a: {  	v13 =	vxor.u32 v7, v13;
	v14 =	vand.u32 $0x7FFFFF, v8  }
0x35b: {  	v10 =	vmul.f32 v10, v11;
	v16 =	vshrl.u32 v13, $0x11;
	v14 =	vor.u32 $0x3F800000, v14  }
0x35c: {  	v7 =	vadd.s32 v7, v13;
	v13 =	vshll.u32 v13, $0xF  }
0x35d: {  	v13 =	vor.u32 v16, v13;
	v16 =	vshra.s32 v8, $0x17;
	v8 =	vmul.f32 $5.000000000e-01, v14  }
0x35e: {  	v10 =	vadd.f32 $-1.242014100e-01, v10;
	v13 =	vxor.u32 v13, v7;
	vm0 =	vgt.f32 v14, $1.414213540e+00  }
0x35f: {  	v17 =	vshrl.u32 v13, $0x6;
	v18 =	vshll.u32 v13, $0x1A;
	v8 =	vsel vm0, v8, v14  }
0x360: {  	v7 =	vadd.s32 v7, v13;
	v10 =	vmul.f32 v10, v11;
	v13 =	vor.u32 v17, v18  }
0x361: {  	v14 =	vsel vm0, $0x1, v2;
	v13 =	vxor.u32 v13, v7;
	v8 =	vadd.f32 $-1.000000000e+00, v8  }
0x362: {  	v10 =	vadd.f32 $1.424932330e-01, v10;
	v17 =	vshrl.u32 v13, $0x1A;
	v18 =	vshll.u32 v13, $0x6  }
0x363: {  	v7 =	vadd.s32 v7, v13;
	v13 =	vor.u32 v17, v18;
	v17 =	vmul.f32 $7.037683580e-02, v8  }
0x364: {  	v14 =	vadd.s32 v14, v16;
	v10 =	vmul.f32 v10, v11;
	v13 =	vxor.u32 v13, v7  }
0x365: {  	v14 =	vadd.s32 $0xFFFFFF81, v14;
	v13 =	vadd.s32 $0x1BD11BF1, v13;
	v16 =	vadd.f32 $-1.151461010e-01, v17  }
0x366: {  	v10 =	vadd.f32 $-1.666805740e-01, v10;
	v7 =	vadd.s32 v13, v7;
	v17 =	vshrl.u32 v13, $0xF  }
0x367: {  	v18 =	vadd.s32 $0x2A, v7;
	v7 =	vshll.u32 v13, $0x11;
	v13 =	vmul.f32 v16, v8  }
0x368: {  	v10 =	vmul.f32 v10, v11;
	v16 =	vor.u32 v17, v7;
	v7 =	vcvt.s32.f32 v14  }
0x369: {  	v14 =	vxor.u32 v16, v18;
	v13 =	vadd.f32 $1.167699840e-01, v13  }
0x36a: {  	v10 =	vadd.f32 $2.000071410e-01, v10;
	v16 =	vshrl.u32 v14, $0x3;
	v17 =	vshll.u32 v14, $0x1D  }
0x36b: {  	v14 =	vadd.s32 v18, v14;
	v16 =	vor.u32 v16, v17;
	v13 =	vmul.f32 v13, v8  }
0x36c: {  	v10 =	vmul.f32 v10, v11;
	v16 =	vxor.u32 v16, v14  }
0x36d: {  	v17 =	vshrl.u32 v16, $0x10;
	v18 =	vshll.u32 v16, $0x10;
	v13 =	vadd.f32 $-1.242014100e-01, v13  }
0x36e: {  	v10 =	vadd.f32 $-2.499999400e-01, v10;
	v17 =	vor.u32 v17, v18  }
0x36f: {  	v14 =	vadd.s32 v14, v16;
	v13 =	vmul.f32 v13, v8  }
0x370: {  	v16 =	vxor.u32 v17, v14;
	v10 =	vmul.f32 v10, v11  }
0x371: {  	v13 =	vadd.f32 $1.424932330e-01, v13  }
0x372: {  	s6 =	sand.u32 $0x70, s31;
	s31 =	smov.u32 s10;
	v14 =	vadd.s32 v14, v16;
	v17 =	vshrl.u32 v16, $0x8;
	v16 =	vshll.u32 v16, $0x18  }
0x373: {  	s6 =	sor.u32 s6, s30;
	s30 =	smov.u32 s3;
	v16 =	vor.u32 v17, v16;
	v10 =	vadd.f32 $3.333333130e-01, v10;
	v13 =	vmul.f32 v13, v8  }
0x374: {  	s3 =	sor.u32 s23, s6;
	v17 =	vmul.f32 v11, v11;
	v16 =	vxor.u32 v16, v14;
	[tilespmem:s29+$0x6800] =	vst v15  }
0x375: {  	v16 =	vadd.s32 $0x2, v16;
	v13 =	vadd.f32 $-1.666805740e-01, v13;
	v15 =	vmul.f32 v10, v11;
	v10 =	vld [tilespmem:s3+$0x0]  }
0x376: {  	v14 =	vadd.s32 v16, v14;
	v18 =	vshrl.u32 v16, $0x13;
	v16 =	vshll.u32 v16, $0xD  }
0x377: {  	v13 =	vmul.f32 v13, v8;
	v15 =	vmul.f32 v15, v17  }
0x378: {  	v14 =	vadd.s32 $0x1BD11BF0, v14;
	v16 =	vor.u32 v18, v16  }
0x379: {  	v16 =	vxor.u32 v16, v14;
	v13 =	vadd.f32 $2.000071410e-01, v13  }
0x37a: {  	v18 =	vshrl.u32 v16, $0x11;
	v19 =	vshll.u32 v16, $0xF;
	v20 =	vmul.f32 $1.442695020e+00, v10  }
0x37b: {  	v14 =	vadd.s32 v14, v16;
	v16 =	vor.u32 v18, v19;
	v13 =	vmul.f32 v13, v8  }
0x37c: {  	v12 =	vmul.f32 $2.121944420e-04, v12;
	v16 =	vxor.u32 v16, v14;
	(erf) = vpow2.f32 v20  }
0x37d: {  	v18 =	vshrl.u32 v16, $0x6;
	v19 =	vshll.u32 v16, $0x1A;
	v13 =	vadd.f32 $-2.499999400e-01, v13  }
0x37e: {  	v14 =	vadd.s32 v14, v16;
	v12 =	vsub.f32 v15, v12;
	v15 =	vor.u32 v18, v19  }
0x37f: {  	v15 =	vxor.u32 v15, v14;
	v13 =	vmul.f32 v13, v8  }
0x380: {  	v16 =	vmul.f32 $5.000000000e-01, v17;
	v17 =	vshrl.u32 v15, $0x1A;
	v18 =	vshll.u32 v15, $0x6  }
.Ltmp1:
0x381: {  	v14 =	vadd.s32 v14, v15;
	v15 =	vor.u32 v17, v18;
	v13 =	vadd.f32 $3.333333130e-01, v13;
	(pc) =	sbr.rel @p0 .LBB2_5-.Ltmp1, $4  }
0x382: {  	v16 =	vsub.f32 v12, v16;
	v12 =	vxor.u32 v15, v14  }
0x383: {  	v18 =	vadd.s32 $0x2D, v12;
	v12 =	vmul.f32 v8, v8;
	v19 =	vmul.f32 v13, v8  }
0x384: {  	v15 =	vadd.f32 v16, v11;
	v17 =	vshrl.u32 v18, $0xF;
	v13 =	vmul.f32 $2.121944420e-04, v7  }
0x385: {  	s9 =	sadd.s32 $0x1, s9;
	v16 =	vadd.s32 v14, v18;
	v18 =	vshll.u32 v18, $0x11;
	v14 =	vmul.f32 v19, v12;
	v11 =	vpop (erf)  }
0x386: {  	v17 =	vor.u32 v17, v18  }
0x387: {  	v17 =	vxor.u32 v17, v16  }
0x388: {  	v50 =	vshrl.u32 v17, $0x3;
	v19 =	vshll.u32 v17, $0x1D  }
0x389: {  	v16 =	vadd.s32 v16, v17;
	v51 =	vor.u32 v50, v19  }
0x38a: {  	v17 =	vxor.u32 v51, v16  }
0x38b: {  	v52 =	vshrl.u32 v17, $0x10;
	v53 =	vshll.u32 v17, $0x10  }
0x38c: {  	v16 =	vadd.s32 v16, v17;
	v54 =	vor.u32 v52, v53  }
0x38d: {  	v17 =	vxor.u32 v54, v16  }
0x38e: {  	v55 =	vshrl.u32 v17, $0x8;
	v56 =	vshll.u32 v17, $0x18  }
0x38f: {  	v16 =	vadd.s32 v16, v17;
	v57 =	vor.u32 v55, v56  }
0x390: {  	v17 =	vxor.u32 v57, v16  }
0x391: {  	v17 =	vadd.s32 $0x1BD11BF4, v17  }
0x392: {  	v16 =	vadd.s32 v17, v16;
	v58 =	vshrl.u32 v17, $0x13;
	v17 =	vshll.u32 v17, $0xD  }
0x393: {  	v16 =	vadd.s32 $0x2A, v16;
	v17 =	vor.u32 v58, v17  }
0x394: {  	v17 =	vxor.u32 v17, v16  }
0x395: {  	v59 =	vshrl.u32 v17, $0x11;
	v60 =	vshll.u32 v17, $0xF  }
0x396: {  	v16 =	vadd.s32 v16, v17;
	v61 =	vor.u32 v59, v60  }
0x397: {  	v17 =	vxor.u32 v61, v16  }
0x398: {  	v62 =	vshrl.u32 v17, $0x6;
	v63 =	vshll.u32 v17, $0x1A  }
0x399: {  	v16 =	vadd.s32 v16, v17;
	v21 =	vor.u32 v62, v63  }
0x39a: {  	v17 =	vxor.u32 v21, v16  }
0x39b: {  	v22 =	vshrl.u32 v17, $0x1A;
	v23 =	vshll.u32 v17, $0x6  }
0x39c: {  	v16 =	vadd.s32 v16, v17;
	v24 =	vor.u32 v22, v23  }
0x39d: {  	v17 =	vxor.u32 v24, v16  }
0x39e: {  	v16 =	vadd.s32 $0x1BD11BF0, v16;
	v17 =	vadd.s32 $0x5, v17  }
0x39f: {  	v16 =	vxor.u32 v16, v17  }
0x3a0: {  	v16 =	vshrl.u32 v16, $0x9  }
0x3a1: {  	v16 =	vor.u32 $0x3F800000, v16  }
0x3a2: {  	v16 =	vadd.f32 $-1.000000000e+00, v16;
	_ =	sdelay $0x1  }
0x3a3: {  	v16 =	vadd.f32 $1.175494350e-38, v16;
	_ =	sdelay $0x1  }
0x3a4: {  	v16 =	vmax.f32 v16, $1.175494350e-38  }
0x3a5: {  	v25 =	vand.u32 $0x7FFFFF, v16  }
0x3a6: {  	v17 =	vor.u32 $0x3F800000, v25  }
0x3a7: {  	v26 =	vmul.f32 $5.000000000e-01, v17  }
0x3a8: {  	vm1 =	vgt.f32 v17, $1.414213540e+00  }
0x3a9: {  	v17 =	vsel vm1, v26, v17  }
0x3aa: {  	v17 =	vadd.f32 $-1.000000000e+00, v17;
	_ =	sdelay $0x1  }
0x3ab: {  	v27 =	vmul.f32 $7.037683580e-02, v17;
	_ =	sdelay $0x1  }
0x3ac: {  	v18 =	vadd.f32 $-1.151461010e-01, v27;
	_ =	sdelay $0x1  }
0x3ad: {  	v18 =	vmul.f32 v18, v17;
	_ =	sdelay $0x1  }
0x3ae: {  	v18 =	vadd.f32 $1.167699840e-01, v18;
	_ =	sdelay $0x1  }
0x3af: {  	v18 =	vmul.f32 v18, v17;
	_ =	sdelay $0x1  }
0x3b0: {  	v18 =	vadd.f32 $-1.242014100e-01, v18;
	_ =	sdelay $0x1  }
0x3b1: {  	v18 =	vmul.f32 v18, v17;
	_ =	sdelay $0x1  }
0x3b2: {  	v18 =	vadd.f32 $1.424932330e-01, v18;
	_ =	sdelay $0x1  }
0x3b3: {  	v18 =	vmul.f32 v18, v17;
	_ =	sdelay $0x1  }
0x3b4: {  	v28 =	vadd.f32 $-1.666805740e-01, v18;
	_ =	sdelay $0x1  }
0x3b5: {  	v9 =	vadd.f32 v15, v9;
	v15 =	vmul.f32 v28, v17;
	_ =	sdelay $0x1  }
0x3b6: {  	v9 =	vsub.f32 $0.0e+00, v9;
	v15 =	vadd.f32 $2.000071410e-01, v15;
	_ =	sdelay $0x1  }
0x3b7: {  	v29 =	vand.u32 $0x7FFFFF, v9;
	v15 =	vmul.f32 v15, v17  }
0x3b8: {  	v18 =	vor.u32 $0x3F800000, v29  }
0x3b9: {  	v30 =	vmul.f32 $5.000000000e-01, v18;
	v15 =	vadd.f32 $-2.499999400e-01, v15  }
0x3ba: {  	v16 =	vshra.s32 v16, $0x17;
	vm0 =	vgt.f32 v18, $1.414213540e+00  }
0x3bb: {  	v31 =	vsel vm1, $0x1, v2;
	v18 =	vsel vm0, v30, v18;
	v15 =	vmul.f32 v15, v17  }
0x3bc: {  	v16 =	vadd.s32 v31, v16;
	v18 =	vadd.f32 $-1.000000000e+00, v18  }
0x3bd: {  	v16 =	vadd.s32 $0xFFFFFF81, v16;
	v15 =	vadd.f32 $3.333333130e-01, v15  }
0x3be: {  	v16 =	vcvt.s32.f32 v16;
	v20 =	vmul.f32 $7.037683580e-02, v18  }
0x3bf: {  	v33 =	vmul.f32 v17, v17;
	v15 =	vmul.f32 v15, v17  }
0x3c0: {  	v32 =	vadd.f32 $-1.151461010e-01, v20  }
0x3c1: {  	v21 =	vmul.f32 $2.121944420e-04, v16;
	v15 =	vmul.f32 v15, v33  }
0x3c2: {  	v19 =	vmul.f32 v32, v18  }
0x3c3: {  	v20 =	vmul.f32 $5.000000000e-01, v33;
	v15 =	vsub.f32 v15, v21  }
0x3c4: {  	v19 =	vadd.f32 $1.167699840e-01, v19  }
0x3c5: {  	v15 =	vsub.f32 v15, v20  }
0x3c6: {  	v19 =	vmul.f32 v19, v18  }
0x3c7: {  	v16 =	vmul.f32 $6.933593750e-01, v16;
	v34 =	vadd.f32 v15, v17  }
0x3c8: {  	v12 =	vmul.f32 $5.000000000e-01, v12;
	v13 =	vsub.f32 v14, v13;
	v35 =	vadd.f32 $-1.242014100e-01, v19  }
0x3c9: {  	v14 =	vadd.f32 v34, v16  }
0x3ca: {  	v12 =	vsub.f32 v13, v12;
	v36 =	vmul.f32 v35, v18  }
0x3cb: {  	v38 =	vsub.f32 $0.0e+00, v14  }
0x3cc: {  	v7 =	vmul.f32 $6.933593750e-01, v7;
	v39 =	vld [tilespmem:s29+$0x6010];
	v8 =	vadd.f32 v12, v8;
	v37 =	vadd.f32 $1.424932330e-01, v36  }
0x3cd: {  	v41 =	vand.u32 $0x7FFFFF, v38  }
0x3ce: {  	v7 =	vadd.f32 v8, v7;
	v12 =	vmul.f32 v37, v18;
	v15 =	vor.u32 $0x3F800000, v41  }
0x3cf: {  	v40 =	vld [tilespmem:s29+$0x6410];
	v42 =	vmul.f32 $5.000000000e-01, v15  }
0x3d0: {  	v7 =	vsub.f32 $0.0e+00, v7;
	v12 =	vadd.f32 $-1.666805740e-01, v12;
	vm13 =	vgt.f32 v15, $1.414213540e+00  }
0x3d1: {  	v8 =	vadd.f32 v11, v39;
	v44 =	vsel vm13, v42, v15  }
0x3d2: {  	v7 =	vadd.f32 v10, v7;
	v43 =	vmul.f32 v12, v18;
	v11 =	vadd.f32 $-1.000000000e+00, v44  }
0x3d3: {  	v47 =	vld [tilespmem:s29+$0x6810]  }
0x3d4: {  	vm2 =	vgt.f32 v7, v40;
	v45 =	vadd.f32 $2.000071410e-01, v43;
	v46 =	vmul.f32 $7.037683580e-02, v11  }
0x3d5: {  	[tilespmem:s29+$0x6010] =	vst v8;
	v7 =	vsel vm2, v7, v40  }
0x3d6: {  	[tilespmem:s29+$0x6410] =	vst v7;
	v8 =	vmul.f32 v45, v18;
	v7 =	vadd.f32 $-1.151461010e-01, v46;
	_ =	sdelay $0x1  }
0x3d7: {  	v5 =	vsel vm2, v5, v47;
	v8 =	vadd.f32 $-2.499999400e-01, v8;
	v7 =	vmul.f32 v7, v11  }
0x3d8: {  	s0 =	sshll.u32 s26, $0x7;
	[tilespmem:s29+$0x6810] =	vst v5;
	v5 =	vshra.s32 v9, $0x17  }
0x3d9: {  	s3 =	sand.u32 $0x380, s0;
	v48 =	vsel vm0, $0x1, v2;
	v8 =	vmul.f32 v8, v18;
	v7 =	vadd.f32 $1.167699840e-01, v7  }
0x3da: {  	s1 =	sor.u32 s3, s1;
	v5 =	vadd.s32 v48, v5  }
0x3db: {  	v49 =	vld [tilespmem:s1+$0x0];
	v5 =	vadd.s32 $0xFFFFFF81, v5;
	v8 =	vadd.f32 $3.333333130e-01, v8;
	v7 =	vmul.f32 v7, v11  }
0x3dc: {  	v5 =	vcvt.s32.f32 v5  }
0x3dd: {  	v50 =	vmul.f32 v18, v18;
	v8 =	vmul.f32 v8, v18;
	v7 =	vadd.f32 $-1.242014100e-01, v7  }
0x3de: {  	v51 =	vmul.f32 $2.121944420e-04, v5  }
0x3df: {  	v8 =	vmul.f32 v8, v50;
	v7 =	vmul.f32 v7, v11  }
0x3e0: {  	v52 =	vmul.f32 $1.442695020e+00, v49  }
0x3e1: {  	v10 =	vmul.f32 $5.000000000e-01, v50;
	v8 =	vsub.f32 v8, v51;
	v7 =	vadd.f32 $1.424932330e-01, v7  }
0x3e2: {  	(erf) = vpow2.f32 v52  }
0x3e3: {  	v8 =	vsub.f32 v8, v10;
	v7 =	vmul.f32 v7, v11;
	_ =	sdelay $0x1  }
0x3e4: {  	v5 =	vmul.f32 $6.933593750e-01, v5;
	v8 =	vadd.f32 v8, v18;
	v7 =	vadd.f32 $-1.666805740e-01, v7;
	_ =	sdelay $0x1  }
0x3e5: {  	v53 =	vld [tilespmem:s0+$0x6000];
	v5 =	vadd.f32 v8, v5;
	v7 =	vmul.f32 v7, v11  }
0x3e6: {  	v54 =	vld [tilespmem:s0+$0x6400]  }
0x3e7: {  	v5 =	vsub.f32 $0.0e+00, v5;
	v7 =	vadd.f32 $2.000071410e-01, v7  }
0x3e8: {  	v55 =	vld [tilespmem:s0+$0x6800]  }
0x3e9: {  	v14 =	vpop (erf);
	v5 =	vadd.f32 v49, v5;
	v7 =	vmul.f32 v7, v11  }
0x3ea: {  	v56 =	vadd.f32 v14, v53  }
0x3eb: {  	vm14 =	vgt.f32 v5, v54;
	v7 =	vadd.f32 $-2.499999400e-01, v7  }
0x3ec: {  	s26 =	sand.u32 $0x70, s31;
	[tilespmem:s0+$0x6000] =	vst v56;
	v57 =	vsel vm13, $0x1, v2;
	v5 =	vsel vm14, v5, v54  }
0x3ed: {  	s1 =	sor.u32 s26, s30;
	v4 =	vsel vm14, v4, v55;
	[tilespmem:s0+$0x6400] =	vst v5;
	v5 =	vshra.s32 v38, $0x17;
	v7 =	vmul.f32 v7, v11  }
0x3ee: {  	s1 =	sor.u32 s3, s1;
	[tilespmem:s0+$0x6800] =	vst v4;
	v5 =	vadd.s32 v57, v5  }
0x3ef: {  	v4 =	vadd.s32 $0xFFFFFF81, v5;
	v5 =	vld [tilespmem:s1+$0x0];
	v7 =	vadd.f32 $3.333333130e-01, v7  }
0x3f0: {  	v58 =	vmul.f32 v11, v11  }
0x3f1: {  	v4 =	vcvt.s32.f32 v4;
	v7 =	vmul.f32 v7, v11;
	_ =	sdelay $0x1  }
0x3f2: {  	v59 =	vmul.f32 $2.121944420e-04, v4;
	v7 =	vmul.f32 v7, v58  }
0x3f3: {  	v60 =	vmul.f32 $1.442695020e+00, v5  }
0x3f4: {  	v8 =	vmul.f32 $5.000000000e-01, v58;
	v7 =	vsub.f32 v7, v59  }
0x3f5: {  	(erf) = vpow2.f32 v60  }
0x3f6: {  	v7 =	vsub.f32 v7, v8;
	_ =	sdelay $0x1  }
0x3f7: {  	v4 =	vmul.f32 $6.933593750e-01, v4;
	v7 =	vadd.f32 v7, v11;
	_ =	sdelay $0x1  }
0x3f8: {  	v61 =	vld [tilespmem:s0+$0x6010];
	v4 =	vadd.f32 v7, v4  }
0x3f9: {  	v62 =	vld [tilespmem:s0+$0x6410]  }
0x3fa: {  	v4 =	vsub.f32 $0.0e+00, v4  }
0x3fb: {  	v63 =	vld [tilespmem:s0+$0x6810]  }
0x3fc: {  	s25 =	sadd.s32 $0x1, s25;
	v10 =	vpop (erf);
	v4 =	vadd.f32 v5, v4  }
0x3fd: {  	p0 =	sne.s32 s25, $0x6;
	v5 =	vadd.f32 v10, v61  }
.Ltmp2:
0x3fe: {  	s29 =	smin.u32 s28, $0x8;
	vm15 =	vgt.f32 v4, v62;
	(pc) =	sbr.rel @p0 .LBB2_2-.Ltmp2, $4  }
0x3ff: {  	s1 =	smul.u32 $0x600, s29;
	[tilespmem:s0+$0x6010] =	vst v5;
	v4 =	vsel vm15, v4, v62  }
0x400: {  	s30 =	rddreg [dreg:$0x6];
	[tilespmem:s0+$0x6410] =	vst v4;
	v4 =	vsel vm15, v6, v63  }
0x401: {  	s31 =	simm.s32 $0x3000;
	s24 =	sadd.s32 $0xC00, s24;
	[tilespmem:s0+$0x6810] =	vst v4;
	s0 =	sadd.s32 s1, s30  }
0x402: {  	[tilespmem:s31], [sflag:$0x2] =	stream.linear.gather [hbm4b:s0+s2], $0x3000, $0x38;
	[tilespmem:$0x6E00] =	vst v63  }
0x403: {  	s0 =	simm.s32 $0x1  }
0x404: {  	_ =	swait.ge [sflag:s0], $0x3000  }
0x405: {  	[sflag:s0] =	ssyncset.done $0x0  }
0x406: {  	[sflag:s0] =	ssyncadd.s32 $0xFFFFD000  }
0x407: {  	_ =	swait.ge [sflag:s17], $0x3000  }
0x408: {  	[sflag:s17] =	ssyncset.done $0x0  }
0x409: {  	s28 =	simm.s32 $0x6810;
	[sflag:s17] =	ssyncadd.s32 $0xFFFFD000  }
0x40a: {  	s1 =	simm.s32 $0x6410;
	v6 =	vld [tilespmem:s28+$0x0]  }
0x40b: {  	v4 =	vld [tilespmem:s1+$0x0]  }
0x40c: {  	v5 =	vld [tilespmem:s1+$0xFFFFFFF0]  }
0x40d: {  	v7 =	vld [tilespmem:s28+$0xFFFFFFF0]  }
0x40e: {  	s6 =	rddreg [dreg:$0x9]  }
0x40f: {  	v8 =	vmov s6  }
0x410: {  	v8 =	vadd.s32 $0x2A, v8  }
0x411: {  	v8 =	vbroadcast v8, $0x0;
	vm0 =	vgt.f32 v4, v5  }
0x412: {  	v6 =	vsel vm0, v6, v7  }
0x413: {  	v7 =	vadd.s32 v6, v8  }
0x414: {  	v8 =	vshrl.u32 v7, $0x13;
	v9 =	vshll.u32 v7, $0xD  }
0x415: {  	v8 =	vor.u32 v8, v9  }
0x416: {  	v8 =	vxor.u32 v7, v8  }
0x417: {  	v52 =	vshrl.u32 v8, $0x11;
	v10 =	vshll.u32 v8, $0xF  }
0x418: {  	v7 =	vadd.s32 v7, v8;
	v53 =	vor.u32 v52, v10  }
0x419: {  	v8 =	vxor.u32 v53, v7  }
0x41a: {  	v54 =	vshrl.u32 v8, $0x6;
	v55 =	vshll.u32 v8, $0x1A  }
0x41b: {  	v7 =	vadd.s32 v7, v8;
	v56 =	vor.u32 v54, v55  }
0x41c: {  	v8 =	vxor.u32 v56, v7  }
0x41d: {  	v57 =	vshrl.u32 v8, $0x1A;
	v58 =	vshll.u32 v8, $0x6  }
0x41e: {  	v7 =	vadd.s32 v7, v8;
	v59 =	vor.u32 v57, v58  }
0x41f: {  	v8 =	vxor.u32 v59, v7  }
0x420: {  	v8 =	vadd.s32 $0x1BD11BF1, v8  }
0x421: {  	v7 =	vadd.s32 v8, v7;
	v60 =	vshrl.u32 v8, $0xF;
	v8 =	vshll.u32 v8, $0x11  }
0x422: {  	v7 =	vadd.s32 $0x2A, v7;
	v8 =	vor.u32 v60, v8  }
0x423: {  	v8 =	vxor.u32 v8, v7  }
0x424: {  	v61 =	vshrl.u32 v8, $0x3;
	v62 =	vshll.u32 v8, $0x1D  }
0x425: {  	v7 =	vadd.s32 v7, v8;
	v63 =	vor.u32 v61, v62  }
0x426: {  	v8 =	vxor.u32 v63, v7  }
0x427: {  	v12 =	vshrl.u32 v8, $0x10;
	v13 =	vshll.u32 v8, $0x10  }
0x428: {  	v7 =	vadd.s32 v7, v8;
	v14 =	vor.u32 v12, v13  }
0x429: {  	v8 =	vxor.u32 v14, v7  }
0x42a: {  	v15 =	vshrl.u32 v8, $0x8;
	v16 =	vshll.u32 v8, $0x18  }
0x42b: {  	v7 =	vadd.s32 v7, v8;
	v17 =	vor.u32 v15, v16  }
0x42c: {  	v8 =	vxor.u32 v17, v7  }
0x42d: {  	v8 =	vadd.s32 $0x2, v8  }
0x42e: {  	v7 =	vadd.s32 v8, v7;
	v18 =	vshrl.u32 v8, $0x13;
	v8 =	vshll.u32 v8, $0xD  }
0x42f: {  	v7 =	vadd.s32 $0x1BD11BF0, v7;
	v8 =	vor.u32 v18, v8  }
0x430: {  	v8 =	vxor.u32 v8, v7  }
0x431: {  	v19 =	vshrl.u32 v8, $0x11;
	v20 =	vshll.u32 v8, $0xF  }
0x432: {  	v7 =	vadd.s32 v7, v8;
	v21 =	vor.u32 v19, v20  }
0x433: {  	v8 =	vxor.u32 v21, v7  }
0x434: {  	v22 =	vshrl.u32 v8, $0x6;
	v23 =	vshll.u32 v8, $0x1A  }
0x435: {  	v7 =	vadd.s32 v7, v8;
	v24 =	vor.u32 v22, v23  }
0x436: {  	v8 =	vxor.u32 v24, v7  }
0x437: {  	v25 =	vshrl.u32 v8, $0x1A;
	v26 =	vshll.u32 v8, $0x6  }
0x438: {  	v7 =	vadd.s32 v7, v8;
	v27 =	vor.u32 v25, v26  }
0x439: {  	v8 =	vxor.u32 v27, v7  }
0x43a: {  	v8 =	vadd.s32 $0x2D, v8  }
0x43b: {  	v28 =	vshrl.u32 v8, $0xF;
	v29 =	vshll.u32 v8, $0x11  }
0x43c: {  	v7 =	vadd.s32 v7, v8;
	v30 =	vor.u32 v28, v29  }
0x43d: {  	v8 =	vxor.u32 v30, v7  }
0x43e: {  	v31 =	vshrl.u32 v8, $0x3;
	v32 =	vshll.u32 v8, $0x1D  }
0x43f: {  	v7 =	vadd.s32 v7, v8;
	v33 =	vor.u32 v31, v32  }
0x440: {  	v8 =	vxor.u32 v33, v7  }
0x441: {  	v34 =	vshrl.u32 v8, $0x10;
	v35 =	vshll.u32 v8, $0x10  }
0x442: {  	v7 =	vadd.s32 v7, v8;
	v36 =	vor.u32 v34, v35  }
0x443: {  	v8 =	vxor.u32 v36, v7  }
0x444: {  	v37 =	vshrl.u32 v8, $0x8;
	v38 =	vshll.u32 v8, $0x18  }
0x445: {  	v7 =	vadd.s32 v7, v8;
	v39 =	vor.u32 v37, v38  }
0x446: {  	v8 =	vxor.u32 v39, v7  }
0x447: {  	v8 =	vadd.s32 $0x1BD11BF4, v8  }
0x448: {  	v7 =	vadd.s32 v8, v7;
	v40 =	vshrl.u32 v8, $0x13;
	v8 =	vshll.u32 v8, $0xD  }
0x449: {  	v7 =	vadd.s32 $0x2A, v7;
	v8 =	vor.u32 v40, v8  }
0x44a: {  	v8 =	vxor.u32 v8, v7  }
0x44b: {  	v41 =	vshrl.u32 v8, $0x11;
	v42 =	vshll.u32 v8, $0xF  }
0x44c: {  	v7 =	vadd.s32 v7, v8;
	v43 =	vor.u32 v41, v42  }
0x44d: {  	v8 =	vxor.u32 v43, v7  }
0x44e: {  	v44 =	vshrl.u32 v8, $0x6;
	v45 =	vshll.u32 v8, $0x1A  }
0x44f: {  	v7 =	vadd.s32 v7, v8;
	v46 =	vor.u32 v44, v45  }
0x450: {  	v8 =	vxor.u32 v46, v7  }
0x451: {  	v47 =	vshrl.u32 v8, $0x1A;
	v48 =	vshll.u32 v8, $0x6  }
0x452: {  	v7 =	vadd.s32 v7, v8;
	v49 =	vor.u32 v47, v48  }
0x453: {  	v8 =	vxor.u32 v49, v7  }
0x454: {  	v7 =	vadd.s32 $0x1BD11BF0, v7;
	v8 =	vadd.s32 $0x5, v8  }
0x455: {  	v7 =	vxor.u32 v7, v8  }
0x456: {  	v7 =	vshrl.u32 v7, $0x9  }
0x457: {  	v7 =	vor.u32 $0x3F800000, v7  }
0x458: {  	v7 =	vadd.f32 $-1.000000000e+00, v7;
	_ =	sdelay $0x1  }
0x459: {  	v7 =	vadd.f32 $1.175494350e-38, v7;
	_ =	sdelay $0x1  }
0x45a: {  	v7 =	vmax.f32 v7, $1.175494350e-38  }
0x45b: {  	v50 =	vand.u32 $0x7FFFFF, v7  }
0x45c: {  	v8 =	vor.u32 $0x3F800000, v50  }
0x45d: {  	v51 =	vmul.f32 $5.000000000e-01, v8  }
0x45e: {  	vm1 =	vgt.f32 v8, $1.414213540e+00  }
0x45f: {  	v8 =	vsel vm1, v51, v8  }
0x460: {  	v8 =	vadd.f32 $-1.000000000e+00, v8;
	_ =	sdelay $0x1  }
0x461: {  	v52 =	vmul.f32 $7.037683580e-02, v8;
	_ =	sdelay $0x1  }
0x462: {  	v9 =	vadd.f32 $-1.151461010e-01, v52;
	_ =	sdelay $0x1  }
0x463: {  	v9 =	vmul.f32 v9, v8;
	_ =	sdelay $0x1  }
0x464: {  	v9 =	vadd.f32 $1.167699840e-01, v9;
	_ =	sdelay $0x1  }
0x465: {  	v9 =	vmul.f32 v9, v8;
	_ =	sdelay $0x1  }
0x466: {  	v9 =	vadd.f32 $-1.242014100e-01, v9;
	_ =	sdelay $0x1  }
0x467: {  	v9 =	vmul.f32 v9, v8;
	_ =	sdelay $0x1  }
0x468: {  	v9 =	vadd.f32 $1.424932330e-01, v9;
	_ =	sdelay $0x1  }
0x469: {  	v9 =	vmul.f32 v9, v8;
	_ =	sdelay $0x1  }
0x46a: {  	v9 =	vadd.f32 $-1.666805740e-01, v9;
	_ =	sdelay $0x1  }
0x46b: {  	v9 =	vmul.f32 v9, v8;
	_ =	sdelay $0x1  }
0x46c: {  	v9 =	vadd.f32 $2.000071410e-01, v9;
	_ =	sdelay $0x1  }
0x46d: {  	v9 =	vmul.f32 v9, v8;
	_ =	sdelay $0x1  }
0x46e: {  	v9 =	vadd.f32 $-2.499999400e-01, v9;
	_ =	sdelay $0x1  }
0x46f: {  	v7 =	vshra.s32 v7, $0x17;
	v53 =	vsel vm1, $0x1, v2;
	v9 =	vmul.f32 v9, v8  }
0x470: {  	v7 =	vadd.s32 v53, v7  }
0x471: {  	v7 =	vadd.s32 $0xFFFFFF81, v7;
	v9 =	vadd.f32 $3.333333130e-01, v9  }
0x472: {  	v7 =	vcvt.s32.f32 v7  }
0x473: {  	v54 =	vmul.f32 v8, v8;
	v9 =	vmul.f32 v9, v8;
	_ =	sdelay $0x1  }
0x474: {  	v11 =	vmul.f32 $2.121944420e-04, v7;
	v9 =	vmul.f32 v9, v54;
	_ =	sdelay $0x1  }
0x475: {  	v10 =	vmul.f32 $5.000000000e-01, v54;
	v9 =	vsub.f32 v9, v11;
	_ =	sdelay $0x1  }
0x476: {  	v9 =	vsub.f32 v9, v10;
	_ =	sdelay $0x1  }
0x477: {  	v7 =	vmul.f32 $6.933593750e-01, v7;
	v8 =	vadd.f32 v9, v8;
	_ =	sdelay $0x1  }
0x478: {  	v7 =	vadd.f32 v8, v7;
	_ =	sdelay $0x1  }
0x479: {  	v7 =	vsub.f32 $0.0e+00, v7;
	_ =	sdelay $0x1  }
0x47a: {  	v55 =	vand.u32 $0x7FFFFF, v7  }
0x47b: {  	v8 =	vor.u32 $0x3F800000, v55  }
0x47c: {  	v56 =	vmul.f32 $5.000000000e-01, v8  }
0x47d: {  	vm15 =	vgt.f32 v8, $1.414213540e+00  }
0x47e: {  	v8 =	vsel vm15, v56, v8  }
0x47f: {  	v8 =	vadd.f32 $-1.000000000e+00, v8;
	_ =	sdelay $0x1  }
0x480: {  	v57 =	vmul.f32 $7.037683580e-02, v8;
	_ =	sdelay $0x1  }
0x481: {  	v9 =	vadd.f32 $-1.151461010e-01, v57;
	_ =	sdelay $0x1  }
0x482: {  	v9 =	vmul.f32 v9, v8;
	_ =	sdelay $0x1  }
0x483: {  	v9 =	vadd.f32 $1.167699840e-01, v9;
	_ =	sdelay $0x1  }
0x484: {  	v9 =	vmul.f32 v9, v8;
	_ =	sdelay $0x1  }
0x485: {  	v9 =	vadd.f32 $-1.242014100e-01, v9;
	_ =	sdelay $0x1  }
0x486: {  	v9 =	vmul.f32 v9, v8;
	_ =	sdelay $0x1  }
0x487: {  	v9 =	vadd.f32 $1.424932330e-01, v9;
	_ =	sdelay $0x1  }
0x488: {  	v9 =	vmul.f32 v9, v8;
	_ =	sdelay $0x1  }
0x489: {  	v9 =	vadd.f32 $-1.666805740e-01, v9;
	_ =	sdelay $0x1  }
0x48a: {  	v9 =	vmul.f32 v9, v8;
	_ =	sdelay $0x1  }
0x48b: {  	v9 =	vadd.f32 $2.000071410e-01, v9;
	_ =	sdelay $0x1  }
0x48c: {  	v9 =	vmul.f32 v9, v8;
	_ =	sdelay $0x1  }
0x48d: {  	v9 =	vadd.f32 $-2.499999400e-01, v9;
	_ =	sdelay $0x1  }
0x48e: {  	v7 =	vshra.s32 v7, $0x17;
	v58 =	vsel vm15, $0x1, v2;
	v9 =	vmul.f32 v9, v8  }
0x48f: {  	v7 =	vadd.s32 v58, v7  }
0x490: {  	v7 =	vadd.s32 $0xFFFFFF81, v7;
	v9 =	vadd.f32 $3.333333130e-01, v9  }
0x491: {  	v7 =	vcvt.s32.f32 v7  }
0x492: {  	v59 =	vmul.f32 v8, v8;
	v9 =	vmul.f32 v9, v8;
	_ =	sdelay $0x1  }
0x493: {  	v60 =	vmul.f32 $2.121944420e-04, v7;
	v9 =	vmul.f32 v9, v59;
	_ =	sdelay $0x1  }
0x494: {  	v10 =	vmul.f32 $5.000000000e-01, v59;
	v9 =	vsub.f32 v9, v60;
	_ =	sdelay $0x1  }
0x495: {  	s0 =	simm.s32 $0x6010;
	v9 =	vsub.f32 v9, v10  }
0x496: {  	v61 =	vld [tilespmem:s0+$0xFFFFFFF0]  }
0x497: {  	v62 =	vld [tilespmem:s0+$0x0];
	v7 =	vmul.f32 $6.933593750e-01, v7;
	v8 =	vadd.f32 v9, v8;
	_ =	sdelay $0x1  }
0x498: {  	v7 =	vadd.f32 v8, v7;
	_ =	sdelay $0x1  }
0x499: {  	v4 =	vsel vm0, v4, v5;
	v5 =	vsub.f32 $0.0e+00, v7  }
0x49a: {  	[tilespmem:$0x6C80] =	vst v4;
	v63 =	vadd.f32 v62, v61  }
0x49b: {  	[tilespmem:$0x6D00] =	vst v6;
	v4 =	vsub.f32 v4, v5  }
0x49c: {  	[tilespmem:$0x6C00] =	vst v63  }
0x49d: {  	s3 =	sadd.s32 $0x0, s14;
	[tilespmem:$0x6D80] =	vst v4  }
0x49e: {  	[hbm4b:s3+s2] =	stream.linear.scatter [tilespmem:s18], [sflag:$0x3], $0x10, $0x38;
	[tilespmem:$0x6E00] =	vst v63  }
0x49f: {  	_ =	swait.ge [sflag:s19], $0x10  }
0x4a0: {  	[sflag:s19] =	ssyncset.done $0x0  }
0x4a1: {  	s29 =	sadd.s32 $0x0, s8;
	[sflag:s19] =	ssyncadd.s32 $0xFFFFFFF0  }
0x4a2: {  	[hbm4b:s29+s2] =	stream.linear.scatter [tilespmem:s20], [sflag:$0x3], $0x10, $0x38;
	[tilespmem:$0x6E00] =	vst v63  }
0x4a3: {  	_ =	swait.ge [sflag:s19], $0x10  }
0x4a4: {  	[sflag:s19] =	ssyncset.done $0x0  }
0x4a5: {  	s30 =	sadd.s32 $0x0, s12;
	[sflag:s19] =	ssyncadd.s32 $0xFFFFFFF0  }
0x4a6: {  	[hbm4b:s30+s2] =	stream.linear.scatter [tilespmem:s21], [sflag:$0x3], $0x10, $0x38;
	[tilespmem:$0x6E00] =	vst v63  }
0x4a7: {  	_ =	swait.ge [sflag:s19], $0x10  }
0x4a8: {  	[sflag:s19] =	ssyncset.done $0x0  }
0x4a9: {  	s31 =	sadd.s32 $0x0, s11;
	[sflag:s19] =	ssyncadd.s32 $0xFFFFFFF0  }
0x4aa: {  	[hbm4b:s31+s2] =	stream.linear.scatter [tilespmem:s22], [sflag:$0x3], $0x10, $0x38;
	[tilespmem:$0x6E00] =	vst v63  }
0x4ab: {  	s5 =	simm.s32 $0x6890;
	_ =	swait.ge [sflag:s19], $0x10  }
0x4ac: {  	s9 =	sadd.s32 $0xF4240, s6;
	s3 =	simm.s32 $0x10;
	[sflag:s19] =	ssyncset.done $0x0  }
.LBB2_8:
0x4ad: {  	[sflag:s19] =	ssyncadd.s32 $0xFFFFFFF0;
	s0 =	sadd.s32 $0x80, s0;
	s1 =	sadd.s32 $0x80, s1  }
0x4ae: {  	p0 =	sne.s32 s3, $0x70;
	s10 =	smov.u32 s3;
	s3 =	sadd.s32 $0x10, s3;
	v5 =	vld [tilespmem:s5+$0x0]  }
0x4af: {  	v4 =	vld [tilespmem:s1+$0x0]  }
0x4b0: {  	v6 =	vld [tilespmem:s1+$0xFFFFFFF0]  }
0x4b1: {  	v7 =	vld [tilespmem:s5+$0xFFFFFFF0];
	_ =	sdelay $0x1  }
0x4b2: {  	v8 =	vmov s9  }
0x4b3: {  	v8 =	vadd.s32 $0x2A, v8  }
0x4b4: {  	v8 =	vbroadcast v8, $0x0;
	v9 =	vld [tilespmem:s0+$0xFFFFFFF0];
	vm0 =	vgt.f32 v4, v6  }
0x4b5: {  	v10 =	vld [tilespmem:s0+$0x0];
	v4 =	vsel vm0, v4, v6;
	v5 =	vsel vm0, v5, v7  }
0x4b6: {  	v6 =	vadd.s32 v5, v8;
	[tilespmem:$0x6C80] =	vst v4  }
0x4b7: {  	v7 =	vshrl.u32 v6, $0x13;
	v8 =	vshll.u32 v6, $0xD;
	[tilespmem:$0x6D00] =	vst v5  }
0x4b8: {  	v5 =	vor.u32 v7, v8  }
0x4b9: {  	v5 =	vxor.u32 v6, v5  }
0x4ba: {  	v6 =	vadd.s32 v6, v5;
	v7 =	vshrl.u32 v5, $0x11;
	v5 =	vshll.u32 v5, $0xF  }
0x4bb: {  	v8 =	vadd.f32 v10, v9;
	v5 =	vor.u32 v7, v5  }
0x4bc: {  	v5 =	vxor.u32 v5, v6  }
0x4bd: {  	v7 =	vshrl.u32 v5, $0x6;
	v9 =	vshll.u32 v5, $0x1A;
	[tilespmem:$0x6C00] =	vst v8  }
0x4be: {  	v5 =	vadd.s32 v6, v5;
	v6 =	vor.u32 v7, v9  }
0x4bf: {  	v6 =	vxor.u32 v6, v5  }
0x4c0: {  	v5 =	vadd.s32 v5, v6;
	v7 =	vshrl.u32 v6, $0x1A;
	v6 =	vshll.u32 v6, $0x6  }
0x4c1: {  	v6 =	vor.u32 v7, v6  }
0x4c2: {  	v6 =	vxor.u32 v6, v5  }
0x4c3: {  	v6 =	vadd.s32 $0x1BD11BF1, v6  }
0x4c4: {  	v5 =	vadd.s32 v6, v5;
	v7 =	vshrl.u32 v6, $0xF;
	v6 =	vshll.u32 v6, $0x11  }
0x4c5: {  	v5 =	vadd.s32 $0x2A, v5;
	v6 =	vor.u32 v7, v6  }
0x4c6: {  	v6 =	vxor.u32 v6, v5  }
0x4c7: {  	v5 =	vadd.s32 v5, v6;
	v7 =	vshrl.u32 v6, $0x3;
	v6 =	vshll.u32 v6, $0x1D  }
0x4c8: {  	v6 =	vor.u32 v7, v6  }
0x4c9: {  	v6 =	vxor.u32 v6, v5  }
0x4ca: {  	v7 =	vshrl.u32 v6, $0x10;
	v8 =	vshll.u32 v6, $0x10  }
0x4cb: {  	v5 =	vadd.s32 v5, v6;
	v6 =	vor.u32 v7, v8  }
0x4cc: {  	v6 =	vxor.u32 v6, v5  }
0x4cd: {  	v7 =	vshrl.u32 v6, $0x8;
	v8 =	vshll.u32 v6, $0x18  }
0x4ce: {  	v5 =	vadd.s32 v5, v6;
	v6 =	vor.u32 v7, v8  }
0x4cf: {  	v6 =	vxor.u32 v6, v5  }
0x4d0: {  	v6 =	vadd.s32 $0x2, v6  }
0x4d1: {  	v5 =	vadd.s32 v6, v5;
	v7 =	vshrl.u32 v6, $0x13;
	v6 =	vshll.u32 v6, $0xD  }
0x4d2: {  	v5 =	vadd.s32 $0x1BD11BF0, v5;
	v6 =	vor.u32 v7, v6  }
0x4d3: {  	v6 =	vxor.u32 v6, v5  }
0x4d4: {  	v5 =	vadd.s32 v5, v6;
	v7 =	vshrl.u32 v6, $0x11;
	v6 =	vshll.u32 v6, $0xF  }
0x4d5: {  	v6 =	vor.u32 v7, v6  }
0x4d6: {  	v6 =	vxor.u32 v6, v5  }
0x4d7: {  	v5 =	vadd.s32 v5, v6;
	v7 =	vshrl.u32 v6, $0x6;
	v6 =	vshll.u32 v6, $0x1A  }
0x4d8: {  	v6 =	vor.u32 v7, v6  }
0x4d9: {  	v6 =	vxor.u32 v6, v5  }
0x4da: {  	v5 =	vadd.s32 v5, v6;
	v7 =	vshrl.u32 v6, $0x1A;
	v6 =	vshll.u32 v6, $0x6  }
0x4db: {  	v6 =	vor.u32 v7, v6  }
0x4dc: {  	v6 =	vxor.u32 v6, v5  }
0x4dd: {  	v6 =	vadd.s32 $0x2D, v6  }
0x4de: {  	v7 =	vshrl.u32 v6, $0xF;
	v8 =	vshll.u32 v6, $0x11  }
0x4df: {  	v5 =	vadd.s32 v5, v6;
	v6 =	vor.u32 v7, v8  }
0x4e0: {  	v6 =	vxor.u32 v6, v5  }
0x4e1: {  	v5 =	vadd.s32 v5, v6;
	v7 =	vshrl.u32 v6, $0x3;
	v6 =	vshll.u32 v6, $0x1D  }
0x4e2: {  	v6 =	vor.u32 v7, v6  }
0x4e3: {  	v6 =	vxor.u32 v6, v5  }
0x4e4: {  	v5 =	vadd.s32 v5, v6;
	v7 =	vshrl.u32 v6, $0x10;
	v6 =	vshll.u32 v6, $0x10  }
0x4e5: {  	v6 =	vor.u32 v7, v6  }
0x4e6: {  	v6 =	vxor.u32 v6, v5  }
0x4e7: {  	v7 =	vshrl.u32 v6, $0x8;
	v8 =	vshll.u32 v6, $0x18  }
0x4e8: {  	v5 =	vadd.s32 v5, v6;
	v6 =	vor.u32 v7, v8  }
0x4e9: {  	v6 =	vxor.u32 v6, v5  }
0x4ea: {  	v6 =	vadd.s32 $0x1BD11BF4, v6  }
0x4eb: {  	v5 =	vadd.s32 v6, v5;
	v7 =	vshrl.u32 v6, $0x13;
	v6 =	vshll.u32 v6, $0xD  }
0x4ec: {  	v5 =	vadd.s32 $0x2A, v5;
	v6 =	vor.u32 v7, v6  }
0x4ed: {  	v6 =	vxor.u32 v6, v5  }
0x4ee: {  	v5 =	vadd.s32 v5, v6;
	v7 =	vshrl.u32 v6, $0x11;
	v6 =	vshll.u32 v6, $0xF  }
0x4ef: {  	v6 =	vor.u32 v7, v6  }
0x4f0: {  	v6 =	vxor.u32 v6, v5  }
0x4f1: {  	v5 =	vadd.s32 v5, v6;
	v7 =	vshrl.u32 v6, $0x6;
	v6 =	vshll.u32 v6, $0x1A  }
0x4f2: {  	v6 =	vor.u32 v7, v6  }
0x4f3: {  	v6 =	vxor.u32 v6, v5  }
0x4f4: {  	v5 =	vadd.s32 v5, v6;
	v7 =	vshrl.u32 v6, $0x1A;
	v6 =	vshll.u32 v6, $0x6  }
0x4f5: {  	v6 =	vor.u32 v7, v6  }
0x4f6: {  	v6 =	vxor.u32 v6, v5  }
0x4f7: {  	v5 =	vadd.s32 $0x1BD11BF0, v5;
	v6 =	vadd.s32 $0x5, v6  }
0x4f8: {  	v5 =	vxor.u32 v5, v6  }
0x4f9: {  	v5 =	vshrl.u32 v5, $0x9  }
0x4fa: {  	v5 =	vor.u32 $0x3F800000, v5  }
0x4fb: {  	v5 =	vadd.f32 $-1.000000000e+00, v5;
	_ =	sdelay $0x1  }
0x4fc: {  	v5 =	vadd.f32 $1.175494350e-38, v5;
	_ =	sdelay $0x1  }
0x4fd: {  	v5 =	vmax.f32 v5, $1.175494350e-38  }
0x4fe: {  	v6 =	vand.u32 $0x7FFFFF, v5  }
0x4ff: {  	v6 =	vor.u32 $0x3F800000, v6  }
0x500: {  	v7 =	vmul.f32 $5.000000000e-01, v6  }
0x501: {  	vm0 =	vgt.f32 v6, $1.414213540e+00  }
0x502: {  	v5 =	vshra.s32 v5, $0x17;
	v8 =	vsel vm0, $0x1, v2;
	v6 =	vsel vm0, v7, v6  }
0x503: {  	v5 =	vadd.s32 v8, v5;
	v6 =	vadd.f32 $-1.000000000e+00, v6  }
0x504: {  	v5 =	vadd.s32 $0xFFFFFF81, v5  }
0x505: {  	v5 =	vcvt.s32.f32 v5;
	v7 =	vmul.f32 $7.037683580e-02, v6;
	_ =	sdelay $0x1  }
0x506: {  	v7 =	vadd.f32 $-1.151461010e-01, v7;
	_ =	sdelay $0x1  }
0x507: {  	v7 =	vmul.f32 v7, v6;
	_ =	sdelay $0x1  }
0x508: {  	v7 =	vadd.f32 $1.167699840e-01, v7;
	_ =	sdelay $0x1  }
0x509: {  	v7 =	vmul.f32 v7, v6;
	_ =	sdelay $0x1  }
0x50a: {  	v7 =	vadd.f32 $-1.242014100e-01, v7;
	_ =	sdelay $0x1  }
0x50b: {  	v7 =	vmul.f32 v7, v6;
	_ =	sdelay $0x1  }
0x50c: {  	v7 =	vadd.f32 $1.424932330e-01, v7;
	_ =	sdelay $0x1  }
0x50d: {  	v7 =	vmul.f32 v7, v6;
	_ =	sdelay $0x1  }
0x50e: {  	v7 =	vadd.f32 $-1.666805740e-01, v7;
	_ =	sdelay $0x1  }
0x50f: {  	v7 =	vmul.f32 v7, v6;
	_ =	sdelay $0x1  }
0x510: {  	v7 =	vadd.f32 $2.000071410e-01, v7;
	_ =	sdelay $0x1  }
0x511: {  	v7 =	vmul.f32 v7, v6;
	_ =	sdelay $0x1  }
0x512: {  	v7 =	vadd.f32 $-2.499999400e-01, v7;
	_ =	sdelay $0x1  }
0x513: {  	v7 =	vmul.f32 v7, v6;
	_ =	sdelay $0x1  }
0x514: {  	v7 =	vadd.f32 $3.333333130e-01, v7;
	_ =	sdelay $0x1  }
0x515: {  	v8 =	vmul.f32 v6, v6;
	v7 =	vmul.f32 v7, v6;
	_ =	sdelay $0x1  }
0x516: {  	v9 =	vmul.f32 $2.121944420e-04, v5;
	v7 =	vmul.f32 v7, v8;
	_ =	sdelay $0x1  }
0x517: {  	v8 =	vmul.f32 $5.000000000e-01, v8;
	v7 =	vsub.f32 v7, v9;
	_ =	sdelay $0x1  }
0x518: {  	v7 =	vsub.f32 v7, v8;
	_ =	sdelay $0x1  }
0x519: {  	v5 =	vmul.f32 $6.933593750e-01, v5;
	v6 =	vadd.f32 v7, v6;
	_ =	sdelay $0x1  }
0x51a: {  	v5 =	vadd.f32 v6, v5;
	_ =	sdelay $0x1  }
0x51b: {  	v5 =	vsub.f32 $0.0e+00, v5;
	_ =	sdelay $0x1  }
0x51c: {  	v6 =	vand.u32 $0x7FFFFF, v5  }
0x51d: {  	v6 =	vor.u32 $0x3F800000, v6  }
0x51e: {  	v7 =	vmul.f32 $5.000000000e-01, v6  }
0x51f: {  	vm0 =	vgt.f32 v6, $1.414213540e+00  }
0x520: {  	v5 =	vshra.s32 v5, $0x17;
	v8 =	vsel vm0, $0x1, v2;
	v6 =	vsel vm0, v7, v6  }
0x521: {  	v5 =	vadd.s32 v8, v5;
	v6 =	vadd.f32 $-1.000000000e+00, v6  }
0x522: {  	v5 =	vadd.s32 $0xFFFFFF81, v5  }
0x523: {  	v5 =	vcvt.s32.f32 v5;
	v7 =	vmul.f32 $7.037683580e-02, v6;
	_ =	sdelay $0x1  }
0x524: {  	v7 =	vadd.f32 $-1.151461010e-01, v7;
	_ =	sdelay $0x1  }
0x525: {  	v7 =	vmul.f32 v7, v6;
	_ =	sdelay $0x1  }
0x526: {  	v7 =	vadd.f32 $1.167699840e-01, v7;
	_ =	sdelay $0x1  }
0x527: {  	v7 =	vmul.f32 v7, v6;
	_ =	sdelay $0x1  }
0x528: {  	v7 =	vadd.f32 $-1.242014100e-01, v7;
	_ =	sdelay $0x1  }
0x529: {  	v7 =	vmul.f32 v7, v6;
	_ =	sdelay $0x1  }
0x52a: {  	v7 =	vadd.f32 $1.424932330e-01, v7;
	_ =	sdelay $0x1  }
0x52b: {  	v7 =	vmul.f32 v7, v6;
	_ =	sdelay $0x1  }
0x52c: {  	v7 =	vadd.f32 $-1.666805740e-01, v7;
	_ =	sdelay $0x1  }
0x52d: {  	v7 =	vmul.f32 v7, v6;
	_ =	sdelay $0x1  }
0x52e: {  	v7 =	vadd.f32 $2.000071410e-01, v7;
	_ =	sdelay $0x1  }
0x52f: {  	v7 =	vmul.f32 v7, v6;
	_ =	sdelay $0x1  }
0x530: {  	v7 =	vadd.f32 $-2.499999400e-01, v7;
	_ =	sdelay $0x1  }
0x531: {  	v7 =	vmul.f32 v7, v6;
	_ =	sdelay $0x1  }
0x532: {  	v7 =	vadd.f32 $3.333333130e-01, v7;
	_ =	sdelay $0x1  }
0x533: {  	v8 =	vmul.f32 v6, v6;
	v7 =	vmul.f32 v7, v6;
	_ =	sdelay $0x1  }
0x534: {  	v9 =	vmul.f32 $2.121944420e-04, v5;
	v7 =	vmul.f32 v7, v8;
	_ =	sdelay $0x1  }
0x535: {  	v8 =	vmul.f32 $5.000000000e-01, v8;
	v7 =	vsub.f32 v7, v9;
	_ =	sdelay $0x1  }
0x536: {  	v7 =	vsub.f32 v7, v8;
	_ =	sdelay $0x1  }
0x537: {  	v5 =	vmul.f32 $6.933593750e-01, v5;
	v6 =	vadd.f32 v7, v6;
	_ =	sdelay $0x1  }
0x538: {  	v5 =	vadd.f32 v6, v5;
	_ =	sdelay $0x1  }
0x539: {  	v5 =	vsub.f32 $0.0e+00, v5;
	_ =	sdelay $0x1  }
0x53a: {  	v4 =	vsub.f32 v4, v5;
	_ =	sdelay $0x1  }
0x53b: {  	s6 =	sadd.s32 s10, s14;
	[tilespmem:$0x6D80] =	vst v4  }
0x53c: {  	[hbm4b:s6+s2] =	stream.linear.scatter [tilespmem:s18], [sflag:$0x3], $0x10, $0x38;
	[tilespmem:$0x6E00] =	vst v63  }
0x53d: {  	_ =	swait.ge [sflag:s19], $0x10  }
0x53e: {  	[sflag:s19] =	ssyncset.done $0x0  }
0x53f: {  	s6 =	sadd.s32 s10, s8;
	[sflag:s19] =	ssyncadd.s32 $0xFFFFFFF0  }
0x540: {  	[hbm4b:s6+s2] =	stream.linear.scatter [tilespmem:s20], [sflag:$0x3], $0x10, $0x38;
	[tilespmem:$0x6E00] =	vst v63  }
0x541: {  	_ =	swait.ge [sflag:s19], $0x10  }
0x542: {  	[sflag:s19] =	ssyncset.done $0x0  }
0x543: {  	s6 =	sadd.s32 s10, s12;
	[sflag:s19] =	ssyncadd.s32 $0xFFFFFFF0  }
0x544: {  	[hbm4b:s6+s2] =	stream.linear.scatter [tilespmem:s21], [sflag:$0x3], $0x10, $0x38;
	[tilespmem:$0x6E00] =	vst v63  }
0x545: {  	_ =	swait.ge [sflag:s19], $0x10  }
.Ltmp3:
0x546: {  	[sflag:s19] =	ssyncset.done $0x0;
	(pc) =	sbr.rel @p0 .LBB2_8-.Ltmp3, $4  }
0x547: {  	s6 =	sadd.s32 s10, s11;
	[sflag:s19] =	ssyncadd.s32 $0xFFFFFFF0  }
0x548: {  	[hbm4b:s6+s2] =	stream.linear.scatter [tilespmem:s22], [sflag:$0x3], $0x10, $0x38;
	[tilespmem:$0x6E00] =	vst v63  }
0x549: {  	_ =	swait.ge [sflag:s19], $0x10  }
0x54a: {  	s9 =	sadd.s32 $0xF4240, s9;
	s5 =	sadd.s32 $0x80, s5;
	[sflag:s19] =	ssyncset.done $0x0  }
0x54b: {  	s1 =	rddreg [dreg:$0xa]  }
0x54c: {  	s0 =	rddreg [dreg:$0x7];
	s1 =	sadd.s32 $0x1, s1  }
0x54d: {  	p0 =	sne.s32 s1, s0  }
.Ltmp4:
0x54e: {  	_ = 	snop;
	(pc) =	sbr.rel @p0 .LBB2_1-.Ltmp4, $2  }
0x54f: {  	_ =	sdelay $0x2  }
0x550: {  	[sflag:s19] =	ssyncadd.s32 $0xFFFFFFF0  }
0x551: {  	_ =	sfence.sel $0x180000  }
0x552: {  	[bflag:$0x0] =	sbarrier.arrive $0xFFFF  }
0x553: {  	_ =	strace $0x90000047  }
0x554: {  	s0 =	stileid.u32;
	[bflag:$0x2] =	sbarrier.arrive $0xFFFF  }
0x555: {  	p0 =	sne.s32 s0, $0x0;
	s0 =	rddreg [dreg:$0x2]  }
0x556: {  	s0 =	sadd.s32 @!p0 $0x100000, s0  }
0x557: {  	[sflag:s0] =	ssyncadd.tile.s32 @!p0 $0x1;
	_ =	shalt  }
.Lfunc_end2:
_tile_overlayer_lowered:
.L_overlay_start_2:
0x558: {  	(tag) =	ssettag $0x2  }
0x559: {  	s0 =	rddreg [dreg:$0x0];
	s2 =	stileid.u32  }
0x55a: {  	s1 =	rddreg [dreg:$0x1];
	p0 =	sne.s32 s2, $0x0  }
0x55b: {  	s3 =	rddreg [dreg:$0x2];
	[bflag:$0x3] =	sbarrier.arrive $0xFFFF;
	s2 =	simm.s32 @!p0 $0x1C03  }
0x55c: {  	[timem:s3], [sflag:s2] =	dma.local @!p0 [hbm:s0], s1  }
0x55d: {  	s0 =	simm.s32 @!p0 $0x3  }
0x55e: {  	_ =	swait.ge @!p0 [sflag:s0], s1  }
0x55f: {  	s1 =	ssub.s32 @!p0 $0x0, s1;
	[sflag:s0] =	ssyncset.done @!p0 $0x0  }
0x560: {  	[sflag:s0] =	ssyncadd.s32 @!p0 s1  }
0x561: {  	[bflag:$0x3] =	sbarrier.arrive $0xFFFF  }
0x562: {  	_ =	shalt  }

</sc_bundles>
